<compile_context>
chip_gen: v7x
topology: tpu7x:2x2x1
jax: 0.10.2.dev20260603
libtpu: 0.0.44.dev20260713+nightly
codegen_flags: <defaults>
</compile_context>

<pallas_src>
import functools

import jax
import jax.numpy as jnp
from jax import lax
from jax.experimental import pallas as pl
from jax.experimental.pallas import tpu as pltpu
from jax.experimental.pallas import tpu_sc as plsc

N_NODES = 100000
DIM = 16
N_TICKS = 20
BATCH = 16384

NALN = 99968
NTAIL = N_NODES - NALN
H0 = 49920
S = NALN - H0

NC = 2
NS = 16
PER_T = BATCH // NS
DPC = DIM // NC
NQ = PER_T // 128
NG = PER_T // 16

STEP = 1.0 / (N_TICKS - 1)


def _body(src_hbm, dst_hbm, t_hbm, zt_hbm, ztail_hbm, out_hbm,
          sidx, didx, tv, dtv, omdv,
          a_s0, a_d0, a_s1, a_d1, a_sn0, a_dn0, a_sn1, a_dn1,
          tbs, tbd, f1s, f1d, fts, ftd,
          bsc0, bsn0, bdc0, bdn0, bsc1, bsn1, bdc1, bdn1,
          accv, tailv, plane, sem_p, sem_g):
    c = lax.axis_index("c")
    s = lax.axis_index("s")
    base = s * PER_T

    pltpu.sync_copy(src_hbm.at[pl.ds(base, PER_T)], sidx)
    pltpu.sync_copy(dst_hbm.at[pl.ds(base, PER_T)], didx)
    pltpu.sync_copy(t_hbm.at[pl.ds(base, PER_T)], tv)
    pltpu.sync_copy(ztail_hbm, tailv)

    iota16 = lax.iota(jnp.int32, 16)
    one = jnp.int32(1)
    zero = jnp.int32(0)

    def prep(i, _):
        off = i * 16
        tvec = tv[pl.ds(off, 16)]
        ti = (tvec / STEP).astype(jnp.int32)
        ti = jnp.minimum(ti, N_TICKS - 2)
        dt = lax.rem(tvec, STEP) / STEP
        dtv[pl.ds(off, 16)] = dt
        omdv[pl.ds(off, 16)] = jnp.float32(1.0) - dt
        sv = sidx[pl.ds(off, 16)]
        dv = didx[pl.ds(off, 16)]
        q = i // 8
        r = (i % 8) * 16
        tiS = ti * S
        v_s0 = tiS + jnp.minimum(sv, H0 - 1)
        v_d0 = tiS + jnp.minimum(dv, H0 - 1)
        v_s1 = tiS + jnp.clip(sv - H0, 0, S - 1)
        v_d1 = tiS + jnp.clip(dv - H0, 0, S - 1)
        plsc.store_scatter(a_s0.at[q], [r + iota16], v_s0)
        plsc.store_scatter(a_d0.at[q], [r + iota16], v_d0)
        plsc.store_scatter(a_s1.at[q], [r + iota16], v_s1)
        plsc.store_scatter(a_d1.at[q], [r + iota16], v_d1)
        plsc.store_scatter(a_sn0.at[q], [r + iota16], v_s0 + S)
        plsc.store_scatter(a_dn0.at[q], [r + iota16], v_d0 + S)
        plsc.store_scatter(a_sn1.at[q], [r + iota16], v_s1 + S)
        plsc.store_scatter(a_dn1.at[q], [r + iota16], v_d1 + S)
        tbs[pl.ds(off, 16)] = jnp.maximum(sv - NALN, 0) * (DIM * N_TICKS) + ti
        tbd[pl.ds(off, 16)] = jnp.maximum(dv - NALN, 0) * (DIM * N_TICKS) + ti
        f1s[pl.ds(off, 16)] = jnp.where(sv >= H0, one, zero)
        f1d[pl.ds(off, 16)] = jnp.where(dv >= H0, one, zero)
        fts[pl.ds(off, 16)] = jnp.where(sv >= NALN, one, zero)
        ftd[pl.ds(off, 16)] = jnp.where(dv >= NALN, one, zero)
        accv[pl.ds(off, 16)] = jnp.zeros((16,), jnp.float32)
        return 0

    lax.fori_loop(0, NG, prep, 0)

    def load_half(d, node0, size):
        pltpu.async_copy(
            zt_hbm.at[s, d, pl.ds(node0, size)],
            plane.at[pl.ds(s * S, size)], sem_p)

        @pl.when(s < N_TICKS - NS)
        def _second():
            pltpu.async_copy(
                zt_hbm.at[s + NS, d, pl.ds(node0, size)],
                plane.at[pl.ds((s + NS) * S, size)], sem_p)

        n_mine = jnp.where(s < N_TICKS - NS, 2, 1)

        def drain(i, _):
            pltpu.make_async_copy(
                zt_hbm.at[0, 0, pl.ds(node0, size)],
                plane.at[pl.ds(0, size)], sem_p).wait()
            return 0

        lax.fori_loop(0, n_mine, drain, 0)

    def gather_issue(a_s, a_sn, a_d, a_dn, bsc, bsn, bdc, bdn):
        for q in range(NQ):
            pltpu.async_copy(plane.at[a_s.at[q]], bsc.at[pl.ds(q * 128, 128)], sem_g)
            pltpu.async_copy(plane.at[a_sn.at[q]], bsn.at[pl.ds(q * 128, 128)], sem_g)
            pltpu.async_copy(plane.at[a_d.at[q]], bdc.at[pl.ds(q * 128, 128)], sem_g)
            pltpu.async_copy(plane.at[a_dn.at[q]], bdn.at[pl.ds(q * 128, 128)], sem_g)

    def gather_drain_q(a_s, a_sn, a_d, a_dn, bsc, bsn, bdc, bdn, q):
        pltpu.make_async_copy(plane.at[a_s.at[q]], bsc.at[pl.ds(q * 128, 128)], sem_g).wait()
        pltpu.make_async_copy(plane.at[a_sn.at[q]], bsn.at[pl.ds(q * 128, 128)], sem_g).wait()
        pltpu.make_async_copy(plane.at[a_d.at[q]], bdc.at[pl.ds(q * 128, 128)], sem_g).wait()
        pltpu.make_async_copy(plane.at[a_dn.at[q]], bdn.at[pl.ds(q * 128, 128)], sem_g).wait()

    def gather_pass(a_s, a_sn, a_d, a_dn, bsc, bsn, bdc, bdn):
        gather_issue(a_s, a_sn, a_d, a_dn, bsc, bsn, bdc, bdn)
        for q in range(NQ):
            gather_drain_q(a_s, a_sn, a_d, a_dn, bsc, bsn, bdc, bdn, q)

    def dim_step(dl, _):
        d = c * DPC + dl

        load_half(d, 0, H0)
        plsc.subcore_barrier()
        gather_pass(a_s0, a_sn0, a_d0, a_dn0, bsc0, bsn0, bdc0, bdn0)
        plsc.subcore_barrier()

        load_half(d, H0, S)
        plsc.subcore_barrier()
        gather_issue(a_s1, a_sn1, a_d1, a_dn1, bsc1, bsn1, bdc1, bdn1)

        def grp(i, _):
            off = i * 16
            dt = dtv[pl.ds(off, 16)]
            omd = omdv[pl.ds(off, 16)]
            h1s = f1s[pl.ds(off, 16)] > 0
            h1d = f1d[pl.ds(off, 16)] > 0
            tls = fts[pl.ds(off, 16)] > 0
            tld = ftd[pl.ds(off, 16)] > 0
            its = tbs[pl.ds(off, 16)] + d * N_TICKS
            itd = tbd[pl.ds(off, 16)] + d * N_TICKS
            s_cur = jnp.where(h1s, bsc1[pl.ds(off, 16)], bsc0[pl.ds(off, 16)])
            s_nxt = jnp.where(h1s, bsn1[pl.ds(off, 16)], bsn0[pl.ds(off, 16)])
            d_cur = jnp.where(h1d, bdc1[pl.ds(off, 16)], bdc0[pl.ds(off, 16)])
            d_nxt = jnp.where(h1d, bdn1[pl.ds(off, 16)], bdn0[pl.ds(off, 16)])
            s_cur = jnp.where(tls, plsc.load_gather(tailv, [its]), s_cur)
            s_nxt = jnp.where(tls, plsc.load_gather(tailv, [its + 1]), s_nxt)
            d_cur = jnp.where(tld, plsc.load_gather(tailv, [itd]), d_cur)
            d_nxt = jnp.where(tld, plsc.load_gather(tailv, [itd + 1]), d_nxt)
            zs = omd * s_cur + dt * s_nxt
            zd = omd * d_cur + dt * d_nxt
            diff = zs - zd
            accv[pl.ds(off, 16)] = accv[pl.ds(off, 16)] + diff * diff
            return 0

        for q in range(NQ):
            gather_drain_q(a_s1, a_sn1, a_d1, a_dn1, bsc1, bsn1, bdc1, bdn1, q)
            lax.fori_loop(q * 8, (q + 1) * 8, grp, 0)

        plsc.subcore_barrier()
        return 0

    lax.fori_loop(0, DPC, dim_step, 0)

    pltpu.sync_copy(accv, out_hbm.at[c, pl.ds(base, PER_T)])


def kernel(src, dst, t, z, bias):
    zt = jnp.transpose(z, (2, 1, 0))
    ztail = z[NALN:].reshape(NTAIL * DIM * N_TICKS)
    src32 = src.astype(jnp.int32)
    dst32 = dst.astype(jnp.int32)

    mesh = plsc.VectorSubcoreMesh(core_axis_name="c", subcore_axis_name="s")
    k = functools.partial(
        pl.kernel,
        mesh=mesh,
        compiler_params=pltpu.CompilerParams(needs_layout_passes=False),
        out_type=jax.ShapeDtypeStruct((NC, BATCH), jnp.float32),
        scratch_types=[
            pltpu.VMEM((PER_T,), jnp.int32),
            pltpu.VMEM((PER_T,), jnp.int32),
            pltpu.VMEM((PER_T,), jnp.float32),
            pltpu.VMEM((PER_T,), jnp.float32),
            pltpu.VMEM((PER_T,), jnp.float32),
            pltpu.VMEM((NQ, 128), jnp.int32),
            pltpu.VMEM((NQ, 128), jnp.int32),
            pltpu.VMEM((NQ, 128), jnp.int32),
            pltpu.VMEM((NQ, 128), jnp.int32),
            pltpu.VMEM((NQ, 128), jnp.int32),
            pltpu.VMEM((NQ, 128), jnp.int32),
            pltpu.VMEM((NQ, 128), jnp.int32),
            pltpu.VMEM((NQ, 128), jnp.int32),
            pltpu.VMEM((PER_T,), jnp.int32),
            pltpu.VMEM((PER_T,), jnp.int32),
            pltpu.VMEM((PER_T,), jnp.int32),
            pltpu.VMEM((PER_T,), jnp.int32),
            pltpu.VMEM((PER_T,), jnp.int32),
            pltpu.VMEM((PER_T,), jnp.int32),
            pltpu.VMEM((PER_T,), jnp.float32),
            pltpu.VMEM((PER_T,), jnp.float32),
            pltpu.VMEM((PER_T,), jnp.float32),
            pltpu.VMEM((PER_T,), jnp.float32),
            pltpu.VMEM((PER_T,), jnp.float32),
            pltpu.VMEM((PER_T,), jnp.float32),
            pltpu.VMEM((PER_T,), jnp.float32),
            pltpu.VMEM((PER_T,), jnp.float32),
            pltpu.VMEM((PER_T,), jnp.float32),
            pltpu.VMEM((NTAIL * DIM * N_TICKS,), jnp.float32),
            pltpu.VMEM_SHARED((N_TICKS * S,), jnp.float32),
            pltpu.SemaphoreType.DMA,
            pltpu.SemaphoreType.DMA,
        ],
    )(_body)
    p = k(src32, dst32, t, zt, ztail)
    return bias - (p[0] + p[1])

# --- scband reference (transcript-rebuilt; emitter-appended) ---
"""Pipeline reference for scband-clpmdecoder-32469952758099 (READ-ONLY COPY).

The authoritative reference and input builder live on the scoring server;
editing this copy changes nothing except your own understanding.
"""

import jax, jax.numpy as jnp
import numpy as np

N_NODES = 100000
DIM = 16
N_TICKS = 20
BATCH = 16384


def setup_inputs(seed: int = 0) -> dict:
    key = jax.random.key(seed)
    k1, k2, k3, k4, k5 = jax.random.split(key, 5)
    src = jax.random.randint(k1, (BATCH,), 0, N_NODES, dtype=jnp.int64 if jax.config.jax_enable_x64 else jnp.int32)
    dst = jax.random.randint(k2, (BATCH,), 0, N_NODES, dtype=jnp.int64 if jax.config.jax_enable_x64 else jnp.int32)
    t = jax.random.uniform(k3, (BATCH,), dtype=jnp.float32)
    # learned parameters: latent trajectories z [n_nodes, dim, n_ticks] and scalar bias
    z = jax.random.normal(k4, (N_NODES, DIM, N_TICKS), dtype=jnp.float32)
    bias = jax.random.normal(k5, (), dtype=jnp.float32)
    return {"src": src, "dst": dst, "t": t, "z": z, "bias": bias}


def _decode(z_src, z_dst, bias):
    # CLPM distance decoder: log-rate = bias - ||z_src - z_dst||^2
    return bias - jnp.sum((z_src - z_dst) ** 2, axis=-1)


def reference(src, dst, t, z, bias):
    n_ticks = z.shape[-1]
    step_len = 1.0 / (n_ticks - 1)
    time_index = jnp.floor(t / step_len).astype(jnp.int32)
    time_index = jnp.minimum(time_index, n_ticks - 2)
    delta_t = jnp.remainder(t, step_len).astype(jnp.float32) / step_len
    one_m_delta_t = 1.0 - delta_t
    # advanced indexing: gather node rows and time ticks -> [B, DIM]
    z_src_cur = z[src, :, time_index]
    z_src_next = z[src, :, time_index + 1]
    z_dst_cur = z[dst, :, time_index]
    z_dst_next = z[dst, :, time_index + 1]
    z_src = one_m_delta_t[..., None] * z_src_cur + delta_t[..., None] * z_src_next
    z_dst = one_m_delta_t[..., None] * z_dst_cur + delta_t[..., None] * z_dst_next
    logits = _decode(z_src, z_dst, bias)
    return logits

if __name__ == "__main__":
    import jax
    _d = setup_inputs()
    print(jax.jit(kernel)(*tuple(_d.values())))

</pallas_src>

<mosaic_0001>
#map = affine_map<(d0, d1) -> (0)>
#map1 = affine_map<(d0, d1) -> (0, 0, 0)>
#map2 = affine_map<(d0, d1) -> (0, 0)>
module attributes {stable_mosaic.version = 14 : i64} {
  func.func @_body(%arg0: i32, %arg1: i32, %arg2: memref<16384xi32, #tpu.memory_space<hbm>>, %arg3: memref<16384xi32, #tpu.memory_space<hbm>>, %arg4: memref<16384xf32, #tpu.memory_space<hbm>>, %arg5: memref<20x16x100000xf32, #tpu.memory_space<hbm>>, %arg6: memref<10240xf32, #tpu.memory_space<hbm>>, %arg7: memref<2x16384xf32, #tpu.memory_space<hbm>>, %arg8: memref<1024xi32, #tpu.memory_space<vmem>>, %arg9: memref<1024xi32, #tpu.memory_space<vmem>>, %arg10: memref<1024xf32, #tpu.memory_space<vmem>>, %arg11: memref<1024xf32, #tpu.memory_space<vmem>>, %arg12: memref<1024xf32, #tpu.memory_space<vmem>>, %arg13: memref<8x128xi32, #tpu.memory_space<vmem>>, %arg14: memref<8x128xi32, #tpu.memory_space<vmem>>, %arg15: memref<8x128xi32, #tpu.memory_space<vmem>>, %arg16: memref<8x128xi32, #tpu.memory_space<vmem>>, %arg17: memref<8x128xi32, #tpu.memory_space<vmem>>, %arg18: memref<8x128xi32, #tpu.memory_space<vmem>>, %arg19: memref<8x128xi32, #tpu.memory_space<vmem>>, %arg20: memref<8x128xi32, #tpu.memory_space<vmem>>, %arg21: memref<1024xi32, #tpu.memory_space<vmem>>, %arg22: memref<1024xi32, #tpu.memory_space<vmem>>, %arg23: memref<1024xi32, #tpu.memory_space<vmem>>, %arg24: memref<1024xi32, #tpu.memory_space<vmem>>, %arg25: memref<1024xi32, #tpu.memory_space<vmem>>, %arg26: memref<1024xi32, #tpu.memory_space<vmem>>, %arg27: memref<1024xf32, #tpu.memory_space<vmem>>, %arg28: memref<1024xf32, #tpu.memory_space<vmem>>, %arg29: memref<1024xf32, #tpu.memory_space<vmem>>, %arg30: memref<1024xf32, #tpu.memory_space<vmem>>, %arg31: memref<1024xf32, #tpu.memory_space<vmem>>, %arg32: memref<1024xf32, #tpu.memory_space<vmem>>, %arg33: memref<1024xf32, #tpu.memory_space<vmem>>, %arg34: memref<1024xf32, #tpu.memory_space<vmem>>, %arg35: memref<1024xf32, #tpu.memory_space<vmem>>, %arg36: memref<10240xf32, #tpu.memory_space<vmem>>, %arg37: memref<1000960xf32, #tpu.memory_space<vmem_shared>>, %arg38: memref<!tpu.dma_semaphore, #tpu.memory_space<semaphore_mem>>, %arg39: memref<!tpu.dma_semaphore, #tpu.memory_space<semaphore_mem>>) attributes {dimension_semantics = [#tpu.dimension_semantics<core_parallel>, #tpu.dimension_semantics<subcore_parallel>], iteration_bounds = array<i64: 2, 16>, scalar_prefetch = 0 : i64, scratch_operands = 32 : i64, tpu.core_type = #tpu.core_type<sc_vector_subcore>, window_params = [{transform_indices = #map}, {transform_indices = #map}, {transform_indices = #map}, {transform_indices = #map1}, {transform_indices = #map}, {transform_indices = #map2}]} {
    %mul3A = arith.constant 1024 : i32
    %mul3A_0 = arith.muli %arg1, %mul3A : i32
    "tpu.region"() ({
      %run_scoped3A = tpu.sem_alloc : memref<!tpu.dma_semaphore, #tpu.memory_space<semaphore_mem>>
      %dma_start3A = tpu.memref_slice %arg2[%mul3A_0] : memref<16384xi32, #tpu.memory_space<hbm>> -> memref<1024xi32, #tpu.memory_space<hbm>>
      %dma_start3A_16 = tpu.memref_slice %arg2[%mul3A_0] : memref<16384xi32, #tpu.memory_space<hbm>> -> memref<1024xi32, #tpu.memory_space<hbm>>
      tpu.enqueue_dma source(%dma_start3A_16 : memref<1024xi32, #tpu.memory_space<hbm>>) target(%arg8 : memref<1024xi32, #tpu.memory_space<vmem>>) target_semaphore(%run_scoped3A : memref<!tpu.dma_semaphore, #tpu.memory_space<semaphore_mem>>)
      %dma_wait3A = tpu.memref_slice %arg2[%mul3A_0] : memref<16384xi32, #tpu.memory_space<hbm>> -> memref<1024xi32, #tpu.memory_space<hbm>>
      %dma_wait3A_17 = tpu.memref_slice %arg2[%mul3A_0] : memref<16384xi32, #tpu.memory_space<hbm>> -> memref<1024xi32, #tpu.memory_space<hbm>>
      tpu.wait_dma2 semaphore(%run_scoped3A : memref<!tpu.dma_semaphore, #tpu.memory_space<semaphore_mem>>) src(%dma_wait3A_17 : memref<1024xi32, #tpu.memory_space<hbm>>) dst(%arg8 : memref<1024xi32, #tpu.memory_space<vmem>>)
      tpu.yield
    }) : () -> ()
    "tpu.region"() ({
      %run_scoped3A = tpu.sem_alloc : memref<!tpu.dma_semaphore, #tpu.memory_space<semaphore_mem>>
      %dma_start3A = tpu.memref_slice %arg3[%mul3A_0] : memref<16384xi32, #tpu.memory_space<hbm>> -> memref<1024xi32, #tpu.memory_space<hbm>>
      %dma_start3A_16 = tpu.memref_slice %arg3[%mul3A_0] : memref<16384xi32, #tpu.memory_space<hbm>> -> memref<1024xi32, #tpu.memory_space<hbm>>
      tpu.enqueue_dma source(%dma_start3A_16 : memref<1024xi32, #tpu.memory_space<hbm>>) target(%arg9 : memref<1024xi32, #tpu.memory_space<vmem>>) target_semaphore(%run_scoped3A : memref<!tpu.dma_semaphore, #tpu.memory_space<semaphore_mem>>)
      %dma_wait3A = tpu.memref_slice %arg3[%mul3A_0] : memref<16384xi32, #tpu.memory_space<hbm>> -> memref<1024xi32, #tpu.memory_space<hbm>>
      %dma_wait3A_17 = tpu.memref_slice %arg3[%mul3A_0] : memref<16384xi32, #tpu.memory_space<hbm>> -> memref<1024xi32, #tpu.memory_space<hbm>>
      tpu.wait_dma2 semaphore(%run_scoped3A : memref<!tpu.dma_semaphore, #tpu.memory_space<semaphore_mem>>) src(%dma_wait3A_17 : memref<1024xi32, #tpu.memory_space<hbm>>) dst(%arg9 : memref<1024xi32, #tpu.memory_space<vmem>>)
      tpu.yield
    }) : () -> ()
    "tpu.region"() ({
      %run_scoped3A = tpu.sem_alloc : memref<!tpu.dma_semaphore, #tpu.memory_space<semaphore_mem>>
      %dma_start3A = tpu.memref_slice %arg4[%mul3A_0] : memref<16384xf32, #tpu.memory_space<hbm>> -> memref<1024xf32, #tpu.memory_space<hbm>>
      %dma_start3A_16 = tpu.memref_slice %arg4[%mul3A_0] : memref<16384xf32, #tpu.memory_space<hbm>> -> memref<1024xf32, #tpu.memory_space<hbm>>
      tpu.enqueue_dma source(%dma_start3A_16 : memref<1024xf32, #tpu.memory_space<hbm>>) target(%arg10 : memref<1024xf32, #tpu.memory_space<vmem>>) target_semaphore(%run_scoped3A : memref<!tpu.dma_semaphore, #tpu.memory_space<semaphore_mem>>)
      %dma_wait3A = tpu.memref_slice %arg4[%mul3A_0] : memref<16384xf32, #tpu.memory_space<hbm>> -> memref<1024xf32, #tpu.memory_space<hbm>>
      %dma_wait3A_17 = tpu.memref_slice %arg4[%mul3A_0] : memref<16384xf32, #tpu.memory_space<hbm>> -> memref<1024xf32, #tpu.memory_space<hbm>>
      tpu.wait_dma2 semaphore(%run_scoped3A : memref<!tpu.dma_semaphore, #tpu.memory_space<semaphore_mem>>) src(%dma_wait3A_17 : memref<1024xf32, #tpu.memory_space<hbm>>) dst(%arg10 : memref<1024xf32, #tpu.memory_space<vmem>>)
      tpu.yield
    }) : () -> ()
    "tpu.region"() ({
      %run_scoped3A = tpu.sem_alloc : memref<!tpu.dma_semaphore, #tpu.memory_space<semaphore_mem>>
      tpu.enqueue_dma source(%arg6 : memref<10240xf32, #tpu.memory_space<hbm>>) target(%arg36 : memref<10240xf32, #tpu.memory_space<vmem>>) target_semaphore(%run_scoped3A : memref<!tpu.dma_semaphore, #tpu.memory_space<semaphore_mem>>)
      tpu.wait_dma2 semaphore(%run_scoped3A : memref<!tpu.dma_semaphore, #tpu.memory_space<semaphore_mem>>) src(%arg6 : memref<10240xf32, #tpu.memory_space<hbm>>) dst(%arg36 : memref<10240xf32, #tpu.memory_space<vmem>>)
      tpu.yield
    }) : () -> ()
    %iota3A = tpu.iota {dimensions = array<i32: 0>} : vector<16xi32>
    %scan3A = arith.constant 1 : i32
    %scan3A_1 = arith.constant 0 : i32
    %scan3A_2 = arith.constant 0 : i32
    %scan3A_3 = arith.constant 0 : i32
    %scan3A_4 = arith.constant 64 : i32
    %scan3A_5 = arith.addi %scan3A_3, %scan3A_4 : i32
    %scan3A_6 = arith.constant 1 : i32
    %scan3A_7 = scf.for %scan3A_16 = %scan3A_3 to %scan3A_5 step %scan3A_6 iter_args(%scan3A_17 = %scan3A_2) -> (i32)  : i32 {
      %mul3A_18 = arith.constant 16 : i32
      %mul3A_19 = arith.muli %scan3A_16, %mul3A_18 : i32
      %get3A = arith.index_cast %mul3A_19 : i32 to index
      %get3A_20 = tpu.vector_load %arg10[%get3A] {strides = array<i32>} : memref<1024xf32, #tpu.memory_space<vmem>>, vector<16xf32>,
      %div3A = arith.constant 0.0526315793 : f32
      %div3A_21 = vector.broadcast %div3A : f32 to vector<16xf32>
      %div3A_22 = arith.divf %get3A_20, %div3A_21 : vector<16xf32>
      %convert_element_type3A = arith.fptosi %div3A_22 : vector<16xf32> to vector<16xi32>
      %min3A = arith.constant 18 : i32
      %min3A_23 = vector.broadcast %min3A : i32 to vector<16xi32>
      %min3A_24 = arith.minsi %convert_element_type3A, %min3A_23 : vector<16xi32>
      %rem3A = arith.constant 0.0526315793 : f32
      %rem3A_25 = vector.broadcast %rem3A : f32 to vector<16xf32>
      %rem3A_26 = arith.remf %get3A_20, %rem3A_25 : vector<16xf32>
      %div3A_27 = arith.constant 0.0526315793 : f32
      %div3A_28 = vector.broadcast %div3A_27 : f32 to vector<16xf32>
      %div3A_29 = arith.divf %rem3A_26, %div3A_28 : vector<16xf32>
      %swap3A = arith.index_cast %mul3A_19 : i32 to index
      %swap3A_30 = tpu.vector_load %arg11[%swap3A] {strides = array<i32>} : memref<1024xf32, #tpu.memory_space<vmem>>, vector<16xf32>,
      tpu.vector_store %arg11[%swap3A], %div3A_29 {strides = array<i32>} : memref<1024xf32, #tpu.memory_space<vmem>>, vector<16xf32>,
      %sub3A = arith.constant 1.000000e+00 : f32
      %sub3A_31 = vector.broadcast %sub3A : f32 to vector<16xf32>
      %sub3A_32 = arith.subf %sub3A_31, %div3A_29 : vector<16xf32>
      %swap3A_33 = arith.index_cast %mul3A_19 : i32 to index
      %swap3A_34 = tpu.vector_load %arg12[%swap3A_33] {strides = array<i32>} : memref<1024xf32, #tpu.memory_space<vmem>>, vector<16xf32>,
      tpu.vector_store %arg12[%swap3A_33], %sub3A_32 {strides = array<i32>} : memref<1024xf32, #tpu.memory_space<vmem>>, vector<16xf32>,
      %get3A_35 = arith.index_cast %mul3A_19 : i32 to index
      %get3A_36 = tpu.vector_load %arg8[%get3A_35] {strides = array<i32>} : memref<1024xi32, #tpu.memory_space<vmem>>, vector<16xi32>,
      %get3A_37 = arith.index_cast %mul3A_19 : i32 to index
      %get3A_38 = tpu.vector_load %arg9[%get3A_37] {strides = array<i32>} : memref<1024xi32, #tpu.memory_space<vmem>>, vector<16xi32>,
      %jit3A = arith.constant 8 : i32
      %div3A_39 = arith.divsi %scan3A_16, %jit3A : i32
      %sign3A = arith.constant 0 : i32
      %sign3A_40 = arith.cmpi sgt, %scan3A_16, %sign3A : i32
      %sign3A_41 = arith.extui %sign3A_40 : i1 to i32
      %sign3A_42 = arith.constant 0 : i32
      %sign3A_43 = arith.cmpi slt, %scan3A_16, %sign3A_42 : i32
      %sign3A_44 = arith.extui %sign3A_43 : i1 to i32
      %sign3A_45 = arith.subi %sign3A_41, %sign3A_44 : i32
      %sign3A_46 = arith.constant 0 : i32
      %sign3A_47 = arith.cmpi sgt, %jit3A, %sign3A_46 : i32
      %sign3A_48 = arith.extui %sign3A_47 : i1 to i32
      %sign3A_49 = arith.constant 0 : i32
      %sign3A_50 = arith.cmpi slt, %jit3A, %sign3A_49 : i32
      %sign3A_51 = arith.extui %sign3A_50 : i1 to i32
      %sign3A_52 = arith.subi %sign3A_48, %sign3A_51 : i32
      %ne3A = arith.cmpi ne, %sign3A_45, %sign3A_52 : i32
      %rem3A_53 = arith.remsi %scan3A_16, %jit3A : i32
      %ne3A_54 = arith.constant 0 : i32
      %ne3A_55 = arith.cmpi ne, %rem3A_53, %ne3A_54 : i32
      %and3A = arith.andi %ne3A, %ne3A_55 : i1
      %sub3A_56 = arith.constant 1 : i32
      %sub3A_57 = arith.subi %div3A_39, %sub3A_56 : i32
      %select_n3A = arith.select %and3A, %sub3A_57, %div3A_39 : i32
      %jit3A_58 = arith.constant 8 : i32
      %eq3A = arith.constant 0 : i32
      %eq3A_59 = arith.cmpi eq, %jit3A_58, %eq3A : i32
      %jit3A_60 = arith.constant 1 : i32
      %select_n3A_61 = arith.select %eq3A_59, %jit3A_60, %jit3A_58 : i32
      %rem3A_62 = arith.remsi %scan3A_16, %select_n3A_61 : i32
      %ne3A_63 = arith.constant 0 : i32
      %ne3A_64 = arith.cmpi ne, %rem3A_62, %ne3A_63 : i32
      %lt3A = arith.constant 0 : i32
      %lt3A_65 = arith.cmpi slt, %rem3A_62, %lt3A : i32
      %lt3A_66 = arith.constant 0 : i32
      %lt3A_67 = arith.cmpi slt, %select_n3A_61, %lt3A_66 : i32
      %ne3A_68 = arith.xori %lt3A_65, %lt3A_67 : i1
      %and3A_69 = arith.andi %ne3A_68, %ne3A_64 : i1
      %add3A = arith.addi %rem3A_62, %select_n3A_61 : i32
      %select_n3A_70 = arith.select %and3A_69, %add3A, %rem3A_62 : i32
      %mul3A_71 = arith.constant 16 : i32
      %mul3A_72 = arith.muli %select_n3A_70, %mul3A_71 : i32
      %mul3A_73 = arith.constant 50048 : i32
      %mul3A_74 = vector.broadcast %mul3A_73 : i32 to vector<16xi32>
      %mul3A_75 = arith.muli %min3A_24, %mul3A_74 : vector<16xi32>
      %min3A_76 = arith.constant 49919 : i32
      %min3A_77 = vector.broadcast %min3A_76 : i32 to vector<16xi32>
      %min3A_78 = arith.minsi %get3A_36, %min3A_77 : vector<16xi32>
      %add3A_79 = arith.addi %mul3A_75, %min3A_78 : vector<16xi32>
      %min3A_80 = arith.constant 49919 : i32
      %min3A_81 = vector.broadcast %min3A_80 : i32 to vector<16xi32>
      %min3A_82 = arith.minsi %get3A_38, %min3A_81 : vector<16xi32>
      %add3A_83 = arith.addi %mul3A_75, %min3A_82 : vector<16xi32>
      %sub3A_84 = arith.constant 49920 : i32
      %sub3A_85 = vector.broadcast %sub3A_84 : i32 to vector<16xi32>
      %sub3A_86 = arith.subi %get3A_36, %sub3A_85 : vector<16xi32>
      %jit3A_87 = arith.constant 0 : i32
      %jit3A_88 = arith.constant 50047 : i32
      %max3A = vector.broadcast %jit3A_87 : i32 to vector<16xi32>
      %max3A_89 = arith.maxsi %max3A, %sub3A_86 : vector<16xi32>
      %min3A_90 = vector.broadcast %jit3A_88 : i32 to vector<16xi32>
      %min3A_91 = arith.minsi %min3A_90, %max3A_89 : vector<16xi32>
      %add3A_92 = arith.addi %mul3A_75, %min3A_91 : vector<16xi32>
      %sub3A_93 = arith.constant 49920 : i32
      %sub3A_94 = vector.broadcast %sub3A_93 : i32 to vector<16xi32>
      %sub3A_95 = arith.subi %get3A_38, %sub3A_94 : vector<16xi32>
      %jit3A_96 = arith.constant 0 : i32
      %jit3A_97 = arith.constant 50047 : i32
      %max3A_98 = vector.broadcast %jit3A_96 : i32 to vector<16xi32>
      %max3A_99 = arith.maxsi %max3A_98, %sub3A_95 : vector<16xi32>
      %min3A_100 = vector.broadcast %jit3A_97 : i32 to vector<16xi32>
      %min3A_101 = arith.minsi %min3A_100, %max3A_99 : vector<16xi32>
      %add3A_102 = arith.addi %mul3A_75, %min3A_101 : vector<16xi32>
      %add3A_103 = vector.broadcast %mul3A_72 : i32 to vector<16xi32>
      %add3A_104 = arith.addi %add3A_103, %iota3A : vector<16xi32>
      %scatter3A = arith.constant 0 : i32
      %scatter3A_105 = tpu.memref_slice %arg13[%select_n3A, %scatter3A] : memref<8x128xi32, #tpu.memory_space<vmem>> -> memref<1x128xi32, #tpu.memory_space<vmem>>
      %scatter3A_106 = tpu.memref_squeeze %scatter3A_105 : memref<1x128xi32, #tpu.memory_space<vmem>> -> memref<128xi32, #tpu.memory_space<vmem>>
      tpu.vector_store_idx %scatter3A_106[%add3A_104], %add3A_79 : memref<128xi32, #tpu.memory_space<vmem>>[vector<16xi32>], vector<16xi32>,
      %add3A_107 = vector.broadcast %mul3A_72 : i32 to vector<16xi32>
      %add3A_108 = arith.addi %add3A_107, %iota3A : vector<16xi32>
      %scatter3A_109 = arith.constant 0 : i32
      %scatter3A_110 = tpu.memref_slice %arg14[%select_n3A, %scatter3A_109] : memref<8x128xi32, #tpu.memory_space<vmem>> -> memref<1x128xi32, #tpu.memory_space<vmem>>
      %scatter3A_111 = tpu.memref_squeeze %scatter3A_110 : memref<1x128xi32, #tpu.memory_space<vmem>> -> memref<128xi32, #tpu.memory_space<vmem>>
      tpu.vector_store_idx %scatter3A_111[%add3A_108], %add3A_83 : memref<128xi32, #tpu.memory_space<vmem>>[vector<16xi32>], vector<16xi32>,
      %add3A_112 = vector.broadcast %mul3A_72 : i32 to vector<16xi32>
      %add3A_113 = arith.addi %add3A_112, %iota3A : vector<16xi32>
      %scatter3A_114 = arith.constant 0 : i32
      %scatter3A_115 = tpu.memref_slice %arg15[%select_n3A, %scatter3A_114] : memref<8x128xi32, #tpu.memory_space<vmem>> -> memref<1x128xi32, #tpu.memory_space<vmem>>
      %scatter3A_116 = tpu.memref_squeeze %scatter3A_115 : memref<1x128xi32, #tpu.memory_space<vmem>> -> memref<128xi32, #tpu.memory_space<vmem>>
      tpu.vector_store_idx %scatter3A_116[%add3A_113], %add3A_92 : memref<128xi32, #tpu.memory_space<vmem>>[vector<16xi32>], vector<16xi32>,
      %add3A_117 = vector.broadcast %mul3A_72 : i32 to vector<16xi32>
      %add3A_118 = arith.addi %add3A_117, %iota3A : vector<16xi32>
      %scatter3A_119 = arith.constant 0 : i32
      %scatter3A_120 = tpu.memref_slice %arg16[%select_n3A, %scatter3A_119] : memref<8x128xi32, #tpu.memory_space<vmem>> -> memref<1x128xi32, #tpu.memory_space<vmem>>
      %scatter3A_121 = tpu.memref_squeeze %scatter3A_120 : memref<1x128xi32, #tpu.memory_space<vmem>> -> memref<128xi32, #tpu.memory_space<vmem>>
      tpu.vector_store_idx %scatter3A_121[%add3A_118], %add3A_102 : memref<128xi32, #tpu.memory_space<vmem>>[vector<16xi32>], vector<16xi32>,
      %add3A_122 = vector.broadcast %mul3A_72 : i32 to vector<16xi32>
      %add3A_123 = arith.addi %add3A_122, %iota3A : vector<16xi32>
      %add3A_124 = arith.constant 50048 : i32
      %add3A_125 = vector.broadcast %add3A_124 : i32 to vector<16xi32>
      %add3A_126 = arith.addi %add3A_79, %add3A_125 : vector<16xi32>
      %scatter3A_127 = arith.constant 0 : i32
      %scatter3A_128 = tpu.memref_slice %arg17[%select_n3A, %scatter3A_127] : memref<8x128xi32, #tpu.memory_space<vmem>> -> memref<1x128xi32, #tpu.memory_space<vmem>>
      %scatter3A_129 = tpu.memref_squeeze %scatter3A_128 : memref<1x128xi32, #tpu.memory_space<vmem>> -> memref<128xi32, #tpu.memory_space<vmem>>
      tpu.vector_store_idx %scatter3A_129[%add3A_123], %add3A_126 : memref<128xi32, #tpu.memory_space<vmem>>[vector<16xi32>], vector<16xi32>,
      %add3A_130 = vector.broadcast %mul3A_72 : i32 to vector<16xi32>
      %add3A_131 = arith.addi %add3A_130, %iota3A : vector<16xi32>
      %add3A_132 = arith.constant 50048 : i32
      %add3A_133 = vector.broadcast %add3A_132 : i32 to vector<16xi32>
      %add3A_134 = arith.addi %add3A_83, %add3A_133 : vector<16xi32>
      %scatter3A_135 = arith.constant 0 : i32
      %scatter3A_136 = tpu.memref_slice %arg18[%select_n3A, %scatter3A_135] : memref<8x128xi32, #tpu.memory_space<vmem>> -> memref<1x128xi32, #tpu.memory_space<vmem>>
      %scatter3A_137 = tpu.memref_squeeze %scatter3A_136 : memref<1x128xi32, #tpu.memory_space<vmem>> -> memref<128xi32, #tpu.memory_space<vmem>>
      tpu.vector_store_idx %scatter3A_137[%add3A_131], %add3A_134 : memref<128xi32, #tpu.memory_space<vmem>>[vector<16xi32>], vector<16xi32>,
      %add3A_138 = vector.broadcast %mul3A_72 : i32 to vector<16xi32>
      %add3A_139 = arith.addi %add3A_138, %iota3A : vector<16xi32>
      %add3A_140 = arith.constant 50048 : i32
      %add3A_141 = vector.broadcast %add3A_140 : i32 to vector<16xi32>
      %add3A_142 = arith.addi %add3A_92, %add3A_141 : vector<16xi32>
      %scatter3A_143 = arith.constant 0 : i32
      %scatter3A_144 = tpu.memref_slice %arg19[%select_n3A, %scatter3A_143] : memref<8x128xi32, #tpu.memory_space<vmem>> -> memref<1x128xi32, #tpu.memory_space<vmem>>
      %scatter3A_145 = tpu.memref_squeeze %scatter3A_144 : memref<1x128xi32, #tpu.memory_space<vmem>> -> memref<128xi32, #tpu.memory_space<vmem>>
      tpu.vector_store_idx %scatter3A_145[%add3A_139], %add3A_142 : memref<128xi32, #tpu.memory_space<vmem>>[vector<16xi32>], vector<16xi32>,
      %add3A_146 = vector.broadcast %mul3A_72 : i32 to vector<16xi32>
      %add3A_147 = arith.addi %add3A_146, %iota3A : vector<16xi32>
      %add3A_148 = arith.constant 50048 : i32
      %add3A_149 = vector.broadcast %add3A_148 : i32 to vector<16xi32>
      %add3A_150 = arith.addi %add3A_102, %add3A_149 : vector<16xi32>
      %scatter3A_151 = arith.constant 0 : i32
      %scatter3A_152 = tpu.memref_slice %arg20[%select_n3A, %scatter3A_151] : memref<8x128xi32, #tpu.memory_space<vmem>> -> memref<1x128xi32, #tpu.memory_space<vmem>>
      %scatter3A_153 = tpu.memref_squeeze %scatter3A_152 : memref<1x128xi32, #tpu.memory_space<vmem>> -> memref<128xi32, #tpu.memory_space<vmem>>
      tpu.vector_store_idx %scatter3A_153[%add3A_147], %add3A_150 : memref<128xi32, #tpu.memory_space<vmem>>[vector<16xi32>], vector<16xi32>,
      %sub3A_154 = arith.constant 99968 : i32
      %sub3A_155 = vector.broadcast %sub3A_154 : i32 to vector<16xi32>
      %sub3A_156 = arith.subi %get3A_36, %sub3A_155 : vector<16xi32>
      %max3A_157 = arith.constant 0 : i32
      %max3A_158 = vector.broadcast %max3A_157 : i32 to vector<16xi32>
      %max3A_159 = arith.maxsi %sub3A_156, %max3A_158 : vector<16xi32>
      %mul3A_160 = arith.constant 320 : i32
      %mul3A_161 = vector.broadcast %mul3A_160 : i32 to vector<16xi32>
      %mul3A_162 = arith.muli %max3A_159, %mul3A_161 : vector<16xi32>
      %add3A_163 = arith.addi %mul3A_162, %min3A_24 : vector<16xi32>
      %swap3A_164 = arith.index_cast %mul3A_19 : i32 to index
      %swap3A_165 = tpu.vector_load %arg21[%swap3A_164] {strides = array<i32>} : memref<1024xi32, #tpu.memory_space<vmem>>, vector<16xi32>,
      tpu.vector_store %arg21[%swap3A_164], %add3A_163 {strides = array<i32>} : memref<1024xi32, #tpu.memory_space<vmem>>, vector<16xi32>,
      %sub3A_166 = arith.constant 99968 : i32
      %sub3A_167 = vector.broadcast %sub3A_166 : i32 to vector<16xi32>
      %sub3A_168 = arith.subi %get3A_38, %sub3A_167 : vector<16xi32>
      %max3A_169 = arith.constant 0 : i32
      %max3A_170 = vector.broadcast %max3A_169 : i32 to vector<16xi32>
      %max3A_171 = arith.maxsi %sub3A_168, %max3A_170 : vector<16xi32>
      %mul3A_172 = arith.constant 320 : i32
      %mul3A_173 = vector.broadcast %mul3A_172 : i32 to vector<16xi32>
      %mul3A_174 = arith.muli %max3A_171, %mul3A_173 : vector<16xi32>
      %add3A_175 = arith.addi %mul3A_174, %min3A_24 : vector<16xi32>
      %swap3A_176 = arith.index_cast %mul3A_19 : i32 to index
      %swap3A_177 = tpu.vector_load %arg22[%swap3A_176] {strides = array<i32>} : memref<1024xi32, #tpu.memory_space<vmem>>, vector<16xi32>,
      tpu.vector_store %arg22[%swap3A_176], %add3A_175 {strides = array<i32>} : memref<1024xi32, #tpu.memory_space<vmem>>, vector<16xi32>,
      %ge3A = arith.constant 49920 : i32
      %ge3A_178 = vector.broadcast %ge3A : i32 to vector<16xi32>
      %ge3A_179 = arith.cmpi sge, %get3A_36, %ge3A_178 : vector<16xi32>
      %broadcast_in_dim3A = vector.broadcast %scan3A : i32 to vector<16xi32>
      %broadcast_in_dim3A_180 = vector.broadcast %scan3A_1 : i32 to vector<16xi32>
      %select_n3A_181 = arith.select %ge3A_179, %broadcast_in_dim3A, %broadcast_in_dim3A_180 : vector<16xi1>, vector<16xi32>
      %swap3A_182 = arith.index_cast %mul3A_19 : i32 to index
      %swap3A_183 = tpu.vector_load %arg23[%swap3A_182] {strides = array<i32>} : memref<1024xi32, #tpu.memory_space<vmem>>, vector<16xi32>,
      tpu.vector_store %arg23[%swap3A_182], %select_n3A_181 {strides = array<i32>} : memref<1024xi32, #tpu.memory_space<vmem>>, vector<16xi32>,
      %ge3A_184 = arith.constant 49920 : i32
      %ge3A_185 = vector.broadcast %ge3A_184 : i32 to vector<16xi32>
      %ge3A_186 = arith.cmpi sge, %get3A_38, %ge3A_185 : vector<16xi32>
      %broadcast_in_dim3A_187 = vector.broadcast %scan3A : i32 to vector<16xi32>
      %broadcast_in_dim3A_188 = vector.broadcast %scan3A_1 : i32 to vector<16xi32>
      %select_n3A_189 = arith.select %ge3A_186, %broadcast_in_dim3A_187, %broadcast_in_dim3A_188 : vector<16xi1>, vector<16xi32>
      %swap3A_190 = arith.index_cast %mul3A_19 : i32 to index
      %swap3A_191 = tpu.vector_load %arg24[%swap3A_190] {strides = array<i32>} : memref<1024xi32, #tpu.memory_space<vmem>>, vector<16xi32>,
      tpu.vector_store %arg24[%swap3A_190], %select_n3A_189 {strides = array<i32>} : memref<1024xi32, #tpu.memory_space<vmem>>, vector<16xi32>,
      %ge3A_192 = arith.constant 99968 : i32
      %ge3A_193 = vector.broadcast %ge3A_192 : i32 to vector<16xi32>
      %ge3A_194 = arith.cmpi sge, %get3A_36, %ge3A_193 : vector<16xi32>
      %broadcast_in_dim3A_195 = vector.broadcast %scan3A : i32 to vector<16xi32>
      %broadcast_in_dim3A_196 = vector.broadcast %scan3A_1 : i32 to vector<16xi32>
      %select_n3A_197 = arith.select %ge3A_194, %broadcast_in_dim3A_195, %broadcast_in_dim3A_196 : vector<16xi1>, vector<16xi32>
      %swap3A_198 = arith.index_cast %mul3A_19 : i32 to index
      %swap3A_199 = tpu.vector_load %arg25[%swap3A_198] {strides = array<i32>} : memref<1024xi32, #tpu.memory_space<vmem>>, vector<16xi32>,
      tpu.vector_store %arg25[%swap3A_198], %select_n3A_197 {strides = array<i32>} : memref<1024xi32, #tpu.memory_space<vmem>>, vector<16xi32>,
      %ge3A_200 = arith.constant 99968 : i32
      %ge3A_201 = vector.broadcast %ge3A_200 : i32 to vector<16xi32>
      %ge3A_202 = arith.cmpi sge, %get3A_38, %ge3A_201 : vector<16xi32>
      %broadcast_in_dim3A_203 = vector.broadcast %scan3A : i32 to vector<16xi32>
      %broadcast_in_dim3A_204 = vector.broadcast %scan3A_1 : i32 to vector<16xi32>
      %select_n3A_205 = arith.select %ge3A_202, %broadcast_in_dim3A_203, %broadcast_in_dim3A_204 : vector<16xi1>, vector<16xi32>
      %swap3A_206 = arith.index_cast %mul3A_19 : i32 to index
      %swap3A_207 = tpu.vector_load %arg26[%swap3A_206] {strides = array<i32>} : memref<1024xi32, #tpu.memory_space<vmem>>, vector<16xi32>,
      tpu.vector_store %arg26[%swap3A_206], %select_n3A_205 {strides = array<i32>} : memref<1024xi32, #tpu.memory_space<vmem>>, vector<16xi32>,
      %broadcast_in_dim3A_208 = arith.constant 0.000000e+00 : f32
      %broadcast_in_dim3A_209 = vector.broadcast %broadcast_in_dim3A_208 : f32 to vector<16xf32>
      %swap3A_210 = arith.index_cast %mul3A_19 : i32 to index
      %swap3A_211 = tpu.vector_load %arg35[%swap3A_210] {strides = array<i32>} : memref<1024xf32, #tpu.memory_space<vmem>>, vector<16xf32>,
      tpu.vector_store %arg35[%swap3A_210], %broadcast_in_dim3A_209 {strides = array<i32>} : memref<1024xf32, #tpu.memory_space<vmem>>, vector<16xf32>,
      %scan3A_212 = arith.constant 0 : i32
      scf.yield %scan3A_212 : i32
    }
    %scan3A_8 = arith.constant 64 : i32
    %scan3A_9 = arith.constant 0 : i32
    %scan3A_10 = arith.constant 0 : i32
    %scan3A_11 = arith.constant 8 : i32
    %scan3A_12 = arith.addi %scan3A_10, %scan3A_11 : i32
    %scan3A_13 = arith.constant 1 : i32
    %scan3A_14 = scf.for %scan3A_16 = %scan3A_10 to %scan3A_12 step %scan3A_13 iter_args(%scan3A_17 = %scan3A_9) -> (i32)  : i32 {
      %mul3A_18 = arith.constant 8 : i32
      %mul3A_19 = arith.muli %arg0, %mul3A_18 : i32
      %add3A = arith.addi %mul3A_19, %scan3A_16 : i32
      %mul3A_20 = arith.constant 50048 : i32
      %mul3A_21 = arith.muli %arg1, %mul3A_20 : i32
      %dma_start3A = tpu.memref_slice %arg37[%mul3A_21] : memref<1000960xf32, #tpu.memory_space<vmem_shared>> -> memref<49920xf32, #tpu.memory_space<vmem_shared>>
      %dma_start3A_22 = arith.constant 0 : i32
      %dma_start3A_23 = tpu.memref_slice %arg5[%arg1, %add3A, %dma_start3A_22] : memref<20x16x100000xf32, #tpu.memory_space<hbm>> -> memref<1x1x49920xf32, #tpu.memory_space<hbm>>
      %dma_start3A_24 = tpu.memref_squeeze %dma_start3A_23 : memref<1x1x49920xf32, #tpu.memory_space<hbm>> -> memref<49920xf32, #tpu.memory_space<hbm>>
      tpu.enqueue_dma source(%dma_start3A_24 : memref<49920xf32, #tpu.memory_space<hbm>>) target(%dma_start3A : memref<49920xf32, #tpu.memory_space<vmem_shared>>) target_semaphore(%arg38 : memref<!tpu.dma_semaphore, #tpu.memory_space<semaphore_mem>>)
      %lt3A = arith.constant 4 : i32
      %lt3A_25 = arith.cmpi slt, %arg1, %lt3A : i32
      %convert_element_type3A = arith.extui %lt3A_25 : i1 to i32
      %cond3A = arith.constant 0 : i32
      %cond3A_26 = arith.cmpi ne, %convert_element_type3A, %cond3A : i32
      scf.if %cond3A_26 {
        %add3A_1152 = arith.constant 16 : i32
        %add3A_1153 = arith.addi %arg1, %add3A_1152 : i32
        %add3A_1154 = arith.constant 16 : i32
        %add3A_1155 = arith.addi %arg1, %add3A_1154 : i32
        %mul3A_1156 = arith.constant 50048 : i32
        %mul3A_1157 = arith.muli %add3A_1155, %mul3A_1156 : i32
        %dma_start3A_1158 = tpu.memref_slice %arg37[%mul3A_1157] : memref<1000960xf32, #tpu.memory_space<vmem_shared>> -> memref<49920xf32, #tpu.memory_space<vmem_shared>>
        %dma_start3A_1159 = arith.constant 0 : i32
        %dma_start3A_1160 = tpu.memref_slice %arg5[%add3A_1153, %add3A, %dma_start3A_1159] : memref<20x16x100000xf32, #tpu.memory_space<hbm>> -> memref<1x1x49920xf32, #tpu.memory_space<hbm>>
        %dma_start3A_1161 = tpu.memref_squeeze %dma_start3A_1160 : memref<1x1x49920xf32, #tpu.memory_space<hbm>> -> memref<49920xf32, #tpu.memory_space<hbm>>
        tpu.enqueue_dma source(%dma_start3A_1161 : memref<49920xf32, #tpu.memory_space<hbm>>) target(%dma_start3A_1158 : memref<49920xf32, #tpu.memory_space<vmem_shared>>) target_semaphore(%arg38 : memref<!tpu.dma_semaphore, #tpu.memory_space<semaphore_mem>>)
      } else {
      }
      %lt3A_27 = arith.constant 4 : i32
      %lt3A_28 = arith.cmpi slt, %arg1, %lt3A_27 : i32
      %jit3A = arith.constant 2 : i32
      %jit3A_29 = arith.constant 1 : i32
      %select_n3A = arith.select %lt3A_28, %jit3A, %jit3A_29 : i32
      %while3A = arith.constant 0 : i32
      %while3A_30 = arith.constant 0 : i32
      %while3A_31 = arith.subi %select_n3A, %while3A : i32
      %while3A_32 = arith.addi %while3A, %while3A_31 : i32
      %while3A_33 = arith.constant 1 : i32
      %while3A_34 = arith.divsi %while3A_31, %while3A_33 : i32
      %while3A_35 = arith.muli %while3A_34, %while3A_33 : i32
      %while3A_36 = arith.addi %while3A, %while3A_35 : i32
      %while3A_37 = arith.constant 1 : i32
      %while3A_38 = scf.for %while3A_1152 = %while3A to %while3A_36 step %while3A_37 iter_args(%while3A_1153 = %while3A_30) -> (i32)  : i32 {
        %dma_wait3A_1154 = arith.constant 0 : i32
        %dma_wait3A_1155 = arith.constant 0 : i32
        %dma_wait3A_1156 = arith.constant 0 : i32
        %dma_wait3A_1157 = tpu.memref_slice %arg37[%dma_wait3A_1156] : memref<1000960xf32, #tpu.memory_space<vmem_shared>> -> memref<49920xf32, #tpu.memory_space<vmem_shared>>
        %dma_wait3A_1158 = arith.constant 0 : i32
        %dma_wait3A_1159 = tpu.memref_slice %arg5[%dma_wait3A_1154, %dma_wait3A_1155, %dma_wait3A_1158] : memref<20x16x100000xf32, #tpu.memory_space<hbm>> -> memref<1x1x49920xf32, #tpu.memory_space<hbm>>
        %dma_wait3A_1160 = tpu.memref_squeeze %dma_wait3A_1159 : memref<1x1x49920xf32, #tpu.memory_space<hbm>> -> memref<49920xf32, #tpu.memory_space<hbm>>
        tpu.wait_dma2 semaphore(%arg38 : memref<!tpu.dma_semaphore, #tpu.memory_space<semaphore_mem>>) src(%dma_wait3A_1160 : memref<49920xf32, #tpu.memory_space<hbm>>) dst(%dma_wait3A_1157 : memref<49920xf32, #tpu.memory_space<vmem_shared>>)
        %while3A_1161 = arith.constant 0 : i32
        scf.yield %while3A_1161 : i32
      }
      %while3A_39 = arith.constant 1 : i32
      %while3A_40 = scf.for %while3A_1152 = %while3A_36 to %while3A_32 step %while3A_39 iter_args(%while3A_1153 = %while3A_38) -> (i32)  : i32 {
        %dma_wait3A_1154 = arith.constant 0 : i32
        %dma_wait3A_1155 = arith.constant 0 : i32
        %dma_wait3A_1156 = arith.constant 0 : i32
        %dma_wait3A_1157 = tpu.memref_slice %arg37[%dma_wait3A_1156] : memref<1000960xf32, #tpu.memory_space<vmem_shared>> -> memref<49920xf32, #tpu.memory_space<vmem_shared>>
        %dma_wait3A_1158 = arith.constant 0 : i32
        %dma_wait3A_1159 = tpu.memref_slice %arg5[%dma_wait3A_1154, %dma_wait3A_1155, %dma_wait3A_1158] : memref<20x16x100000xf32, #tpu.memory_space<hbm>> -> memref<1x1x49920xf32, #tpu.memory_space<hbm>>
        %dma_wait3A_1160 = tpu.memref_squeeze %dma_wait3A_1159 : memref<1x1x49920xf32, #tpu.memory_space<hbm>> -> memref<49920xf32, #tpu.memory_space<hbm>>
        tpu.wait_dma2 semaphore(%arg38 : memref<!tpu.dma_semaphore, #tpu.memory_space<semaphore_mem>>) src(%dma_wait3A_1160 : memref<49920xf32, #tpu.memory_space<hbm>>) dst(%dma_wait3A_1157 : memref<49920xf32, #tpu.memory_space<vmem_shared>>)
        %while3A_1161 = arith.constant 0 : i32
        scf.yield %while3A_1161 : i32
      }
      %barrier3A = arith.constant 0 : index
      tpu.barrier barrier_id(%barrier3A)
      %dma_start3A_41 = arith.constant 0 : i32
      %dma_start3A_42 = arith.constant 0 : i32
      %dma_start3A_43 = tpu.memref_slice %arg27[%dma_start3A_42] : memref<1024xf32, #tpu.memory_space<vmem>> -> memref<128xf32, #tpu.memory_space<vmem>>
      %dma_start3A_44 = arith.constant 0 : i32
      %dma_start3A_45 = tpu.memref_slice %arg13[%dma_start3A_41, %dma_start3A_44] : memref<8x128xi32, #tpu.memory_space<vmem>> -> memref<1x128xi32, #tpu.memory_space<vmem>>
      %dma_start3A_46 = tpu.memref_squeeze %dma_start3A_45 : memref<1x128xi32, #tpu.memory_space<vmem>> -> memref<128xi32, #tpu.memory_space<vmem>>
      %dma_start3A_47 = arith.constant 0 : i32
      %dma_start3A_48 = tpu.memref_slice %arg37[%dma_start3A_47] : memref<1000960xf32, #tpu.memory_space<vmem_shared>> -> memref<1000960xf32, #tpu.memory_space<vmem_shared>>
      tpu.enqueue_indirect_dma source(%dma_start3A_48 : memref<1000960xf32, #tpu.memory_space<vmem_shared>>) target(%dma_start3A_43 : memref<128xf32, #tpu.memory_space<vmem>>) offsets(%dma_start3A_46 : memref<128xi32, #tpu.memory_space<vmem>>) semaphore(%arg39 : memref<!tpu.dma_semaphore, #tpu.memory_space<semaphore_mem>>)
      %dma_start3A_49 = arith.constant 0 : i32
      %dma_start3A_50 = arith.constant 0 : i32
      %dma_start3A_51 = tpu.memref_slice %arg28[%dma_start3A_50] : memref<1024xf32, #tpu.memory_space<vmem>> -> memref<128xf32, #tpu.memory_space<vmem>>
      %dma_start3A_52 = arith.constant 0 : i32
      %dma_start3A_53 = tpu.memref_slice %arg17[%dma_start3A_49, %dma_start3A_52] : memref<8x128xi32, #tpu.memory_space<vmem>> -> memref<1x128xi32, #tpu.memory_space<vmem>>
      %dma_start3A_54 = tpu.memref_squeeze %dma_start3A_53 : memref<1x128xi32, #tpu.memory_space<vmem>> -> memref<128xi32, #tpu.memory_space<vmem>>
      %dma_start3A_55 = arith.constant 0 : i32
      %dma_start3A_56 = tpu.memref_slice %arg37[%dma_start3A_55] : memref<1000960xf32, #tpu.memory_space<vmem_shared>> -> memref<1000960xf32, #tpu.memory_space<vmem_shared>>
      tpu.enqueue_indirect_dma source(%dma_start3A_56 : memref<1000960xf32, #tpu.memory_space<vmem_shared>>) target(%dma_start3A_51 : memref<128xf32, #tpu.memory_space<vmem>>) offsets(%dma_start3A_54 : memref<128xi32, #tpu.memory_space<vmem>>) semaphore(%arg39 : memref<!tpu.dma_semaphore, #tpu.memory_space<semaphore_mem>>)
      %dma_start3A_57 = arith.constant 0 : i32
      %dma_start3A_58 = arith.constant 0 : i32
      %dma_start3A_59 = tpu.memref_slice %arg29[%dma_start3A_58] : memref<1024xf32, #tpu.memory_space<vmem>> -> memref<128xf32, #tpu.memory_space<vmem>>
      %dma_start3A_60 = arith.constant 0 : i32
      %dma_start3A_61 = tpu.memref_slice %arg14[%dma_start3A_57, %dma_start3A_60] : memref<8x128xi32, #tpu.memory_space<vmem>> -> memref<1x128xi32, #tpu.memory_space<vmem>>
      %dma_start3A_62 = tpu.memref_squeeze %dma_start3A_61 : memref<1x128xi32, #tpu.memory_space<vmem>> -> memref<128xi32, #tpu.memory_space<vmem>>
      %dma_start3A_63 = arith.constant 0 : i32
      %dma_start3A_64 = tpu.memref_slice %arg37[%dma_start3A_63] : memref<1000960xf32, #tpu.memory_space<vmem_shared>> -> memref<1000960xf32, #tpu.memory_space<vmem_shared>>
      tpu.enqueue_indirect_dma source(%dma_start3A_64 : memref<1000960xf32, #tpu.memory_space<vmem_shared>>) target(%dma_start3A_59 : memref<128xf32, #tpu.memory_space<vmem>>) offsets(%dma_start3A_62 : memref<128xi32, #tpu.memory_space<vmem>>) semaphore(%arg39 : memref<!tpu.dma_semaphore, #tpu.memory_space<semaphore_mem>>)
      %dma_start3A_65 = arith.constant 0 : i32
      %dma_start3A_66 = arith.constant 0 : i32
      %dma_start3A_67 = tpu.memref_slice %arg30[%dma_start3A_66] : memref<1024xf32, #tpu.memory_space<vmem>> -> memref<128xf32, #tpu.memory_space<vmem>>
      %dma_start3A_68 = arith.constant 0 : i32
      %dma_start3A_69 = tpu.memref_slice %arg18[%dma_start3A_65, %dma_start3A_68] : memref<8x128xi32, #tpu.memory_space<vmem>> -> memref<1x128xi32, #tpu.memory_space<vmem>>
      %dma_start3A_70 = tpu.memref_squeeze %dma_start3A_69 : memref<1x128xi32, #tpu.memory_space<vmem>> -> memref<128xi32, #tpu.memory_space<vmem>>
      %dma_start3A_71 = arith.constant 0 : i32
      %dma_start3A_72 = tpu.memref_slice %arg37[%dma_start3A_71] : memref<1000960xf32, #tpu.memory_space<vmem_shared>> -> memref<1000960xf32, #tpu.memory_space<vmem_shared>>
      tpu.enqueue_indirect_dma source(%dma_start3A_72 : memref<1000960xf32, #tpu.memory_space<vmem_shared>>) target(%dma_start3A_67 : memref<128xf32, #tpu.memory_space<vmem>>) offsets(%dma_start3A_70 : memref<128xi32, #tpu.memory_space<vmem>>) semaphore(%arg39 : memref<!tpu.dma_semaphore, #tpu.memory_space<semaphore_mem>>)
      %dma_start3A_73 = arith.constant 1 : i32
      %dma_start3A_74 = arith.constant 128 : i32
      %dma_start3A_75 = tpu.memref_slice %arg27[%dma_start3A_74] : memref<1024xf32, #tpu.memory_space<vmem>> -> memref<128xf32, #tpu.memory_space<vmem>>
      %dma_start3A_76 = arith.constant 0 : i32
      %dma_start3A_77 = tpu.memref_slice %arg13[%dma_start3A_73, %dma_start3A_76] : memref<8x128xi32, #tpu.memory_space<vmem>> -> memref<1x128xi32, #tpu.memory_space<vmem>>
      %dma_start3A_78 = tpu.memref_squeeze %dma_start3A_77 : memref<1x128xi32, #tpu.memory_space<vmem>> -> memref<128xi32, #tpu.memory_space<vmem>>
      %dma_start3A_79 = arith.constant 0 : i32
      %dma_start3A_80 = tpu.memref_slice %arg37[%dma_start3A_79] : memref<1000960xf32, #tpu.memory_space<vmem_shared>> -> memref<1000960xf32, #tpu.memory_space<vmem_shared>>
      tpu.enqueue_indirect_dma source(%dma_start3A_80 : memref<1000960xf32, #tpu.memory_space<vmem_shared>>) target(%dma_start3A_75 : memref<128xf32, #tpu.memory_space<vmem>>) offsets(%dma_start3A_78 : memref<128xi32, #tpu.memory_space<vmem>>) semaphore(%arg39 : memref<!tpu.dma_semaphore, #tpu.memory_space<semaphore_mem>>)
      %dma_start3A_81 = arith.constant 1 : i32
      %dma_start3A_82 = arith.constant 128 : i32
      %dma_start3A_83 = tpu.memref_slice %arg28[%dma_start3A_82] : memref<1024xf32, #tpu.memory_space<vmem>> -> memref<128xf32, #tpu.memory_space<vmem>>
      %dma_start3A_84 = arith.constant 0 : i32
      %dma_start3A_85 = tpu.memref_slice %arg17[%dma_start3A_81, %dma_start3A_84] : memref<8x128xi32, #tpu.memory_space<vmem>> -> memref<1x128xi32, #tpu.memory_space<vmem>>
      %dma_start3A_86 = tpu.memref_squeeze %dma_start3A_85 : memref<1x128xi32, #tpu.memory_space<vmem>> -> memref<128xi32, #tpu.memory_space<vmem>>
      %dma_start3A_87 = arith.constant 0 : i32
      %dma_start3A_88 = tpu.memref_slice %arg37[%dma_start3A_87] : memref<1000960xf32, #tpu.memory_space<vmem_shared>> -> memref<1000960xf32, #tpu.memory_space<vmem_shared>>
      tpu.enqueue_indirect_dma source(%dma_start3A_88 : memref<1000960xf32, #tpu.memory_space<vmem_shared>>) target(%dma_start3A_83 : memref<128xf32, #tpu.memory_space<vmem>>) offsets(%dma_start3A_86 : memref<128xi32, #tpu.memory_space<vmem>>) semaphore(%arg39 : memref<!tpu.dma_semaphore, #tpu.memory_space<semaphore_mem>>)
      %dma_start3A_89 = arith.constant 1 : i32
      %dma_start3A_90 = arith.constant 128 : i32
      %dma_start3A_91 = tpu.memref_slice %arg29[%dma_start3A_90] : memref<1024xf32, #tpu.memory_space<vmem>> -> memref<128xf32, #tpu.memory_space<vmem>>
      %dma_start3A_92 = arith.constant 0 : i32
      %dma_start3A_93 = tpu.memref_slice %arg14[%dma_start3A_89, %dma_start3A_92] : memref<8x128xi32, #tpu.memory_space<vmem>> -> memref<1x128xi32, #tpu.memory_space<vmem>>
      %dma_start3A_94 = tpu.memref_squeeze %dma_start3A_93 : memref<1x128xi32, #tpu.memory_space<vmem>> -> memref<128xi32, #tpu.memory_space<vmem>>
      %dma_start3A_95 = arith.constant 0 : i32
      %dma_start3A_96 = tpu.memref_slice %arg37[%dma_start3A_95] : memref<1000960xf32, #tpu.memory_space<vmem_shared>> -> memref<1000960xf32, #tpu.memory_space<vmem_shared>>
      tpu.enqueue_indirect_dma source(%dma_start3A_96 : memref<1000960xf32, #tpu.memory_space<vmem_shared>>) target(%dma_start3A_91 : memref<128xf32, #tpu.memory_space<vmem>>) offsets(%dma_start3A_94 : memref<128xi32, #tpu.memory_space<vmem>>) semaphore(%arg39 : memref<!tpu.dma_semaphore, #tpu.memory_space<semaphore_mem>>)
      %dma_start3A_97 = arith.constant 1 : i32
      %dma_start3A_98 = arith.constant 128 : i32
      %dma_start3A_99 = tpu.memref_slice %arg30[%dma_start3A_98] : memref<1024xf32, #tpu.memory_space<vmem>> -> memref<128xf32, #tpu.memory_space<vmem>>
      %dma_start3A_100 = arith.constant 0 : i32
      %dma_start3A_101 = tpu.memref_slice %arg18[%dma_start3A_97, %dma_start3A_100] : memref<8x128xi32, #tpu.memory_space<vmem>> -> memref<1x128xi32, #tpu.memory_space<vmem>>
      %dma_start3A_102 = tpu.memref_squeeze %dma_start3A_101 : memref<1x128xi32, #tpu.memory_space<vmem>> -> memref<128xi32, #tpu.memory_space<vmem>>
      %dma_start3A_103 = arith.constant 0 : i32
      %dma_start3A_104 = tpu.memref_slice %arg37[%dma_start3A_103] : memref<1000960xf32, #tpu.memory_space<vmem_shared>> -> memref<1000960xf32, #tpu.memory_space<vmem_shared>>
      tpu.enqueue_indirect_dma source(%dma_start3A_104 : memref<1000960xf32, #tpu.memory_space<vmem_shared>>) target(%dma_start3A_99 : memref<128xf32, #tpu.memory_space<vmem>>) offsets(%dma_start3A_102 : memref<128xi32, #tpu.memory_space<vmem>>) semaphore(%arg39 : memref<!tpu.dma_semaphore, #tpu.memory_space<semaphore_mem>>)
      %dma_start3A_105 = arith.constant 2 : i32
      %dma_start3A_106 = arith.constant 256 : i32
      %dma_start3A_107 = tpu.memref_slice %arg27[%dma_start3A_106] : memref<1024xf32, #tpu.memory_space<vmem>> -> memref<128xf32, #tpu.memory_space<vmem>>
      %dma_start3A_108 = arith.constant 0 : i32
      %dma_start3A_109 = tpu.memref_slice %arg13[%dma_start3A_105, %dma_start3A_108] : memref<8x128xi32, #tpu.memory_space<vmem>> -> memref<1x128xi32, #tpu.memory_space<vmem>>
      %dma_start3A_110 = tpu.memref_squeeze %dma_start3A_109 : memref<1x128xi32, #tpu.memory_space<vmem>> -> memref<128xi32, #tpu.memory_space<vmem>>
      %dma_start3A_111 = arith.constant 0 : i32
      %dma_start3A_112 = tpu.memref_slice %arg37[%dma_start3A_111] : memref<1000960xf32, #tpu.memory_space<vmem_shared>> -> memref<1000960xf32, #tpu.memory_space<vmem_shared>>
      tpu.enqueue_indirect_dma source(%dma_start3A_112 : memref<1000960xf32, #tpu.memory_space<vmem_shared>>) target(%dma_start3A_107 : memref<128xf32, #tpu.memory_space<vmem>>) offsets(%dma_start3A_110 : memref<128xi32, #tpu.memory_space<vmem>>) semaphore(%arg39 : memref<!tpu.dma_semaphore, #tpu.memory_space<semaphore_mem>>)
      %dma_start3A_113 = arith.constant 2 : i32
      %dma_start3A_114 = arith.constant 256 : i32
      %dma_start3A_115 = tpu.memref_slice %arg28[%dma_start3A_114] : memref<1024xf32, #tpu.memory_space<vmem>> -> memref<128xf32, #tpu.memory_space<vmem>>
      %dma_start3A_116 = arith.constant 0 : i32
      %dma_start3A_117 = tpu.memref_slice %arg17[%dma_start3A_113, %dma_start3A_116] : memref<8x128xi32, #tpu.memory_space<vmem>> -> memref<1x128xi32, #tpu.memory_space<vmem>>
      %dma_start3A_118 = tpu.memref_squeeze %dma_start3A_117 : memref<1x128xi32, #tpu.memory_space<vmem>> -> memref<128xi32, #tpu.memory_space<vmem>>
      %dma_start3A_119 = arith.constant 0 : i32
      %dma_start3A_120 = tpu.memref_slice %arg37[%dma_start3A_119] : memref<1000960xf32, #tpu.memory_space<vmem_shared>> -> memref<1000960xf32, #tpu.memory_space<vmem_shared>>
      tpu.enqueue_indirect_dma source(%dma_start3A_120 : memref<1000960xf32, #tpu.memory_space<vmem_shared>>) target(%dma_start3A_115 : memref<128xf32, #tpu.memory_space<vmem>>) offsets(%dma_start3A_118 : memref<128xi32, #tpu.memory_space<vmem>>) semaphore(%arg39 : memref<!tpu.dma_semaphore, #tpu.memory_space<semaphore_mem>>)
      %dma_start3A_121 = arith.constant 2 : i32
      %dma_start3A_122 = arith.constant 256 : i32
      %dma_start3A_123 = tpu.memref_slice %arg29[%dma_start3A_122] : memref<1024xf32, #tpu.memory_space<vmem>> -> memref<128xf32, #tpu.memory_space<vmem>>
      %dma_start3A_124 = arith.constant 0 : i32
      %dma_start3A_125 = tpu.memref_slice %arg14[%dma_start3A_121, %dma_start3A_124] : memref<8x128xi32, #tpu.memory_space<vmem>> -> memref<1x128xi32, #tpu.memory_space<vmem>>
      %dma_start3A_126 = tpu.memref_squeeze %dma_start3A_125 : memref<1x128xi32, #tpu.memory_space<vmem>> -> memref<128xi32, #tpu.memory_space<vmem>>
      %dma_start3A_127 = arith.constant 0 : i32
      %dma_start3A_128 = tpu.memref_slice %arg37[%dma_start3A_127] : memref<1000960xf32, #tpu.memory_space<vmem_shared>> -> memref<1000960xf32, #tpu.memory_space<vmem_shared>>
      tpu.enqueue_indirect_dma source(%dma_start3A_128 : memref<1000960xf32, #tpu.memory_space<vmem_shared>>) target(%dma_start3A_123 : memref<128xf32, #tpu.memory_space<vmem>>) offsets(%dma_start3A_126 : memref<128xi32, #tpu.memory_space<vmem>>) semaphore(%arg39 : memref<!tpu.dma_semaphore, #tpu.memory_space<semaphore_mem>>)
      %dma_start3A_129 = arith.constant 2 : i32
      %dma_start3A_130 = arith.constant 256 : i32
      %dma_start3A_131 = tpu.memref_slice %arg30[%dma_start3A_130] : memref<1024xf32, #tpu.memory_space<vmem>> -> memref<128xf32, #tpu.memory_space<vmem>>
      %dma_start3A_132 = arith.constant 0 : i32
      %dma_start3A_133 = tpu.memref_slice %arg18[%dma_start3A_129, %dma_start3A_132] : memref<8x128xi32, #tpu.memory_space<vmem>> -> memref<1x128xi32, #tpu.memory_space<vmem>>
      %dma_start3A_134 = tpu.memref_squeeze %dma_start3A_133 : memref<1x128xi32, #tpu.memory_space<vmem>> -> memref<128xi32, #tpu.memory_space<vmem>>
      %dma_start3A_135 = arith.constant 0 : i32
      %dma_start3A_136 = tpu.memref_slice %arg37[%dma_start3A_135] : memref<1000960xf32, #tpu.memory_space<vmem_shared>> -> memref<1000960xf32, #tpu.memory_space<vmem_shared>>
      tpu.enqueue_indirect_dma source(%dma_start3A_136 : memref<1000960xf32, #tpu.memory_space<vmem_shared>>) target(%dma_start3A_131 : memref<128xf32, #tpu.memory_space<vmem>>) offsets(%dma_start3A_134 : memref<128xi32, #tpu.memory_space<vmem>>) semaphore(%arg39 : memref<!tpu.dma_semaphore, #tpu.memory_space<semaphore_mem>>)
      %dma_start3A_137 = arith.constant 3 : i32
      %dma_start3A_138 = arith.constant 384 : i32
      %dma_start3A_139 = tpu.memref_slice %arg27[%dma_start3A_138] : memref<1024xf32, #tpu.memory_space<vmem>> -> memref<128xf32, #tpu.memory_space<vmem>>
      %dma_start3A_140 = arith.constant 0 : i32
      %dma_start3A_141 = tpu.memref_slice %arg13[%dma_start3A_137, %dma_start3A_140] : memref<8x128xi32, #tpu.memory_space<vmem>> -> memref<1x128xi32, #tpu.memory_space<vmem>>
      %dma_start3A_142 = tpu.memref_squeeze %dma_start3A_141 : memref<1x128xi32, #tpu.memory_space<vmem>> -> memref<128xi32, #tpu.memory_space<vmem>>
      %dma_start3A_143 = arith.constant 0 : i32
      %dma_start3A_144 = tpu.memref_slice %arg37[%dma_start3A_143] : memref<1000960xf32, #tpu.memory_space<vmem_shared>> -> memref<1000960xf32, #tpu.memory_space<vmem_shared>>
      tpu.enqueue_indirect_dma source(%dma_start3A_144 : memref<1000960xf32, #tpu.memory_space<vmem_shared>>) target(%dma_start3A_139 : memref<128xf32, #tpu.memory_space<vmem>>) offsets(%dma_start3A_142 : memref<128xi32, #tpu.memory_space<vmem>>) semaphore(%arg39 : memref<!tpu.dma_semaphore, #tpu.memory_space<semaphore_mem>>)
      %dma_start3A_145 = arith.constant 3 : i32
      %dma_start3A_146 = arith.constant 384 : i32
      %dma_start3A_147 = tpu.memref_slice %arg28[%dma_start3A_146] : memref<1024xf32, #tpu.memory_space<vmem>> -> memref<128xf32, #tpu.memory_space<vmem>>
      %dma_start3A_148 = arith.constant 0 : i32
      %dma_start3A_149 = tpu.memref_slice %arg17[%dma_start3A_145, %dma_start3A_148] : memref<8x128xi32, #tpu.memory_space<vmem>> -> memref<1x128xi32, #tpu.memory_space<vmem>>
      %dma_start3A_150 = tpu.memref_squeeze %dma_start3A_149 : memref<1x128xi32, #tpu.memory_space<vmem>> -> memref<128xi32, #tpu.memory_space<vmem>>
      %dma_start3A_151 = arith.constant 0 : i32
      %dma_start3A_152 = tpu.memref_slice %arg37[%dma_start3A_151] : memref<1000960xf32, #tpu.memory_space<vmem_shared>> -> memref<1000960xf32, #tpu.memory_space<vmem_shared>>
      tpu.enqueue_indirect_dma source(%dma_start3A_152 : memref<1000960xf32, #tpu.memory_space<vmem_shared>>) target(%dma_start3A_147 : memref<128xf32, #tpu.memory_space<vmem>>) offsets(%dma_start3A_150 : memref<128xi32, #tpu.memory_space<vmem>>) semaphore(%arg39 : memref<!tpu.dma_semaphore, #tpu.memory_space<semaphore_mem>>)
      %dma_start3A_153 = arith.constant 3 : i32
      %dma_start3A_154 = arith.constant 384 : i32
      %dma_start3A_155 = tpu.memref_slice %arg29[%dma_start3A_154] : memref<1024xf32, #tpu.memory_space<vmem>> -> memref<128xf32, #tpu.memory_space<vmem>>
      %dma_start3A_156 = arith.constant 0 : i32
      %dma_start3A_157 = tpu.memref_slice %arg14[%dma_start3A_153, %dma_start3A_156] : memref<8x128xi32, #tpu.memory_space<vmem>> -> memref<1x128xi32, #tpu.memory_space<vmem>>
      %dma_start3A_158 = tpu.memref_squeeze %dma_start3A_157 : memref<1x128xi32, #tpu.memory_space<vmem>> -> memref<128xi32, #tpu.memory_space<vmem>>
      %dma_start3A_159 = arith.constant 0 : i32
      %dma_start3A_160 = tpu.memref_slice %arg37[%dma_start3A_159] : memref<1000960xf32, #tpu.memory_space<vmem_shared>> -> memref<1000960xf32, #tpu.memory_space<vmem_shared>>
      tpu.enqueue_indirect_dma source(%dma_start3A_160 : memref<1000960xf32, #tpu.memory_space<vmem_shared>>) target(%dma_start3A_155 : memref<128xf32, #tpu.memory_space<vmem>>) offsets(%dma_start3A_158 : memref<128xi32, #tpu.memory_space<vmem>>) semaphore(%arg39 : memref<!tpu.dma_semaphore, #tpu.memory_space<semaphore_mem>>)
      %dma_start3A_161 = arith.constant 3 : i32
      %dma_start3A_162 = arith.constant 384 : i32
      %dma_start3A_163 = tpu.memref_slice %arg30[%dma_start3A_162] : memref<1024xf32, #tpu.memory_space<vmem>> -> memref<128xf32, #tpu.memory_space<vmem>>
      %dma_start3A_164 = arith.constant 0 : i32
      %dma_start3A_165 = tpu.memref_slice %arg18[%dma_start3A_161, %dma_start3A_164] : memref<8x128xi32, #tpu.memory_space<vmem>> -> memref<1x128xi32, #tpu.memory_space<vmem>>
      %dma_start3A_166 = tpu.memref_squeeze %dma_start3A_165 : memref<1x128xi32, #tpu.memory_space<vmem>> -> memref<128xi32, #tpu.memory_space<vmem>>
      %dma_start3A_167 = arith.constant 0 : i32
      %dma_start3A_168 = tpu.memref_slice %arg37[%dma_start3A_167] : memref<1000960xf32, #tpu.memory_space<vmem_shared>> -> memref<1000960xf32, #tpu.memory_space<vmem_shared>>
      tpu.enqueue_indirect_dma source(%dma_start3A_168 : memref<1000960xf32, #tpu.memory_space<vmem_shared>>) target(%dma_start3A_163 : memref<128xf32, #tpu.memory_space<vmem>>) offsets(%dma_start3A_166 : memref<128xi32, #tpu.memory_space<vmem>>) semaphore(%arg39 : memref<!tpu.dma_semaphore, #tpu.memory_space<semaphore_mem>>)
      %dma_start3A_169 = arith.constant 4 : i32
      %dma_start3A_170 = arith.constant 512 : i32
      %dma_start3A_171 = tpu.memref_slice %arg27[%dma_start3A_170] : memref<1024xf32, #tpu.memory_space<vmem>> -> memref<128xf32, #tpu.memory_space<vmem>>
      %dma_start3A_172 = arith.constant 0 : i32
      %dma_start3A_173 = tpu.memref_slice %arg13[%dma_start3A_169, %dma_start3A_172] : memref<8x128xi32, #tpu.memory_space<vmem>> -> memref<1x128xi32, #tpu.memory_space<vmem>>
      %dma_start3A_174 = tpu.memref_squeeze %dma_start3A_173 : memref<1x128xi32, #tpu.memory_space<vmem>> -> memref<128xi32, #tpu.memory_space<vmem>>
      %dma_start3A_175 = arith.constant 0 : i32
      %dma_start3A_176 = tpu.memref_slice %arg37[%dma_start3A_175] : memref<1000960xf32, #tpu.memory_space<vmem_shared>> -> memref<1000960xf32, #tpu.memory_space<vmem_shared>>
      tpu.enqueue_indirect_dma source(%dma_start3A_176 : memref<1000960xf32, #tpu.memory_space<vmem_shared>>) target(%dma_start3A_171 : memref<128xf32, #tpu.memory_space<vmem>>) offsets(%dma_start3A_174 : memref<128xi32, #tpu.memory_space<vmem>>) semaphore(%arg39 : memref<!tpu.dma_semaphore, #tpu.memory_space<semaphore_mem>>)
      %dma_start3A_177 = arith.constant 4 : i32
      %dma_start3A_178 = arith.constant 512 : i32
      %dma_start3A_179 = tpu.memref_slice %arg28[%dma_start3A_178] : memref<1024xf32, #tpu.memory_space<vmem>> -> memref<128xf32, #tpu.memory_space<vmem>>
      %dma_start3A_180 = arith.constant 0 : i32
      %dma_start3A_181 = tpu.memref_slice %arg17[%dma_start3A_177, %dma_start3A_180] : memref<8x128xi32, #tpu.memory_space<vmem>> -> memref<1x128xi32, #tpu.memory_space<vmem>>
      %dma_start3A_182 = tpu.memref_squeeze %dma_start3A_181 : memref<1x128xi32, #tpu.memory_space<vmem>> -> memref<128xi32, #tpu.memory_space<vmem>>
      %dma_start3A_183 = arith.constant 0 : i32
      %dma_start3A_184 = tpu.memref_slice %arg37[%dma_start3A_183] : memref<1000960xf32, #tpu.memory_space<vmem_shared>> -> memref<1000960xf32, #tpu.memory_space<vmem_shared>>
      tpu.enqueue_indirect_dma source(%dma_start3A_184 : memref<1000960xf32, #tpu.memory_space<vmem_shared>>) target(%dma_start3A_179 : memref<128xf32, #tpu.memory_space<vmem>>) offsets(%dma_start3A_182 : memref<128xi32, #tpu.memory_space<vmem>>) semaphore(%arg39 : memref<!tpu.dma_semaphore, #tpu.memory_space<semaphore_mem>>)
      %dma_start3A_185 = arith.constant 4 : i32
      %dma_start3A_186 = arith.constant 512 : i32
      %dma_start3A_187 = tpu.memref_slice %arg29[%dma_start3A_186] : memref<1024xf32, #tpu.memory_space<vmem>> -> memref<128xf32, #tpu.memory_space<vmem>>
      %dma_start3A_188 = arith.constant 0 : i32
      %dma_start3A_189 = tpu.memref_slice %arg14[%dma_start3A_185, %dma_start3A_188] : memref<8x128xi32, #tpu.memory_space<vmem>> -> memref<1x128xi32, #tpu.memory_space<vmem>>
      %dma_start3A_190 = tpu.memref_squeeze %dma_start3A_189 : memref<1x128xi32, #tpu.memory_space<vmem>> -> memref<128xi32, #tpu.memory_space<vmem>>
      %dma_start3A_191 = arith.constant 0 : i32
      %dma_start3A_192 = tpu.memref_slice %arg37[%dma_start3A_191] : memref<1000960xf32, #tpu.memory_space<vmem_shared>> -> memref<1000960xf32, #tpu.memory_space<vmem_shared>>
      tpu.enqueue_indirect_dma source(%dma_start3A_192 : memref<1000960xf32, #tpu.memory_space<vmem_shared>>) target(%dma_start3A_187 : memref<128xf32, #tpu.memory_space<vmem>>) offsets(%dma_start3A_190 : memref<128xi32, #tpu.memory_space<vmem>>) semaphore(%arg39 : memref<!tpu.dma_semaphore, #tpu.memory_space<semaphore_mem>>)
      %dma_start3A_193 = arith.constant 4 : i32
      %dma_start3A_194 = arith.constant 512 : i32
      %dma_start3A_195 = tpu.memref_slice %arg30[%dma_start3A_194] : memref<1024xf32, #tpu.memory_space<vmem>> -> memref<128xf32, #tpu.memory_space<vmem>>
      %dma_start3A_196 = arith.constant 0 : i32
      %dma_start3A_197 = tpu.memref_slice %arg18[%dma_start3A_193, %dma_start3A_196] : memref<8x128xi32, #tpu.memory_space<vmem>> -> memref<1x128xi32, #tpu.memory_space<vmem>>
      %dma_start3A_198 = tpu.memref_squeeze %dma_start3A_197 : memref<1x128xi32, #tpu.memory_space<vmem>> -> memref<128xi32, #tpu.memory_space<vmem>>
      %dma_start3A_199 = arith.constant 0 : i32
      %dma_start3A_200 = tpu.memref_slice %arg37[%dma_start3A_199] : memref<1000960xf32, #tpu.memory_space<vmem_shared>> -> memref<1000960xf32, #tpu.memory_space<vmem_shared>>
      tpu.enqueue_indirect_dma source(%dma_start3A_200 : memref<1000960xf32, #tpu.memory_space<vmem_shared>>) target(%dma_start3A_195 : memref<128xf32, #tpu.memory_space<vmem>>) offsets(%dma_start3A_198 : memref<128xi32, #tpu.memory_space<vmem>>) semaphore(%arg39 : memref<!tpu.dma_semaphore, #tpu.memory_space<semaphore_mem>>)
      %dma_start3A_201 = arith.constant 5 : i32
      %dma_start3A_202 = arith.constant 640 : i32
      %dma_start3A_203 = tpu.memref_slice %arg27[%dma_start3A_202] : memref<1024xf32, #tpu.memory_space<vmem>> -> memref<128xf32, #tpu.memory_space<vmem>>
      %dma_start3A_204 = arith.constant 0 : i32
      %dma_start3A_205 = tpu.memref_slice %arg13[%dma_start3A_201, %dma_start3A_204] : memref<8x128xi32, #tpu.memory_space<vmem>> -> memref<1x128xi32, #tpu.memory_space<vmem>>
      %dma_start3A_206 = tpu.memref_squeeze %dma_start3A_205 : memref<1x128xi32, #tpu.memory_space<vmem>> -> memref<128xi32, #tpu.memory_space<vmem>>
      %dma_start3A_207 = arith.constant 0 : i32
      %dma_start3A_208 = tpu.memref_slice %arg37[%dma_start3A_207] : memref<1000960xf32, #tpu.memory_space<vmem_shared>> -> memref<1000960xf32, #tpu.memory_space<vmem_shared>>
      tpu.enqueue_indirect_dma source(%dma_start3A_208 : memref<1000960xf32, #tpu.memory_space<vmem_shared>>) target(%dma_start3A_203 : memref<128xf32, #tpu.memory_space<vmem>>) offsets(%dma_start3A_206 : memref<128xi32, #tpu.memory_space<vmem>>) semaphore(%arg39 : memref<!tpu.dma_semaphore, #tpu.memory_space<semaphore_mem>>)
      %dma_start3A_209 = arith.constant 5 : i32
      %dma_start3A_210 = arith.constant 640 : i32
      %dma_start3A_211 = tpu.memref_slice %arg28[%dma_start3A_210] : memref<1024xf32, #tpu.memory_space<vmem>> -> memref<128xf32, #tpu.memory_space<vmem>>
      %dma_start3A_212 = arith.constant 0 : i32
      %dma_start3A_213 = tpu.memref_slice %arg17[%dma_start3A_209, %dma_start3A_212] : memref<8x128xi32, #tpu.memory_space<vmem>> -> memref<1x128xi32, #tpu.memory_space<vmem>>
      %dma_start3A_214 = tpu.memref_squeeze %dma_start3A_213 : memref<1x128xi32, #tpu.memory_space<vmem>> -> memref<128xi32, #tpu.memory_space<vmem>>
      %dma_start3A_215 = arith.constant 0 : i32
      %dma_start3A_216 = tpu.memref_slice %arg37[%dma_start3A_215] : memref<1000960xf32, #tpu.memory_space<vmem_shared>> -> memref<1000960xf32, #tpu.memory_space<vmem_shared>>
      tpu.enqueue_indirect_dma source(%dma_start3A_216 : memref<1000960xf32, #tpu.memory_space<vmem_shared>>) target(%dma_start3A_211 : memref<128xf32, #tpu.memory_space<vmem>>) offsets(%dma_start3A_214 : memref<128xi32, #tpu.memory_space<vmem>>) semaphore(%arg39 : memref<!tpu.dma_semaphore, #tpu.memory_space<semaphore_mem>>)
      %dma_start3A_217 = arith.constant 5 : i32
      %dma_start3A_218 = arith.constant 640 : i32
      %dma_start3A_219 = tpu.memref_slice %arg29[%dma_start3A_218] : memref<1024xf32, #tpu.memory_space<vmem>> -> memref<128xf32, #tpu.memory_space<vmem>>
      %dma_start3A_220 = arith.constant 0 : i32
      %dma_start3A_221 = tpu.memref_slice %arg14[%dma_start3A_217, %dma_start3A_220] : memref<8x128xi32, #tpu.memory_space<vmem>> -> memref<1x128xi32, #tpu.memory_space<vmem>>
      %dma_start3A_222 = tpu.memref_squeeze %dma_start3A_221 : memref<1x128xi32, #tpu.memory_space<vmem>> -> memref<128xi32, #tpu.memory_space<vmem>>
      %dma_start3A_223 = arith.constant 0 : i32
      %dma_start3A_224 = tpu.memref_slice %arg37[%dma_start3A_223] : memref<1000960xf32, #tpu.memory_space<vmem_shared>> -> memref<1000960xf32, #tpu.memory_space<vmem_shared>>
      tpu.enqueue_indirect_dma source(%dma_start3A_224 : memref<1000960xf32, #tpu.memory_space<vmem_shared>>) target(%dma_start3A_219 : memref<128xf32, #tpu.memory_space<vmem>>) offsets(%dma_start3A_222 : memref<128xi32, #tpu.memory_space<vmem>>) semaphore(%arg39 : memref<!tpu.dma_semaphore, #tpu.memory_space<semaphore_mem>>)
      %dma_start3A_225 = arith.constant 5 : i32
      %dma_start3A_226 = arith.constant 640 : i32
      %dma_start3A_227 = tpu.memref_slice %arg30[%dma_start3A_226] : memref<1024xf32, #tpu.memory_space<vmem>> -> memref<128xf32, #tpu.memory_space<vmem>>
      %dma_start3A_228 = arith.constant 0 : i32
      %dma_start3A_229 = tpu.memref_slice %arg18[%dma_start3A_225, %dma_start3A_228] : memref<8x128xi32, #tpu.memory_space<vmem>> -> memref<1x128xi32, #tpu.memory_space<vmem>>
      %dma_start3A_230 = tpu.memref_squeeze %dma_start3A_229 : memref<1x128xi32, #tpu.memory_space<vmem>> -> memref<128xi32, #tpu.memory_space<vmem>>
      %dma_start3A_231 = arith.constant 0 : i32
      %dma_start3A_232 = tpu.memref_slice %arg37[%dma_start3A_231] : memref<1000960xf32, #tpu.memory_space<vmem_shared>> -> memref<1000960xf32, #tpu.memory_space<vmem_shared>>
      tpu.enqueue_indirect_dma source(%dma_start3A_232 : memref<1000960xf32, #tpu.memory_space<vmem_shared>>) target(%dma_start3A_227 : memref<128xf32, #tpu.memory_space<vmem>>) offsets(%dma_start3A_230 : memref<128xi32, #tpu.memory_space<vmem>>) semaphore(%arg39 : memref<!tpu.dma_semaphore, #tpu.memory_space<semaphore_mem>>)
      %dma_start3A_233 = arith.constant 6 : i32
      %dma_start3A_234 = arith.constant 768 : i32
      %dma_start3A_235 = tpu.memref_slice %arg27[%dma_start3A_234] : memref<1024xf32, #tpu.memory_space<vmem>> -> memref<128xf32, #tpu.memory_space<vmem>>
      %dma_start3A_236 = arith.constant 0 : i32
      %dma_start3A_237 = tpu.memref_slice %arg13[%dma_start3A_233, %dma_start3A_236] : memref<8x128xi32, #tpu.memory_space<vmem>> -> memref<1x128xi32, #tpu.memory_space<vmem>>
      %dma_start3A_238 = tpu.memref_squeeze %dma_start3A_237 : memref<1x128xi32, #tpu.memory_space<vmem>> -> memref<128xi32, #tpu.memory_space<vmem>>
      %dma_start3A_239 = arith.constant 0 : i32
      %dma_start3A_240 = tpu.memref_slice %arg37[%dma_start3A_239] : memref<1000960xf32, #tpu.memory_space<vmem_shared>> -> memref<1000960xf32, #tpu.memory_space<vmem_shared>>
      tpu.enqueue_indirect_dma source(%dma_start3A_240 : memref<1000960xf32, #tpu.memory_space<vmem_shared>>) target(%dma_start3A_235 : memref<128xf32, #tpu.memory_space<vmem>>) offsets(%dma_start3A_238 : memref<128xi32, #tpu.memory_space<vmem>>) semaphore(%arg39 : memref<!tpu.dma_semaphore, #tpu.memory_space<semaphore_mem>>)
      %dma_start3A_241 = arith.constant 6 : i32
      %dma_start3A_242 = arith.constant 768 : i32
      %dma_start3A_243 = tpu.memref_slice %arg28[%dma_start3A_242] : memref<1024xf32, #tpu.memory_space<vmem>> -> memref<128xf32, #tpu.memory_space<vmem>>
      %dma_start3A_244 = arith.constant 0 : i32
      %dma_start3A_245 = tpu.memref_slice %arg17[%dma_start3A_241, %dma_start3A_244] : memref<8x128xi32, #tpu.memory_space<vmem>> -> memref<1x128xi32, #tpu.memory_space<vmem>>
      %dma_start3A_246 = tpu.memref_squeeze %dma_start3A_245 : memref<1x128xi32, #tpu.memory_space<vmem>> -> memref<128xi32, #tpu.memory_space<vmem>>
      %dma_start3A_247 = arith.constant 0 : i32
      %dma_start3A_248 = tpu.memref_slice %arg37[%dma_start3A_247] : memref<1000960xf32, #tpu.memory_space<vmem_shared>> -> memref<1000960xf32, #tpu.memory_space<vmem_shared>>
      tpu.enqueue_indirect_dma source(%dma_start3A_248 : memref<1000960xf32, #tpu.memory_space<vmem_shared>>) target(%dma_start3A_243 : memref<128xf32, #tpu.memory_space<vmem>>) offsets(%dma_start3A_246 : memref<128xi32, #tpu.memory_space<vmem>>) semaphore(%arg39 : memref<!tpu.dma_semaphore, #tpu.memory_space<semaphore_mem>>)
      %dma_start3A_249 = arith.constant 6 : i32
      %dma_start3A_250 = arith.constant 768 : i32
      %dma_start3A_251 = tpu.memref_slice %arg29[%dma_start3A_250] : memref<1024xf32, #tpu.memory_space<vmem>> -> memref<128xf32, #tpu.memory_space<vmem>>
      %dma_start3A_252 = arith.constant 0 : i32
      %dma_start3A_253 = tpu.memref_slice %arg14[%dma_start3A_249, %dma_start3A_252] : memref<8x128xi32, #tpu.memory_space<vmem>> -> memref<1x128xi32, #tpu.memory_space<vmem>>
      %dma_start3A_254 = tpu.memref_squeeze %dma_start3A_253 : memref<1x128xi32, #tpu.memory_space<vmem>> -> memref<128xi32, #tpu.memory_space<vmem>>
      %dma_start3A_255 = arith.constant 0 : i32
      %dma_start3A_256 = tpu.memref_slice %arg37[%dma_start3A_255] : memref<1000960xf32, #tpu.memory_space<vmem_shared>> -> memref<1000960xf32, #tpu.memory_space<vmem_shared>>
      tpu.enqueue_indirect_dma source(%dma_start3A_256 : memref<1000960xf32, #tpu.memory_space<vmem_shared>>) target(%dma_start3A_251 : memref<128xf32, #tpu.memory_space<vmem>>) offsets(%dma_start3A_254 : memref<128xi32, #tpu.memory_space<vmem>>) semaphore(%arg39 : memref<!tpu.dma_semaphore, #tpu.memory_space<semaphore_mem>>)
      %dma_start3A_257 = arith.constant 6 : i32
      %dma_start3A_258 = arith.constant 768 : i32
      %dma_start3A_259 = tpu.memref_slice %arg30[%dma_start3A_258] : memref<1024xf32, #tpu.memory_space<vmem>> -> memref<128xf32, #tpu.memory_space<vmem>>
      %dma_start3A_260 = arith.constant 0 : i32
      %dma_start3A_261 = tpu.memref_slice %arg18[%dma_start3A_257, %dma_start3A_260] : memref<8x128xi32, #tpu.memory_space<vmem>> -> memref<1x128xi32, #tpu.memory_space<vmem>>
      %dma_start3A_262 = tpu.memref_squeeze %dma_start3A_261 : memref<1x128xi32, #tpu.memory_space<vmem>> -> memref<128xi32, #tpu.memory_space<vmem>>
      %dma_start3A_263 = arith.constant 0 : i32
      %dma_start3A_264 = tpu.memref_slice %arg37[%dma_start3A_263] : memref<1000960xf32, #tpu.memory_space<vmem_shared>> -> memref<1000960xf32, #tpu.memory_space<vmem_shared>>
      tpu.enqueue_indirect_dma source(%dma_start3A_264 : memref<1000960xf32, #tpu.memory_space<vmem_shared>>) target(%dma_start3A_259 : memref<128xf32, #tpu.memory_space<vmem>>) offsets(%dma_start3A_262 : memref<128xi32, #tpu.memory_space<vmem>>) semaphore(%arg39 : memref<!tpu.dma_semaphore, #tpu.memory_space<semaphore_mem>>)
      %dma_start3A_265 = arith.constant 7 : i32
      %dma_start3A_266 = arith.constant 896 : i32
      %dma_start3A_267 = tpu.memref_slice %arg27[%dma_start3A_266] : memref<1024xf32, #tpu.memory_space<vmem>> -> memref<128xf32, #tpu.memory_space<vmem>>
      %dma_start3A_268 = arith.constant 0 : i32
      %dma_start3A_269 = tpu.memref_slice %arg13[%dma_start3A_265, %dma_start3A_268] : memref<8x128xi32, #tpu.memory_space<vmem>> -> memref<1x128xi32, #tpu.memory_space<vmem>>
      %dma_start3A_270 = tpu.memref_squeeze %dma_start3A_269 : memref<1x128xi32, #tpu.memory_space<vmem>> -> memref<128xi32, #tpu.memory_space<vmem>>
      %dma_start3A_271 = arith.constant 0 : i32
      %dma_start3A_272 = tpu.memref_slice %arg37[%dma_start3A_271] : memref<1000960xf32, #tpu.memory_space<vmem_shared>> -> memref<1000960xf32, #tpu.memory_space<vmem_shared>>
      tpu.enqueue_indirect_dma source(%dma_start3A_272 : memref<1000960xf32, #tpu.memory_space<vmem_shared>>) target(%dma_start3A_267 : memref<128xf32, #tpu.memory_space<vmem>>) offsets(%dma_start3A_270 : memref<128xi32, #tpu.memory_space<vmem>>) semaphore(%arg39 : memref<!tpu.dma_semaphore, #tpu.memory_space<semaphore_mem>>)
      %dma_start3A_273 = arith.constant 7 : i32
      %dma_start3A_274 = arith.constant 896 : i32
      %dma_start3A_275 = tpu.memref_slice %arg28[%dma_start3A_274] : memref<1024xf32, #tpu.memory_space<vmem>> -> memref<128xf32, #tpu.memory_space<vmem>>
      %dma_start3A_276 = arith.constant 0 : i32
      %dma_start3A_277 = tpu.memref_slice %arg17[%dma_start3A_273, %dma_start3A_276] : memref<8x128xi32, #tpu.memory_space<vmem>> -> memref<1x128xi32, #tpu.memory_space<vmem>>
      %dma_start3A_278 = tpu.memref_squeeze %dma_start3A_277 : memref<1x128xi32, #tpu.memory_space<vmem>> -> memref<128xi32, #tpu.memory_space<vmem>>
      %dma_start3A_279 = arith.constant 0 : i32
      %dma_start3A_280 = tpu.memref_slice %arg37[%dma_start3A_279] : memref<1000960xf32, #tpu.memory_space<vmem_shared>> -> memref<1000960xf32, #tpu.memory_space<vmem_shared>>
      tpu.enqueue_indirect_dma source(%dma_start3A_280 : memref<1000960xf32, #tpu.memory_space<vmem_shared>>) target(%dma_start3A_275 : memref<128xf32, #tpu.memory_space<vmem>>) offsets(%dma_start3A_278 : memref<128xi32, #tpu.memory_space<vmem>>) semaphore(%arg39 : memref<!tpu.dma_semaphore, #tpu.memory_space<semaphore_mem>>)
      %dma_start3A_281 = arith.constant 7 : i32
      %dma_start3A_282 = arith.constant 896 : i32
      %dma_start3A_283 = tpu.memref_slice %arg29[%dma_start3A_282] : memref<1024xf32, #tpu.memory_space<vmem>> -> memref<128xf32, #tpu.memory_space<vmem>>
      %dma_start3A_284 = arith.constant 0 : i32
      %dma_start3A_285 = tpu.memref_slice %arg14[%dma_start3A_281, %dma_start3A_284] : memref<8x128xi32, #tpu.memory_space<vmem>> -> memref<1x128xi32, #tpu.memory_space<vmem>>
      %dma_start3A_286 = tpu.memref_squeeze %dma_start3A_285 : memref<1x128xi32, #tpu.memory_space<vmem>> -> memref<128xi32, #tpu.memory_space<vmem>>
      %dma_start3A_287 = arith.constant 0 : i32
      %dma_start3A_288 = tpu.memref_slice %arg37[%dma_start3A_287] : memref<1000960xf32, #tpu.memory_space<vmem_shared>> -> memref<1000960xf32, #tpu.memory_space<vmem_shared>>
      tpu.enqueue_indirect_dma source(%dma_start3A_288 : memref<1000960xf32, #tpu.memory_space<vmem_shared>>) target(%dma_start3A_283 : memref<128xf32, #tpu.memory_space<vmem>>) offsets(%dma_start3A_286 : memref<128xi32, #tpu.memory_space<vmem>>) semaphore(%arg39 : memref<!tpu.dma_semaphore, #tpu.memory_space<semaphore_mem>>)
      %dma_start3A_289 = arith.constant 7 : i32
      %dma_start3A_290 = arith.constant 896 : i32
      %dma_start3A_291 = tpu.memref_slice %arg30[%dma_start3A_290] : memref<1024xf32, #tpu.memory_space<vmem>> -> memref<128xf32, #tpu.memory_space<vmem>>
      %dma_start3A_292 = arith.constant 0 : i32
      %dma_start3A_293 = tpu.memref_slice %arg18[%dma_start3A_289, %dma_start3A_292] : memref<8x128xi32, #tpu.memory_space<vmem>> -> memref<1x128xi32, #tpu.memory_space<vmem>>
      %dma_start3A_294 = tpu.memref_squeeze %dma_start3A_293 : memref<1x128xi32, #tpu.memory_space<vmem>> -> memref<128xi32, #tpu.memory_space<vmem>>
      %dma_start3A_295 = arith.constant 0 : i32
      %dma_start3A_296 = tpu.memref_slice %arg37[%dma_start3A_295] : memref<1000960xf32, #tpu.memory_space<vmem_shared>> -> memref<1000960xf32, #tpu.memory_space<vmem_shared>>
      tpu.enqueue_indirect_dma source(%dma_start3A_296 : memref<1000960xf32, #tpu.memory_space<vmem_shared>>) target(%dma_start3A_291 : memref<128xf32, #tpu.memory_space<vmem>>) offsets(%dma_start3A_294 : memref<128xi32, #tpu.memory_space<vmem>>) semaphore(%arg39 : memref<!tpu.dma_semaphore, #tpu.memory_space<semaphore_mem>>)
      %dma_wait3A = arith.constant 0 : i32
      %dma_wait3A_297 = arith.constant 0 : i32
      %dma_wait3A_298 = tpu.memref_slice %arg27[%dma_wait3A_297] : memref<1024xf32, #tpu.memory_space<vmem>> -> memref<128xf32, #tpu.memory_space<vmem>>
      %dma_wait3A_299 = arith.constant 0 : i32
      %dma_wait3A_300 = tpu.memref_slice %arg13[%dma_wait3A, %dma_wait3A_299] : memref<8x128xi32, #tpu.memory_space<vmem>> -> memref<1x128xi32, #tpu.memory_space<vmem>>
      %dma_wait3A_301 = tpu.memref_squeeze %dma_wait3A_300 : memref<1x128xi32, #tpu.memory_space<vmem>> -> memref<128xi32, #tpu.memory_space<vmem>>
      %dma_wait3A_302 = arith.constant 0 : i32
      %dma_wait3A_303 = tpu.memref_slice %arg37[%dma_wait3A_302] : memref<1000960xf32, #tpu.memory_space<vmem_shared>> -> memref<1000960xf32, #tpu.memory_space<vmem_shared>>
      tpu.wait_indirect_dma semaphore(%arg39 : memref<!tpu.dma_semaphore, #tpu.memory_space<semaphore_mem>>) src(%dma_wait3A_303 : memref<1000960xf32, #tpu.memory_space<vmem_shared>>) dst(%dma_wait3A_298 : memref<128xf32, #tpu.memory_space<vmem>>)
      %dma_wait3A_304 = arith.constant 0 : i32
      %dma_wait3A_305 = arith.constant 0 : i32
      %dma_wait3A_306 = tpu.memref_slice %arg28[%dma_wait3A_305] : memref<1024xf32, #tpu.memory_space<vmem>> -> memref<128xf32, #tpu.memory_space<vmem>>
      %dma_wait3A_307 = arith.constant 0 : i32
      %dma_wait3A_308 = tpu.memref_slice %arg17[%dma_wait3A_304, %dma_wait3A_307] : memref<8x128xi32, #tpu.memory_space<vmem>> -> memref<1x128xi32, #tpu.memory_space<vmem>>
      %dma_wait3A_309 = tpu.memref_squeeze %dma_wait3A_308 : memref<1x128xi32, #tpu.memory_space<vmem>> -> memref<128xi32, #tpu.memory_space<vmem>>
      %dma_wait3A_310 = arith.constant 0 : i32
      %dma_wait3A_311 = tpu.memref_slice %arg37[%dma_wait3A_310] : memref<1000960xf32, #tpu.memory_space<vmem_shared>> -> memref<1000960xf32, #tpu.memory_space<vmem_shared>>
      tpu.wait_indirect_dma semaphore(%arg39 : memref<!tpu.dma_semaphore, #tpu.memory_space<semaphore_mem>>) src(%dma_wait3A_311 : memref<1000960xf32, #tpu.memory_space<vmem_shared>>) dst(%dma_wait3A_306 : memref<128xf32, #tpu.memory_space<vmem>>)
      %dma_wait3A_312 = arith.constant 0 : i32
      %dma_wait3A_313 = arith.constant 0 : i32
      %dma_wait3A_314 = tpu.memref_slice %arg29[%dma_wait3A_313] : memref<1024xf32, #tpu.memory_space<vmem>> -> memref<128xf32, #tpu.memory_space<vmem>>
      %dma_wait3A_315 = arith.constant 0 : i32
      %dma_wait3A_316 = tpu.memref_slice %arg14[%dma_wait3A_312, %dma_wait3A_315] : memref<8x128xi32, #tpu.memory_space<vmem>> -> memref<1x128xi32, #tpu.memory_space<vmem>>
      %dma_wait3A_317 = tpu.memref_squeeze %dma_wait3A_316 : memref<1x128xi32, #tpu.memory_space<vmem>> -> memref<128xi32, #tpu.memory_space<vmem>>
      %dma_wait3A_318 = arith.constant 0 : i32
      %dma_wait3A_319 = tpu.memref_slice %arg37[%dma_wait3A_318] : memref<1000960xf32, #tpu.memory_space<vmem_shared>> -> memref<1000960xf32, #tpu.memory_space<vmem_shared>>
      tpu.wait_indirect_dma semaphore(%arg39 : memref<!tpu.dma_semaphore, #tpu.memory_space<semaphore_mem>>) src(%dma_wait3A_319 : memref<1000960xf32, #tpu.memory_space<vmem_shared>>) dst(%dma_wait3A_314 : memref<128xf32, #tpu.memory_space<vmem>>)
      %dma_wait3A_320 = arith.constant 0 : i32
      %dma_wait3A_321 = arith.constant 0 : i32
      %dma_wait3A_322 = tpu.memref_slice %arg30[%dma_wait3A_321] : memref<1024xf32, #tpu.memory_space<vmem>> -> memref<128xf32, #tpu.memory_space<vmem>>
      %dma_wait3A_323 = arith.constant 0 : i32
      %dma_wait3A_324 = tpu.memref_slice %arg18[%dma_wait3A_320, %dma_wait3A_323] : memref<8x128xi32, #tpu.memory_space<vmem>> -> memref<1x128xi32, #tpu.memory_space<vmem>>
      %dma_wait3A_325 = tpu.memref_squeeze %dma_wait3A_324 : memref<1x128xi32, #tpu.memory_space<vmem>> -> memref<128xi32, #tpu.memory_space<vmem>>
      %dma_wait3A_326 = arith.constant 0 : i32
      %dma_wait3A_327 = tpu.memref_slice %arg37[%dma_wait3A_326] : memref<1000960xf32, #tpu.memory_space<vmem_shared>> -> memref<1000960xf32, #tpu.memory_space<vmem_shared>>
      tpu.wait_indirect_dma semaphore(%arg39 : memref<!tpu.dma_semaphore, #tpu.memory_space<semaphore_mem>>) src(%dma_wait3A_327 : memref<1000960xf32, #tpu.memory_space<vmem_shared>>) dst(%dma_wait3A_322 : memref<128xf32, #tpu.memory_space<vmem>>)
      %dma_wait3A_328 = arith.constant 1 : i32
      %dma_wait3A_329 = arith.constant 128 : i32
      %dma_wait3A_330 = tpu.memref_slice %arg27[%dma_wait3A_329] : memref<1024xf32, #tpu.memory_space<vmem>> -> memref<128xf32, #tpu.memory_space<vmem>>
      %dma_wait3A_331 = arith.constant 0 : i32
      %dma_wait3A_332 = tpu.memref_slice %arg13[%dma_wait3A_328, %dma_wait3A_331] : memref<8x128xi32, #tpu.memory_space<vmem>> -> memref<1x128xi32, #tpu.memory_space<vmem>>
      %dma_wait3A_333 = tpu.memref_squeeze %dma_wait3A_332 : memref<1x128xi32, #tpu.memory_space<vmem>> -> memref<128xi32, #tpu.memory_space<vmem>>
      %dma_wait3A_334 = arith.constant 0 : i32
      %dma_wait3A_335 = tpu.memref_slice %arg37[%dma_wait3A_334] : memref<1000960xf32, #tpu.memory_space<vmem_shared>> -> memref<1000960xf32, #tpu.memory_space<vmem_shared>>
      tpu.wait_indirect_dma semaphore(%arg39 : memref<!tpu.dma_semaphore, #tpu.memory_space<semaphore_mem>>) src(%dma_wait3A_335 : memref<1000960xf32, #tpu.memory_space<vmem_shared>>) dst(%dma_wait3A_330 : memref<128xf32, #tpu.memory_space<vmem>>)
      %dma_wait3A_336 = arith.constant 1 : i32
      %dma_wait3A_337 = arith.constant 128 : i32
      %dma_wait3A_338 = tpu.memref_slice %arg28[%dma_wait3A_337] : memref<1024xf32, #tpu.memory_space<vmem>> -> memref<128xf32, #tpu.memory_space<vmem>>
      %dma_wait3A_339 = arith.constant 0 : i32
      %dma_wait3A_340 = tpu.memref_slice %arg17[%dma_wait3A_336, %dma_wait3A_339] : memref<8x128xi32, #tpu.memory_space<vmem>> -> memref<1x128xi32, #tpu.memory_space<vmem>>
      %dma_wait3A_341 = tpu.memref_squeeze %dma_wait3A_340 : memref<1x128xi32, #tpu.memory_space<vmem>> -> memref<128xi32, #tpu.memory_space<vmem>>
      %dma_wait3A_342 = arith.constant 0 : i32
      %dma_wait3A_343 = tpu.memref_slice %arg37[%dma_wait3A_342] : memref<1000960xf32, #tpu.memory_space<vmem_shared>> -> memref<1000960xf32, #tpu.memory_space<vmem_shared>>
      tpu.wait_indirect_dma semaphore(%arg39 : memref<!tpu.dma_semaphore, #tpu.memory_space<semaphore_mem>>) src(%dma_wait3A_343 : memref<1000960xf32, #tpu.memory_space<vmem_shared>>) dst(%dma_wait3A_338 : memref<128xf32, #tpu.memory_space<vmem>>)
      %dma_wait3A_344 = arith.constant 1 : i32
      %dma_wait3A_345 = arith.constant 128 : i32
      %dma_wait3A_346 = tpu.memref_slice %arg29[%dma_wait3A_345] : memref<1024xf32, #tpu.memory_space<vmem>> -> memref<128xf32, #tpu.memory_space<vmem>>
      %dma_wait3A_347 = arith.constant 0 : i32
      %dma_wait3A_348 = tpu.memref_slice %arg14[%dma_wait3A_344, %dma_wait3A_347] : memref<8x128xi32, #tpu.memory_space<vmem>> -> memref<1x128xi32, #tpu.memory_space<vmem>>
      %dma_wait3A_349 = tpu.memref_squeeze %dma_wait3A_348 : memref<1x128xi32, #tpu.memory_space<vmem>> -> memref<128xi32, #tpu.memory_space<vmem>>
      %dma_wait3A_350 = arith.constant 0 : i32
      %dma_wait3A_351 = tpu.memref_slice %arg37[%dma_wait3A_350] : memref<1000960xf32, #tpu.memory_space<vmem_shared>> -> memref<1000960xf32, #tpu.memory_space<vmem_shared>>
      tpu.wait_indirect_dma semaphore(%arg39 : memref<!tpu.dma_semaphore, #tpu.memory_space<semaphore_mem>>) src(%dma_wait3A_351 : memref<1000960xf32, #tpu.memory_space<vmem_shared>>) dst(%dma_wait3A_346 : memref<128xf32, #tpu.memory_space<vmem>>)
      %dma_wait3A_352 = arith.constant 1 : i32
      %dma_wait3A_353 = arith.constant 128 : i32
      %dma_wait3A_354 = tpu.memref_slice %arg30[%dma_wait3A_353] : memref<1024xf32, #tpu.memory_space<vmem>> -> memref<128xf32, #tpu.memory_space<vmem>>
      %dma_wait3A_355 = arith.constant 0 : i32
      %dma_wait3A_356 = tpu.memref_slice %arg18[%dma_wait3A_352, %dma_wait3A_355] : memref<8x128xi32, #tpu.memory_space<vmem>> -> memref<1x128xi32, #tpu.memory_space<vmem>>
      %dma_wait3A_357 = tpu.memref_squeeze %dma_wait3A_356 : memref<1x128xi32, #tpu.memory_space<vmem>> -> memref<128xi32, #tpu.memory_space<vmem>>
      %dma_wait3A_358 = arith.constant 0 : i32
      %dma_wait3A_359 = tpu.memref_slice %arg37[%dma_wait3A_358] : memref<1000960xf32, #tpu.memory_space<vmem_shared>> -> memref<1000960xf32, #tpu.memory_space<vmem_shared>>
      tpu.wait_indirect_dma semaphore(%arg39 : memref<!tpu.dma_semaphore, #tpu.memory_space<semaphore_mem>>) src(%dma_wait3A_359 : memref<1000960xf32, #tpu.memory_space<vmem_shared>>) dst(%dma_wait3A_354 : memref<128xf32, #tpu.memory_space<vmem>>)
      %dma_wait3A_360 = arith.constant 2 : i32
      %dma_wait3A_361 = arith.constant 256 : i32
      %dma_wait3A_362 = tpu.memref_slice %arg27[%dma_wait3A_361] : memref<1024xf32, #tpu.memory_space<vmem>> -> memref<128xf32, #tpu.memory_space<vmem>>
      %dma_wait3A_363 = arith.constant 0 : i32
      %dma_wait3A_364 = tpu.memref_slice %arg13[%dma_wait3A_360, %dma_wait3A_363] : memref<8x128xi32, #tpu.memory_space<vmem>> -> memref<1x128xi32, #tpu.memory_space<vmem>>
      %dma_wait3A_365 = tpu.memref_squeeze %dma_wait3A_364 : memref<1x128xi32, #tpu.memory_space<vmem>> -> memref<128xi32, #tpu.memory_space<vmem>>
      %dma_wait3A_366 = arith.constant 0 : i32
      %dma_wait3A_367 = tpu.memref_slice %arg37[%dma_wait3A_366] : memref<1000960xf32, #tpu.memory_space<vmem_shared>> -> memref<1000960xf32, #tpu.memory_space<vmem_shared>>
      tpu.wait_indirect_dma semaphore(%arg39 : memref<!tpu.dma_semaphore, #tpu.memory_space<semaphore_mem>>) src(%dma_wait3A_367 : memref<1000960xf32, #tpu.memory_space<vmem_shared>>) dst(%dma_wait3A_362 : memref<128xf32, #tpu.memory_space<vmem>>)
      %dma_wait3A_368 = arith.constant 2 : i32
      %dma_wait3A_369 = arith.constant 256 : i32
      %dma_wait3A_370 = tpu.memref_slice %arg28[%dma_wait3A_369] : memref<1024xf32, #tpu.memory_space<vmem>> -> memref<128xf32, #tpu.memory_space<vmem>>
      %dma_wait3A_371 = arith.constant 0 : i32
      %dma_wait3A_372 = tpu.memref_slice %arg17[%dma_wait3A_368, %dma_wait3A_371] : memref<8x128xi32, #tpu.memory_space<vmem>> -> memref<1x128xi32, #tpu.memory_space<vmem>>
      %dma_wait3A_373 = tpu.memref_squeeze %dma_wait3A_372 : memref<1x128xi32, #tpu.memory_space<vmem>> -> memref<128xi32, #tpu.memory_space<vmem>>
      %dma_wait3A_374 = arith.constant 0 : i32
      %dma_wait3A_375 = tpu.memref_slice %arg37[%dma_wait3A_374] : memref<1000960xf32, #tpu.memory_space<vmem_shared>> -> memref<1000960xf32, #tpu.memory_space<vmem_shared>>
      tpu.wait_indirect_dma semaphore(%arg39 : memref<!tpu.dma_semaphore, #tpu.memory_space<semaphore_mem>>) src(%dma_wait3A_375 : memref<1000960xf32, #tpu.memory_space<vmem_shared>>) dst(%dma_wait3A_370 : memref<128xf32, #tpu.memory_space<vmem>>)
      %dma_wait3A_376 = arith.constant 2 : i32
      %dma_wait3A_377 = arith.constant 256 : i32
      %dma_wait3A_378 = tpu.memref_slice %arg29[%dma_wait3A_377] : memref<1024xf32, #tpu.memory_space<vmem>> -> memref<128xf32, #tpu.memory_space<vmem>>
      %dma_wait3A_379 = arith.constant 0 : i32
      %dma_wait3A_380 = tpu.memref_slice %arg14[%dma_wait3A_376, %dma_wait3A_379] : memref<8x128xi32, #tpu.memory_space<vmem>> -> memref<1x128xi32, #tpu.memory_space<vmem>>
      %dma_wait3A_381 = tpu.memref_squeeze %dma_wait3A_380 : memref<1x128xi32, #tpu.memory_space<vmem>> -> memref<128xi32, #tpu.memory_space<vmem>>
      %dma_wait3A_382 = arith.constant 0 : i32
      %dma_wait3A_383 = tpu.memref_slice %arg37[%dma_wait3A_382] : memref<1000960xf32, #tpu.memory_space<vmem_shared>> -> memref<1000960xf32, #tpu.memory_space<vmem_shared>>
      tpu.wait_indirect_dma semaphore(%arg39 : memref<!tpu.dma_semaphore, #tpu.memory_space<semaphore_mem>>) src(%dma_wait3A_383 : memref<1000960xf32, #tpu.memory_space<vmem_shared>>) dst(%dma_wait3A_378 : memref<128xf32, #tpu.memory_space<vmem>>)
      %dma_wait3A_384 = arith.constant 2 : i32
      %dma_wait3A_385 = arith.constant 256 : i32
      %dma_wait3A_386 = tpu.memref_slice %arg30[%dma_wait3A_385] : memref<1024xf32, #tpu.memory_space<vmem>> -> memref<128xf32, #tpu.memory_space<vmem>>
      %dma_wait3A_387 = arith.constant 0 : i32
      %dma_wait3A_388 = tpu.memref_slice %arg18[%dma_wait3A_384, %dma_wait3A_387] : memref<8x128xi32, #tpu.memory_space<vmem>> -> memref<1x128xi32, #tpu.memory_space<vmem>>
      %dma_wait3A_389 = tpu.memref_squeeze %dma_wait3A_388 : memref<1x128xi32, #tpu.memory_space<vmem>> -> memref<128xi32, #tpu.memory_space<vmem>>
      %dma_wait3A_390 = arith.constant 0 : i32
      %dma_wait3A_391 = tpu.memref_slice %arg37[%dma_wait3A_390] : memref<1000960xf32, #tpu.memory_space<vmem_shared>> -> memref<1000960xf32, #tpu.memory_space<vmem_shared>>
      tpu.wait_indirect_dma semaphore(%arg39 : memref<!tpu.dma_semaphore, #tpu.memory_space<semaphore_mem>>) src(%dma_wait3A_391 : memref<1000960xf32, #tpu.memory_space<vmem_shared>>) dst(%dma_wait3A_386 : memref<128xf32, #tpu.memory_space<vmem>>)
      %dma_wait3A_392 = arith.constant 3 : i32
      %dma_wait3A_393 = arith.constant 384 : i32
      %dma_wait3A_394 = tpu.memref_slice %arg27[%dma_wait3A_393] : memref<1024xf32, #tpu.memory_space<vmem>> -> memref<128xf32, #tpu.memory_space<vmem>>
      %dma_wait3A_395 = arith.constant 0 : i32
      %dma_wait3A_396 = tpu.memref_slice %arg13[%dma_wait3A_392, %dma_wait3A_395] : memref<8x128xi32, #tpu.memory_space<vmem>> -> memref<1x128xi32, #tpu.memory_space<vmem>>
      %dma_wait3A_397 = tpu.memref_squeeze %dma_wait3A_396 : memref<1x128xi32, #tpu.memory_space<vmem>> -> memref<128xi32, #tpu.memory_space<vmem>>
      %dma_wait3A_398 = arith.constant 0 : i32
      %dma_wait3A_399 = tpu.memref_slice %arg37[%dma_wait3A_398] : memref<1000960xf32, #tpu.memory_space<vmem_shared>> -> memref<1000960xf32, #tpu.memory_space<vmem_shared>>
      tpu.wait_indirect_dma semaphore(%arg39 : memref<!tpu.dma_semaphore, #tpu.memory_space<semaphore_mem>>) src(%dma_wait3A_399 : memref<1000960xf32, #tpu.memory_space<vmem_shared>>) dst(%dma_wait3A_394 : memref<128xf32, #tpu.memory_space<vmem>>)
      %dma_wait3A_400 = arith.constant 3 : i32
      %dma_wait3A_401 = arith.constant 384 : i32
      %dma_wait3A_402 = tpu.memref_slice %arg28[%dma_wait3A_401] : memref<1024xf32, #tpu.memory_space<vmem>> -> memref<128xf32, #tpu.memory_space<vmem>>
      %dma_wait3A_403 = arith.constant 0 : i32
      %dma_wait3A_404 = tpu.memref_slice %arg17[%dma_wait3A_400, %dma_wait3A_403] : memref<8x128xi32, #tpu.memory_space<vmem>> -> memref<1x128xi32, #tpu.memory_space<vmem>>
      %dma_wait3A_405 = tpu.memref_squeeze %dma_wait3A_404 : memref<1x128xi32, #tpu.memory_space<vmem>> -> memref<128xi32, #tpu.memory_space<vmem>>
      %dma_wait3A_406 = arith.constant 0 : i32
      %dma_wait3A_407 = tpu.memref_slice %arg37[%dma_wait3A_406] : memref<1000960xf32, #tpu.memory_space<vmem_shared>> -> memref<1000960xf32, #tpu.memory_space<vmem_shared>>
      tpu.wait_indirect_dma semaphore(%arg39 : memref<!tpu.dma_semaphore, #tpu.memory_space<semaphore_mem>>) src(%dma_wait3A_407 : memref<1000960xf32, #tpu.memory_space<vmem_shared>>) dst(%dma_wait3A_402 : memref<128xf32, #tpu.memory_space<vmem>>)
      %dma_wait3A_408 = arith.constant 3 : i32
      %dma_wait3A_409 = arith.constant 384 : i32
      %dma_wait3A_410 = tpu.memref_slice %arg29[%dma_wait3A_409] : memref<1024xf32, #tpu.memory_space<vmem>> -> memref<128xf32, #tpu.memory_space<vmem>>
      %dma_wait3A_411 = arith.constant 0 : i32
      %dma_wait3A_412 = tpu.memref_slice %arg14[%dma_wait3A_408, %dma_wait3A_411] : memref<8x128xi32, #tpu.memory_space<vmem>> -> memref<1x128xi32, #tpu.memory_space<vmem>>
      %dma_wait3A_413 = tpu.memref_squeeze %dma_wait3A_412 : memref<1x128xi32, #tpu.memory_space<vmem>> -> memref<128xi32, #tpu.memory_space<vmem>>
      %dma_wait3A_414 = arith.constant 0 : i32
      %dma_wait3A_415 = tpu.memref_slice %arg37[%dma_wait3A_414] : memref<1000960xf32, #tpu.memory_space<vmem_shared>> -> memref<1000960xf32, #tpu.memory_space<vmem_shared>>
      tpu.wait_indirect_dma semaphore(%arg39 : memref<!tpu.dma_semaphore, #tpu.memory_space<semaphore_mem>>) src(%dma_wait3A_415 : memref<1000960xf32, #tpu.memory_space<vmem_shared>>) dst(%dma_wait3A_410 : memref<128xf32, #tpu.memory_space<vmem>>)
      %dma_wait3A_416 = arith.constant 3 : i32
      %dma_wait3A_417 = arith.constant 384 : i32
      %dma_wait3A_418 = tpu.memref_slice %arg30[%dma_wait3A_417] : memref<1024xf32, #tpu.memory_space<vmem>> -> memref<128xf32, #tpu.memory_space<vmem>>
      %dma_wait3A_419 = arith.constant 0 : i32
      %dma_wait3A_420 = tpu.memref_slice %arg18[%dma_wait3A_416, %dma_wait3A_419] : memref<8x128xi32, #tpu.memory_space<vmem>> -> memref<1x128xi32, #tpu.memory_space<vmem>>
      %dma_wait3A_421 = tpu.memref_squeeze %dma_wait3A_420 : memref<1x128xi32, #tpu.memory_space<vmem>> -> memref<128xi32, #tpu.memory_space<vmem>>
      %dma_wait3A_422 = arith.constant 0 : i32
      %dma_wait3A_423 = tpu.memref_slice %arg37[%dma_wait3A_422] : memref<1000960xf32, #tpu.memory_space<vmem_shared>> -> memref<1000960xf32, #tpu.memory_space<vmem_shared>>
      tpu.wait_indirect_dma semaphore(%arg39 : memref<!tpu.dma_semaphore, #tpu.memory_space<semaphore_mem>>) src(%dma_wait3A_423 : memref<1000960xf32, #tpu.memory_space<vmem_shared>>) dst(%dma_wait3A_418 : memref<128xf32, #tpu.memory_space<vmem>>)
      %dma_wait3A_424 = arith.constant 4 : i32
      %dma_wait3A_425 = arith.constant 512 : i32
      %dma_wait3A_426 = tpu.memref_slice %arg27[%dma_wait3A_425] : memref<1024xf32, #tpu.memory_space<vmem>> -> memref<128xf32, #tpu.memory_space<vmem>>
      %dma_wait3A_427 = arith.constant 0 : i32
      %dma_wait3A_428 = tpu.memref_slice %arg13[%dma_wait3A_424, %dma_wait3A_427] : memref<8x128xi32, #tpu.memory_space<vmem>> -> memref<1x128xi32, #tpu.memory_space<vmem>>
      %dma_wait3A_429 = tpu.memref_squeeze %dma_wait3A_428 : memref<1x128xi32, #tpu.memory_space<vmem>> -> memref<128xi32, #tpu.memory_space<vmem>>
      %dma_wait3A_430 = arith.constant 0 : i32
      %dma_wait3A_431 = tpu.memref_slice %arg37[%dma_wait3A_430] : memref<1000960xf32, #tpu.memory_space<vmem_shared>> -> memref<1000960xf32, #tpu.memory_space<vmem_shared>>
      tpu.wait_indirect_dma semaphore(%arg39 : memref<!tpu.dma_semaphore, #tpu.memory_space<semaphore_mem>>) src(%dma_wait3A_431 : memref<1000960xf32, #tpu.memory_space<vmem_shared>>) dst(%dma_wait3A_426 : memref<128xf32, #tpu.memory_space<vmem>>)
      %dma_wait3A_432 = arith.constant 4 : i32
      %dma_wait3A_433 = arith.constant 512 : i32
      %dma_wait3A_434 = tpu.memref_slice %arg28[%dma_wait3A_433] : memref<1024xf32, #tpu.memory_space<vmem>> -> memref<128xf32, #tpu.memory_space<vmem>>
      %dma_wait3A_435 = arith.constant 0 : i32
      %dma_wait3A_436 = tpu.memref_slice %arg17[%dma_wait3A_432, %dma_wait3A_435] : memref<8x128xi32, #tpu.memory_space<vmem>> -> memref<1x128xi32, #tpu.memory_space<vmem>>
      %dma_wait3A_437 = tpu.memref_squeeze %dma_wait3A_436 : memref<1x128xi32, #tpu.memory_space<vmem>> -> memref<128xi32, #tpu.memory_space<vmem>>
      %dma_wait3A_438 = arith.constant 0 : i32
      %dma_wait3A_439 = tpu.memref_slice %arg37[%dma_wait3A_438] : memref<1000960xf32, #tpu.memory_space<vmem_shared>> -> memref<1000960xf32, #tpu.memory_space<vmem_shared>>
      tpu.wait_indirect_dma semaphore(%arg39 : memref<!tpu.dma_semaphore, #tpu.memory_space<semaphore_mem>>) src(%dma_wait3A_439 : memref<1000960xf32, #tpu.memory_space<vmem_shared>>) dst(%dma_wait3A_434 : memref<128xf32, #tpu.memory_space<vmem>>)
      %dma_wait3A_440 = arith.constant 4 : i32
      %dma_wait3A_441 = arith.constant 512 : i32
      %dma_wait3A_442 = tpu.memref_slice %arg29[%dma_wait3A_441] : memref<1024xf32, #tpu.memory_space<vmem>> -> memref<128xf32, #tpu.memory_space<vmem>>
      %dma_wait3A_443 = arith.constant 0 : i32
      %dma_wait3A_444 = tpu.memref_slice %arg14[%dma_wait3A_440, %dma_wait3A_443] : memref<8x128xi32, #tpu.memory_space<vmem>> -> memref<1x128xi32, #tpu.memory_space<vmem>>
      %dma_wait3A_445 = tpu.memref_squeeze %dma_wait3A_444 : memref<1x128xi32, #tpu.memory_space<vmem>> -> memref<128xi32, #tpu.memory_space<vmem>>
      %dma_wait3A_446 = arith.constant 0 : i32
      %dma_wait3A_447 = tpu.memref_slice %arg37[%dma_wait3A_446] : memref<1000960xf32, #tpu.memory_space<vmem_shared>> -> memref<1000960xf32, #tpu.memory_space<vmem_shared>>
      tpu.wait_indirect_dma semaphore(%arg39 : memref<!tpu.dma_semaphore, #tpu.memory_space<semaphore_mem>>) src(%dma_wait3A_447 : memref<1000960xf32, #tpu.memory_space<vmem_shared>>) dst(%dma_wait3A_442 : memref<128xf32, #tpu.memory_space<vmem>>)
      %dma_wait3A_448 = arith.constant 4 : i32
      %dma_wait3A_449 = arith.constant 512 : i32
      %dma_wait3A_450 = tpu.memref_slice %arg30[%dma_wait3A_449] : memref<1024xf32, #tpu.memory_space<vmem>> -> memref<128xf32, #tpu.memory_space<vmem>>
      %dma_wait3A_451 = arith.constant 0 : i32
      %dma_wait3A_452 = tpu.memref_slice %arg18[%dma_wait3A_448, %dma_wait3A_451] : memref<8x128xi32, #tpu.memory_space<vmem>> -> memref<1x128xi32, #tpu.memory_space<vmem>>
      %dma_wait3A_453 = tpu.memref_squeeze %dma_wait3A_452 : memref<1x128xi32, #tpu.memory_space<vmem>> -> memref<128xi32, #tpu.memory_space<vmem>>
      %dma_wait3A_454 = arith.constant 0 : i32
      %dma_wait3A_455 = tpu.memref_slice %arg37[%dma_wait3A_454] : memref<1000960xf32, #tpu.memory_space<vmem_shared>> -> memref<1000960xf32, #tpu.memory_space<vmem_shared>>
      tpu.wait_indirect_dma semaphore(%arg39 : memref<!tpu.dma_semaphore, #tpu.memory_space<semaphore_mem>>) src(%dma_wait3A_455 : memref<1000960xf32, #tpu.memory_space<vmem_shared>>) dst(%dma_wait3A_450 : memref<128xf32, #tpu.memory_space<vmem>>)
      %dma_wait3A_456 = arith.constant 5 : i32
      %dma_wait3A_457 = arith.constant 640 : i32
      %dma_wait3A_458 = tpu.memref_slice %arg27[%dma_wait3A_457] : memref<1024xf32, #tpu.memory_space<vmem>> -> memref<128xf32, #tpu.memory_space<vmem>>
      %dma_wait3A_459 = arith.constant 0 : i32
      %dma_wait3A_460 = tpu.memref_slice %arg13[%dma_wait3A_456, %dma_wait3A_459] : memref<8x128xi32, #tpu.memory_space<vmem>> -> memref<1x128xi32, #tpu.memory_space<vmem>>
      %dma_wait3A_461 = tpu.memref_squeeze %dma_wait3A_460 : memref<1x128xi32, #tpu.memory_space<vmem>> -> memref<128xi32, #tpu.memory_space<vmem>>
      %dma_wait3A_462 = arith.constant 0 : i32
      %dma_wait3A_463 = tpu.memref_slice %arg37[%dma_wait3A_462] : memref<1000960xf32, #tpu.memory_space<vmem_shared>> -> memref<1000960xf32, #tpu.memory_space<vmem_shared>>
      tpu.wait_indirect_dma semaphore(%arg39 : memref<!tpu.dma_semaphore, #tpu.memory_space<semaphore_mem>>) src(%dma_wait3A_463 : memref<1000960xf32, #tpu.memory_space<vmem_shared>>) dst(%dma_wait3A_458 : memref<128xf32, #tpu.memory_space<vmem>>)
      %dma_wait3A_464 = arith.constant 5 : i32
      %dma_wait3A_465 = arith.constant 640 : i32
      %dma_wait3A_466 = tpu.memref_slice %arg28[%dma_wait3A_465] : memref<1024xf32, #tpu.memory_space<vmem>> -> memref<128xf32, #tpu.memory_space<vmem>>
      %dma_wait3A_467 = arith.constant 0 : i32
      %dma_wait3A_468 = tpu.memref_slice %arg17[%dma_wait3A_464, %dma_wait3A_467] : memref<8x128xi32, #tpu.memory_space<vmem>> -> memref<1x128xi32, #tpu.memory_space<vmem>>
      %dma_wait3A_469 = tpu.memref_squeeze %dma_wait3A_468 : memref<1x128xi32, #tpu.memory_space<vmem>> -> memref<128xi32, #tpu.memory_space<vmem>>
      %dma_wait3A_470 = arith.constant 0 : i32
      %dma_wait3A_471 = tpu.memref_slice %arg37[%dma_wait3A_470] : memref<1000960xf32, #tpu.memory_space<vmem_shared>> -> memref<1000960xf32, #tpu.memory_space<vmem_shared>>
      tpu.wait_indirect_dma semaphore(%arg39 : memref<!tpu.dma_semaphore, #tpu.memory_space<semaphore_mem>>) src(%dma_wait3A_471 : memref<1000960xf32, #tpu.memory_space<vmem_shared>>) dst(%dma_wait3A_466 : memref<128xf32, #tpu.memory_space<vmem>>)
      %dma_wait3A_472 = arith.constant 5 : i32
      %dma_wait3A_473 = arith.constant 640 : i32
      %dma_wait3A_474 = tpu.memref_slice %arg29[%dma_wait3A_473] : memref<1024xf32, #tpu.memory_space<vmem>> -> memref<128xf32, #tpu.memory_space<vmem>>
      %dma_wait3A_475 = arith.constant 0 : i32
      %dma_wait3A_476 = tpu.memref_slice %arg14[%dma_wait3A_472, %dma_wait3A_475] : memref<8x128xi32, #tpu.memory_space<vmem>> -> memref<1x128xi32, #tpu.memory_space<vmem>>
      %dma_wait3A_477 = tpu.memref_squeeze %dma_wait3A_476 : memref<1x128xi32, #tpu.memory_space<vmem>> -> memref<128xi32, #tpu.memory_space<vmem>>
      %dma_wait3A_478 = arith.constant 0 : i32
      %dma_wait3A_479 = tpu.memref_slice %arg37[%dma_wait3A_478] : memref<1000960xf32, #tpu.memory_space<vmem_shared>> -> memref<1000960xf32, #tpu.memory_space<vmem_shared>>
      tpu.wait_indirect_dma semaphore(%arg39 : memref<!tpu.dma_semaphore, #tpu.memory_space<semaphore_mem>>) src(%dma_wait3A_479 : memref<1000960xf32, #tpu.memory_space<vmem_shared>>) dst(%dma_wait3A_474 : memref<128xf32, #tpu.memory_space<vmem>>)
      %dma_wait3A_480 = arith.constant 5 : i32
      %dma_wait3A_481 = arith.constant 640 : i32
      %dma_wait3A_482 = tpu.memref_slice %arg30[%dma_wait3A_481] : memref<1024xf32, #tpu.memory_space<vmem>> -> memref<128xf32, #tpu.memory_space<vmem>>
      %dma_wait3A_483 = arith.constant 0 : i32
      %dma_wait3A_484 = tpu.memref_slice %arg18[%dma_wait3A_480, %dma_wait3A_483] : memref<8x128xi32, #tpu.memory_space<vmem>> -> memref<1x128xi32, #tpu.memory_space<vmem>>
      %dma_wait3A_485 = tpu.memref_squeeze %dma_wait3A_484 : memref<1x128xi32, #tpu.memory_space<vmem>> -> memref<128xi32, #tpu.memory_space<vmem>>
      %dma_wait3A_486 = arith.constant 0 : i32
      %dma_wait3A_487 = tpu.memref_slice %arg37[%dma_wait3A_486] : memref<1000960xf32, #tpu.memory_space<vmem_shared>> -> memref<1000960xf32, #tpu.memory_space<vmem_shared>>
      tpu.wait_indirect_dma semaphore(%arg39 : memref<!tpu.dma_semaphore, #tpu.memory_space<semaphore_mem>>) src(%dma_wait3A_487 : memref<1000960xf32, #tpu.memory_space<vmem_shared>>) dst(%dma_wait3A_482 : memref<128xf32, #tpu.memory_space<vmem>>)
      %dma_wait3A_488 = arith.constant 6 : i32
      %dma_wait3A_489 = arith.constant 768 : i32
      %dma_wait3A_490 = tpu.memref_slice %arg27[%dma_wait3A_489] : memref<1024xf32, #tpu.memory_space<vmem>> -> memref<128xf32, #tpu.memory_space<vmem>>
      %dma_wait3A_491 = arith.constant 0 : i32
      %dma_wait3A_492 = tpu.memref_slice %arg13[%dma_wait3A_488, %dma_wait3A_491] : memref<8x128xi32, #tpu.memory_space<vmem>> -> memref<1x128xi32, #tpu.memory_space<vmem>>
      %dma_wait3A_493 = tpu.memref_squeeze %dma_wait3A_492 : memref<1x128xi32, #tpu.memory_space<vmem>> -> memref<128xi32, #tpu.memory_space<vmem>>
      %dma_wait3A_494 = arith.constant 0 : i32
      %dma_wait3A_495 = tpu.memref_slice %arg37[%dma_wait3A_494] : memref<1000960xf32, #tpu.memory_space<vmem_shared>> -> memref<1000960xf32, #tpu.memory_space<vmem_shared>>
      tpu.wait_indirect_dma semaphore(%arg39 : memref<!tpu.dma_semaphore, #tpu.memory_space<semaphore_mem>>) src(%dma_wait3A_495 : memref<1000960xf32, #tpu.memory_space<vmem_shared>>) dst(%dma_wait3A_490 : memref<128xf32, #tpu.memory_space<vmem>>)
      %dma_wait3A_496 = arith.constant 6 : i32
      %dma_wait3A_497 = arith.constant 768 : i32
      %dma_wait3A_498 = tpu.memref_slice %arg28[%dma_wait3A_497] : memref<1024xf32, #tpu.memory_space<vmem>> -> memref<128xf32, #tpu.memory_space<vmem>>
      %dma_wait3A_499 = arith.constant 0 : i32
      %dma_wait3A_500 = tpu.memref_slice %arg17[%dma_wait3A_496, %dma_wait3A_499] : memref<8x128xi32, #tpu.memory_space<vmem>> -> memref<1x128xi32, #tpu.memory_space<vmem>>
      %dma_wait3A_501 = tpu.memref_squeeze %dma_wait3A_500 : memref<1x128xi32, #tpu.memory_space<vmem>> -> memref<128xi32, #tpu.memory_space<vmem>>
      %dma_wait3A_502 = arith.constant 0 : i32
      %dma_wait3A_503 = tpu.memref_slice %arg37[%dma_wait3A_502] : memref<1000960xf32, #tpu.memory_space<vmem_shared>> -> memref<1000960xf32, #tpu.memory_space<vmem_shared>>
      tpu.wait_indirect_dma semaphore(%arg39 : memref<!tpu.dma_semaphore, #tpu.memory_space<semaphore_mem>>) src(%dma_wait3A_503 : memref<1000960xf32, #tpu.memory_space<vmem_shared>>) dst(%dma_wait3A_498 : memref<128xf32, #tpu.memory_space<vmem>>)
      %dma_wait3A_504 = arith.constant 6 : i32
      %dma_wait3A_505 = arith.constant 768 : i32
      %dma_wait3A_506 = tpu.memref_slice %arg29[%dma_wait3A_505] : memref<1024xf32, #tpu.memory_space<vmem>> -> memref<128xf32, #tpu.memory_space<vmem>>
      %dma_wait3A_507 = arith.constant 0 : i32
      %dma_wait3A_508 = tpu.memref_slice %arg14[%dma_wait3A_504, %dma_wait3A_507] : memref<8x128xi32, #tpu.memory_space<vmem>> -> memref<1x128xi32, #tpu.memory_space<vmem>>
      %dma_wait3A_509 = tpu.memref_squeeze %dma_wait3A_508 : memref<1x128xi32, #tpu.memory_space<vmem>> -> memref<128xi32, #tpu.memory_space<vmem>>
      %dma_wait3A_510 = arith.constant 0 : i32
      %dma_wait3A_511 = tpu.memref_slice %arg37[%dma_wait3A_510] : memref<1000960xf32, #tpu.memory_space<vmem_shared>> -> memref<1000960xf32, #tpu.memory_space<vmem_shared>>
      tpu.wait_indirect_dma semaphore(%arg39 : memref<!tpu.dma_semaphore, #tpu.memory_space<semaphore_mem>>) src(%dma_wait3A_511 : memref<1000960xf32, #tpu.memory_space<vmem_shared>>) dst(%dma_wait3A_506 : memref<128xf32, #tpu.memory_space<vmem>>)
      %dma_wait3A_512 = arith.constant 6 : i32
      %dma_wait3A_513 = arith.constant 768 : i32
      %dma_wait3A_514 = tpu.memref_slice %arg30[%dma_wait3A_513] : memref<1024xf32, #tpu.memory_space<vmem>> -> memref<128xf32, #tpu.memory_space<vmem>>
      %dma_wait3A_515 = arith.constant 0 : i32
      %dma_wait3A_516 = tpu.memref_slice %arg18[%dma_wait3A_512, %dma_wait3A_515] : memref<8x128xi32, #tpu.memory_space<vmem>> -> memref<1x128xi32, #tpu.memory_space<vmem>>
      %dma_wait3A_517 = tpu.memref_squeeze %dma_wait3A_516 : memref<1x128xi32, #tpu.memory_space<vmem>> -> memref<128xi32, #tpu.memory_space<vmem>>
      %dma_wait3A_518 = arith.constant 0 : i32
      %dma_wait3A_519 = tpu.memref_slice %arg37[%dma_wait3A_518] : memref<1000960xf32, #tpu.memory_space<vmem_shared>> -> memref<1000960xf32, #tpu.memory_space<vmem_shared>>
      tpu.wait_indirect_dma semaphore(%arg39 : memref<!tpu.dma_semaphore, #tpu.memory_space<semaphore_mem>>) src(%dma_wait3A_519 : memref<1000960xf32, #tpu.memory_space<vmem_shared>>) dst(%dma_wait3A_514 : memref<128xf32, #tpu.memory_space<vmem>>)
      %dma_wait3A_520 = arith.constant 7 : i32
      %dma_wait3A_521 = arith.constant 896 : i32
      %dma_wait3A_522 = tpu.memref_slice %arg27[%dma_wait3A_521] : memref<1024xf32, #tpu.memory_space<vmem>> -> memref<128xf32, #tpu.memory_space<vmem>>
      %dma_wait3A_523 = arith.constant 0 : i32
      %dma_wait3A_524 = tpu.memref_slice %arg13[%dma_wait3A_520, %dma_wait3A_523] : memref<8x128xi32, #tpu.memory_space<vmem>> -> memref<1x128xi32, #tpu.memory_space<vmem>>
      %dma_wait3A_525 = tpu.memref_squeeze %dma_wait3A_524 : memref<1x128xi32, #tpu.memory_space<vmem>> -> memref<128xi32, #tpu.memory_space<vmem>>
      %dma_wait3A_526 = arith.constant 0 : i32
      %dma_wait3A_527 = tpu.memref_slice %arg37[%dma_wait3A_526] : memref<1000960xf32, #tpu.memory_space<vmem_shared>> -> memref<1000960xf32, #tpu.memory_space<vmem_shared>>
      tpu.wait_indirect_dma semaphore(%arg39 : memref<!tpu.dma_semaphore, #tpu.memory_space<semaphore_mem>>) src(%dma_wait3A_527 : memref<1000960xf32, #tpu.memory_space<vmem_shared>>) dst(%dma_wait3A_522 : memref<128xf32, #tpu.memory_space<vmem>>)
      %dma_wait3A_528 = arith.constant 7 : i32
      %dma_wait3A_529 = arith.constant 896 : i32
      %dma_wait3A_530 = tpu.memref_slice %arg28[%dma_wait3A_529] : memref<1024xf32, #tpu.memory_space<vmem>> -> memref<128xf32, #tpu.memory_space<vmem>>
      %dma_wait3A_531 = arith.constant 0 : i32
      %dma_wait3A_532 = tpu.memref_slice %arg17[%dma_wait3A_528, %dma_wait3A_531] : memref<8x128xi32, #tpu.memory_space<vmem>> -> memref<1x128xi32, #tpu.memory_space<vmem>>
      %dma_wait3A_533 = tpu.memref_squeeze %dma_wait3A_532 : memref<1x128xi32, #tpu.memory_space<vmem>> -> memref<128xi32, #tpu.memory_space<vmem>>
      %dma_wait3A_534 = arith.constant 0 : i32
      %dma_wait3A_535 = tpu.memref_slice %arg37[%dma_wait3A_534] : memref<1000960xf32, #tpu.memory_space<vmem_shared>> -> memref<1000960xf32, #tpu.memory_space<vmem_shared>>
      tpu.wait_indirect_dma semaphore(%arg39 : memref<!tpu.dma_semaphore, #tpu.memory_space<semaphore_mem>>) src(%dma_wait3A_535 : memref<1000960xf32, #tpu.memory_space<vmem_shared>>) dst(%dma_wait3A_530 : memref<128xf32, #tpu.memory_space<vmem>>)
      %dma_wait3A_536 = arith.constant 7 : i32
      %dma_wait3A_537 = arith.constant 896 : i32
      %dma_wait3A_538 = tpu.memref_slice %arg29[%dma_wait3A_537] : memref<1024xf32, #tpu.memory_space<vmem>> -> memref<128xf32, #tpu.memory_space<vmem>>
      %dma_wait3A_539 = arith.constant 0 : i32
      %dma_wait3A_540 = tpu.memref_slice %arg14[%dma_wait3A_536, %dma_wait3A_539] : memref<8x128xi32, #tpu.memory_space<vmem>> -> memref<1x128xi32, #tpu.memory_space<vmem>>
      %dma_wait3A_541 = tpu.memref_squeeze %dma_wait3A_540 : memref<1x128xi32, #tpu.memory_space<vmem>> -> memref<128xi32, #tpu.memory_space<vmem>>
      %dma_wait3A_542 = arith.constant 0 : i32
      %dma_wait3A_543 = tpu.memref_slice %arg37[%dma_wait3A_542] : memref<1000960xf32, #tpu.memory_space<vmem_shared>> -> memref<1000960xf32, #tpu.memory_space<vmem_shared>>
      tpu.wait_indirect_dma semaphore(%arg39 : memref<!tpu.dma_semaphore, #tpu.memory_space<semaphore_mem>>) src(%dma_wait3A_543 : memref<1000960xf32, #tpu.memory_space<vmem_shared>>) dst(%dma_wait3A_538 : memref<128xf32, #tpu.memory_space<vmem>>)
      %dma_wait3A_544 = arith.constant 7 : i32
      %dma_wait3A_545 = arith.constant 896 : i32
      %dma_wait3A_546 = tpu.memref_slice %arg30[%dma_wait3A_545] : memref<1024xf32, #tpu.memory_space<vmem>> -> memref<128xf32, #tpu.memory_space<vmem>>
      %dma_wait3A_547 = arith.constant 0 : i32
      %dma_wait3A_548 = tpu.memref_slice %arg18[%dma_wait3A_544, %dma_wait3A_547] : memref<8x128xi32, #tpu.memory_space<vmem>> -> memref<1x128xi32, #tpu.memory_space<vmem>>
      %dma_wait3A_549 = tpu.memref_squeeze %dma_wait3A_548 : memref<1x128xi32, #tpu.memory_space<vmem>> -> memref<128xi32, #tpu.memory_space<vmem>>
      %dma_wait3A_550 = arith.constant 0 : i32
      %dma_wait3A_551 = tpu.memref_slice %arg37[%dma_wait3A_550] : memref<1000960xf32, #tpu.memory_space<vmem_shared>> -> memref<1000960xf32, #tpu.memory_space<vmem_shared>>
      tpu.wait_indirect_dma semaphore(%arg39 : memref<!tpu.dma_semaphore, #tpu.memory_space<semaphore_mem>>) src(%dma_wait3A_551 : memref<1000960xf32, #tpu.memory_space<vmem_shared>>) dst(%dma_wait3A_546 : memref<128xf32, #tpu.memory_space<vmem>>)
      %barrier3A_552 = arith.constant 0 : index
      tpu.barrier barrier_id(%barrier3A_552)
      %mul3A_553 = arith.constant 50048 : i32
      %mul3A_554 = arith.muli %arg1, %mul3A_553 : i32
      %dma_start3A_555 = tpu.memref_slice %arg37[%mul3A_554] : memref<1000960xf32, #tpu.memory_space<vmem_shared>> -> memref<50048xf32, #tpu.memory_space<vmem_shared>>
      %dma_start3A_556 = arith.constant 49920 : i32
      %dma_start3A_557 = tpu.memref_slice %arg5[%arg1, %add3A, %dma_start3A_556] : memref<20x16x100000xf32, #tpu.memory_space<hbm>> -> memref<1x1x50048xf32, #tpu.memory_space<hbm>>
      %dma_start3A_558 = tpu.memref_squeeze %dma_start3A_557 : memref<1x1x50048xf32, #tpu.memory_space<hbm>> -> memref<50048xf32, #tpu.memory_space<hbm>>
      tpu.enqueue_dma source(%dma_start3A_558 : memref<50048xf32, #tpu.memory_space<hbm>>) target(%dma_start3A_555 : memref<50048xf32, #tpu.memory_space<vmem_shared>>) target_semaphore(%arg38 : memref<!tpu.dma_semaphore, #tpu.memory_space<semaphore_mem>>)
      %lt3A_559 = arith.constant 4 : i32
      %lt3A_560 = arith.cmpi slt, %arg1, %lt3A_559 : i32
      %convert_element_type3A_561 = arith.extui %lt3A_560 : i1 to i32
      %cond3A_562 = arith.constant 0 : i32
      %cond3A_563 = arith.cmpi ne, %convert_element_type3A_561, %cond3A_562 : i32
      scf.if %cond3A_563 {
        %add3A_1152 = arith.constant 16 : i32
        %add3A_1153 = arith.addi %arg1, %add3A_1152 : i32
        %add3A_1154 = arith.constant 16 : i32
        %add3A_1155 = arith.addi %arg1, %add3A_1154 : i32
        %mul3A_1156 = arith.constant 50048 : i32
        %mul3A_1157 = arith.muli %add3A_1155, %mul3A_1156 : i32
        %dma_start3A_1158 = tpu.memref_slice %arg37[%mul3A_1157] : memref<1000960xf32, #tpu.memory_space<vmem_shared>> -> memref<50048xf32, #tpu.memory_space<vmem_shared>>
        %dma_start3A_1159 = arith.constant 49920 : i32
        %dma_start3A_1160 = tpu.memref_slice %arg5[%add3A_1153, %add3A, %dma_start3A_1159] : memref<20x16x100000xf32, #tpu.memory_space<hbm>> -> memref<1x1x50048xf32, #tpu.memory_space<hbm>>
        %dma_start3A_1161 = tpu.memref_squeeze %dma_start3A_1160 : memref<1x1x50048xf32, #tpu.memory_space<hbm>> -> memref<50048xf32, #tpu.memory_space<hbm>>
        tpu.enqueue_dma source(%dma_start3A_1161 : memref<50048xf32, #tpu.memory_space<hbm>>) target(%dma_start3A_1158 : memref<50048xf32, #tpu.memory_space<vmem_shared>>) target_semaphore(%arg38 : memref<!tpu.dma_semaphore, #tpu.memory_space<semaphore_mem>>)
      } else {
      }
      %lt3A_564 = arith.constant 4 : i32
      %lt3A_565 = arith.cmpi slt, %arg1, %lt3A_564 : i32
      %jit3A_566 = arith.constant 2 : i32
      %jit3A_567 = arith.constant 1 : i32
      %select_n3A_568 = arith.select %lt3A_565, %jit3A_566, %jit3A_567 : i32
      %while3A_569 = arith.constant 0 : i32
      %while3A_570 = arith.constant 0 : i32
      %while3A_571 = arith.subi %select_n3A_568, %while3A_569 : i32
      %while3A_572 = arith.addi %while3A_569, %while3A_571 : i32
      %while3A_573 = arith.constant 1 : i32
      %while3A_574 = arith.divsi %while3A_571, %while3A_573 : i32
      %while3A_575 = arith.muli %while3A_574, %while3A_573 : i32
      %while3A_576 = arith.addi %while3A_569, %while3A_575 : i32
      %while3A_577 = arith.constant 1 : i32
      %while3A_578 = scf.for %while3A_1152 = %while3A_569 to %while3A_576 step %while3A_577 iter_args(%while3A_1153 = %while3A_570) -> (i32)  : i32 {
        %dma_wait3A_1154 = arith.constant 0 : i32
        %dma_wait3A_1155 = arith.constant 0 : i32
        %dma_wait3A_1156 = arith.constant 0 : i32
        %dma_wait3A_1157 = tpu.memref_slice %arg37[%dma_wait3A_1156] : memref<1000960xf32, #tpu.memory_space<vmem_shared>> -> memref<50048xf32, #tpu.memory_space<vmem_shared>>
        %dma_wait3A_1158 = arith.constant 49920 : i32
        %dma_wait3A_1159 = tpu.memref_slice %arg5[%dma_wait3A_1154, %dma_wait3A_1155, %dma_wait3A_1158] : memref<20x16x100000xf32, #tpu.memory_space<hbm>> -> memref<1x1x50048xf32, #tpu.memory_space<hbm>>
        %dma_wait3A_1160 = tpu.memref_squeeze %dma_wait3A_1159 : memref<1x1x50048xf32, #tpu.memory_space<hbm>> -> memref<50048xf32, #tpu.memory_space<hbm>>
        tpu.wait_dma2 semaphore(%arg38 : memref<!tpu.dma_semaphore, #tpu.memory_space<semaphore_mem>>) src(%dma_wait3A_1160 : memref<50048xf32, #tpu.memory_space<hbm>>) dst(%dma_wait3A_1157 : memref<50048xf32, #tpu.memory_space<vmem_shared>>)
        %while3A_1161 = arith.constant 0 : i32
        scf.yield %while3A_1161 : i32
      }
      %while3A_579 = arith.constant 1 : i32
      %while3A_580 = scf.for %while3A_1152 = %while3A_576 to %while3A_572 step %while3A_579 iter_args(%while3A_1153 = %while3A_578) -> (i32)  : i32 {
        %dma_wait3A_1154 = arith.constant 0 : i32
        %dma_wait3A_1155 = arith.constant 0 : i32
        %dma_wait3A_1156 = arith.constant 0 : i32
        %dma_wait3A_1157 = tpu.memref_slice %arg37[%dma_wait3A_1156] : memref<1000960xf32, #tpu.memory_space<vmem_shared>> -> memref<50048xf32, #tpu.memory_space<vmem_shared>>
        %dma_wait3A_1158 = arith.constant 49920 : i32
        %dma_wait3A_1159 = tpu.memref_slice %arg5[%dma_wait3A_1154, %dma_wait3A_1155, %dma_wait3A_1158] : memref<20x16x100000xf32, #tpu.memory_space<hbm>> -> memref<1x1x50048xf32, #tpu.memory_space<hbm>>
        %dma_wait3A_1160 = tpu.memref_squeeze %dma_wait3A_1159 : memref<1x1x50048xf32, #tpu.memory_space<hbm>> -> memref<50048xf32, #tpu.memory_space<hbm>>
        tpu.wait_dma2 semaphore(%arg38 : memref<!tpu.dma_semaphore, #tpu.memory_space<semaphore_mem>>) src(%dma_wait3A_1160 : memref<50048xf32, #tpu.memory_space<hbm>>) dst(%dma_wait3A_1157 : memref<50048xf32, #tpu.memory_space<vmem_shared>>)
        %while3A_1161 = arith.constant 0 : i32
        scf.yield %while3A_1161 : i32
      }
      %barrier3A_581 = arith.constant 0 : index
      tpu.barrier barrier_id(%barrier3A_581)
      %dma_start3A_582 = arith.constant 0 : i32
      %dma_start3A_583 = arith.constant 0 : i32
      %dma_start3A_584 = tpu.memref_slice %arg31[%dma_start3A_583] : memref<1024xf32, #tpu.memory_space<vmem>> -> memref<128xf32, #tpu.memory_space<vmem>>
      %dma_start3A_585 = arith.constant 0 : i32
      %dma_start3A_586 = tpu.memref_slice %arg15[%dma_start3A_582, %dma_start3A_585] : memref<8x128xi32, #tpu.memory_space<vmem>> -> memref<1x128xi32, #tpu.memory_space<vmem>>
      %dma_start3A_587 = tpu.memref_squeeze %dma_start3A_586 : memref<1x128xi32, #tpu.memory_space<vmem>> -> memref<128xi32, #tpu.memory_space<vmem>>
      %dma_start3A_588 = arith.constant 0 : i32
      %dma_start3A_589 = tpu.memref_slice %arg37[%dma_start3A_588] : memref<1000960xf32, #tpu.memory_space<vmem_shared>> -> memref<1000960xf32, #tpu.memory_space<vmem_shared>>
      tpu.enqueue_indirect_dma source(%dma_start3A_589 : memref<1000960xf32, #tpu.memory_space<vmem_shared>>) target(%dma_start3A_584 : memref<128xf32, #tpu.memory_space<vmem>>) offsets(%dma_start3A_587 : memref<128xi32, #tpu.memory_space<vmem>>) semaphore(%arg39 : memref<!tpu.dma_semaphore, #tpu.memory_space<semaphore_mem>>)
      %dma_start3A_590 = arith.constant 0 : i32
      %dma_start3A_591 = arith.constant 0 : i32
      %dma_start3A_592 = tpu.memref_slice %arg32[%dma_start3A_591] : memref<1024xf32, #tpu.memory_space<vmem>> -> memref<128xf32, #tpu.memory_space<vmem>>
      %dma_start3A_593 = arith.constant 0 : i32
      %dma_start3A_594 = tpu.memref_slice %arg19[%dma_start3A_590, %dma_start3A_593] : memref<8x128xi32, #tpu.memory_space<vmem>> -> memref<1x128xi32, #tpu.memory_space<vmem>>
      %dma_start3A_595 = tpu.memref_squeeze %dma_start3A_594 : memref<1x128xi32, #tpu.memory_space<vmem>> -> memref<128xi32, #tpu.memory_space<vmem>>
      %dma_start3A_596 = arith.constant 0 : i32
      %dma_start3A_597 = tpu.memref_slice %arg37[%dma_start3A_596] : memref<1000960xf32, #tpu.memory_space<vmem_shared>> -> memref<1000960xf32, #tpu.memory_space<vmem_shared>>
      tpu.enqueue_indirect_dma source(%dma_start3A_597 : memref<1000960xf32, #tpu.memory_space<vmem_shared>>) target(%dma_start3A_592 : memref<128xf32, #tpu.memory_space<vmem>>) offsets(%dma_start3A_595 : memref<128xi32, #tpu.memory_space<vmem>>) semaphore(%arg39 : memref<!tpu.dma_semaphore, #tpu.memory_space<semaphore_mem>>)
      %dma_start3A_598 = arith.constant 0 : i32
      %dma_start3A_599 = arith.constant 0 : i32
      %dma_start3A_600 = tpu.memref_slice %arg33[%dma_start3A_599] : memref<1024xf32, #tpu.memory_space<vmem>> -> memref<128xf32, #tpu.memory_space<vmem>>
      %dma_start3A_601 = arith.constant 0 : i32
      %dma_start3A_602 = tpu.memref_slice %arg16[%dma_start3A_598, %dma_start3A_601] : memref<8x128xi32, #tpu.memory_space<vmem>> -> memref<1x128xi32, #tpu.memory_space<vmem>>
      %dma_start3A_603 = tpu.memref_squeeze %dma_start3A_602 : memref<1x128xi32, #tpu.memory_space<vmem>> -> memref<128xi32, #tpu.memory_space<vmem>>
      %dma_start3A_604 = arith.constant 0 : i32
      %dma_start3A_605 = tpu.memref_slice %arg37[%dma_start3A_604] : memref<1000960xf32, #tpu.memory_space<vmem_shared>> -> memref<1000960xf32, #tpu.memory_space<vmem_shared>>
      tpu.enqueue_indirect_dma source(%dma_start3A_605 : memref<1000960xf32, #tpu.memory_space<vmem_shared>>) target(%dma_start3A_600 : memref<128xf32, #tpu.memory_space<vmem>>) offsets(%dma_start3A_603 : memref<128xi32, #tpu.memory_space<vmem>>) semaphore(%arg39 : memref<!tpu.dma_semaphore, #tpu.memory_space<semaphore_mem>>)
      %dma_start3A_606 = arith.constant 0 : i32
      %dma_start3A_607 = arith.constant 0 : i32
      %dma_start3A_608 = tpu.memref_slice %arg34[%dma_start3A_607] : memref<1024xf32, #tpu.memory_space<vmem>> -> memref<128xf32, #tpu.memory_space<vmem>>
      %dma_start3A_609 = arith.constant 0 : i32
      %dma_start3A_610 = tpu.memref_slice %arg20[%dma_start3A_606, %dma_start3A_609] : memref<8x128xi32, #tpu.memory_space<vmem>> -> memref<1x128xi32, #tpu.memory_space<vmem>>
      %dma_start3A_611 = tpu.memref_squeeze %dma_start3A_610 : memref<1x128xi32, #tpu.memory_space<vmem>> -> memref<128xi32, #tpu.memory_space<vmem>>
      %dma_start3A_612 = arith.constant 0 : i32
      %dma_start3A_613 = tpu.memref_slice %arg37[%dma_start3A_612] : memref<1000960xf32, #tpu.memory_space<vmem_shared>> -> memref<1000960xf32, #tpu.memory_space<vmem_shared>>
      tpu.enqueue_indirect_dma source(%dma_start3A_613 : memref<1000960xf32, #tpu.memory_space<vmem_shared>>) target(%dma_start3A_608 : memref<128xf32, #tpu.memory_space<vmem>>) offsets(%dma_start3A_611 : memref<128xi32, #tpu.memory_space<vmem>>) semaphore(%arg39 : memref<!tpu.dma_semaphore, #tpu.memory_space<semaphore_mem>>)
      %dma_start3A_614 = arith.constant 1 : i32
      %dma_start3A_615 = arith.constant 128 : i32
      %dma_start3A_616 = tpu.memref_slice %arg31[%dma_start3A_615] : memref<1024xf32, #tpu.memory_space<vmem>> -> memref<128xf32, #tpu.memory_space<vmem>>
      %dma_start3A_617 = arith.constant 0 : i32
      %dma_start3A_618 = tpu.memref_slice %arg15[%dma_start3A_614, %dma_start3A_617] : memref<8x128xi32, #tpu.memory_space<vmem>> -> memref<1x128xi32, #tpu.memory_space<vmem>>
      %dma_start3A_619 = tpu.memref_squeeze %dma_start3A_618 : memref<1x128xi32, #tpu.memory_space<vmem>> -> memref<128xi32, #tpu.memory_space<vmem>>
      %dma_start3A_620 = arith.constant 0 : i32
      %dma_start3A_621 = tpu.memref_slice %arg37[%dma_start3A_620] : memref<1000960xf32, #tpu.memory_space<vmem_shared>> -> memref<1000960xf32, #tpu.memory_space<vmem_shared>>
      tpu.enqueue_indirect_dma source(%dma_start3A_621 : memref<1000960xf32, #tpu.memory_space<vmem_shared>>) target(%dma_start3A_616 : memref<128xf32, #tpu.memory_space<vmem>>) offsets(%dma_start3A_619 : memref<128xi32, #tpu.memory_space<vmem>>) semaphore(%arg39 : memref<!tpu.dma_semaphore, #tpu.memory_space<semaphore_mem>>)
      %dma_start3A_622 = arith.constant 1 : i32
      %dma_start3A_623 = arith.constant 128 : i32
      %dma_start3A_624 = tpu.memref_slice %arg32[%dma_start3A_623] : memref<1024xf32, #tpu.memory_space<vmem>> -> memref<128xf32, #tpu.memory_space<vmem>>
      %dma_start3A_625 = arith.constant 0 : i32
      %dma_start3A_626 = tpu.memref_slice %arg19[%dma_start3A_622, %dma_start3A_625] : memref<8x128xi32, #tpu.memory_space<vmem>> -> memref<1x128xi32, #tpu.memory_space<vmem>>
      %dma_start3A_627 = tpu.memref_squeeze %dma_start3A_626 : memref<1x128xi32, #tpu.memory_space<vmem>> -> memref<128xi32, #tpu.memory_space<vmem>>
      %dma_start3A_628 = arith.constant 0 : i32
      %dma_start3A_629 = tpu.memref_slice %arg37[%dma_start3A_628] : memref<1000960xf32, #tpu.memory_space<vmem_shared>> -> memref<1000960xf32, #tpu.memory_space<vmem_shared>>
      tpu.enqueue_indirect_dma source(%dma_start3A_629 : memref<1000960xf32, #tpu.memory_space<vmem_shared>>) target(%dma_start3A_624 : memref<128xf32, #tpu.memory_space<vmem>>) offsets(%dma_start3A_627 : memref<128xi32, #tpu.memory_space<vmem>>) semaphore(%arg39 : memref<!tpu.dma_semaphore, #tpu.memory_space<semaphore_mem>>)
      %dma_start3A_630 = arith.constant 1 : i32
      %dma_start3A_631 = arith.constant 128 : i32
      %dma_start3A_632 = tpu.memref_slice %arg33[%dma_start3A_631] : memref<1024xf32, #tpu.memory_space<vmem>> -> memref<128xf32, #tpu.memory_space<vmem>>
      %dma_start3A_633 = arith.constant 0 : i32
      %dma_start3A_634 = tpu.memref_slice %arg16[%dma_start3A_630, %dma_start3A_633] : memref<8x128xi32, #tpu.memory_space<vmem>> -> memref<1x128xi32, #tpu.memory_space<vmem>>
      %dma_start3A_635 = tpu.memref_squeeze %dma_start3A_634 : memref<1x128xi32, #tpu.memory_space<vmem>> -> memref<128xi32, #tpu.memory_space<vmem>>
      %dma_start3A_636 = arith.constant 0 : i32
      %dma_start3A_637 = tpu.memref_slice %arg37[%dma_start3A_636] : memref<1000960xf32, #tpu.memory_space<vmem_shared>> -> memref<1000960xf32, #tpu.memory_space<vmem_shared>>
      tpu.enqueue_indirect_dma source(%dma_start3A_637 : memref<1000960xf32, #tpu.memory_space<vmem_shared>>) target(%dma_start3A_632 : memref<128xf32, #tpu.memory_space<vmem>>) offsets(%dma_start3A_635 : memref<128xi32, #tpu.memory_space<vmem>>) semaphore(%arg39 : memref<!tpu.dma_semaphore, #tpu.memory_space<semaphore_mem>>)
      %dma_start3A_638 = arith.constant 1 : i32
      %dma_start3A_639 = arith.constant 128 : i32
      %dma_start3A_640 = tpu.memref_slice %arg34[%dma_start3A_639] : memref<1024xf32, #tpu.memory_space<vmem>> -> memref<128xf32, #tpu.memory_space<vmem>>
      %dma_start3A_641 = arith.constant 0 : i32
      %dma_start3A_642 = tpu.memref_slice %arg20[%dma_start3A_638, %dma_start3A_641] : memref<8x128xi32, #tpu.memory_space<vmem>> -> memref<1x128xi32, #tpu.memory_space<vmem>>
      %dma_start3A_643 = tpu.memref_squeeze %dma_start3A_642 : memref<1x128xi32, #tpu.memory_space<vmem>> -> memref<128xi32, #tpu.memory_space<vmem>>
      %dma_start3A_644 = arith.constant 0 : i32
      %dma_start3A_645 = tpu.memref_slice %arg37[%dma_start3A_644] : memref<1000960xf32, #tpu.memory_space<vmem_shared>> -> memref<1000960xf32, #tpu.memory_space<vmem_shared>>
      tpu.enqueue_indirect_dma source(%dma_start3A_645 : memref<1000960xf32, #tpu.memory_space<vmem_shared>>) target(%dma_start3A_640 : memref<128xf32, #tpu.memory_space<vmem>>) offsets(%dma_start3A_643 : memref<128xi32, #tpu.memory_space<vmem>>) semaphore(%arg39 : memref<!tpu.dma_semaphore, #tpu.memory_space<semaphore_mem>>)
      %dma_start3A_646 = arith.constant 2 : i32
      %dma_start3A_647 = arith.constant 256 : i32
      %dma_start3A_648 = tpu.memref_slice %arg31[%dma_start3A_647] : memref<1024xf32, #tpu.memory_space<vmem>> -> memref<128xf32, #tpu.memory_space<vmem>>
      %dma_start3A_649 = arith.constant 0 : i32
      %dma_start3A_650 = tpu.memref_slice %arg15[%dma_start3A_646, %dma_start3A_649] : memref<8x128xi32, #tpu.memory_space<vmem>> -> memref<1x128xi32, #tpu.memory_space<vmem>>
      %dma_start3A_651 = tpu.memref_squeeze %dma_start3A_650 : memref<1x128xi32, #tpu.memory_space<vmem>> -> memref<128xi32, #tpu.memory_space<vmem>>
      %dma_start3A_652 = arith.constant 0 : i32
      %dma_start3A_653 = tpu.memref_slice %arg37[%dma_start3A_652] : memref<1000960xf32, #tpu.memory_space<vmem_shared>> -> memref<1000960xf32, #tpu.memory_space<vmem_shared>>
      tpu.enqueue_indirect_dma source(%dma_start3A_653 : memref<1000960xf32, #tpu.memory_space<vmem_shared>>) target(%dma_start3A_648 : memref<128xf32, #tpu.memory_space<vmem>>) offsets(%dma_start3A_651 : memref<128xi32, #tpu.memory_space<vmem>>) semaphore(%arg39 : memref<!tpu.dma_semaphore, #tpu.memory_space<semaphore_mem>>)
      %dma_start3A_654 = arith.constant 2 : i32
      %dma_start3A_655 = arith.constant 256 : i32
      %dma_start3A_656 = tpu.memref_slice %arg32[%dma_start3A_655] : memref<1024xf32, #tpu.memory_space<vmem>> -> memref<128xf32, #tpu.memory_space<vmem>>
      %dma_start3A_657 = arith.constant 0 : i32
      %dma_start3A_658 = tpu.memref_slice %arg19[%dma_start3A_654, %dma_start3A_657] : memref<8x128xi32, #tpu.memory_space<vmem>> -> memref<1x128xi32, #tpu.memory_space<vmem>>
      %dma_start3A_659 = tpu.memref_squeeze %dma_start3A_658 : memref<1x128xi32, #tpu.memory_space<vmem>> -> memref<128xi32, #tpu.memory_space<vmem>>
      %dma_start3A_660 = arith.constant 0 : i32
      %dma_start3A_661 = tpu.memref_slice %arg37[%dma_start3A_660] : memref<1000960xf32, #tpu.memory_space<vmem_shared>> -> memref<1000960xf32, #tpu.memory_space<vmem_shared>>
      tpu.enqueue_indirect_dma source(%dma_start3A_661 : memref<1000960xf32, #tpu.memory_space<vmem_shared>>) target(%dma_start3A_656 : memref<128xf32, #tpu.memory_space<vmem>>) offsets(%dma_start3A_659 : memref<128xi32, #tpu.memory_space<vmem>>) semaphore(%arg39 : memref<!tpu.dma_semaphore, #tpu.memory_space<semaphore_mem>>)
      %dma_start3A_662 = arith.constant 2 : i32
      %dma_start3A_663 = arith.constant 256 : i32
      %dma_start3A_664 = tpu.memref_slice %arg33[%dma_start3A_663] : memref<1024xf32, #tpu.memory_space<vmem>> -> memref<128xf32, #tpu.memory_space<vmem>>
      %dma_start3A_665 = arith.constant 0 : i32
      %dma_start3A_666 = tpu.memref_slice %arg16[%dma_start3A_662, %dma_start3A_665] : memref<8x128xi32, #tpu.memory_space<vmem>> -> memref<1x128xi32, #tpu.memory_space<vmem>>
      %dma_start3A_667 = tpu.memref_squeeze %dma_start3A_666 : memref<1x128xi32, #tpu.memory_space<vmem>> -> memref<128xi32, #tpu.memory_space<vmem>>
      %dma_start3A_668 = arith.constant 0 : i32
      %dma_start3A_669 = tpu.memref_slice %arg37[%dma_start3A_668] : memref<1000960xf32, #tpu.memory_space<vmem_shared>> -> memref<1000960xf32, #tpu.memory_space<vmem_shared>>
      tpu.enqueue_indirect_dma source(%dma_start3A_669 : memref<1000960xf32, #tpu.memory_space<vmem_shared>>) target(%dma_start3A_664 : memref<128xf32, #tpu.memory_space<vmem>>) offsets(%dma_start3A_667 : memref<128xi32, #tpu.memory_space<vmem>>) semaphore(%arg39 : memref<!tpu.dma_semaphore, #tpu.memory_space<semaphore_mem>>)
      %dma_start3A_670 = arith.constant 2 : i32
      %dma_start3A_671 = arith.constant 256 : i32
      %dma_start3A_672 = tpu.memref_slice %arg34[%dma_start3A_671] : memref<1024xf32, #tpu.memory_space<vmem>> -> memref<128xf32, #tpu.memory_space<vmem>>
      %dma_start3A_673 = arith.constant 0 : i32
      %dma_start3A_674 = tpu.memref_slice %arg20[%dma_start3A_670, %dma_start3A_673] : memref<8x128xi32, #tpu.memory_space<vmem>> -> memref<1x128xi32, #tpu.memory_space<vmem>>
      %dma_start3A_675 = tpu.memref_squeeze %dma_start3A_674 : memref<1x128xi32, #tpu.memory_space<vmem>> -> memref<128xi32, #tpu.memory_space<vmem>>
      %dma_start3A_676 = arith.constant 0 : i32
      %dma_start3A_677 = tpu.memref_slice %arg37[%dma_start3A_676] : memref<1000960xf32, #tpu.memory_space<vmem_shared>> -> memref<1000960xf32, #tpu.memory_space<vmem_shared>>
      tpu.enqueue_indirect_dma source(%dma_start3A_677 : memref<1000960xf32, #tpu.memory_space<vmem_shared>>) target(%dma_start3A_672 : memref<128xf32, #tpu.memory_space<vmem>>) offsets(%dma_start3A_675 : memref<128xi32, #tpu.memory_space<vmem>>) semaphore(%arg39 : memref<!tpu.dma_semaphore, #tpu.memory_space<semaphore_mem>>)
      %dma_start3A_678 = arith.constant 3 : i32
      %dma_start3A_679 = arith.constant 384 : i32
      %dma_start3A_680 = tpu.memref_slice %arg31[%dma_start3A_679] : memref<1024xf32, #tpu.memory_space<vmem>> -> memref<128xf32, #tpu.memory_space<vmem>>
      %dma_start3A_681 = arith.constant 0 : i32
      %dma_start3A_682 = tpu.memref_slice %arg15[%dma_start3A_678, %dma_start3A_681] : memref<8x128xi32, #tpu.memory_space<vmem>> -> memref<1x128xi32, #tpu.memory_space<vmem>>
      %dma_start3A_683 = tpu.memref_squeeze %dma_start3A_682 : memref<1x128xi32, #tpu.memory_space<vmem>> -> memref<128xi32, #tpu.memory_space<vmem>>
      %dma_start3A_684 = arith.constant 0 : i32
      %dma_start3A_685 = tpu.memref_slice %arg37[%dma_start3A_684] : memref<1000960xf32, #tpu.memory_space<vmem_shared>> -> memref<1000960xf32, #tpu.memory_space<vmem_shared>>
      tpu.enqueue_indirect_dma source(%dma_start3A_685 : memref<1000960xf32, #tpu.memory_space<vmem_shared>>) target(%dma_start3A_680 : memref<128xf32, #tpu.memory_space<vmem>>) offsets(%dma_start3A_683 : memref<128xi32, #tpu.memory_space<vmem>>) semaphore(%arg39 : memref<!tpu.dma_semaphore, #tpu.memory_space<semaphore_mem>>)
      %dma_start3A_686 = arith.constant 3 : i32
      %dma_start3A_687 = arith.constant 384 : i32
      %dma_start3A_688 = tpu.memref_slice %arg32[%dma_start3A_687] : memref<1024xf32, #tpu.memory_space<vmem>> -> memref<128xf32, #tpu.memory_space<vmem>>
      %dma_start3A_689 = arith.constant 0 : i32
      %dma_start3A_690 = tpu.memref_slice %arg19[%dma_start3A_686, %dma_start3A_689] : memref<8x128xi32, #tpu.memory_space<vmem>> -> memref<1x128xi32, #tpu.memory_space<vmem>>
      %dma_start3A_691 = tpu.memref_squeeze %dma_start3A_690 : memref<1x128xi32, #tpu.memory_space<vmem>> -> memref<128xi32, #tpu.memory_space<vmem>>
      %dma_start3A_692 = arith.constant 0 : i32
      %dma_start3A_693 = tpu.memref_slice %arg37[%dma_start3A_692] : memref<1000960xf32, #tpu.memory_space<vmem_shared>> -> memref<1000960xf32, #tpu.memory_space<vmem_shared>>
      tpu.enqueue_indirect_dma source(%dma_start3A_693 : memref<1000960xf32, #tpu.memory_space<vmem_shared>>) target(%dma_start3A_688 : memref<128xf32, #tpu.memory_space<vmem>>) offsets(%dma_start3A_691 : memref<128xi32, #tpu.memory_space<vmem>>) semaphore(%arg39 : memref<!tpu.dma_semaphore, #tpu.memory_space<semaphore_mem>>)
      %dma_start3A_694 = arith.constant 3 : i32
      %dma_start3A_695 = arith.constant 384 : i32
      %dma_start3A_696 = tpu.memref_slice %arg33[%dma_start3A_695] : memref<1024xf32, #tpu.memory_space<vmem>> -> memref<128xf32, #tpu.memory_space<vmem>>
      %dma_start3A_697 = arith.constant 0 : i32
      %dma_start3A_698 = tpu.memref_slice %arg16[%dma_start3A_694, %dma_start3A_697] : memref<8x128xi32, #tpu.memory_space<vmem>> -> memref<1x128xi32, #tpu.memory_space<vmem>>
      %dma_start3A_699 = tpu.memref_squeeze %dma_start3A_698 : memref<1x128xi32, #tpu.memory_space<vmem>> -> memref<128xi32, #tpu.memory_space<vmem>>
      %dma_start3A_700 = arith.constant 0 : i32
      %dma_start3A_701 = tpu.memref_slice %arg37[%dma_start3A_700] : memref<1000960xf32, #tpu.memory_space<vmem_shared>> -> memref<1000960xf32, #tpu.memory_space<vmem_shared>>
      tpu.enqueue_indirect_dma source(%dma_start3A_701 : memref<1000960xf32, #tpu.memory_space<vmem_shared>>) target(%dma_start3A_696 : memref<128xf32, #tpu.memory_space<vmem>>) offsets(%dma_start3A_699 : memref<128xi32, #tpu.memory_space<vmem>>) semaphore(%arg39 : memref<!tpu.dma_semaphore, #tpu.memory_space<semaphore_mem>>)
      %dma_start3A_702 = arith.constant 3 : i32
      %dma_start3A_703 = arith.constant 384 : i32
      %dma_start3A_704 = tpu.memref_slice %arg34[%dma_start3A_703] : memref<1024xf32, #tpu.memory_space<vmem>> -> memref<128xf32, #tpu.memory_space<vmem>>
      %dma_start3A_705 = arith.constant 0 : i32
      %dma_start3A_706 = tpu.memref_slice %arg20[%dma_start3A_702, %dma_start3A_705] : memref<8x128xi32, #tpu.memory_space<vmem>> -> memref<1x128xi32, #tpu.memory_space<vmem>>
      %dma_start3A_707 = tpu.memref_squeeze %dma_start3A_706 : memref<1x128xi32, #tpu.memory_space<vmem>> -> memref<128xi32, #tpu.memory_space<vmem>>
      %dma_start3A_708 = arith.constant 0 : i32
      %dma_start3A_709 = tpu.memref_slice %arg37[%dma_start3A_708] : memref<1000960xf32, #tpu.memory_space<vmem_shared>> -> memref<1000960xf32, #tpu.memory_space<vmem_shared>>
      tpu.enqueue_indirect_dma source(%dma_start3A_709 : memref<1000960xf32, #tpu.memory_space<vmem_shared>>) target(%dma_start3A_704 : memref<128xf32, #tpu.memory_space<vmem>>) offsets(%dma_start3A_707 : memref<128xi32, #tpu.memory_space<vmem>>) semaphore(%arg39 : memref<!tpu.dma_semaphore, #tpu.memory_space<semaphore_mem>>)
      %dma_start3A_710 = arith.constant 4 : i32
      %dma_start3A_711 = arith.constant 512 : i32
      %dma_start3A_712 = tpu.memref_slice %arg31[%dma_start3A_711] : memref<1024xf32, #tpu.memory_space<vmem>> -> memref<128xf32, #tpu.memory_space<vmem>>
      %dma_start3A_713 = arith.constant 0 : i32
      %dma_start3A_714 = tpu.memref_slice %arg15[%dma_start3A_710, %dma_start3A_713] : memref<8x128xi32, #tpu.memory_space<vmem>> -> memref<1x128xi32, #tpu.memory_space<vmem>>
      %dma_start3A_715 = tpu.memref_squeeze %dma_start3A_714 : memref<1x128xi32, #tpu.memory_space<vmem>> -> memref<128xi32, #tpu.memory_space<vmem>>
      %dma_start3A_716 = arith.constant 0 : i32
      %dma_start3A_717 = tpu.memref_slice %arg37[%dma_start3A_716] : memref<1000960xf32, #tpu.memory_space<vmem_shared>> -> memref<1000960xf32, #tpu.memory_space<vmem_shared>>
      tpu.enqueue_indirect_dma source(%dma_start3A_717 : memref<1000960xf32, #tpu.memory_space<vmem_shared>>) target(%dma_start3A_712 : memref<128xf32, #tpu.memory_space<vmem>>) offsets(%dma_start3A_715 : memref<128xi32, #tpu.memory_space<vmem>>) semaphore(%arg39 : memref<!tpu.dma_semaphore, #tpu.memory_space<semaphore_mem>>)
      %dma_start3A_718 = arith.constant 4 : i32
      %dma_start3A_719 = arith.constant 512 : i32
      %dma_start3A_720 = tpu.memref_slice %arg32[%dma_start3A_719] : memref<1024xf32, #tpu.memory_space<vmem>> -> memref<128xf32, #tpu.memory_space<vmem>>
      %dma_start3A_721 = arith.constant 0 : i32
      %dma_start3A_722 = tpu.memref_slice %arg19[%dma_start3A_718, %dma_start3A_721] : memref<8x128xi32, #tpu.memory_space<vmem>> -> memref<1x128xi32, #tpu.memory_space<vmem>>
      %dma_start3A_723 = tpu.memref_squeeze %dma_start3A_722 : memref<1x128xi32, #tpu.memory_space<vmem>> -> memref<128xi32, #tpu.memory_space<vmem>>
      %dma_start3A_724 = arith.constant 0 : i32
      %dma_start3A_725 = tpu.memref_slice %arg37[%dma_start3A_724] : memref<1000960xf32, #tpu.memory_space<vmem_shared>> -> memref<1000960xf32, #tpu.memory_space<vmem_shared>>
      tpu.enqueue_indirect_dma source(%dma_start3A_725 : memref<1000960xf32, #tpu.memory_space<vmem_shared>>) target(%dma_start3A_720 : memref<128xf32, #tpu.memory_space<vmem>>) offsets(%dma_start3A_723 : memref<128xi32, #tpu.memory_space<vmem>>) semaphore(%arg39 : memref<!tpu.dma_semaphore, #tpu.memory_space<semaphore_mem>>)
      %dma_start3A_726 = arith.constant 4 : i32
      %dma_start3A_727 = arith.constant 512 : i32
      %dma_start3A_728 = tpu.memref_slice %arg33[%dma_start3A_727] : memref<1024xf32, #tpu.memory_space<vmem>> -> memref<128xf32, #tpu.memory_space<vmem>>
      %dma_start3A_729 = arith.constant 0 : i32
      %dma_start3A_730 = tpu.memref_slice %arg16[%dma_start3A_726, %dma_start3A_729] : memref<8x128xi32, #tpu.memory_space<vmem>> -> memref<1x128xi32, #tpu.memory_space<vmem>>
      %dma_start3A_731 = tpu.memref_squeeze %dma_start3A_730 : memref<1x128xi32, #tpu.memory_space<vmem>> -> memref<128xi32, #tpu.memory_space<vmem>>
      %dma_start3A_732 = arith.constant 0 : i32
      %dma_start3A_733 = tpu.memref_slice %arg37[%dma_start3A_732] : memref<1000960xf32, #tpu.memory_space<vmem_shared>> -> memref<1000960xf32, #tpu.memory_space<vmem_shared>>
      tpu.enqueue_indirect_dma source(%dma_start3A_733 : memref<1000960xf32, #tpu.memory_space<vmem_shared>>) target(%dma_start3A_728 : memref<128xf32, #tpu.memory_space<vmem>>) offsets(%dma_start3A_731 : memref<128xi32, #tpu.memory_space<vmem>>) semaphore(%arg39 : memref<!tpu.dma_semaphore, #tpu.memory_space<semaphore_mem>>)
      %dma_start3A_734 = arith.constant 4 : i32
      %dma_start3A_735 = arith.constant 512 : i32
      %dma_start3A_736 = tpu.memref_slice %arg34[%dma_start3A_735] : memref<1024xf32, #tpu.memory_space<vmem>> -> memref<128xf32, #tpu.memory_space<vmem>>
      %dma_start3A_737 = arith.constant 0 : i32
      %dma_start3A_738 = tpu.memref_slice %arg20[%dma_start3A_734, %dma_start3A_737] : memref<8x128xi32, #tpu.memory_space<vmem>> -> memref<1x128xi32, #tpu.memory_space<vmem>>
      %dma_start3A_739 = tpu.memref_squeeze %dma_start3A_738 : memref<1x128xi32, #tpu.memory_space<vmem>> -> memref<128xi32, #tpu.memory_space<vmem>>
      %dma_start3A_740 = arith.constant 0 : i32
      %dma_start3A_741 = tpu.memref_slice %arg37[%dma_start3A_740] : memref<1000960xf32, #tpu.memory_space<vmem_shared>> -> memref<1000960xf32, #tpu.memory_space<vmem_shared>>
      tpu.enqueue_indirect_dma source(%dma_start3A_741 : memref<1000960xf32, #tpu.memory_space<vmem_shared>>) target(%dma_start3A_736 : memref<128xf32, #tpu.memory_space<vmem>>) offsets(%dma_start3A_739 : memref<128xi32, #tpu.memory_space<vmem>>) semaphore(%arg39 : memref<!tpu.dma_semaphore, #tpu.memory_space<semaphore_mem>>)
      %dma_start3A_742 = arith.constant 5 : i32
      %dma_start3A_743 = arith.constant 640 : i32
      %dma_start3A_744 = tpu.memref_slice %arg31[%dma_start3A_743] : memref<1024xf32, #tpu.memory_space<vmem>> -> memref<128xf32, #tpu.memory_space<vmem>>
      %dma_start3A_745 = arith.constant 0 : i32
      %dma_start3A_746 = tpu.memref_slice %arg15[%dma_start3A_742, %dma_start3A_745] : memref<8x128xi32, #tpu.memory_space<vmem>> -> memref<1x128xi32, #tpu.memory_space<vmem>>
      %dma_start3A_747 = tpu.memref_squeeze %dma_start3A_746 : memref<1x128xi32, #tpu.memory_space<vmem>> -> memref<128xi32, #tpu.memory_space<vmem>>
      %dma_start3A_748 = arith.constant 0 : i32
      %dma_start3A_749 = tpu.memref_slice %arg37[%dma_start3A_748] : memref<1000960xf32, #tpu.memory_space<vmem_shared>> -> memref<1000960xf32, #tpu.memory_space<vmem_shared>>
      tpu.enqueue_indirect_dma source(%dma_start3A_749 : memref<1000960xf32, #tpu.memory_space<vmem_shared>>) target(%dma_start3A_744 : memref<128xf32, #tpu.memory_space<vmem>>) offsets(%dma_start3A_747 : memref<128xi32, #tpu.memory_space<vmem>>) semaphore(%arg39 : memref<!tpu.dma_semaphore, #tpu.memory_space<semaphore_mem>>)
      %dma_start3A_750 = arith.constant 5 : i32
      %dma_start3A_751 = arith.constant 640 : i32
      %dma_start3A_752 = tpu.memref_slice %arg32[%dma_start3A_751] : memref<1024xf32, #tpu.memory_space<vmem>> -> memref<128xf32, #tpu.memory_space<vmem>>
      %dma_start3A_753 = arith.constant 0 : i32
      %dma_start3A_754 = tpu.memref_slice %arg19[%dma_start3A_750, %dma_start3A_753] : memref<8x128xi32, #tpu.memory_space<vmem>> -> memref<1x128xi32, #tpu.memory_space<vmem>>
      %dma_start3A_755 = tpu.memref_squeeze %dma_start3A_754 : memref<1x128xi32, #tpu.memory_space<vmem>> -> memref<128xi32, #tpu.memory_space<vmem>>
      %dma_start3A_756 = arith.constant 0 : i32
      %dma_start3A_757 = tpu.memref_slice %arg37[%dma_start3A_756] : memref<1000960xf32, #tpu.memory_space<vmem_shared>> -> memref<1000960xf32, #tpu.memory_space<vmem_shared>>
      tpu.enqueue_indirect_dma source(%dma_start3A_757 : memref<1000960xf32, #tpu.memory_space<vmem_shared>>) target(%dma_start3A_752 : memref<128xf32, #tpu.memory_space<vmem>>) offsets(%dma_start3A_755 : memref<128xi32, #tpu.memory_space<vmem>>) semaphore(%arg39 : memref<!tpu.dma_semaphore, #tpu.memory_space<semaphore_mem>>)
      %dma_start3A_758 = arith.constant 5 : i32
      %dma_start3A_759 = arith.constant 640 : i32
      %dma_start3A_760 = tpu.memref_slice %arg33[%dma_start3A_759] : memref<1024xf32, #tpu.memory_space<vmem>> -> memref<128xf32, #tpu.memory_space<vmem>>
      %dma_start3A_761 = arith.constant 0 : i32
      %dma_start3A_762 = tpu.memref_slice %arg16[%dma_start3A_758, %dma_start3A_761] : memref<8x128xi32, #tpu.memory_space<vmem>> -> memref<1x128xi32, #tpu.memory_space<vmem>>
      %dma_start3A_763 = tpu.memref_squeeze %dma_start3A_762 : memref<1x128xi32, #tpu.memory_space<vmem>> -> memref<128xi32, #tpu.memory_space<vmem>>
      %dma_start3A_764 = arith.constant 0 : i32
      %dma_start3A_765 = tpu.memref_slice %arg37[%dma_start3A_764] : memref<1000960xf32, #tpu.memory_space<vmem_shared>> -> memref<1000960xf32, #tpu.memory_space<vmem_shared>>
      tpu.enqueue_indirect_dma source(%dma_start3A_765 : memref<1000960xf32, #tpu.memory_space<vmem_shared>>) target(%dma_start3A_760 : memref<128xf32, #tpu.memory_space<vmem>>) offsets(%dma_start3A_763 : memref<128xi32, #tpu.memory_space<vmem>>) semaphore(%arg39 : memref<!tpu.dma_semaphore, #tpu.memory_space<semaphore_mem>>)
      %dma_start3A_766 = arith.constant 5 : i32
      %dma_start3A_767 = arith.constant 640 : i32
      %dma_start3A_768 = tpu.memref_slice %arg34[%dma_start3A_767] : memref<1024xf32, #tpu.memory_space<vmem>> -> memref<128xf32, #tpu.memory_space<vmem>>
      %dma_start3A_769 = arith.constant 0 : i32
      %dma_start3A_770 = tpu.memref_slice %arg20[%dma_start3A_766, %dma_start3A_769] : memref<8x128xi32, #tpu.memory_space<vmem>> -> memref<1x128xi32, #tpu.memory_space<vmem>>
      %dma_start3A_771 = tpu.memref_squeeze %dma_start3A_770 : memref<1x128xi32, #tpu.memory_space<vmem>> -> memref<128xi32, #tpu.memory_space<vmem>>
      %dma_start3A_772 = arith.constant 0 : i32
      %dma_start3A_773 = tpu.memref_slice %arg37[%dma_start3A_772] : memref<1000960xf32, #tpu.memory_space<vmem_shared>> -> memref<1000960xf32, #tpu.memory_space<vmem_shared>>
      tpu.enqueue_indirect_dma source(%dma_start3A_773 : memref<1000960xf32, #tpu.memory_space<vmem_shared>>) target(%dma_start3A_768 : memref<128xf32, #tpu.memory_space<vmem>>) offsets(%dma_start3A_771 : memref<128xi32, #tpu.memory_space<vmem>>) semaphore(%arg39 : memref<!tpu.dma_semaphore, #tpu.memory_space<semaphore_mem>>)
      %dma_start3A_774 = arith.constant 6 : i32
      %dma_start3A_775 = arith.constant 768 : i32
      %dma_start3A_776 = tpu.memref_slice %arg31[%dma_start3A_775] : memref<1024xf32, #tpu.memory_space<vmem>> -> memref<128xf32, #tpu.memory_space<vmem>>
      %dma_start3A_777 = arith.constant 0 : i32
      %dma_start3A_778 = tpu.memref_slice %arg15[%dma_start3A_774, %dma_start3A_777] : memref<8x128xi32, #tpu.memory_space<vmem>> -> memref<1x128xi32, #tpu.memory_space<vmem>>
      %dma_start3A_779 = tpu.memref_squeeze %dma_start3A_778 : memref<1x128xi32, #tpu.memory_space<vmem>> -> memref<128xi32, #tpu.memory_space<vmem>>
      %dma_start3A_780 = arith.constant 0 : i32
      %dma_start3A_781 = tpu.memref_slice %arg37[%dma_start3A_780] : memref<1000960xf32, #tpu.memory_space<vmem_shared>> -> memref<1000960xf32, #tpu.memory_space<vmem_shared>>
      tpu.enqueue_indirect_dma source(%dma_start3A_781 : memref<1000960xf32, #tpu.memory_space<vmem_shared>>) target(%dma_start3A_776 : memref<128xf32, #tpu.memory_space<vmem>>) offsets(%dma_start3A_779 : memref<128xi32, #tpu.memory_space<vmem>>) semaphore(%arg39 : memref<!tpu.dma_semaphore, #tpu.memory_space<semaphore_mem>>)
      %dma_start3A_782 = arith.constant 6 : i32
      %dma_start3A_783 = arith.constant 768 : i32
      %dma_start3A_784 = tpu.memref_slice %arg32[%dma_start3A_783] : memref<1024xf32, #tpu.memory_space<vmem>> -> memref<128xf32, #tpu.memory_space<vmem>>
      %dma_start3A_785 = arith.constant 0 : i32
      %dma_start3A_786 = tpu.memref_slice %arg19[%dma_start3A_782, %dma_start3A_785] : memref<8x128xi32, #tpu.memory_space<vmem>> -> memref<1x128xi32, #tpu.memory_space<vmem>>
      %dma_start3A_787 = tpu.memref_squeeze %dma_start3A_786 : memref<1x128xi32, #tpu.memory_space<vmem>> -> memref<128xi32, #tpu.memory_space<vmem>>
      %dma_start3A_788 = arith.constant 0 : i32
      %dma_start3A_789 = tpu.memref_slice %arg37[%dma_start3A_788] : memref<1000960xf32, #tpu.memory_space<vmem_shared>> -> memref<1000960xf32, #tpu.memory_space<vmem_shared>>
      tpu.enqueue_indirect_dma source(%dma_start3A_789 : memref<1000960xf32, #tpu.memory_space<vmem_shared>>) target(%dma_start3A_784 : memref<128xf32, #tpu.memory_space<vmem>>) offsets(%dma_start3A_787 : memref<128xi32, #tpu.memory_space<vmem>>) semaphore(%arg39 : memref<!tpu.dma_semaphore, #tpu.memory_space<semaphore_mem>>)
      %dma_start3A_790 = arith.constant 6 : i32
      %dma_start3A_791 = arith.constant 768 : i32
      %dma_start3A_792 = tpu.memref_slice %arg33[%dma_start3A_791] : memref<1024xf32, #tpu.memory_space<vmem>> -> memref<128xf32, #tpu.memory_space<vmem>>
      %dma_start3A_793 = arith.constant 0 : i32
      %dma_start3A_794 = tpu.memref_slice %arg16[%dma_start3A_790, %dma_start3A_793] : memref<8x128xi32, #tpu.memory_space<vmem>> -> memref<1x128xi32, #tpu.memory_space<vmem>>
      %dma_start3A_795 = tpu.memref_squeeze %dma_start3A_794 : memref<1x128xi32, #tpu.memory_space<vmem>> -> memref<128xi32, #tpu.memory_space<vmem>>
      %dma_start3A_796 = arith.constant 0 : i32
      %dma_start3A_797 = tpu.memref_slice %arg37[%dma_start3A_796] : memref<1000960xf32, #tpu.memory_space<vmem_shared>> -> memref<1000960xf32, #tpu.memory_space<vmem_shared>>
      tpu.enqueue_indirect_dma source(%dma_start3A_797 : memref<1000960xf32, #tpu.memory_space<vmem_shared>>) target(%dma_start3A_792 : memref<128xf32, #tpu.memory_space<vmem>>) offsets(%dma_start3A_795 : memref<128xi32, #tpu.memory_space<vmem>>) semaphore(%arg39 : memref<!tpu.dma_semaphore, #tpu.memory_space<semaphore_mem>>)
      %dma_start3A_798 = arith.constant 6 : i32
      %dma_start3A_799 = arith.constant 768 : i32
      %dma_start3A_800 = tpu.memref_slice %arg34[%dma_start3A_799] : memref<1024xf32, #tpu.memory_space<vmem>> -> memref<128xf32, #tpu.memory_space<vmem>>
      %dma_start3A_801 = arith.constant 0 : i32
      %dma_start3A_802 = tpu.memref_slice %arg20[%dma_start3A_798, %dma_start3A_801] : memref<8x128xi32, #tpu.memory_space<vmem>> -> memref<1x128xi32, #tpu.memory_space<vmem>>
      %dma_start3A_803 = tpu.memref_squeeze %dma_start3A_802 : memref<1x128xi32, #tpu.memory_space<vmem>> -> memref<128xi32, #tpu.memory_space<vmem>>
      %dma_start3A_804 = arith.constant 0 : i32
      %dma_start3A_805 = tpu.memref_slice %arg37[%dma_start3A_804] : memref<1000960xf32, #tpu.memory_space<vmem_shared>> -> memref<1000960xf32, #tpu.memory_space<vmem_shared>>
      tpu.enqueue_indirect_dma source(%dma_start3A_805 : memref<1000960xf32, #tpu.memory_space<vmem_shared>>) target(%dma_start3A_800 : memref<128xf32, #tpu.memory_space<vmem>>) offsets(%dma_start3A_803 : memref<128xi32, #tpu.memory_space<vmem>>) semaphore(%arg39 : memref<!tpu.dma_semaphore, #tpu.memory_space<semaphore_mem>>)
      %dma_start3A_806 = arith.constant 7 : i32
      %dma_start3A_807 = arith.constant 896 : i32
      %dma_start3A_808 = tpu.memref_slice %arg31[%dma_start3A_807] : memref<1024xf32, #tpu.memory_space<vmem>> -> memref<128xf32, #tpu.memory_space<vmem>>
      %dma_start3A_809 = arith.constant 0 : i32
      %dma_start3A_810 = tpu.memref_slice %arg15[%dma_start3A_806, %dma_start3A_809] : memref<8x128xi32, #tpu.memory_space<vmem>> -> memref<1x128xi32, #tpu.memory_space<vmem>>
      %dma_start3A_811 = tpu.memref_squeeze %dma_start3A_810 : memref<1x128xi32, #tpu.memory_space<vmem>> -> memref<128xi32, #tpu.memory_space<vmem>>
      %dma_start3A_812 = arith.constant 0 : i32
      %dma_start3A_813 = tpu.memref_slice %arg37[%dma_start3A_812] : memref<1000960xf32, #tpu.memory_space<vmem_shared>> -> memref<1000960xf32, #tpu.memory_space<vmem_shared>>
      tpu.enqueue_indirect_dma source(%dma_start3A_813 : memref<1000960xf32, #tpu.memory_space<vmem_shared>>) target(%dma_start3A_808 : memref<128xf32, #tpu.memory_space<vmem>>) offsets(%dma_start3A_811 : memref<128xi32, #tpu.memory_space<vmem>>) semaphore(%arg39 : memref<!tpu.dma_semaphore, #tpu.memory_space<semaphore_mem>>)
      %dma_start3A_814 = arith.constant 7 : i32
      %dma_start3A_815 = arith.constant 896 : i32
      %dma_start3A_816 = tpu.memref_slice %arg32[%dma_start3A_815] : memref<1024xf32, #tpu.memory_space<vmem>> -> memref<128xf32, #tpu.memory_space<vmem>>
      %dma_start3A_817 = arith.constant 0 : i32
      %dma_start3A_818 = tpu.memref_slice %arg19[%dma_start3A_814, %dma_start3A_817] : memref<8x128xi32, #tpu.memory_space<vmem>> -> memref<1x128xi32, #tpu.memory_space<vmem>>
      %dma_start3A_819 = tpu.memref_squeeze %dma_start3A_818 : memref<1x128xi32, #tpu.memory_space<vmem>> -> memref<128xi32, #tpu.memory_space<vmem>>
      %dma_start3A_820 = arith.constant 0 : i32
      %dma_start3A_821 = tpu.memref_slice %arg37[%dma_start3A_820] : memref<1000960xf32, #tpu.memory_space<vmem_shared>> -> memref<1000960xf32, #tpu.memory_space<vmem_shared>>
      tpu.enqueue_indirect_dma source(%dma_start3A_821 : memref<1000960xf32, #tpu.memory_space<vmem_shared>>) target(%dma_start3A_816 : memref<128xf32, #tpu.memory_space<vmem>>) offsets(%dma_start3A_819 : memref<128xi32, #tpu.memory_space<vmem>>) semaphore(%arg39 : memref<!tpu.dma_semaphore, #tpu.memory_space<semaphore_mem>>)
      %dma_start3A_822 = arith.constant 7 : i32
      %dma_start3A_823 = arith.constant 896 : i32
      %dma_start3A_824 = tpu.memref_slice %arg33[%dma_start3A_823] : memref<1024xf32, #tpu.memory_space<vmem>> -> memref<128xf32, #tpu.memory_space<vmem>>
      %dma_start3A_825 = arith.constant 0 : i32
      %dma_start3A_826 = tpu.memref_slice %arg16[%dma_start3A_822, %dma_start3A_825] : memref<8x128xi32, #tpu.memory_space<vmem>> -> memref<1x128xi32, #tpu.memory_space<vmem>>
      %dma_start3A_827 = tpu.memref_squeeze %dma_start3A_826 : memref<1x128xi32, #tpu.memory_space<vmem>> -> memref<128xi32, #tpu.memory_space<vmem>>
      %dma_start3A_828 = arith.constant 0 : i32
      %dma_start3A_829 = tpu.memref_slice %arg37[%dma_start3A_828] : memref<1000960xf32, #tpu.memory_space<vmem_shared>> -> memref<1000960xf32, #tpu.memory_space<vmem_shared>>
      tpu.enqueue_indirect_dma source(%dma_start3A_829 : memref<1000960xf32, #tpu.memory_space<vmem_shared>>) target(%dma_start3A_824 : memref<128xf32, #tpu.memory_space<vmem>>) offsets(%dma_start3A_827 : memref<128xi32, #tpu.memory_space<vmem>>) semaphore(%arg39 : memref<!tpu.dma_semaphore, #tpu.memory_space<semaphore_mem>>)
      %dma_start3A_830 = arith.constant 7 : i32
      %dma_start3A_831 = arith.constant 896 : i32
      %dma_start3A_832 = tpu.memref_slice %arg34[%dma_start3A_831] : memref<1024xf32, #tpu.memory_space<vmem>> -> memref<128xf32, #tpu.memory_space<vmem>>
      %dma_start3A_833 = arith.constant 0 : i32
      %dma_start3A_834 = tpu.memref_slice %arg20[%dma_start3A_830, %dma_start3A_833] : memref<8x128xi32, #tpu.memory_space<vmem>> -> memref<1x128xi32, #tpu.memory_space<vmem>>
      %dma_start3A_835 = tpu.memref_squeeze %dma_start3A_834 : memref<1x128xi32, #tpu.memory_space<vmem>> -> memref<128xi32, #tpu.memory_space<vmem>>
      %dma_start3A_836 = arith.constant 0 : i32
      %dma_start3A_837 = tpu.memref_slice %arg37[%dma_start3A_836] : memref<1000960xf32, #tpu.memory_space<vmem_shared>> -> memref<1000960xf32, #tpu.memory_space<vmem_shared>>
      tpu.enqueue_indirect_dma source(%dma_start3A_837 : memref<1000960xf32, #tpu.memory_space<vmem_shared>>) target(%dma_start3A_832 : memref<128xf32, #tpu.memory_space<vmem>>) offsets(%dma_start3A_835 : memref<128xi32, #tpu.memory_space<vmem>>) semaphore(%arg39 : memref<!tpu.dma_semaphore, #tpu.memory_space<semaphore_mem>>)
      %dma_wait3A_838 = arith.constant 0 : i32
      %dma_wait3A_839 = arith.constant 0 : i32
      %dma_wait3A_840 = tpu.memref_slice %arg31[%dma_wait3A_839] : memref<1024xf32, #tpu.memory_space<vmem>> -> memref<128xf32, #tpu.memory_space<vmem>>
      %dma_wait3A_841 = arith.constant 0 : i32
      %dma_wait3A_842 = tpu.memref_slice %arg15[%dma_wait3A_838, %dma_wait3A_841] : memref<8x128xi32, #tpu.memory_space<vmem>> -> memref<1x128xi32, #tpu.memory_space<vmem>>
      %dma_wait3A_843 = tpu.memref_squeeze %dma_wait3A_842 : memref<1x128xi32, #tpu.memory_space<vmem>> -> memref<128xi32, #tpu.memory_space<vmem>>
      %dma_wait3A_844 = arith.constant 0 : i32
      %dma_wait3A_845 = tpu.memref_slice %arg37[%dma_wait3A_844] : memref<1000960xf32, #tpu.memory_space<vmem_shared>> -> memref<1000960xf32, #tpu.memory_space<vmem_shared>>
      tpu.wait_indirect_dma semaphore(%arg39 : memref<!tpu.dma_semaphore, #tpu.memory_space<semaphore_mem>>) src(%dma_wait3A_845 : memref<1000960xf32, #tpu.memory_space<vmem_shared>>) dst(%dma_wait3A_840 : memref<128xf32, #tpu.memory_space<vmem>>)
      %dma_wait3A_846 = arith.constant 0 : i32
      %dma_wait3A_847 = arith.constant 0 : i32
      %dma_wait3A_848 = tpu.memref_slice %arg32[%dma_wait3A_847] : memref<1024xf32, #tpu.memory_space<vmem>> -> memref<128xf32, #tpu.memory_space<vmem>>
      %dma_wait3A_849 = arith.constant 0 : i32
      %dma_wait3A_850 = tpu.memref_slice %arg19[%dma_wait3A_846, %dma_wait3A_849] : memref<8x128xi32, #tpu.memory_space<vmem>> -> memref<1x128xi32, #tpu.memory_space<vmem>>
      %dma_wait3A_851 = tpu.memref_squeeze %dma_wait3A_850 : memref<1x128xi32, #tpu.memory_space<vmem>> -> memref<128xi32, #tpu.memory_space<vmem>>
      %dma_wait3A_852 = arith.constant 0 : i32
      %dma_wait3A_853 = tpu.memref_slice %arg37[%dma_wait3A_852] : memref<1000960xf32, #tpu.memory_space<vmem_shared>> -> memref<1000960xf32, #tpu.memory_space<vmem_shared>>
      tpu.wait_indirect_dma semaphore(%arg39 : memref<!tpu.dma_semaphore, #tpu.memory_space<semaphore_mem>>) src(%dma_wait3A_853 : memref<1000960xf32, #tpu.memory_space<vmem_shared>>) dst(%dma_wait3A_848 : memref<128xf32, #tpu.memory_space<vmem>>)
      %dma_wait3A_854 = arith.constant 0 : i32
      %dma_wait3A_855 = arith.constant 0 : i32
      %dma_wait3A_856 = tpu.memref_slice %arg33[%dma_wait3A_855] : memref<1024xf32, #tpu.memory_space<vmem>> -> memref<128xf32, #tpu.memory_space<vmem>>
      %dma_wait3A_857 = arith.constant 0 : i32
      %dma_wait3A_858 = tpu.memref_slice %arg16[%dma_wait3A_854, %dma_wait3A_857] : memref<8x128xi32, #tpu.memory_space<vmem>> -> memref<1x128xi32, #tpu.memory_space<vmem>>
      %dma_wait3A_859 = tpu.memref_squeeze %dma_wait3A_858 : memref<1x128xi32, #tpu.memory_space<vmem>> -> memref<128xi32, #tpu.memory_space<vmem>>
      %dma_wait3A_860 = arith.constant 0 : i32
      %dma_wait3A_861 = tpu.memref_slice %arg37[%dma_wait3A_860] : memref<1000960xf32, #tpu.memory_space<vmem_shared>> -> memref<1000960xf32, #tpu.memory_space<vmem_shared>>
      tpu.wait_indirect_dma semaphore(%arg39 : memref<!tpu.dma_semaphore, #tpu.memory_space<semaphore_mem>>) src(%dma_wait3A_861 : memref<1000960xf32, #tpu.memory_space<vmem_shared>>) dst(%dma_wait3A_856 : memref<128xf32, #tpu.memory_space<vmem>>)
      %dma_wait3A_862 = arith.constant 0 : i32
      %dma_wait3A_863 = arith.constant 0 : i32
      %dma_wait3A_864 = tpu.memref_slice %arg34[%dma_wait3A_863] : memref<1024xf32, #tpu.memory_space<vmem>> -> memref<128xf32, #tpu.memory_space<vmem>>
      %dma_wait3A_865 = arith.constant 0 : i32
      %dma_wait3A_866 = tpu.memref_slice %arg20[%dma_wait3A_862, %dma_wait3A_865] : memref<8x128xi32, #tpu.memory_space<vmem>> -> memref<1x128xi32, #tpu.memory_space<vmem>>
      %dma_wait3A_867 = tpu.memref_squeeze %dma_wait3A_866 : memref<1x128xi32, #tpu.memory_space<vmem>> -> memref<128xi32, #tpu.memory_space<vmem>>
      %dma_wait3A_868 = arith.constant 0 : i32
      %dma_wait3A_869 = tpu.memref_slice %arg37[%dma_wait3A_868] : memref<1000960xf32, #tpu.memory_space<vmem_shared>> -> memref<1000960xf32, #tpu.memory_space<vmem_shared>>
      tpu.wait_indirect_dma semaphore(%arg39 : memref<!tpu.dma_semaphore, #tpu.memory_space<semaphore_mem>>) src(%dma_wait3A_869 : memref<1000960xf32, #tpu.memory_space<vmem_shared>>) dst(%dma_wait3A_864 : memref<128xf32, #tpu.memory_space<vmem>>)
      %scan3A_870 = arith.constant 0 : i32
      %scan3A_871 = arith.constant 0 : i32
      %scan3A_872 = arith.constant 8 : i32
      %scan3A_873 = arith.addi %scan3A_871, %scan3A_872 : i32
      %scan3A_874 = arith.constant 1 : i32
      %scan3A_875 = scf.for %scan3A_1152 = %scan3A_871 to %scan3A_873 step %scan3A_874 iter_args(%scan3A_1153 = %scan3A_870) -> (i32)  : i32 {
        %mul3A_1154 = arith.constant 16 : i32
        %mul3A_1155 = arith.muli %scan3A_1152, %mul3A_1154 : i32
        %get3A = arith.index_cast %mul3A_1155 : i32 to index
        %get3A_1156 = tpu.vector_load %arg11[%get3A] {strides = array<i32>} : memref<1024xf32, #tpu.memory_space<vmem>>, vector<16xf32>,
        %get3A_1157 = arith.index_cast %mul3A_1155 : i32 to index
        %get3A_1158 = tpu.vector_load %arg12[%get3A_1157] {strides = array<i32>} : memref<1024xf32, #tpu.memory_space<vmem>>, vector<16xf32>,
        %get3A_1159 = arith.index_cast %mul3A_1155 : i32 to index
        %get3A_1160 = tpu.vector_load %arg23[%get3A_1159] {strides = array<i32>} : memref<1024xi32, #tpu.memory_space<vmem>>, vector<16xi32>,
        %gt3A = arith.constant 0 : i32
        %gt3A_1161 = vector.broadcast %gt3A : i32 to vector<16xi32>
        %gt3A_1162 = arith.cmpi sgt, %get3A_1160, %gt3A_1161 : vector<16xi32>
        %get3A_1163 = arith.index_cast %mul3A_1155 : i32 to index
        %get3A_1164 = tpu.vector_load %arg24[%get3A_1163] {strides = array<i32>} : memref<1024xi32, #tpu.memory_space<vmem>>, vector<16xi32>,
        %gt3A_1165 = arith.constant 0 : i32
        %gt3A_1166 = vector.broadcast %gt3A_1165 : i32 to vector<16xi32>
        %gt3A_1167 = arith.cmpi sgt, %get3A_1164, %gt3A_1166 : vector<16xi32>
        %get3A_1168 = arith.index_cast %mul3A_1155 : i32 to index
        %get3A_1169 = tpu.vector_load %arg25[%get3A_1168] {strides = array<i32>} : memref<1024xi32, #tpu.memory_space<vmem>>, vector<16xi32>,
        %gt3A_1170 = arith.constant 0 : i32
        %gt3A_1171 = vector.broadcast %gt3A_1170 : i32 to vector<16xi32>
        %gt3A_1172 = arith.cmpi sgt, %get3A_1169, %gt3A_1171 : vector<16xi32>
        %get3A_1173 = arith.index_cast %mul3A_1155 : i32 to index
        %get3A_1174 = tpu.vector_load %arg26[%get3A_1173] {strides = array<i32>} : memref<1024xi32, #tpu.memory_space<vmem>>, vector<16xi32>,
        %gt3A_1175 = arith.constant 0 : i32
        %gt3A_1176 = vector.broadcast %gt3A_1175 : i32 to vector<16xi32>
        %gt3A_1177 = arith.cmpi sgt, %get3A_1174, %gt3A_1176 : vector<16xi32>
        %get3A_1178 = arith.index_cast %mul3A_1155 : i32 to index
        %get3A_1179 = tpu.vector_load %arg21[%get3A_1178] {strides = array<i32>} : memref<1024xi32, #tpu.memory_space<vmem>>, vector<16xi32>,
        %mul3A_1180 = arith.constant 20 : i32
        %mul3A_1181 = arith.muli %add3A, %mul3A_1180 : i32
        %add3A_1182 = vector.broadcast %mul3A_1181 : i32 to vector<16xi32>
        %add3A_1183 = arith.addi %get3A_1179, %add3A_1182 : vector<16xi32>
        %get3A_1184 = arith.index_cast %mul3A_1155 : i32 to index
        %get3A_1185 = tpu.vector_load %arg22[%get3A_1184] {strides = array<i32>} : memref<1024xi32, #tpu.memory_space<vmem>>, vector<16xi32>,
        %mul3A_1186 = arith.constant 20 : i32
        %mul3A_1187 = arith.muli %add3A, %mul3A_1186 : i32
        %add3A_1188 = vector.broadcast %mul3A_1187 : i32 to vector<16xi32>
        %add3A_1189 = arith.addi %get3A_1185, %add3A_1188 : vector<16xi32>
        %get3A_1190 = arith.index_cast %mul3A_1155 : i32 to index
        %get3A_1191 = tpu.vector_load %arg31[%get3A_1190] {strides = array<i32>} : memref<1024xf32, #tpu.memory_space<vmem>>, vector<16xf32>,
        %get3A_1192 = arith.index_cast %mul3A_1155 : i32 to index
        %get3A_1193 = tpu.vector_load %arg27[%get3A_1192] {strides = array<i32>} : memref<1024xf32, #tpu.memory_space<vmem>>, vector<16xf32>,
        %select_n3A_1194 = arith.select %gt3A_1162, %get3A_1191, %get3A_1193 : vector<16xi1>, vector<16xf32>
        %get3A_1195 = arith.index_cast %mul3A_1155 : i32 to index
        %get3A_1196 = tpu.vector_load %arg32[%get3A_1195] {strides = array<i32>} : memref<1024xf32, #tpu.memory_space<vmem>>, vector<16xf32>,
        %get3A_1197 = arith.index_cast %mul3A_1155 : i32 to index
        %get3A_1198 = tpu.vector_load %arg28[%get3A_1197] {strides = array<i32>} : memref<1024xf32, #tpu.memory_space<vmem>>, vector<16xf32>,
        %select_n3A_1199 = arith.select %gt3A_1162, %get3A_1196, %get3A_1198 : vector<16xi1>, vector<16xf32>
        %get3A_1200 = arith.index_cast %mul3A_1155 : i32 to index
        %get3A_1201 = tpu.vector_load %arg33[%get3A_1200] {strides = array<i32>} : memref<1024xf32, #tpu.memory_space<vmem>>, vector<16xf32>,
        %get3A_1202 = arith.index_cast %mul3A_1155 : i32 to index
        %get3A_1203 = tpu.vector_load %arg29[%get3A_1202] {strides = array<i32>} : memref<1024xf32, #tpu.memory_space<vmem>>, vector<16xf32>,
        %select_n3A_1204 = arith.select %gt3A_1167, %get3A_1201, %get3A_1203 : vector<16xi1>, vector<16xf32>
        %get3A_1205 = arith.index_cast %mul3A_1155 : i32 to index
        %get3A_1206 = tpu.vector_load %arg34[%get3A_1205] {strides = array<i32>} : memref<1024xf32, #tpu.memory_space<vmem>>, vector<16xf32>,
        %get3A_1207 = arith.index_cast %mul3A_1155 : i32 to index
        %get3A_1208 = tpu.vector_load %arg30[%get3A_1207] {strides = array<i32>} : memref<1024xf32, #tpu.memory_space<vmem>>, vector<16xf32>,
        %select_n3A_1209 = arith.select %gt3A_1167, %get3A_1206, %get3A_1208 : vector<16xi1>, vector<16xf32>
        %gather3A = tpu.vector_load_idx %arg36[%add3A_1183] : memref<10240xf32, #tpu.memory_space<vmem>>[vector<16xi32>], vector<16xf32>,
        %select_n3A_1210 = arith.select %gt3A_1172, %gather3A, %select_n3A_1194 : vector<16xi1>, vector<16xf32>
        %add3A_1211 = arith.constant 1 : i32
        %add3A_1212 = vector.broadcast %add3A_1211 : i32 to vector<16xi32>
        %add3A_1213 = arith.addi %add3A_1183, %add3A_1212 : vector<16xi32>
        %gather3A_1214 = tpu.vector_load_idx %arg36[%add3A_1213] : memref<10240xf32, #tpu.memory_space<vmem>>[vector<16xi32>], vector<16xf32>,
        %select_n3A_1215 = arith.select %gt3A_1172, %gather3A_1214, %select_n3A_1199 : vector<16xi1>, vector<16xf32>
        %gather3A_1216 = tpu.vector_load_idx %arg36[%add3A_1189] : memref<10240xf32, #tpu.memory_space<vmem>>[vector<16xi32>], vector<16xf32>,
        %select_n3A_1217 = arith.select %gt3A_1177, %gather3A_1216, %select_n3A_1204 : vector<16xi1>, vector<16xf32>
        %add3A_1218 = arith.constant 1 : i32
        %add3A_1219 = vector.broadcast %add3A_1218 : i32 to vector<16xi32>
        %add3A_1220 = arith.addi %add3A_1189, %add3A_1219 : vector<16xi32>
        %gather3A_1221 = tpu.vector_load_idx %arg36[%add3A_1220] : memref<10240xf32, #tpu.memory_space<vmem>>[vector<16xi32>], vector<16xf32>,
        %select_n3A_1222 = arith.select %gt3A_1177, %gather3A_1221, %select_n3A_1209 : vector<16xi1>, vector<16xf32>
        %mul3A_1223 = arith.mulf %get3A_1158, %select_n3A_1210 : vector<16xf32>
        %mul3A_1224 = arith.mulf %get3A_1156, %select_n3A_1215 : vector<16xf32>
        %add3A_1225 = arith.addf %mul3A_1223, %mul3A_1224 : vector<16xf32>
        %mul3A_1226 = arith.mulf %get3A_1158, %select_n3A_1217 : vector<16xf32>
        %mul3A_1227 = arith.mulf %get3A_1156, %select_n3A_1222 : vector<16xf32>
        %add3A_1228 = arith.addf %mul3A_1226, %mul3A_1227 : vector<16xf32>
        %sub3A = arith.subf %add3A_1225, %add3A_1228 : vector<16xf32>
        %get3A_1229 = arith.index_cast %mul3A_1155 : i32 to index
        %get3A_1230 = tpu.vector_load %arg35[%get3A_1229] {strides = array<i32>} : memref<1024xf32, #tpu.memory_space<vmem>>, vector<16xf32>,
        %mul3A_1231 = arith.mulf %sub3A, %sub3A : vector<16xf32>
        %add3A_1232 = arith.addf %get3A_1230, %mul3A_1231 : vector<16xf32>
        %swap3A = arith.index_cast %mul3A_1155 : i32 to index
        %swap3A_1233 = tpu.vector_load %arg35[%swap3A] {strides = array<i32>} : memref<1024xf32, #tpu.memory_space<vmem>>, vector<16xf32>,
        tpu.vector_store %arg35[%swap3A], %add3A_1232 {strides = array<i32>} : memref<1024xf32, #tpu.memory_space<vmem>>, vector<16xf32>,
        %scan3A_1234 = arith.constant 0 : i32
        scf.yield %scan3A_1234 : i32
      }
      %scan3A_876 = arith.constant 8 : i32
      %dma_wait3A_877 = arith.constant 1 : i32
      %dma_wait3A_878 = arith.constant 128 : i32
      %dma_wait3A_879 = tpu.memref_slice %arg31[%dma_wait3A_878] : memref<1024xf32, #tpu.memory_space<vmem>> -> memref<128xf32, #tpu.memory_space<vmem>>
      %dma_wait3A_880 = arith.constant 0 : i32
      %dma_wait3A_881 = tpu.memref_slice %arg15[%dma_wait3A_877, %dma_wait3A_880] : memref<8x128xi32, #tpu.memory_space<vmem>> -> memref<1x128xi32, #tpu.memory_space<vmem>>
      %dma_wait3A_882 = tpu.memref_squeeze %dma_wait3A_881 : memref<1x128xi32, #tpu.memory_space<vmem>> -> memref<128xi32, #tpu.memory_space<vmem>>
      %dma_wait3A_883 = arith.constant 0 : i32
      %dma_wait3A_884 = tpu.memref_slice %arg37[%dma_wait3A_883] : memref<1000960xf32, #tpu.memory_space<vmem_shared>> -> memref<1000960xf32, #tpu.memory_space<vmem_shared>>
      tpu.wait_indirect_dma semaphore(%arg39 : memref<!tpu.dma_semaphore, #tpu.memory_space<semaphore_mem>>) src(%dma_wait3A_884 : memref<1000960xf32, #tpu.memory_space<vmem_shared>>) dst(%dma_wait3A_879 : memref<128xf32, #tpu.memory_space<vmem>>)
      %dma_wait3A_885 = arith.constant 1 : i32
      %dma_wait3A_886 = arith.constant 128 : i32
      %dma_wait3A_887 = tpu.memref_slice %arg32[%dma_wait3A_886] : memref<1024xf32, #tpu.memory_space<vmem>> -> memref<128xf32, #tpu.memory_space<vmem>>
      %dma_wait3A_888 = arith.constant 0 : i32
      %dma_wait3A_889 = tpu.memref_slice %arg19[%dma_wait3A_885, %dma_wait3A_888] : memref<8x128xi32, #tpu.memory_space<vmem>> -> memref<1x128xi32, #tpu.memory_space<vmem>>
      %dma_wait3A_890 = tpu.memref_squeeze %dma_wait3A_889 : memref<1x128xi32, #tpu.memory_space<vmem>> -> memref<128xi32, #tpu.memory_space<vmem>>
      %dma_wait3A_891 = arith.constant 0 : i32
      %dma_wait3A_892 = tpu.memref_slice %arg37[%dma_wait3A_891] : memref<1000960xf32, #tpu.memory_space<vmem_shared>> -> memref<1000960xf32, #tpu.memory_space<vmem_shared>>
      tpu.wait_indirect_dma semaphore(%arg39 : memref<!tpu.dma_semaphore, #tpu.memory_space<semaphore_mem>>) src(%dma_wait3A_892 : memref<1000960xf32, #tpu.memory_space<vmem_shared>>) dst(%dma_wait3A_887 : memref<128xf32, #tpu.memory_space<vmem>>)
      %dma_wait3A_893 = arith.constant 1 : i32
      %dma_wait3A_894 = arith.constant 128 : i32
      %dma_wait3A_895 = tpu.memref_slice %arg33[%dma_wait3A_894] : memref<1024xf32, #tpu.memory_space<vmem>> -> memref<128xf32, #tpu.memory_space<vmem>>
      %dma_wait3A_896 = arith.constant 0 : i32
      %dma_wait3A_897 = tpu.memref_slice %arg16[%dma_wait3A_893, %dma_wait3A_896] : memref<8x128xi32, #tpu.memory_space<vmem>> -> memref<1x128xi32, #tpu.memory_space<vmem>>
      %dma_wait3A_898 = tpu.memref_squeeze %dma_wait3A_897 : memref<1x128xi32, #tpu.memory_space<vmem>> -> memref<128xi32, #tpu.memory_space<vmem>>
      %dma_wait3A_899 = arith.constant 0 : i32
      %dma_wait3A_900 = tpu.memref_slice %arg37[%dma_wait3A_899] : memref<1000960xf32, #tpu.memory_space<vmem_shared>> -> memref<1000960xf32, #tpu.memory_space<vmem_shared>>
      tpu.wait_indirect_dma semaphore(%arg39 : memref<!tpu.dma_semaphore, #tpu.memory_space<semaphore_mem>>) src(%dma_wait3A_900 : memref<1000960xf32, #tpu.memory_space<vmem_shared>>) dst(%dma_wait3A_895 : memref<128xf32, #tpu.memory_space<vmem>>)
      %dma_wait3A_901 = arith.constant 1 : i32
      %dma_wait3A_902 = arith.constant 128 : i32
      %dma_wait3A_903 = tpu.memref_slice %arg34[%dma_wait3A_902] : memref<1024xf32, #tpu.memory_space<vmem>> -> memref<128xf32, #tpu.memory_space<vmem>>
      %dma_wait3A_904 = arith.constant 0 : i32
      %dma_wait3A_905 = tpu.memref_slice %arg20[%dma_wait3A_901, %dma_wait3A_904] : memref<8x128xi32, #tpu.memory_space<vmem>> -> memref<1x128xi32, #tpu.memory_space<vmem>>
      %dma_wait3A_906 = tpu.memref_squeeze %dma_wait3A_905 : memref<1x128xi32, #tpu.memory_space<vmem>> -> memref<128xi32, #tpu.memory_space<vmem>>
      %dma_wait3A_907 = arith.constant 0 : i32
      %dma_wait3A_908 = tpu.memref_slice %arg37[%dma_wait3A_907] : memref<1000960xf32, #tpu.memory_space<vmem_shared>> -> memref<1000960xf32, #tpu.memory_space<vmem_shared>>
      tpu.wait_indirect_dma semaphore(%arg39 : memref<!tpu.dma_semaphore, #tpu.memory_space<semaphore_mem>>) src(%dma_wait3A_908 : memref<1000960xf32, #tpu.memory_space<vmem_shared>>) dst(%dma_wait3A_903 : memref<128xf32, #tpu.memory_space<vmem>>)
      %scan3A_909 = arith.constant 0 : i32
      %scan3A_910 = arith.constant 8 : i32
      %scan3A_911 = arith.constant 8 : i32
      %scan3A_912 = arith.addi %scan3A_910, %scan3A_911 : i32
      %scan3A_913 = arith.constant 1 : i32
      %scan3A_914 = scf.for %scan3A_1152 = %scan3A_910 to %scan3A_912 step %scan3A_913 iter_args(%scan3A_1153 = %scan3A_909) -> (i32)  : i32 {
        %mul3A_1154 = arith.constant 16 : i32
        %mul3A_1155 = arith.muli %scan3A_1152, %mul3A_1154 : i32
        %get3A = arith.index_cast %mul3A_1155 : i32 to index
        %get3A_1156 = tpu.vector_load %arg11[%get3A] {strides = array<i32>} : memref<1024xf32, #tpu.memory_space<vmem>>, vector<16xf32>,
        %get3A_1157 = arith.index_cast %mul3A_1155 : i32 to index
        %get3A_1158 = tpu.vector_load %arg12[%get3A_1157] {strides = array<i32>} : memref<1024xf32, #tpu.memory_space<vmem>>, vector<16xf32>,
        %get3A_1159 = arith.index_cast %mul3A_1155 : i32 to index
        %get3A_1160 = tpu.vector_load %arg23[%get3A_1159] {strides = array<i32>} : memref<1024xi32, #tpu.memory_space<vmem>>, vector<16xi32>,
        %gt3A = arith.constant 0 : i32
        %gt3A_1161 = vector.broadcast %gt3A : i32 to vector<16xi32>
        %gt3A_1162 = arith.cmpi sgt, %get3A_1160, %gt3A_1161 : vector<16xi32>
        %get3A_1163 = arith.index_cast %mul3A_1155 : i32 to index
        %get3A_1164 = tpu.vector_load %arg24[%get3A_1163] {strides = array<i32>} : memref<1024xi32, #tpu.memory_space<vmem>>, vector<16xi32>,
        %gt3A_1165 = arith.constant 0 : i32
        %gt3A_1166 = vector.broadcast %gt3A_1165 : i32 to vector<16xi32>
        %gt3A_1167 = arith.cmpi sgt, %get3A_1164, %gt3A_1166 : vector<16xi32>
        %get3A_1168 = arith.index_cast %mul3A_1155 : i32 to index
        %get3A_1169 = tpu.vector_load %arg25[%get3A_1168] {strides = array<i32>} : memref<1024xi32, #tpu.memory_space<vmem>>, vector<16xi32>,
        %gt3A_1170 = arith.constant 0 : i32
        %gt3A_1171 = vector.broadcast %gt3A_1170 : i32 to vector<16xi32>
        %gt3A_1172 = arith.cmpi sgt, %get3A_1169, %gt3A_1171 : vector<16xi32>
        %get3A_1173 = arith.index_cast %mul3A_1155 : i32 to index
        %get3A_1174 = tpu.vector_load %arg26[%get3A_1173] {strides = array<i32>} : memref<1024xi32, #tpu.memory_space<vmem>>, vector<16xi32>,
        %gt3A_1175 = arith.constant 0 : i32
        %gt3A_1176 = vector.broadcast %gt3A_1175 : i32 to vector<16xi32>
        %gt3A_1177 = arith.cmpi sgt, %get3A_1174, %gt3A_1176 : vector<16xi32>
        %get3A_1178 = arith.index_cast %mul3A_1155 : i32 to index
        %get3A_1179 = tpu.vector_load %arg21[%get3A_1178] {strides = array<i32>} : memref<1024xi32, #tpu.memory_space<vmem>>, vector<16xi32>,
        %mul3A_1180 = arith.constant 20 : i32
        %mul3A_1181 = arith.muli %add3A, %mul3A_1180 : i32
        %add3A_1182 = vector.broadcast %mul3A_1181 : i32 to vector<16xi32>
        %add3A_1183 = arith.addi %get3A_1179, %add3A_1182 : vector<16xi32>
        %get3A_1184 = arith.index_cast %mul3A_1155 : i32 to index
        %get3A_1185 = tpu.vector_load %arg22[%get3A_1184] {strides = array<i32>} : memref<1024xi32, #tpu.memory_space<vmem>>, vector<16xi32>,
        %mul3A_1186 = arith.constant 20 : i32
        %mul3A_1187 = arith.muli %add3A, %mul3A_1186 : i32
        %add3A_1188 = vector.broadcast %mul3A_1187 : i32 to vector<16xi32>
        %add3A_1189 = arith.addi %get3A_1185, %add3A_1188 : vector<16xi32>
        %get3A_1190 = arith.index_cast %mul3A_1155 : i32 to index
        %get3A_1191 = tpu.vector_load %arg31[%get3A_1190] {strides = array<i32>} : memref<1024xf32, #tpu.memory_space<vmem>>, vector<16xf32>,
        %get3A_1192 = arith.index_cast %mul3A_1155 : i32 to index
        %get3A_1193 = tpu.vector_load %arg27[%get3A_1192] {strides = array<i32>} : memref<1024xf32, #tpu.memory_space<vmem>>, vector<16xf32>,
        %select_n3A_1194 = arith.select %gt3A_1162, %get3A_1191, %get3A_1193 : vector<16xi1>, vector<16xf32>
        %get3A_1195 = arith.index_cast %mul3A_1155 : i32 to index
        %get3A_1196 = tpu.vector_load %arg32[%get3A_1195] {strides = array<i32>} : memref<1024xf32, #tpu.memory_space<vmem>>, vector<16xf32>,
        %get3A_1197 = arith.index_cast %mul3A_1155 : i32 to index
        %get3A_1198 = tpu.vector_load %arg28[%get3A_1197] {strides = array<i32>} : memref<1024xf32, #tpu.memory_space<vmem>>, vector<16xf32>,
        %select_n3A_1199 = arith.select %gt3A_1162, %get3A_1196, %get3A_1198 : vector<16xi1>, vector<16xf32>
        %get3A_1200 = arith.index_cast %mul3A_1155 : i32 to index
        %get3A_1201 = tpu.vector_load %arg33[%get3A_1200] {strides = array<i32>} : memref<1024xf32, #tpu.memory_space<vmem>>, vector<16xf32>,
        %get3A_1202 = arith.index_cast %mul3A_1155 : i32 to index
        %get3A_1203 = tpu.vector_load %arg29[%get3A_1202] {strides = array<i32>} : memref<1024xf32, #tpu.memory_space<vmem>>, vector<16xf32>,
        %select_n3A_1204 = arith.select %gt3A_1167, %get3A_1201, %get3A_1203 : vector<16xi1>, vector<16xf32>
        %get3A_1205 = arith.index_cast %mul3A_1155 : i32 to index
        %get3A_1206 = tpu.vector_load %arg34[%get3A_1205] {strides = array<i32>} : memref<1024xf32, #tpu.memory_space<vmem>>, vector<16xf32>,
        %get3A_1207 = arith.index_cast %mul3A_1155 : i32 to index
        %get3A_1208 = tpu.vector_load %arg30[%get3A_1207] {strides = array<i32>} : memref<1024xf32, #tpu.memory_space<vmem>>, vector<16xf32>,
        %select_n3A_1209 = arith.select %gt3A_1167, %get3A_1206, %get3A_1208 : vector<16xi1>, vector<16xf32>
        %gather3A = tpu.vector_load_idx %arg36[%add3A_1183] : memref<10240xf32, #tpu.memory_space<vmem>>[vector<16xi32>], vector<16xf32>,
        %select_n3A_1210 = arith.select %gt3A_1172, %gather3A, %select_n3A_1194 : vector<16xi1>, vector<16xf32>
        %add3A_1211 = arith.constant 1 : i32
        %add3A_1212 = vector.broadcast %add3A_1211 : i32 to vector<16xi32>
        %add3A_1213 = arith.addi %add3A_1183, %add3A_1212 : vector<16xi32>
        %gather3A_1214 = tpu.vector_load_idx %arg36[%add3A_1213] : memref<10240xf32, #tpu.memory_space<vmem>>[vector<16xi32>], vector<16xf32>,
        %select_n3A_1215 = arith.select %gt3A_1172, %gather3A_1214, %select_n3A_1199 : vector<16xi1>, vector<16xf32>
        %gather3A_1216 = tpu.vector_load_idx %arg36[%add3A_1189] : memref<10240xf32, #tpu.memory_space<vmem>>[vector<16xi32>], vector<16xf32>,
        %select_n3A_1217 = arith.select %gt3A_1177, %gather3A_1216, %select_n3A_1204 : vector<16xi1>, vector<16xf32>
        %add3A_1218 = arith.constant 1 : i32
        %add3A_1219 = vector.broadcast %add3A_1218 : i32 to vector<16xi32>
        %add3A_1220 = arith.addi %add3A_1189, %add3A_1219 : vector<16xi32>
        %gather3A_1221 = tpu.vector_load_idx %arg36[%add3A_1220] : memref<10240xf32, #tpu.memory_space<vmem>>[vector<16xi32>], vector<16xf32>,
        %select_n3A_1222 = arith.select %gt3A_1177, %gather3A_1221, %select_n3A_1209 : vector<16xi1>, vector<16xf32>
        %mul3A_1223 = arith.mulf %get3A_1158, %select_n3A_1210 : vector<16xf32>
        %mul3A_1224 = arith.mulf %get3A_1156, %select_n3A_1215 : vector<16xf32>
        %add3A_1225 = arith.addf %mul3A_1223, %mul3A_1224 : vector<16xf32>
        %mul3A_1226 = arith.mulf %get3A_1158, %select_n3A_1217 : vector<16xf32>
        %mul3A_1227 = arith.mulf %get3A_1156, %select_n3A_1222 : vector<16xf32>
        %add3A_1228 = arith.addf %mul3A_1226, %mul3A_1227 : vector<16xf32>
        %sub3A = arith.subf %add3A_1225, %add3A_1228 : vector<16xf32>
        %get3A_1229 = arith.index_cast %mul3A_1155 : i32 to index
        %get3A_1230 = tpu.vector_load %arg35[%get3A_1229] {strides = array<i32>} : memref<1024xf32, #tpu.memory_space<vmem>>, vector<16xf32>,
        %mul3A_1231 = arith.mulf %sub3A, %sub3A : vector<16xf32>
        %add3A_1232 = arith.addf %get3A_1230, %mul3A_1231 : vector<16xf32>
        %swap3A = arith.index_cast %mul3A_1155 : i32 to index
        %swap3A_1233 = tpu.vector_load %arg35[%swap3A] {strides = array<i32>} : memref<1024xf32, #tpu.memory_space<vmem>>, vector<16xf32>,
        tpu.vector_store %arg35[%swap3A], %add3A_1232 {strides = array<i32>} : memref<1024xf32, #tpu.memory_space<vmem>>, vector<16xf32>,
        %scan3A_1234 = arith.constant 0 : i32
        scf.yield %scan3A_1234 : i32
      }
      %scan3A_915 = arith.constant 8 : i32
      %dma_wait3A_916 = arith.constant 2 : i32
      %dma_wait3A_917 = arith.constant 256 : i32
      %dma_wait3A_918 = tpu.memref_slice %arg31[%dma_wait3A_917] : memref<1024xf32, #tpu.memory_space<vmem>> -> memref<128xf32, #tpu.memory_space<vmem>>
      %dma_wait3A_919 = arith.constant 0 : i32
      %dma_wait3A_920 = tpu.memref_slice %arg15[%dma_wait3A_916, %dma_wait3A_919] : memref<8x128xi32, #tpu.memory_space<vmem>> -> memref<1x128xi32, #tpu.memory_space<vmem>>
      %dma_wait3A_921 = tpu.memref_squeeze %dma_wait3A_920 : memref<1x128xi32, #tpu.memory_space<vmem>> -> memref<128xi32, #tpu.memory_space<vmem>>
      %dma_wait3A_922 = arith.constant 0 : i32
      %dma_wait3A_923 = tpu.memref_slice %arg37[%dma_wait3A_922] : memref<1000960xf32, #tpu.memory_space<vmem_shared>> -> memref<1000960xf32, #tpu.memory_space<vmem_shared>>
      tpu.wait_indirect_dma semaphore(%arg39 : memref<!tpu.dma_semaphore, #tpu.memory_space<semaphore_mem>>) src(%dma_wait3A_923 : memref<1000960xf32, #tpu.memory_space<vmem_shared>>) dst(%dma_wait3A_918 : memref<128xf32, #tpu.memory_space<vmem>>)
      %dma_wait3A_924 = arith.constant 2 : i32
      %dma_wait3A_925 = arith.constant 256 : i32
      %dma_wait3A_926 = tpu.memref_slice %arg32[%dma_wait3A_925] : memref<1024xf32, #tpu.memory_space<vmem>> -> memref<128xf32, #tpu.memory_space<vmem>>
      %dma_wait3A_927 = arith.constant 0 : i32
      %dma_wait3A_928 = tpu.memref_slice %arg19[%dma_wait3A_924, %dma_wait3A_927] : memref<8x128xi32, #tpu.memory_space<vmem>> -> memref<1x128xi32, #tpu.memory_space<vmem>>
      %dma_wait3A_929 = tpu.memref_squeeze %dma_wait3A_928 : memref<1x128xi32, #tpu.memory_space<vmem>> -> memref<128xi32, #tpu.memory_space<vmem>>
      %dma_wait3A_930 = arith.constant 0 : i32
      %dma_wait3A_931 = tpu.memref_slice %arg37[%dma_wait3A_930] : memref<1000960xf32, #tpu.memory_space<vmem_shared>> -> memref<1000960xf32, #tpu.memory_space<vmem_shared>>
      tpu.wait_indirect_dma semaphore(%arg39 : memref<!tpu.dma_semaphore, #tpu.memory_space<semaphore_mem>>) src(%dma_wait3A_931 : memref<1000960xf32, #tpu.memory_space<vmem_shared>>) dst(%dma_wait3A_926 : memref<128xf32, #tpu.memory_space<vmem>>)
      %dma_wait3A_932 = arith.constant 2 : i32
      %dma_wait3A_933 = arith.constant 256 : i32
      %dma_wait3A_934 = tpu.memref_slice %arg33[%dma_wait3A_933] : memref<1024xf32, #tpu.memory_space<vmem>> -> memref<128xf32, #tpu.memory_space<vmem>>
      %dma_wait3A_935 = arith.constant 0 : i32
      %dma_wait3A_936 = tpu.memref_slice %arg16[%dma_wait3A_932, %dma_wait3A_935] : memref<8x128xi32, #tpu.memory_space<vmem>> -> memref<1x128xi32, #tpu.memory_space<vmem>>
      %dma_wait3A_937 = tpu.memref_squeeze %dma_wait3A_936 : memref<1x128xi32, #tpu.memory_space<vmem>> -> memref<128xi32, #tpu.memory_space<vmem>>
      %dma_wait3A_938 = arith.constant 0 : i32
      %dma_wait3A_939 = tpu.memref_slice %arg37[%dma_wait3A_938] : memref<1000960xf32, #tpu.memory_space<vmem_shared>> -> memref<1000960xf32, #tpu.memory_space<vmem_shared>>
      tpu.wait_indirect_dma semaphore(%arg39 : memref<!tpu.dma_semaphore, #tpu.memory_space<semaphore_mem>>) src(%dma_wait3A_939 : memref<1000960xf32, #tpu.memory_space<vmem_shared>>) dst(%dma_wait3A_934 : memref<128xf32, #tpu.memory_space<vmem>>)
      %dma_wait3A_940 = arith.constant 2 : i32
      %dma_wait3A_941 = arith.constant 256 : i32
      %dma_wait3A_942 = tpu.memref_slice %arg34[%dma_wait3A_941] : memref<1024xf32, #tpu.memory_space<vmem>> -> memref<128xf32, #tpu.memory_space<vmem>>
      %dma_wait3A_943 = arith.constant 0 : i32
      %dma_wait3A_944 = tpu.memref_slice %arg20[%dma_wait3A_940, %dma_wait3A_943] : memref<8x128xi32, #tpu.memory_space<vmem>> -> memref<1x128xi32, #tpu.memory_space<vmem>>
      %dma_wait3A_945 = tpu.memref_squeeze %dma_wait3A_944 : memref<1x128xi32, #tpu.memory_space<vmem>> -> memref<128xi32, #tpu.memory_space<vmem>>
      %dma_wait3A_946 = arith.constant 0 : i32
      %dma_wait3A_947 = tpu.memref_slice %arg37[%dma_wait3A_946] : memref<1000960xf32, #tpu.memory_space<vmem_shared>> -> memref<1000960xf32, #tpu.memory_space<vmem_shared>>
      tpu.wait_indirect_dma semaphore(%arg39 : memref<!tpu.dma_semaphore, #tpu.memory_space<semaphore_mem>>) src(%dma_wait3A_947 : memref<1000960xf32, #tpu.memory_space<vmem_shared>>) dst(%dma_wait3A_942 : memref<128xf32, #tpu.memory_space<vmem>>)
      %scan3A_948 = arith.constant 0 : i32
      %scan3A_949 = arith.constant 16 : i32
      %scan3A_950 = arith.constant 8 : i32
      %scan3A_951 = arith.addi %scan3A_949, %scan3A_950 : i32
      %scan3A_952 = arith.constant 1 : i32
      %scan3A_953 = scf.for %scan3A_1152 = %scan3A_949 to %scan3A_951 step %scan3A_952 iter_args(%scan3A_1153 = %scan3A_948) -> (i32)  : i32 {
        %mul3A_1154 = arith.constant 16 : i32
        %mul3A_1155 = arith.muli %scan3A_1152, %mul3A_1154 : i32
        %get3A = arith.index_cast %mul3A_1155 : i32 to index
        %get3A_1156 = tpu.vector_load %arg11[%get3A] {strides = array<i32>} : memref<1024xf32, #tpu.memory_space<vmem>>, vector<16xf32>,
        %get3A_1157 = arith.index_cast %mul3A_1155 : i32 to index
        %get3A_1158 = tpu.vector_load %arg12[%get3A_1157] {strides = array<i32>} : memref<1024xf32, #tpu.memory_space<vmem>>, vector<16xf32>,
        %get3A_1159 = arith.index_cast %mul3A_1155 : i32 to index
        %get3A_1160 = tpu.vector_load %arg23[%get3A_1159] {strides = array<i32>} : memref<1024xi32, #tpu.memory_space<vmem>>, vector<16xi32>,
        %gt3A = arith.constant 0 : i32
        %gt3A_1161 = vector.broadcast %gt3A : i32 to vector<16xi32>
        %gt3A_1162 = arith.cmpi sgt, %get3A_1160, %gt3A_1161 : vector<16xi32>
        %get3A_1163 = arith.index_cast %mul3A_1155 : i32 to index
        %get3A_1164 = tpu.vector_load %arg24[%get3A_1163] {strides = array<i32>} : memref<1024xi32, #tpu.memory_space<vmem>>, vector<16xi32>,
        %gt3A_1165 = arith.constant 0 : i32
        %gt3A_1166 = vector.broadcast %gt3A_1165 : i32 to vector<16xi32>
        %gt3A_1167 = arith.cmpi sgt, %get3A_1164, %gt3A_1166 : vector<16xi32>
        %get3A_1168 = arith.index_cast %mul3A_1155 : i32 to index
        %get3A_1169 = tpu.vector_load %arg25[%get3A_1168] {strides = array<i32>} : memref<1024xi32, #tpu.memory_space<vmem>>, vector<16xi32>,
        %gt3A_1170 = arith.constant 0 : i32
        %gt3A_1171 = vector.broadcast %gt3A_1170 : i32 to vector<16xi32>
        %gt3A_1172 = arith.cmpi sgt, %get3A_1169, %gt3A_1171 : vector<16xi32>
        %get3A_1173 = arith.index_cast %mul3A_1155 : i32 to index
        %get3A_1174 = tpu.vector_load %arg26[%get3A_1173] {strides = array<i32>} : memref<1024xi32, #tpu.memory_space<vmem>>, vector<16xi32>,
        %gt3A_1175 = arith.constant 0 : i32
        %gt3A_1176 = vector.broadcast %gt3A_1175 : i32 to vector<16xi32>
        %gt3A_1177 = arith.cmpi sgt, %get3A_1174, %gt3A_1176 : vector<16xi32>
        %get3A_1178 = arith.index_cast %mul3A_1155 : i32 to index
        %get3A_1179 = tpu.vector_load %arg21[%get3A_1178] {strides = array<i32>} : memref<1024xi32, #tpu.memory_space<vmem>>, vector<16xi32>,
        %mul3A_1180 = arith.constant 20 : i32
        %mul3A_1181 = arith.muli %add3A, %mul3A_1180 : i32
        %add3A_1182 = vector.broadcast %mul3A_1181 : i32 to vector<16xi32>
        %add3A_1183 = arith.addi %get3A_1179, %add3A_1182 : vector<16xi32>
        %get3A_1184 = arith.index_cast %mul3A_1155 : i32 to index
        %get3A_1185 = tpu.vector_load %arg22[%get3A_1184] {strides = array<i32>} : memref<1024xi32, #tpu.memory_space<vmem>>, vector<16xi32>,
        %mul3A_1186 = arith.constant 20 : i32
        %mul3A_1187 = arith.muli %add3A, %mul3A_1186 : i32
        %add3A_1188 = vector.broadcast %mul3A_1187 : i32 to vector<16xi32>
        %add3A_1189 = arith.addi %get3A_1185, %add3A_1188 : vector<16xi32>
        %get3A_1190 = arith.index_cast %mul3A_1155 : i32 to index
        %get3A_1191 = tpu.vector_load %arg31[%get3A_1190] {strides = array<i32>} : memref<1024xf32, #tpu.memory_space<vmem>>, vector<16xf32>,
        %get3A_1192 = arith.index_cast %mul3A_1155 : i32 to index
        %get3A_1193 = tpu.vector_load %arg27[%get3A_1192] {strides = array<i32>} : memref<1024xf32, #tpu.memory_space<vmem>>, vector<16xf32>,
        %select_n3A_1194 = arith.select %gt3A_1162, %get3A_1191, %get3A_1193 : vector<16xi1>, vector<16xf32>
        %get3A_1195 = arith.index_cast %mul3A_1155 : i32 to index
        %get3A_1196 = tpu.vector_load %arg32[%get3A_1195] {strides = array<i32>} : memref<1024xf32, #tpu.memory_space<vmem>>, vector<16xf32>,
        %get3A_1197 = arith.index_cast %mul3A_1155 : i32 to index
        %get3A_1198 = tpu.vector_load %arg28[%get3A_1197] {strides = array<i32>} : memref<1024xf32, #tpu.memory_space<vmem>>, vector<16xf32>,
        %select_n3A_1199 = arith.select %gt3A_1162, %get3A_1196, %get3A_1198 : vector<16xi1>, vector<16xf32>
        %get3A_1200 = arith.index_cast %mul3A_1155 : i32 to index
        %get3A_1201 = tpu.vector_load %arg33[%get3A_1200] {strides = array<i32>} : memref<1024xf32, #tpu.memory_space<vmem>>, vector<16xf32>,
        %get3A_1202 = arith.index_cast %mul3A_1155 : i32 to index
        %get3A_1203 = tpu.vector_load %arg29[%get3A_1202] {strides = array<i32>} : memref<1024xf32, #tpu.memory_space<vmem>>, vector<16xf32>,
        %select_n3A_1204 = arith.select %gt3A_1167, %get3A_1201, %get3A_1203 : vector<16xi1>, vector<16xf32>
        %get3A_1205 = arith.index_cast %mul3A_1155 : i32 to index
        %get3A_1206 = tpu.vector_load %arg34[%get3A_1205] {strides = array<i32>} : memref<1024xf32, #tpu.memory_space<vmem>>, vector<16xf32>,
        %get3A_1207 = arith.index_cast %mul3A_1155 : i32 to index
        %get3A_1208 = tpu.vector_load %arg30[%get3A_1207] {strides = array<i32>} : memref<1024xf32, #tpu.memory_space<vmem>>, vector<16xf32>,
        %select_n3A_1209 = arith.select %gt3A_1167, %get3A_1206, %get3A_1208 : vector<16xi1>, vector<16xf32>
        %gather3A = tpu.vector_load_idx %arg36[%add3A_1183] : memref<10240xf32, #tpu.memory_space<vmem>>[vector<16xi32>], vector<16xf32>,
        %select_n3A_1210 = arith.select %gt3A_1172, %gather3A, %select_n3A_1194 : vector<16xi1>, vector<16xf32>
        %add3A_1211 = arith.constant 1 : i32
        %add3A_1212 = vector.broadcast %add3A_1211 : i32 to vector<16xi32>
        %add3A_1213 = arith.addi %add3A_1183, %add3A_1212 : vector<16xi32>
        %gather3A_1214 = tpu.vector_load_idx %arg36[%add3A_1213] : memref<10240xf32, #tpu.memory_space<vmem>>[vector<16xi32>], vector<16xf32>,
        %select_n3A_1215 = arith.select %gt3A_1172, %gather3A_1214, %select_n3A_1199 : vector<16xi1>, vector<16xf32>
        %gather3A_1216 = tpu.vector_load_idx %arg36[%add3A_1189] : memref<10240xf32, #tpu.memory_space<vmem>>[vector<16xi32>], vector<16xf32>,
        %select_n3A_1217 = arith.select %gt3A_1177, %gather3A_1216, %select_n3A_1204 : vector<16xi1>, vector<16xf32>
        %add3A_1218 = arith.constant 1 : i32
        %add3A_1219 = vector.broadcast %add3A_1218 : i32 to vector<16xi32>
        %add3A_1220 = arith.addi %add3A_1189, %add3A_1219 : vector<16xi32>
        %gather3A_1221 = tpu.vector_load_idx %arg36[%add3A_1220] : memref<10240xf32, #tpu.memory_space<vmem>>[vector<16xi32>], vector<16xf32>,
        %select_n3A_1222 = arith.select %gt3A_1177, %gather3A_1221, %select_n3A_1209 : vector<16xi1>, vector<16xf32>
        %mul3A_1223 = arith.mulf %get3A_1158, %select_n3A_1210 : vector<16xf32>
        %mul3A_1224 = arith.mulf %get3A_1156, %select_n3A_1215 : vector<16xf32>
        %add3A_1225 = arith.addf %mul3A_1223, %mul3A_1224 : vector<16xf32>
        %mul3A_1226 = arith.mulf %get3A_1158, %select_n3A_1217 : vector<16xf32>
        %mul3A_1227 = arith.mulf %get3A_1156, %select_n3A_1222 : vector<16xf32>
        %add3A_1228 = arith.addf %mul3A_1226, %mul3A_1227 : vector<16xf32>
        %sub3A = arith.subf %add3A_1225, %add3A_1228 : vector<16xf32>
        %get3A_1229 = arith.index_cast %mul3A_1155 : i32 to index
        %get3A_1230 = tpu.vector_load %arg35[%get3A_1229] {strides = array<i32>} : memref<1024xf32, #tpu.memory_space<vmem>>, vector<16xf32>,
        %mul3A_1231 = arith.mulf %sub3A, %sub3A : vector<16xf32>
        %add3A_1232 = arith.addf %get3A_1230, %mul3A_1231 : vector<16xf32>
        %swap3A = arith.index_cast %mul3A_1155 : i32 to index
        %swap3A_1233 = tpu.vector_load %arg35[%swap3A] {strides = array<i32>} : memref<1024xf32, #tpu.memory_space<vmem>>, vector<16xf32>,
        tpu.vector_store %arg35[%swap3A], %add3A_1232 {strides = array<i32>} : memref<1024xf32, #tpu.memory_space<vmem>>, vector<16xf32>,
        %scan3A_1234 = arith.constant 0 : i32
        scf.yield %scan3A_1234 : i32
      }
      %scan3A_954 = arith.constant 8 : i32
      %dma_wait3A_955 = arith.constant 3 : i32
      %dma_wait3A_956 = arith.constant 384 : i32
      %dma_wait3A_957 = tpu.memref_slice %arg31[%dma_wait3A_956] : memref<1024xf32, #tpu.memory_space<vmem>> -> memref<128xf32, #tpu.memory_space<vmem>>
      %dma_wait3A_958 = arith.constant 0 : i32
      %dma_wait3A_959 = tpu.memref_slice %arg15[%dma_wait3A_955, %dma_wait3A_958] : memref<8x128xi32, #tpu.memory_space<vmem>> -> memref<1x128xi32, #tpu.memory_space<vmem>>
      %dma_wait3A_960 = tpu.memref_squeeze %dma_wait3A_959 : memref<1x128xi32, #tpu.memory_space<vmem>> -> memref<128xi32, #tpu.memory_space<vmem>>
      %dma_wait3A_961 = arith.constant 0 : i32
      %dma_wait3A_962 = tpu.memref_slice %arg37[%dma_wait3A_961] : memref<1000960xf32, #tpu.memory_space<vmem_shared>> -> memref<1000960xf32, #tpu.memory_space<vmem_shared>>
      tpu.wait_indirect_dma semaphore(%arg39 : memref<!tpu.dma_semaphore, #tpu.memory_space<semaphore_mem>>) src(%dma_wait3A_962 : memref<1000960xf32, #tpu.memory_space<vmem_shared>>) dst(%dma_wait3A_957 : memref<128xf32, #tpu.memory_space<vmem>>)
      %dma_wait3A_963 = arith.constant 3 : i32
      %dma_wait3A_964 = arith.constant 384 : i32
      %dma_wait3A_965 = tpu.memref_slice %arg32[%dma_wait3A_964] : memref<1024xf32, #tpu.memory_space<vmem>> -> memref<128xf32, #tpu.memory_space<vmem>>
      %dma_wait3A_966 = arith.constant 0 : i32
      %dma_wait3A_967 = tpu.memref_slice %arg19[%dma_wait3A_963, %dma_wait3A_966] : memref<8x128xi32, #tpu.memory_space<vmem>> -> memref<1x128xi32, #tpu.memory_space<vmem>>
      %dma_wait3A_968 = tpu.memref_squeeze %dma_wait3A_967 : memref<1x128xi32, #tpu.memory_space<vmem>> -> memref<128xi32, #tpu.memory_space<vmem>>
      %dma_wait3A_969 = arith.constant 0 : i32
      %dma_wait3A_970 = tpu.memref_slice %arg37[%dma_wait3A_969] : memref<1000960xf32, #tpu.memory_space<vmem_shared>> -> memref<1000960xf32, #tpu.memory_space<vmem_shared>>
      tpu.wait_indirect_dma semaphore(%arg39 : memref<!tpu.dma_semaphore, #tpu.memory_space<semaphore_mem>>) src(%dma_wait3A_970 : memref<1000960xf32, #tpu.memory_space<vmem_shared>>) dst(%dma_wait3A_965 : memref<128xf32, #tpu.memory_space<vmem>>)
      %dma_wait3A_971 = arith.constant 3 : i32
      %dma_wait3A_972 = arith.constant 384 : i32
      %dma_wait3A_973 = tpu.memref_slice %arg33[%dma_wait3A_972] : memref<1024xf32, #tpu.memory_space<vmem>> -> memref<128xf32, #tpu.memory_space<vmem>>
      %dma_wait3A_974 = arith.constant 0 : i32
      %dma_wait3A_975 = tpu.memref_slice %arg16[%dma_wait3A_971, %dma_wait3A_974] : memref<8x128xi32, #tpu.memory_space<vmem>> -> memref<1x128xi32, #tpu.memory_space<vmem>>
      %dma_wait3A_976 = tpu.memref_squeeze %dma_wait3A_975 : memref<1x128xi32, #tpu.memory_space<vmem>> -> memref<128xi32, #tpu.memory_space<vmem>>
      %dma_wait3A_977 = arith.constant 0 : i32
      %dma_wait3A_978 = tpu.memref_slice %arg37[%dma_wait3A_977] : memref<1000960xf32, #tpu.memory_space<vmem_shared>> -> memref<1000960xf32, #tpu.memory_space<vmem_shared>>
      tpu.wait_indirect_dma semaphore(%arg39 : memref<!tpu.dma_semaphore, #tpu.memory_space<semaphore_mem>>) src(%dma_wait3A_978 : memref<1000960xf32, #tpu.memory_space<vmem_shared>>) dst(%dma_wait3A_973 : memref<128xf32, #tpu.memory_space<vmem>>)
      %dma_wait3A_979 = arith.constant 3 : i32
      %dma_wait3A_980 = arith.constant 384 : i32
      %dma_wait3A_981 = tpu.memref_slice %arg34[%dma_wait3A_980] : memref<1024xf32, #tpu.memory_space<vmem>> -> memref<128xf32, #tpu.memory_space<vmem>>
      %dma_wait3A_982 = arith.constant 0 : i32
      %dma_wait3A_983 = tpu.memref_slice %arg20[%dma_wait3A_979, %dma_wait3A_982] : memref<8x128xi32, #tpu.memory_space<vmem>> -> memref<1x128xi32, #tpu.memory_space<vmem>>
      %dma_wait3A_984 = tpu.memref_squeeze %dma_wait3A_983 : memref<1x128xi32, #tpu.memory_space<vmem>> -> memref<128xi32, #tpu.memory_space<vmem>>
      %dma_wait3A_985 = arith.constant 0 : i32
      %dma_wait3A_986 = tpu.memref_slice %arg37[%dma_wait3A_985] : memref<1000960xf32, #tpu.memory_space<vmem_shared>> -> memref<1000960xf32, #tpu.memory_space<vmem_shared>>
      tpu.wait_indirect_dma semaphore(%arg39 : memref<!tpu.dma_semaphore, #tpu.memory_space<semaphore_mem>>) src(%dma_wait3A_986 : memref<1000960xf32, #tpu.memory_space<vmem_shared>>) dst(%dma_wait3A_981 : memref<128xf32, #tpu.memory_space<vmem>>)
      %scan3A_987 = arith.constant 0 : i32
      %scan3A_988 = arith.constant 24 : i32
      %scan3A_989 = arith.constant 8 : i32
      %scan3A_990 = arith.addi %scan3A_988, %scan3A_989 : i32
      %scan3A_991 = arith.constant 1 : i32
      %scan3A_992 = scf.for %scan3A_1152 = %scan3A_988 to %scan3A_990 step %scan3A_991 iter_args(%scan3A_1153 = %scan3A_987) -> (i32)  : i32 {
        %mul3A_1154 = arith.constant 16 : i32
        %mul3A_1155 = arith.muli %scan3A_1152, %mul3A_1154 : i32
        %get3A = arith.index_cast %mul3A_1155 : i32 to index
        %get3A_1156 = tpu.vector_load %arg11[%get3A] {strides = array<i32>} : memref<1024xf32, #tpu.memory_space<vmem>>, vector<16xf32>,
        %get3A_1157 = arith.index_cast %mul3A_1155 : i32 to index
        %get3A_1158 = tpu.vector_load %arg12[%get3A_1157] {strides = array<i32>} : memref<1024xf32, #tpu.memory_space<vmem>>, vector<16xf32>,
        %get3A_1159 = arith.index_cast %mul3A_1155 : i32 to index
        %get3A_1160 = tpu.vector_load %arg23[%get3A_1159] {strides = array<i32>} : memref<1024xi32, #tpu.memory_space<vmem>>, vector<16xi32>,
        %gt3A = arith.constant 0 : i32
        %gt3A_1161 = vector.broadcast %gt3A : i32 to vector<16xi32>
        %gt3A_1162 = arith.cmpi sgt, %get3A_1160, %gt3A_1161 : vector<16xi32>
        %get3A_1163 = arith.index_cast %mul3A_1155 : i32 to index
        %get3A_1164 = tpu.vector_load %arg24[%get3A_1163] {strides = array<i32>} : memref<1024xi32, #tpu.memory_space<vmem>>, vector<16xi32>,
        %gt3A_1165 = arith.constant 0 : i32
        %gt3A_1166 = vector.broadcast %gt3A_1165 : i32 to vector<16xi32>
        %gt3A_1167 = arith.cmpi sgt, %get3A_1164, %gt3A_1166 : vector<16xi32>
        %get3A_1168 = arith.index_cast %mul3A_1155 : i32 to index
        %get3A_1169 = tpu.vector_load %arg25[%get3A_1168] {strides = array<i32>} : memref<1024xi32, #tpu.memory_space<vmem>>, vector<16xi32>,
        %gt3A_1170 = arith.constant 0 : i32
        %gt3A_1171 = vector.broadcast %gt3A_1170 : i32 to vector<16xi32>
        %gt3A_1172 = arith.cmpi sgt, %get3A_1169, %gt3A_1171 : vector<16xi32>
        %get3A_1173 = arith.index_cast %mul3A_1155 : i32 to index
        %get3A_1174 = tpu.vector_load %arg26[%get3A_1173] {strides = array<i32>} : memref<1024xi32, #tpu.memory_space<vmem>>, vector<16xi32>,
        %gt3A_1175 = arith.constant 0 : i32
        %gt3A_1176 = vector.broadcast %gt3A_1175 : i32 to vector<16xi32>
        %gt3A_1177 = arith.cmpi sgt, %get3A_1174, %gt3A_1176 : vector<16xi32>
        %get3A_1178 = arith.index_cast %mul3A_1155 : i32 to index
        %get3A_1179 = tpu.vector_load %arg21[%get3A_1178] {strides = array<i32>} : memref<1024xi32, #tpu.memory_space<vmem>>, vector<16xi32>,
        %mul3A_1180 = arith.constant 20 : i32
        %mul3A_1181 = arith.muli %add3A, %mul3A_1180 : i32
        %add3A_1182 = vector.broadcast %mul3A_1181 : i32 to vector<16xi32>
        %add3A_1183 = arith.addi %get3A_1179, %add3A_1182 : vector<16xi32>
        %get3A_1184 = arith.index_cast %mul3A_1155 : i32 to index
        %get3A_1185 = tpu.vector_load %arg22[%get3A_1184] {strides = array<i32>} : memref<1024xi32, #tpu.memory_space<vmem>>, vector<16xi32>,
        %mul3A_1186 = arith.constant 20 : i32
        %mul3A_1187 = arith.muli %add3A, %mul3A_1186 : i32
        %add3A_1188 = vector.broadcast %mul3A_1187 : i32 to vector<16xi32>
        %add3A_1189 = arith.addi %get3A_1185, %add3A_1188 : vector<16xi32>
        %get3A_1190 = arith.index_cast %mul3A_1155 : i32 to index
        %get3A_1191 = tpu.vector_load %arg31[%get3A_1190] {strides = array<i32>} : memref<1024xf32, #tpu.memory_space<vmem>>, vector<16xf32>,
        %get3A_1192 = arith.index_cast %mul3A_1155 : i32 to index
        %get3A_1193 = tpu.vector_load %arg27[%get3A_1192] {strides = array<i32>} : memref<1024xf32, #tpu.memory_space<vmem>>, vector<16xf32>,
        %select_n3A_1194 = arith.select %gt3A_1162, %get3A_1191, %get3A_1193 : vector<16xi1>, vector<16xf32>
        %get3A_1195 = arith.index_cast %mul3A_1155 : i32 to index
        %get3A_1196 = tpu.vector_load %arg32[%get3A_1195] {strides = array<i32>} : memref<1024xf32, #tpu.memory_space<vmem>>, vector<16xf32>,
        %get3A_1197 = arith.index_cast %mul3A_1155 : i32 to index
        %get3A_1198 = tpu.vector_load %arg28[%get3A_1197] {strides = array<i32>} : memref<1024xf32, #tpu.memory_space<vmem>>, vector<16xf32>,
        %select_n3A_1199 = arith.select %gt3A_1162, %get3A_1196, %get3A_1198 : vector<16xi1>, vector<16xf32>
        %get3A_1200 = arith.index_cast %mul3A_1155 : i32 to index
        %get3A_1201 = tpu.vector_load %arg33[%get3A_1200] {strides = array<i32>} : memref<1024xf32, #tpu.memory_space<vmem>>, vector<16xf32>,
        %get3A_1202 = arith.index_cast %mul3A_1155 : i32 to index
        %get3A_1203 = tpu.vector_load %arg29[%get3A_1202] {strides = array<i32>} : memref<1024xf32, #tpu.memory_space<vmem>>, vector<16xf32>,
        %select_n3A_1204 = arith.select %gt3A_1167, %get3A_1201, %get3A_1203 : vector<16xi1>, vector<16xf32>
        %get3A_1205 = arith.index_cast %mul3A_1155 : i32 to index
        %get3A_1206 = tpu.vector_load %arg34[%get3A_1205] {strides = array<i32>} : memref<1024xf32, #tpu.memory_space<vmem>>, vector<16xf32>,
        %get3A_1207 = arith.index_cast %mul3A_1155 : i32 to index
        %get3A_1208 = tpu.vector_load %arg30[%get3A_1207] {strides = array<i32>} : memref<1024xf32, #tpu.memory_space<vmem>>, vector<16xf32>,
        %select_n3A_1209 = arith.select %gt3A_1167, %get3A_1206, %get3A_1208 : vector<16xi1>, vector<16xf32>
        %gather3A = tpu.vector_load_idx %arg36[%add3A_1183] : memref<10240xf32, #tpu.memory_space<vmem>>[vector<16xi32>], vector<16xf32>,
        %select_n3A_1210 = arith.select %gt3A_1172, %gather3A, %select_n3A_1194 : vector<16xi1>, vector<16xf32>
        %add3A_1211 = arith.constant 1 : i32
        %add3A_1212 = vector.broadcast %add3A_1211 : i32 to vector<16xi32>
        %add3A_1213 = arith.addi %add3A_1183, %add3A_1212 : vector<16xi32>
        %gather3A_1214 = tpu.vector_load_idx %arg36[%add3A_1213] : memref<10240xf32, #tpu.memory_space<vmem>>[vector<16xi32>], vector<16xf32>,
        %select_n3A_1215 = arith.select %gt3A_1172, %gather3A_1214, %select_n3A_1199 : vector<16xi1>, vector<16xf32>
        %gather3A_1216 = tpu.vector_load_idx %arg36[%add3A_1189] : memref<10240xf32, #tpu.memory_space<vmem>>[vector<16xi32>], vector<16xf32>,
        %select_n3A_1217 = arith.select %gt3A_1177, %gather3A_1216, %select_n3A_1204 : vector<16xi1>, vector<16xf32>
        %add3A_1218 = arith.constant 1 : i32
        %add3A_1219 = vector.broadcast %add3A_1218 : i32 to vector<16xi32>
        %add3A_1220 = arith.addi %add3A_1189, %add3A_1219 : vector<16xi32>
        %gather3A_1221 = tpu.vector_load_idx %arg36[%add3A_1220] : memref<10240xf32, #tpu.memory_space<vmem>>[vector<16xi32>], vector<16xf32>,
        %select_n3A_1222 = arith.select %gt3A_1177, %gather3A_1221, %select_n3A_1209 : vector<16xi1>, vector<16xf32>
        %mul3A_1223 = arith.mulf %get3A_1158, %select_n3A_1210 : vector<16xf32>
        %mul3A_1224 = arith.mulf %get3A_1156, %select_n3A_1215 : vector<16xf32>
        %add3A_1225 = arith.addf %mul3A_1223, %mul3A_1224 : vector<16xf32>
        %mul3A_1226 = arith.mulf %get3A_1158, %select_n3A_1217 : vector<16xf32>
        %mul3A_1227 = arith.mulf %get3A_1156, %select_n3A_1222 : vector<16xf32>
        %add3A_1228 = arith.addf %mul3A_1226, %mul3A_1227 : vector<16xf32>
        %sub3A = arith.subf %add3A_1225, %add3A_1228 : vector<16xf32>
        %get3A_1229 = arith.index_cast %mul3A_1155 : i32 to index
        %get3A_1230 = tpu.vector_load %arg35[%get3A_1229] {strides = array<i32>} : memref<1024xf32, #tpu.memory_space<vmem>>, vector<16xf32>,
        %mul3A_1231 = arith.mulf %sub3A, %sub3A : vector<16xf32>
        %add3A_1232 = arith.addf %get3A_1230, %mul3A_1231 : vector<16xf32>
        %swap3A = arith.index_cast %mul3A_1155 : i32 to index
        %swap3A_1233 = tpu.vector_load %arg35[%swap3A] {strides = array<i32>} : memref<1024xf32, #tpu.memory_space<vmem>>, vector<16xf32>,
        tpu.vector_store %arg35[%swap3A], %add3A_1232 {strides = array<i32>} : memref<1024xf32, #tpu.memory_space<vmem>>, vector<16xf32>,
        %scan3A_1234 = arith.constant 0 : i32
        scf.yield %scan3A_1234 : i32
      }
      %scan3A_993 = arith.constant 8 : i32
      %dma_wait3A_994 = arith.constant 4 : i32
      %dma_wait3A_995 = arith.constant 512 : i32
      %dma_wait3A_996 = tpu.memref_slice %arg31[%dma_wait3A_995] : memref<1024xf32, #tpu.memory_space<vmem>> -> memref<128xf32, #tpu.memory_space<vmem>>
      %dma_wait3A_997 = arith.constant 0 : i32
      %dma_wait3A_998 = tpu.memref_slice %arg15[%dma_wait3A_994, %dma_wait3A_997] : memref<8x128xi32, #tpu.memory_space<vmem>> -> memref<1x128xi32, #tpu.memory_space<vmem>>
      %dma_wait3A_999 = tpu.memref_squeeze %dma_wait3A_998 : memref<1x128xi32, #tpu.memory_space<vmem>> -> memref<128xi32, #tpu.memory_space<vmem>>
      %dma_wait3A_1000 = arith.constant 0 : i32
      %dma_wait3A_1001 = tpu.memref_slice %arg37[%dma_wait3A_1000] : memref<1000960xf32, #tpu.memory_space<vmem_shared>> -> memref<1000960xf32, #tpu.memory_space<vmem_shared>>
      tpu.wait_indirect_dma semaphore(%arg39 : memref<!tpu.dma_semaphore, #tpu.memory_space<semaphore_mem>>) src(%dma_wait3A_1001 : memref<1000960xf32, #tpu.memory_space<vmem_shared>>) dst(%dma_wait3A_996 : memref<128xf32, #tpu.memory_space<vmem>>)
      %dma_wait3A_1002 = arith.constant 4 : i32
      %dma_wait3A_1003 = arith.constant 512 : i32
      %dma_wait3A_1004 = tpu.memref_slice %arg32[%dma_wait3A_1003] : memref<1024xf32, #tpu.memory_space<vmem>> -> memref<128xf32, #tpu.memory_space<vmem>>
      %dma_wait3A_1005 = arith.constant 0 : i32
      %dma_wait3A_1006 = tpu.memref_slice %arg19[%dma_wait3A_1002, %dma_wait3A_1005] : memref<8x128xi32, #tpu.memory_space<vmem>> -> memref<1x128xi32, #tpu.memory_space<vmem>>
      %dma_wait3A_1007 = tpu.memref_squeeze %dma_wait3A_1006 : memref<1x128xi32, #tpu.memory_space<vmem>> -> memref<128xi32, #tpu.memory_space<vmem>>
      %dma_wait3A_1008 = arith.constant 0 : i32
      %dma_wait3A_1009 = tpu.memref_slice %arg37[%dma_wait3A_1008] : memref<1000960xf32, #tpu.memory_space<vmem_shared>> -> memref<1000960xf32, #tpu.memory_space<vmem_shared>>
      tpu.wait_indirect_dma semaphore(%arg39 : memref<!tpu.dma_semaphore, #tpu.memory_space<semaphore_mem>>) src(%dma_wait3A_1009 : memref<1000960xf32, #tpu.memory_space<vmem_shared>>) dst(%dma_wait3A_1004 : memref<128xf32, #tpu.memory_space<vmem>>)
      %dma_wait3A_1010 = arith.constant 4 : i32
      %dma_wait3A_1011 = arith.constant 512 : i32
      %dma_wait3A_1012 = tpu.memref_slice %arg33[%dma_wait3A_1011] : memref<1024xf32, #tpu.memory_space<vmem>> -> memref<128xf32, #tpu.memory_space<vmem>>
      %dma_wait3A_1013 = arith.constant 0 : i32
      %dma_wait3A_1014 = tpu.memref_slice %arg16[%dma_wait3A_1010, %dma_wait3A_1013] : memref<8x128xi32, #tpu.memory_space<vmem>> -> memref<1x128xi32, #tpu.memory_space<vmem>>
      %dma_wait3A_1015 = tpu.memref_squeeze %dma_wait3A_1014 : memref<1x128xi32, #tpu.memory_space<vmem>> -> memref<128xi32, #tpu.memory_space<vmem>>
      %dma_wait3A_1016 = arith.constant 0 : i32
      %dma_wait3A_1017 = tpu.memref_slice %arg37[%dma_wait3A_1016] : memref<1000960xf32, #tpu.memory_space<vmem_shared>> -> memref<1000960xf32, #tpu.memory_space<vmem_shared>>
      tpu.wait_indirect_dma semaphore(%arg39 : memref<!tpu.dma_semaphore, #tpu.memory_space<semaphore_mem>>) src(%dma_wait3A_1017 : memref<1000960xf32, #tpu.memory_space<vmem_shared>>) dst(%dma_wait3A_1012 : memref<128xf32, #tpu.memory_space<vmem>>)
      %dma_wait3A_1018 = arith.constant 4 : i32
      %dma_wait3A_1019 = arith.constant 512 : i32
      %dma_wait3A_1020 = tpu.memref_slice %arg34[%dma_wait3A_1019] : memref<1024xf32, #tpu.memory_space<vmem>> -> memref<128xf32, #tpu.memory_space<vmem>>
      %dma_wait3A_1021 = arith.constant 0 : i32
      %dma_wait3A_1022 = tpu.memref_slice %arg20[%dma_wait3A_1018, %dma_wait3A_1021] : memref<8x128xi32, #tpu.memory_space<vmem>> -> memref<1x128xi32, #tpu.memory_space<vmem>>
      %dma_wait3A_1023 = tpu.memref_squeeze %dma_wait3A_1022 : memref<1x128xi32, #tpu.memory_space<vmem>> -> memref<128xi32, #tpu.memory_space<vmem>>
      %dma_wait3A_1024 = arith.constant 0 : i32
      %dma_wait3A_1025 = tpu.memref_slice %arg37[%dma_wait3A_1024] : memref<1000960xf32, #tpu.memory_space<vmem_shared>> -> memref<1000960xf32, #tpu.memory_space<vmem_shared>>
      tpu.wait_indirect_dma semaphore(%arg39 : memref<!tpu.dma_semaphore, #tpu.memory_space<semaphore_mem>>) src(%dma_wait3A_1025 : memref<1000960xf32, #tpu.memory_space<vmem_shared>>) dst(%dma_wait3A_1020 : memref<128xf32, #tpu.memory_space<vmem>>)
      %scan3A_1026 = arith.constant 0 : i32
      %scan3A_1027 = arith.constant 32 : i32
      %scan3A_1028 = arith.constant 8 : i32
      %scan3A_1029 = arith.addi %scan3A_1027, %scan3A_1028 : i32
      %scan3A_1030 = arith.constant 1 : i32
      %scan3A_1031 = scf.for %scan3A_1152 = %scan3A_1027 to %scan3A_1029 step %scan3A_1030 iter_args(%scan3A_1153 = %scan3A_1026) -> (i32)  : i32 {
        %mul3A_1154 = arith.constant 16 : i32
        %mul3A_1155 = arith.muli %scan3A_1152, %mul3A_1154 : i32
        %get3A = arith.index_cast %mul3A_1155 : i32 to index
        %get3A_1156 = tpu.vector_load %arg11[%get3A] {strides = array<i32>} : memref<1024xf32, #tpu.memory_space<vmem>>, vector<16xf32>,
        %get3A_1157 = arith.index_cast %mul3A_1155 : i32 to index
        %get3A_1158 = tpu.vector_load %arg12[%get3A_1157] {strides = array<i32>} : memref<1024xf32, #tpu.memory_space<vmem>>, vector<16xf32>,
        %get3A_1159 = arith.index_cast %mul3A_1155 : i32 to index
        %get3A_1160 = tpu.vector_load %arg23[%get3A_1159] {strides = array<i32>} : memref<1024xi32, #tpu.memory_space<vmem>>, vector<16xi32>,
        %gt3A = arith.constant 0 : i32
        %gt3A_1161 = vector.broadcast %gt3A : i32 to vector<16xi32>
        %gt3A_1162 = arith.cmpi sgt, %get3A_1160, %gt3A_1161 : vector<16xi32>
        %get3A_1163 = arith.index_cast %mul3A_1155 : i32 to index
        %get3A_1164 = tpu.vector_load %arg24[%get3A_1163] {strides = array<i32>} : memref<1024xi32, #tpu.memory_space<vmem>>, vector<16xi32>,
        %gt3A_1165 = arith.constant 0 : i32
        %gt3A_1166 = vector.broadcast %gt3A_1165 : i32 to vector<16xi32>
        %gt3A_1167 = arith.cmpi sgt, %get3A_1164, %gt3A_1166 : vector<16xi32>
        %get3A_1168 = arith.index_cast %mul3A_1155 : i32 to index
        %get3A_1169 = tpu.vector_load %arg25[%get3A_1168] {strides = array<i32>} : memref<1024xi32, #tpu.memory_space<vmem>>, vector<16xi32>,
        %gt3A_1170 = arith.constant 0 : i32
        %gt3A_1171 = vector.broadcast %gt3A_1170 : i32 to vector<16xi32>
        %gt3A_1172 = arith.cmpi sgt, %get3A_1169, %gt3A_1171 : vector<16xi32>
        %get3A_1173 = arith.index_cast %mul3A_1155 : i32 to index
        %get3A_1174 = tpu.vector_load %arg26[%get3A_1173] {strides = array<i32>} : memref<1024xi32, #tpu.memory_space<vmem>>, vector<16xi32>,
        %gt3A_1175 = arith.constant 0 : i32
        %gt3A_1176 = vector.broadcast %gt3A_1175 : i32 to vector<16xi32>
        %gt3A_1177 = arith.cmpi sgt, %get3A_1174, %gt3A_1176 : vector<16xi32>
        %get3A_1178 = arith.index_cast %mul3A_1155 : i32 to index
        %get3A_1179 = tpu.vector_load %arg21[%get3A_1178] {strides = array<i32>} : memref<1024xi32, #tpu.memory_space<vmem>>, vector<16xi32>,
        %mul3A_1180 = arith.constant 20 : i32
        %mul3A_1181 = arith.muli %add3A, %mul3A_1180 : i32
        %add3A_1182 = vector.broadcast %mul3A_1181 : i32 to vector<16xi32>
        %add3A_1183 = arith.addi %get3A_1179, %add3A_1182 : vector<16xi32>
        %get3A_1184 = arith.index_cast %mul3A_1155 : i32 to index
        %get3A_1185 = tpu.vector_load %arg22[%get3A_1184] {strides = array<i32>} : memref<1024xi32, #tpu.memory_space<vmem>>, vector<16xi32>,
        %mul3A_1186 = arith.constant 20 : i32
        %mul3A_1187 = arith.muli %add3A, %mul3A_1186 : i32
        %add3A_1188 = vector.broadcast %mul3A_1187 : i32 to vector<16xi32>
        %add3A_1189 = arith.addi %get3A_1185, %add3A_1188 : vector<16xi32>
        %get3A_1190 = arith.index_cast %mul3A_1155 : i32 to index
        %get3A_1191 = tpu.vector_load %arg31[%get3A_1190] {strides = array<i32>} : memref<1024xf32, #tpu.memory_space<vmem>>, vector<16xf32>,
        %get3A_1192 = arith.index_cast %mul3A_1155 : i32 to index
        %get3A_1193 = tpu.vector_load %arg27[%get3A_1192] {strides = array<i32>} : memref<1024xf32, #tpu.memory_space<vmem>>, vector<16xf32>,
        %select_n3A_1194 = arith.select %gt3A_1162, %get3A_1191, %get3A_1193 : vector<16xi1>, vector<16xf32>
        %get3A_1195 = arith.index_cast %mul3A_1155 : i32 to index
        %get3A_1196 = tpu.vector_load %arg32[%get3A_1195] {strides = array<i32>} : memref<1024xf32, #tpu.memory_space<vmem>>, vector<16xf32>,
        %get3A_1197 = arith.index_cast %mul3A_1155 : i32 to index
        %get3A_1198 = tpu.vector_load %arg28[%get3A_1197] {strides = array<i32>} : memref<1024xf32, #tpu.memory_space<vmem>>, vector<16xf32>,
        %select_n3A_1199 = arith.select %gt3A_1162, %get3A_1196, %get3A_1198 : vector<16xi1>, vector<16xf32>
        %get3A_1200 = arith.index_cast %mul3A_1155 : i32 to index
        %get3A_1201 = tpu.vector_load %arg33[%get3A_1200] {strides = array<i32>} : memref<1024xf32, #tpu.memory_space<vmem>>, vector<16xf32>,
        %get3A_1202 = arith.index_cast %mul3A_1155 : i32 to index
        %get3A_1203 = tpu.vector_load %arg29[%get3A_1202] {strides = array<i32>} : memref<1024xf32, #tpu.memory_space<vmem>>, vector<16xf32>,
        %select_n3A_1204 = arith.select %gt3A_1167, %get3A_1201, %get3A_1203 : vector<16xi1>, vector<16xf32>
        %get3A_1205 = arith.index_cast %mul3A_1155 : i32 to index
        %get3A_1206 = tpu.vector_load %arg34[%get3A_1205] {strides = array<i32>} : memref<1024xf32, #tpu.memory_space<vmem>>, vector<16xf32>,
        %get3A_1207 = arith.index_cast %mul3A_1155 : i32 to index
        %get3A_1208 = tpu.vector_load %arg30[%get3A_1207] {strides = array<i32>} : memref<1024xf32, #tpu.memory_space<vmem>>, vector<16xf32>,
        %select_n3A_1209 = arith.select %gt3A_1167, %get3A_1206, %get3A_1208 : vector<16xi1>, vector<16xf32>
        %gather3A = tpu.vector_load_idx %arg36[%add3A_1183] : memref<10240xf32, #tpu.memory_space<vmem>>[vector<16xi32>], vector<16xf32>,
        %select_n3A_1210 = arith.select %gt3A_1172, %gather3A, %select_n3A_1194 : vector<16xi1>, vector<16xf32>
        %add3A_1211 = arith.constant 1 : i32
        %add3A_1212 = vector.broadcast %add3A_1211 : i32 to vector<16xi32>
        %add3A_1213 = arith.addi %add3A_1183, %add3A_1212 : vector<16xi32>
        %gather3A_1214 = tpu.vector_load_idx %arg36[%add3A_1213] : memref<10240xf32, #tpu.memory_space<vmem>>[vector<16xi32>], vector<16xf32>,
        %select_n3A_1215 = arith.select %gt3A_1172, %gather3A_1214, %select_n3A_1199 : vector<16xi1>, vector<16xf32>
        %gather3A_1216 = tpu.vector_load_idx %arg36[%add3A_1189] : memref<10240xf32, #tpu.memory_space<vmem>>[vector<16xi32>], vector<16xf32>,
        %select_n3A_1217 = arith.select %gt3A_1177, %gather3A_1216, %select_n3A_1204 : vector<16xi1>, vector<16xf32>
        %add3A_1218 = arith.constant 1 : i32
        %add3A_1219 = vector.broadcast %add3A_1218 : i32 to vector<16xi32>
        %add3A_1220 = arith.addi %add3A_1189, %add3A_1219 : vector<16xi32>
        %gather3A_1221 = tpu.vector_load_idx %arg36[%add3A_1220] : memref<10240xf32, #tpu.memory_space<vmem>>[vector<16xi32>], vector<16xf32>,
        %select_n3A_1222 = arith.select %gt3A_1177, %gather3A_1221, %select_n3A_1209 : vector<16xi1>, vector<16xf32>
        %mul3A_1223 = arith.mulf %get3A_1158, %select_n3A_1210 : vector<16xf32>
        %mul3A_1224 = arith.mulf %get3A_1156, %select_n3A_1215 : vector<16xf32>
        %add3A_1225 = arith.addf %mul3A_1223, %mul3A_1224 : vector<16xf32>
        %mul3A_1226 = arith.mulf %get3A_1158, %select_n3A_1217 : vector<16xf32>
        %mul3A_1227 = arith.mulf %get3A_1156, %select_n3A_1222 : vector<16xf32>
        %add3A_1228 = arith.addf %mul3A_1226, %mul3A_1227 : vector<16xf32>
        %sub3A = arith.subf %add3A_1225, %add3A_1228 : vector<16xf32>
        %get3A_1229 = arith.index_cast %mul3A_1155 : i32 to index
        %get3A_1230 = tpu.vector_load %arg35[%get3A_1229] {strides = array<i32>} : memref<1024xf32, #tpu.memory_space<vmem>>, vector<16xf32>,
        %mul3A_1231 = arith.mulf %sub3A, %sub3A : vector<16xf32>
        %add3A_1232 = arith.addf %get3A_1230, %mul3A_1231 : vector<16xf32>
        %swap3A = arith.index_cast %mul3A_1155 : i32 to index
        %swap3A_1233 = tpu.vector_load %arg35[%swap3A] {strides = array<i32>} : memref<1024xf32, #tpu.memory_space<vmem>>, vector<16xf32>,
        tpu.vector_store %arg35[%swap3A], %add3A_1232 {strides = array<i32>} : memref<1024xf32, #tpu.memory_space<vmem>>, vector<16xf32>,
        %scan3A_1234 = arith.constant 0 : i32
        scf.yield %scan3A_1234 : i32
      }
      %scan3A_1032 = arith.constant 8 : i32
      %dma_wait3A_1033 = arith.constant 5 : i32
      %dma_wait3A_1034 = arith.constant 640 : i32
      %dma_wait3A_1035 = tpu.memref_slice %arg31[%dma_wait3A_1034] : memref<1024xf32, #tpu.memory_space<vmem>> -> memref<128xf32, #tpu.memory_space<vmem>>
      %dma_wait3A_1036 = arith.constant 0 : i32
      %dma_wait3A_1037 = tpu.memref_slice %arg15[%dma_wait3A_1033, %dma_wait3A_1036] : memref<8x128xi32, #tpu.memory_space<vmem>> -> memref<1x128xi32, #tpu.memory_space<vmem>>
      %dma_wait3A_1038 = tpu.memref_squeeze %dma_wait3A_1037 : memref<1x128xi32, #tpu.memory_space<vmem>> -> memref<128xi32, #tpu.memory_space<vmem>>
      %dma_wait3A_1039 = arith.constant 0 : i32
      %dma_wait3A_1040 = tpu.memref_slice %arg37[%dma_wait3A_1039] : memref<1000960xf32, #tpu.memory_space<vmem_shared>> -> memref<1000960xf32, #tpu.memory_space<vmem_shared>>
      tpu.wait_indirect_dma semaphore(%arg39 : memref<!tpu.dma_semaphore, #tpu.memory_space<semaphore_mem>>) src(%dma_wait3A_1040 : memref<1000960xf32, #tpu.memory_space<vmem_shared>>) dst(%dma_wait3A_1035 : memref<128xf32, #tpu.memory_space<vmem>>)
      %dma_wait3A_1041 = arith.constant 5 : i32
      %dma_wait3A_1042 = arith.constant 640 : i32
      %dma_wait3A_1043 = tpu.memref_slice %arg32[%dma_wait3A_1042] : memref<1024xf32, #tpu.memory_space<vmem>> -> memref<128xf32, #tpu.memory_space<vmem>>
      %dma_wait3A_1044 = arith.constant 0 : i32
      %dma_wait3A_1045 = tpu.memref_slice %arg19[%dma_wait3A_1041, %dma_wait3A_1044] : memref<8x128xi32, #tpu.memory_space<vmem>> -> memref<1x128xi32, #tpu.memory_space<vmem>>
      %dma_wait3A_1046 = tpu.memref_squeeze %dma_wait3A_1045 : memref<1x128xi32, #tpu.memory_space<vmem>> -> memref<128xi32, #tpu.memory_space<vmem>>
      %dma_wait3A_1047 = arith.constant 0 : i32
      %dma_wait3A_1048 = tpu.memref_slice %arg37[%dma_wait3A_1047] : memref<1000960xf32, #tpu.memory_space<vmem_shared>> -> memref<1000960xf32, #tpu.memory_space<vmem_shared>>
      tpu.wait_indirect_dma semaphore(%arg39 : memref<!tpu.dma_semaphore, #tpu.memory_space<semaphore_mem>>) src(%dma_wait3A_1048 : memref<1000960xf32, #tpu.memory_space<vmem_shared>>) dst(%dma_wait3A_1043 : memref<128xf32, #tpu.memory_space<vmem>>)
      %dma_wait3A_1049 = arith.constant 5 : i32
      %dma_wait3A_1050 = arith.constant 640 : i32
      %dma_wait3A_1051 = tpu.memref_slice %arg33[%dma_wait3A_1050] : memref<1024xf32, #tpu.memory_space<vmem>> -> memref<128xf32, #tpu.memory_space<vmem>>
      %dma_wait3A_1052 = arith.constant 0 : i32
      %dma_wait3A_1053 = tpu.memref_slice %arg16[%dma_wait3A_1049, %dma_wait3A_1052] : memref<8x128xi32, #tpu.memory_space<vmem>> -> memref<1x128xi32, #tpu.memory_space<vmem>>
      %dma_wait3A_1054 = tpu.memref_squeeze %dma_wait3A_1053 : memref<1x128xi32, #tpu.memory_space<vmem>> -> memref<128xi32, #tpu.memory_space<vmem>>
      %dma_wait3A_1055 = arith.constant 0 : i32
      %dma_wait3A_1056 = tpu.memref_slice %arg37[%dma_wait3A_1055] : memref<1000960xf32, #tpu.memory_space<vmem_shared>> -> memref<1000960xf32, #tpu.memory_space<vmem_shared>>
      tpu.wait_indirect_dma semaphore(%arg39 : memref<!tpu.dma_semaphore, #tpu.memory_space<semaphore_mem>>) src(%dma_wait3A_1056 : memref<1000960xf32, #tpu.memory_space<vmem_shared>>) dst(%dma_wait3A_1051 : memref<128xf32, #tpu.memory_space<vmem>>)
      %dma_wait3A_1057 = arith.constant 5 : i32
      %dma_wait3A_1058 = arith.constant 640 : i32
      %dma_wait3A_1059 = tpu.memref_slice %arg34[%dma_wait3A_1058] : memref<1024xf32, #tpu.memory_space<vmem>> -> memref<128xf32, #tpu.memory_space<vmem>>
      %dma_wait3A_1060 = arith.constant 0 : i32
      %dma_wait3A_1061 = tpu.memref_slice %arg20[%dma_wait3A_1057, %dma_wait3A_1060] : memref<8x128xi32, #tpu.memory_space<vmem>> -> memref<1x128xi32, #tpu.memory_space<vmem>>
      %dma_wait3A_1062 = tpu.memref_squeeze %dma_wait3A_1061 : memref<1x128xi32, #tpu.memory_space<vmem>> -> memref<128xi32, #tpu.memory_space<vmem>>
      %dma_wait3A_1063 = arith.constant 0 : i32
      %dma_wait3A_1064 = tpu.memref_slice %arg37[%dma_wait3A_1063] : memref<1000960xf32, #tpu.memory_space<vmem_shared>> -> memref<1000960xf32, #tpu.memory_space<vmem_shared>>
      tpu.wait_indirect_dma semaphore(%arg39 : memref<!tpu.dma_semaphore, #tpu.memory_space<semaphore_mem>>) src(%dma_wait3A_1064 : memref<1000960xf32, #tpu.memory_space<vmem_shared>>) dst(%dma_wait3A_1059 : memref<128xf32, #tpu.memory_space<vmem>>)
      %scan3A_1065 = arith.constant 0 : i32
      %scan3A_1066 = arith.constant 40 : i32
      %scan3A_1067 = arith.constant 8 : i32
      %scan3A_1068 = arith.addi %scan3A_1066, %scan3A_1067 : i32
      %scan3A_1069 = arith.constant 1 : i32
      %scan3A_1070 = scf.for %scan3A_1152 = %scan3A_1066 to %scan3A_1068 step %scan3A_1069 iter_args(%scan3A_1153 = %scan3A_1065) -> (i32)  : i32 {
        %mul3A_1154 = arith.constant 16 : i32
        %mul3A_1155 = arith.muli %scan3A_1152, %mul3A_1154 : i32
        %get3A = arith.index_cast %mul3A_1155 : i32 to index
        %get3A_1156 = tpu.vector_load %arg11[%get3A] {strides = array<i32>} : memref<1024xf32, #tpu.memory_space<vmem>>, vector<16xf32>,
        %get3A_1157 = arith.index_cast %mul3A_1155 : i32 to index
        %get3A_1158 = tpu.vector_load %arg12[%get3A_1157] {strides = array<i32>} : memref<1024xf32, #tpu.memory_space<vmem>>, vector<16xf32>,
        %get3A_1159 = arith.index_cast %mul3A_1155 : i32 to index
        %get3A_1160 = tpu.vector_load %arg23[%get3A_1159] {strides = array<i32>} : memref<1024xi32, #tpu.memory_space<vmem>>, vector<16xi32>,
        %gt3A = arith.constant 0 : i32
        %gt3A_1161 = vector.broadcast %gt3A : i32 to vector<16xi32>
        %gt3A_1162 = arith.cmpi sgt, %get3A_1160, %gt3A_1161 : vector<16xi32>
        %get3A_1163 = arith.index_cast %mul3A_1155 : i32 to index
        %get3A_1164 = tpu.vector_load %arg24[%get3A_1163] {strides = array<i32>} : memref<1024xi32, #tpu.memory_space<vmem>>, vector<16xi32>,
        %gt3A_1165 = arith.constant 0 : i32
        %gt3A_1166 = vector.broadcast %gt3A_1165 : i32 to vector<16xi32>
        %gt3A_1167 = arith.cmpi sgt, %get3A_1164, %gt3A_1166 : vector<16xi32>
        %get3A_1168 = arith.index_cast %mul3A_1155 : i32 to index
        %get3A_1169 = tpu.vector_load %arg25[%get3A_1168] {strides = array<i32>} : memref<1024xi32, #tpu.memory_space<vmem>>, vector<16xi32>,
        %gt3A_1170 = arith.constant 0 : i32
        %gt3A_1171 = vector.broadcast %gt3A_1170 : i32 to vector<16xi32>
        %gt3A_1172 = arith.cmpi sgt, %get3A_1169, %gt3A_1171 : vector<16xi32>
        %get3A_1173 = arith.index_cast %mul3A_1155 : i32 to index
        %get3A_1174 = tpu.vector_load %arg26[%get3A_1173] {strides = array<i32>} : memref<1024xi32, #tpu.memory_space<vmem>>, vector<16xi32>,
        %gt3A_1175 = arith.constant 0 : i32
        %gt3A_1176 = vector.broadcast %gt3A_1175 : i32 to vector<16xi32>
        %gt3A_1177 = arith.cmpi sgt, %get3A_1174, %gt3A_1176 : vector<16xi32>
        %get3A_1178 = arith.index_cast %mul3A_1155 : i32 to index
        %get3A_1179 = tpu.vector_load %arg21[%get3A_1178] {strides = array<i32>} : memref<1024xi32, #tpu.memory_space<vmem>>, vector<16xi32>,
        %mul3A_1180 = arith.constant 20 : i32
        %mul3A_1181 = arith.muli %add3A, %mul3A_1180 : i32
        %add3A_1182 = vector.broadcast %mul3A_1181 : i32 to vector<16xi32>
        %add3A_1183 = arith.addi %get3A_1179, %add3A_1182 : vector<16xi32>
        %get3A_1184 = arith.index_cast %mul3A_1155 : i32 to index
        %get3A_1185 = tpu.vector_load %arg22[%get3A_1184] {strides = array<i32>} : memref<1024xi32, #tpu.memory_space<vmem>>, vector<16xi32>,
        %mul3A_1186 = arith.constant 20 : i32
        %mul3A_1187 = arith.muli %add3A, %mul3A_1186 : i32
        %add3A_1188 = vector.broadcast %mul3A_1187 : i32 to vector<16xi32>
        %add3A_1189 = arith.addi %get3A_1185, %add3A_1188 : vector<16xi32>
        %get3A_1190 = arith.index_cast %mul3A_1155 : i32 to index
        %get3A_1191 = tpu.vector_load %arg31[%get3A_1190] {strides = array<i32>} : memref<1024xf32, #tpu.memory_space<vmem>>, vector<16xf32>,
        %get3A_1192 = arith.index_cast %mul3A_1155 : i32 to index
        %get3A_1193 = tpu.vector_load %arg27[%get3A_1192] {strides = array<i32>} : memref<1024xf32, #tpu.memory_space<vmem>>, vector<16xf32>,
        %select_n3A_1194 = arith.select %gt3A_1162, %get3A_1191, %get3A_1193 : vector<16xi1>, vector<16xf32>
        %get3A_1195 = arith.index_cast %mul3A_1155 : i32 to index
        %get3A_1196 = tpu.vector_load %arg32[%get3A_1195] {strides = array<i32>} : memref<1024xf32, #tpu.memory_space<vmem>>, vector<16xf32>,
        %get3A_1197 = arith.index_cast %mul3A_1155 : i32 to index
        %get3A_1198 = tpu.vector_load %arg28[%get3A_1197] {strides = array<i32>} : memref<1024xf32, #tpu.memory_space<vmem>>, vector<16xf32>,
        %select_n3A_1199 = arith.select %gt3A_1162, %get3A_1196, %get3A_1198 : vector<16xi1>, vector<16xf32>
        %get3A_1200 = arith.index_cast %mul3A_1155 : i32 to index
        %get3A_1201 = tpu.vector_load %arg33[%get3A_1200] {strides = array<i32>} : memref<1024xf32, #tpu.memory_space<vmem>>, vector<16xf32>,
        %get3A_1202 = arith.index_cast %mul3A_1155 : i32 to index
        %get3A_1203 = tpu.vector_load %arg29[%get3A_1202] {strides = array<i32>} : memref<1024xf32, #tpu.memory_space<vmem>>, vector<16xf32>,
        %select_n3A_1204 = arith.select %gt3A_1167, %get3A_1201, %get3A_1203 : vector<16xi1>, vector<16xf32>
        %get3A_1205 = arith.index_cast %mul3A_1155 : i32 to index
        %get3A_1206 = tpu.vector_load %arg34[%get3A_1205] {strides = array<i32>} : memref<1024xf32, #tpu.memory_space<vmem>>, vector<16xf32>,
        %get3A_1207 = arith.index_cast %mul3A_1155 : i32 to index
        %get3A_1208 = tpu.vector_load %arg30[%get3A_1207] {strides = array<i32>} : memref<1024xf32, #tpu.memory_space<vmem>>, vector<16xf32>,
        %select_n3A_1209 = arith.select %gt3A_1167, %get3A_1206, %get3A_1208 : vector<16xi1>, vector<16xf32>
        %gather3A = tpu.vector_load_idx %arg36[%add3A_1183] : memref<10240xf32, #tpu.memory_space<vmem>>[vector<16xi32>], vector<16xf32>,
        %select_n3A_1210 = arith.select %gt3A_1172, %gather3A, %select_n3A_1194 : vector<16xi1>, vector<16xf32>
        %add3A_1211 = arith.constant 1 : i32
        %add3A_1212 = vector.broadcast %add3A_1211 : i32 to vector<16xi32>
        %add3A_1213 = arith.addi %add3A_1183, %add3A_1212 : vector<16xi32>
        %gather3A_1214 = tpu.vector_load_idx %arg36[%add3A_1213] : memref<10240xf32, #tpu.memory_space<vmem>>[vector<16xi32>], vector<16xf32>,
        %select_n3A_1215 = arith.select %gt3A_1172, %gather3A_1214, %select_n3A_1199 : vector<16xi1>, vector<16xf32>
        %gather3A_1216 = tpu.vector_load_idx %arg36[%add3A_1189] : memref<10240xf32, #tpu.memory_space<vmem>>[vector<16xi32>], vector<16xf32>,
        %select_n3A_1217 = arith.select %gt3A_1177, %gather3A_1216, %select_n3A_1204 : vector<16xi1>, vector<16xf32>
        %add3A_1218 = arith.constant 1 : i32
        %add3A_1219 = vector.broadcast %add3A_1218 : i32 to vector<16xi32>
        %add3A_1220 = arith.addi %add3A_1189, %add3A_1219 : vector<16xi32>
        %gather3A_1221 = tpu.vector_load_idx %arg36[%add3A_1220] : memref<10240xf32, #tpu.memory_space<vmem>>[vector<16xi32>], vector<16xf32>,
        %select_n3A_1222 = arith.select %gt3A_1177, %gather3A_1221, %select_n3A_1209 : vector<16xi1>, vector<16xf32>
        %mul3A_1223 = arith.mulf %get3A_1158, %select_n3A_1210 : vector<16xf32>
        %mul3A_1224 = arith.mulf %get3A_1156, %select_n3A_1215 : vector<16xf32>
        %add3A_1225 = arith.addf %mul3A_1223, %mul3A_1224 : vector<16xf32>
        %mul3A_1226 = arith.mulf %get3A_1158, %select_n3A_1217 : vector<16xf32>
        %mul3A_1227 = arith.mulf %get3A_1156, %select_n3A_1222 : vector<16xf32>
        %add3A_1228 = arith.addf %mul3A_1226, %mul3A_1227 : vector<16xf32>
        %sub3A = arith.subf %add3A_1225, %add3A_1228 : vector<16xf32>
        %get3A_1229 = arith.index_cast %mul3A_1155 : i32 to index
        %get3A_1230 = tpu.vector_load %arg35[%get3A_1229] {strides = array<i32>} : memref<1024xf32, #tpu.memory_space<vmem>>, vector<16xf32>,
        %mul3A_1231 = arith.mulf %sub3A, %sub3A : vector<16xf32>
        %add3A_1232 = arith.addf %get3A_1230, %mul3A_1231 : vector<16xf32>
        %swap3A = arith.index_cast %mul3A_1155 : i32 to index
        %swap3A_1233 = tpu.vector_load %arg35[%swap3A] {strides = array<i32>} : memref<1024xf32, #tpu.memory_space<vmem>>, vector<16xf32>,
        tpu.vector_store %arg35[%swap3A], %add3A_1232 {strides = array<i32>} : memref<1024xf32, #tpu.memory_space<vmem>>, vector<16xf32>,
        %scan3A_1234 = arith.constant 0 : i32
        scf.yield %scan3A_1234 : i32
      }
      %scan3A_1071 = arith.constant 8 : i32
      %dma_wait3A_1072 = arith.constant 6 : i32
      %dma_wait3A_1073 = arith.constant 768 : i32
      %dma_wait3A_1074 = tpu.memref_slice %arg31[%dma_wait3A_1073] : memref<1024xf32, #tpu.memory_space<vmem>> -> memref<128xf32, #tpu.memory_space<vmem>>
      %dma_wait3A_1075 = arith.constant 0 : i32
      %dma_wait3A_1076 = tpu.memref_slice %arg15[%dma_wait3A_1072, %dma_wait3A_1075] : memref<8x128xi32, #tpu.memory_space<vmem>> -> memref<1x128xi32, #tpu.memory_space<vmem>>
      %dma_wait3A_1077 = tpu.memref_squeeze %dma_wait3A_1076 : memref<1x128xi32, #tpu.memory_space<vmem>> -> memref<128xi32, #tpu.memory_space<vmem>>
      %dma_wait3A_1078 = arith.constant 0 : i32
      %dma_wait3A_1079 = tpu.memref_slice %arg37[%dma_wait3A_1078] : memref<1000960xf32, #tpu.memory_space<vmem_shared>> -> memref<1000960xf32, #tpu.memory_space<vmem_shared>>
      tpu.wait_indirect_dma semaphore(%arg39 : memref<!tpu.dma_semaphore, #tpu.memory_space<semaphore_mem>>) src(%dma_wait3A_1079 : memref<1000960xf32, #tpu.memory_space<vmem_shared>>) dst(%dma_wait3A_1074 : memref<128xf32, #tpu.memory_space<vmem>>)
      %dma_wait3A_1080 = arith.constant 6 : i32
      %dma_wait3A_1081 = arith.constant 768 : i32
      %dma_wait3A_1082 = tpu.memref_slice %arg32[%dma_wait3A_1081] : memref<1024xf32, #tpu.memory_space<vmem>> -> memref<128xf32, #tpu.memory_space<vmem>>
      %dma_wait3A_1083 = arith.constant 0 : i32
      %dma_wait3A_1084 = tpu.memref_slice %arg19[%dma_wait3A_1080, %dma_wait3A_1083] : memref<8x128xi32, #tpu.memory_space<vmem>> -> memref<1x128xi32, #tpu.memory_space<vmem>>
      %dma_wait3A_1085 = tpu.memref_squeeze %dma_wait3A_1084 : memref<1x128xi32, #tpu.memory_space<vmem>> -> memref<128xi32, #tpu.memory_space<vmem>>
      %dma_wait3A_1086 = arith.constant 0 : i32
      %dma_wait3A_1087 = tpu.memref_slice %arg37[%dma_wait3A_1086] : memref<1000960xf32, #tpu.memory_space<vmem_shared>> -> memref<1000960xf32, #tpu.memory_space<vmem_shared>>
      tpu.wait_indirect_dma semaphore(%arg39 : memref<!tpu.dma_semaphore, #tpu.memory_space<semaphore_mem>>) src(%dma_wait3A_1087 : memref<1000960xf32, #tpu.memory_space<vmem_shared>>) dst(%dma_wait3A_1082 : memref<128xf32, #tpu.memory_space<vmem>>)
      %dma_wait3A_1088 = arith.constant 6 : i32
      %dma_wait3A_1089 = arith.constant 768 : i32
      %dma_wait3A_1090 = tpu.memref_slice %arg33[%dma_wait3A_1089] : memref<1024xf32, #tpu.memory_space<vmem>> -> memref<128xf32, #tpu.memory_space<vmem>>
      %dma_wait3A_1091 = arith.constant 0 : i32
      %dma_wait3A_1092 = tpu.memref_slice %arg16[%dma_wait3A_1088, %dma_wait3A_1091] : memref<8x128xi32, #tpu.memory_space<vmem>> -> memref<1x128xi32, #tpu.memory_space<vmem>>
      %dma_wait3A_1093 = tpu.memref_squeeze %dma_wait3A_1092 : memref<1x128xi32, #tpu.memory_space<vmem>> -> memref<128xi32, #tpu.memory_space<vmem>>
      %dma_wait3A_1094 = arith.constant 0 : i32
      %dma_wait3A_1095 = tpu.memref_slice %arg37[%dma_wait3A_1094] : memref<1000960xf32, #tpu.memory_space<vmem_shared>> -> memref<1000960xf32, #tpu.memory_space<vmem_shared>>
      tpu.wait_indirect_dma semaphore(%arg39 : memref<!tpu.dma_semaphore, #tpu.memory_space<semaphore_mem>>) src(%dma_wait3A_1095 : memref<1000960xf32, #tpu.memory_space<vmem_shared>>) dst(%dma_wait3A_1090 : memref<128xf32, #tpu.memory_space<vmem>>)
      %dma_wait3A_1096 = arith.constant 6 : i32
      %dma_wait3A_1097 = arith.constant 768 : i32
      %dma_wait3A_1098 = tpu.memref_slice %arg34[%dma_wait3A_1097] : memref<1024xf32, #tpu.memory_space<vmem>> -> memref<128xf32, #tpu.memory_space<vmem>>
      %dma_wait3A_1099 = arith.constant 0 : i32
      %dma_wait3A_1100 = tpu.memref_slice %arg20[%dma_wait3A_1096, %dma_wait3A_1099] : memref<8x128xi32, #tpu.memory_space<vmem>> -> memref<1x128xi32, #tpu.memory_space<vmem>>
      %dma_wait3A_1101 = tpu.memref_squeeze %dma_wait3A_1100 : memref<1x128xi32, #tpu.memory_space<vmem>> -> memref<128xi32, #tpu.memory_space<vmem>>
      %dma_wait3A_1102 = arith.constant 0 : i32
      %dma_wait3A_1103 = tpu.memref_slice %arg37[%dma_wait3A_1102] : memref<1000960xf32, #tpu.memory_space<vmem_shared>> -> memref<1000960xf32, #tpu.memory_space<vmem_shared>>
      tpu.wait_indirect_dma semaphore(%arg39 : memref<!tpu.dma_semaphore, #tpu.memory_space<semaphore_mem>>) src(%dma_wait3A_1103 : memref<1000960xf32, #tpu.memory_space<vmem_shared>>) dst(%dma_wait3A_1098 : memref<128xf32, #tpu.memory_space<vmem>>)
      %scan3A_1104 = arith.constant 0 : i32
      %scan3A_1105 = arith.constant 48 : i32
      %scan3A_1106 = arith.constant 8 : i32
      %scan3A_1107 = arith.addi %scan3A_1105, %scan3A_1106 : i32
      %scan3A_1108 = arith.constant 1 : i32
      %scan3A_1109 = scf.for %scan3A_1152 = %scan3A_1105 to %scan3A_1107 step %scan3A_1108 iter_args(%scan3A_1153 = %scan3A_1104) -> (i32)  : i32 {
        %mul3A_1154 = arith.constant 16 : i32
        %mul3A_1155 = arith.muli %scan3A_1152, %mul3A_1154 : i32
        %get3A = arith.index_cast %mul3A_1155 : i32 to index
        %get3A_1156 = tpu.vector_load %arg11[%get3A] {strides = array<i32>} : memref<1024xf32, #tpu.memory_space<vmem>>, vector<16xf32>,
        %get3A_1157 = arith.index_cast %mul3A_1155 : i32 to index
        %get3A_1158 = tpu.vector_load %arg12[%get3A_1157] {strides = array<i32>} : memref<1024xf32, #tpu.memory_space<vmem>>, vector<16xf32>,
        %get3A_1159 = arith.index_cast %mul3A_1155 : i32 to index
        %get3A_1160 = tpu.vector_load %arg23[%get3A_1159] {strides = array<i32>} : memref<1024xi32, #tpu.memory_space<vmem>>, vector<16xi32>,
        %gt3A = arith.constant 0 : i32
        %gt3A_1161 = vector.broadcast %gt3A : i32 to vector<16xi32>
        %gt3A_1162 = arith.cmpi sgt, %get3A_1160, %gt3A_1161 : vector<16xi32>
        %get3A_1163 = arith.index_cast %mul3A_1155 : i32 to index
        %get3A_1164 = tpu.vector_load %arg24[%get3A_1163] {strides = array<i32>} : memref<1024xi32, #tpu.memory_space<vmem>>, vector<16xi32>,
        %gt3A_1165 = arith.constant 0 : i32
        %gt3A_1166 = vector.broadcast %gt3A_1165 : i32 to vector<16xi32>
        %gt3A_1167 = arith.cmpi sgt, %get3A_1164, %gt3A_1166 : vector<16xi32>
        %get3A_1168 = arith.index_cast %mul3A_1155 : i32 to index
        %get3A_1169 = tpu.vector_load %arg25[%get3A_1168] {strides = array<i32>} : memref<1024xi32, #tpu.memory_space<vmem>>, vector<16xi32>,
        %gt3A_1170 = arith.constant 0 : i32
        %gt3A_1171 = vector.broadcast %gt3A_1170 : i32 to vector<16xi32>
        %gt3A_1172 = arith.cmpi sgt, %get3A_1169, %gt3A_1171 : vector<16xi32>
        %get3A_1173 = arith.index_cast %mul3A_1155 : i32 to index
        %get3A_1174 = tpu.vector_load %arg26[%get3A_1173] {strides = array<i32>} : memref<1024xi32, #tpu.memory_space<vmem>>, vector<16xi32>,
        %gt3A_1175 = arith.constant 0 : i32
        %gt3A_1176 = vector.broadcast %gt3A_1175 : i32 to vector<16xi32>
        %gt3A_1177 = arith.cmpi sgt, %get3A_1174, %gt3A_1176 : vector<16xi32>
        %get3A_1178 = arith.index_cast %mul3A_1155 : i32 to index
        %get3A_1179 = tpu.vector_load %arg21[%get3A_1178] {strides = array<i32>} : memref<1024xi32, #tpu.memory_space<vmem>>, vector<16xi32>,
        %mul3A_1180 = arith.constant 20 : i32
        %mul3A_1181 = arith.muli %add3A, %mul3A_1180 : i32
        %add3A_1182 = vector.broadcast %mul3A_1181 : i32 to vector<16xi32>
        %add3A_1183 = arith.addi %get3A_1179, %add3A_1182 : vector<16xi32>
        %get3A_1184 = arith.index_cast %mul3A_1155 : i32 to index
        %get3A_1185 = tpu.vector_load %arg22[%get3A_1184] {strides = array<i32>} : memref<1024xi32, #tpu.memory_space<vmem>>, vector<16xi32>,
        %mul3A_1186 = arith.constant 20 : i32
        %mul3A_1187 = arith.muli %add3A, %mul3A_1186 : i32
        %add3A_1188 = vector.broadcast %mul3A_1187 : i32 to vector<16xi32>
        %add3A_1189 = arith.addi %get3A_1185, %add3A_1188 : vector<16xi32>
        %get3A_1190 = arith.index_cast %mul3A_1155 : i32 to index
        %get3A_1191 = tpu.vector_load %arg31[%get3A_1190] {strides = array<i32>} : memref<1024xf32, #tpu.memory_space<vmem>>, vector<16xf32>,
        %get3A_1192 = arith.index_cast %mul3A_1155 : i32 to index
        %get3A_1193 = tpu.vector_load %arg27[%get3A_1192] {strides = array<i32>} : memref<1024xf32, #tpu.memory_space<vmem>>, vector<16xf32>,
        %select_n3A_1194 = arith.select %gt3A_1162, %get3A_1191, %get3A_1193 : vector<16xi1>, vector<16xf32>
        %get3A_1195 = arith.index_cast %mul3A_1155 : i32 to index
        %get3A_1196 = tpu.vector_load %arg32[%get3A_1195] {strides = array<i32>} : memref<1024xf32, #tpu.memory_space<vmem>>, vector<16xf32>,
        %get3A_1197 = arith.index_cast %mul3A_1155 : i32 to index
        %get3A_1198 = tpu.vector_load %arg28[%get3A_1197] {strides = array<i32>} : memref<1024xf32, #tpu.memory_space<vmem>>, vector<16xf32>,
        %select_n3A_1199 = arith.select %gt3A_1162, %get3A_1196, %get3A_1198 : vector<16xi1>, vector<16xf32>
        %get3A_1200 = arith.index_cast %mul3A_1155 : i32 to index
        %get3A_1201 = tpu.vector_load %arg33[%get3A_1200] {strides = array<i32>} : memref<1024xf32, #tpu.memory_space<vmem>>, vector<16xf32>,
        %get3A_1202 = arith.index_cast %mul3A_1155 : i32 to index
        %get3A_1203 = tpu.vector_load %arg29[%get3A_1202] {strides = array<i32>} : memref<1024xf32, #tpu.memory_space<vmem>>, vector<16xf32>,
        %select_n3A_1204 = arith.select %gt3A_1167, %get3A_1201, %get3A_1203 : vector<16xi1>, vector<16xf32>
        %get3A_1205 = arith.index_cast %mul3A_1155 : i32 to index
        %get3A_1206 = tpu.vector_load %arg34[%get3A_1205] {strides = array<i32>} : memref<1024xf32, #tpu.memory_space<vmem>>, vector<16xf32>,
        %get3A_1207 = arith.index_cast %mul3A_1155 : i32 to index
        %get3A_1208 = tpu.vector_load %arg30[%get3A_1207] {strides = array<i32>} : memref<1024xf32, #tpu.memory_space<vmem>>, vector<16xf32>,
        %select_n3A_1209 = arith.select %gt3A_1167, %get3A_1206, %get3A_1208 : vector<16xi1>, vector<16xf32>
        %gather3A = tpu.vector_load_idx %arg36[%add3A_1183] : memref<10240xf32, #tpu.memory_space<vmem>>[vector<16xi32>], vector<16xf32>,
        %select_n3A_1210 = arith.select %gt3A_1172, %gather3A, %select_n3A_1194 : vector<16xi1>, vector<16xf32>
        %add3A_1211 = arith.constant 1 : i32
        %add3A_1212 = vector.broadcast %add3A_1211 : i32 to vector<16xi32>
        %add3A_1213 = arith.addi %add3A_1183, %add3A_1212 : vector<16xi32>
        %gather3A_1214 = tpu.vector_load_idx %arg36[%add3A_1213] : memref<10240xf32, #tpu.memory_space<vmem>>[vector<16xi32>], vector<16xf32>,
        %select_n3A_1215 = arith.select %gt3A_1172, %gather3A_1214, %select_n3A_1199 : vector<16xi1>, vector<16xf32>
        %gather3A_1216 = tpu.vector_load_idx %arg36[%add3A_1189] : memref<10240xf32, #tpu.memory_space<vmem>>[vector<16xi32>], vector<16xf32>,
        %select_n3A_1217 = arith.select %gt3A_1177, %gather3A_1216, %select_n3A_1204 : vector<16xi1>, vector<16xf32>
        %add3A_1218 = arith.constant 1 : i32
        %add3A_1219 = vector.broadcast %add3A_1218 : i32 to vector<16xi32>
        %add3A_1220 = arith.addi %add3A_1189, %add3A_1219 : vector<16xi32>
        %gather3A_1221 = tpu.vector_load_idx %arg36[%add3A_1220] : memref<10240xf32, #tpu.memory_space<vmem>>[vector<16xi32>], vector<16xf32>,
        %select_n3A_1222 = arith.select %gt3A_1177, %gather3A_1221, %select_n3A_1209 : vector<16xi1>, vector<16xf32>
        %mul3A_1223 = arith.mulf %get3A_1158, %select_n3A_1210 : vector<16xf32>
        %mul3A_1224 = arith.mulf %get3A_1156, %select_n3A_1215 : vector<16xf32>
        %add3A_1225 = arith.addf %mul3A_1223, %mul3A_1224 : vector<16xf32>
        %mul3A_1226 = arith.mulf %get3A_1158, %select_n3A_1217 : vector<16xf32>
        %mul3A_1227 = arith.mulf %get3A_1156, %select_n3A_1222 : vector<16xf32>
        %add3A_1228 = arith.addf %mul3A_1226, %mul3A_1227 : vector<16xf32>
        %sub3A = arith.subf %add3A_1225, %add3A_1228 : vector<16xf32>
        %get3A_1229 = arith.index_cast %mul3A_1155 : i32 to index
        %get3A_1230 = tpu.vector_load %arg35[%get3A_1229] {strides = array<i32>} : memref<1024xf32, #tpu.memory_space<vmem>>, vector<16xf32>,
        %mul3A_1231 = arith.mulf %sub3A, %sub3A : vector<16xf32>
        %add3A_1232 = arith.addf %get3A_1230, %mul3A_1231 : vector<16xf32>
        %swap3A = arith.index_cast %mul3A_1155 : i32 to index
        %swap3A_1233 = tpu.vector_load %arg35[%swap3A] {strides = array<i32>} : memref<1024xf32, #tpu.memory_space<vmem>>, vector<16xf32>,
        tpu.vector_store %arg35[%swap3A], %add3A_1232 {strides = array<i32>} : memref<1024xf32, #tpu.memory_space<vmem>>, vector<16xf32>,
        %scan3A_1234 = arith.constant 0 : i32
        scf.yield %scan3A_1234 : i32
      }
      %scan3A_1110 = arith.constant 8 : i32
      %dma_wait3A_1111 = arith.constant 7 : i32
      %dma_wait3A_1112 = arith.constant 896 : i32
      %dma_wait3A_1113 = tpu.memref_slice %arg31[%dma_wait3A_1112] : memref<1024xf32, #tpu.memory_space<vmem>> -> memref<128xf32, #tpu.memory_space<vmem>>
      %dma_wait3A_1114 = arith.constant 0 : i32
      %dma_wait3A_1115 = tpu.memref_slice %arg15[%dma_wait3A_1111, %dma_wait3A_1114] : memref<8x128xi32, #tpu.memory_space<vmem>> -> memref<1x128xi32, #tpu.memory_space<vmem>>
      %dma_wait3A_1116 = tpu.memref_squeeze %dma_wait3A_1115 : memref<1x128xi32, #tpu.memory_space<vmem>> -> memref<128xi32, #tpu.memory_space<vmem>>
      %dma_wait3A_1117 = arith.constant 0 : i32
      %dma_wait3A_1118 = tpu.memref_slice %arg37[%dma_wait3A_1117] : memref<1000960xf32, #tpu.memory_space<vmem_shared>> -> memref<1000960xf32, #tpu.memory_space<vmem_shared>>
      tpu.wait_indirect_dma semaphore(%arg39 : memref<!tpu.dma_semaphore, #tpu.memory_space<semaphore_mem>>) src(%dma_wait3A_1118 : memref<1000960xf32, #tpu.memory_space<vmem_shared>>) dst(%dma_wait3A_1113 : memref<128xf32, #tpu.memory_space<vmem>>)
      %dma_wait3A_1119 = arith.constant 7 : i32
      %dma_wait3A_1120 = arith.constant 896 : i32
      %dma_wait3A_1121 = tpu.memref_slice %arg32[%dma_wait3A_1120] : memref<1024xf32, #tpu.memory_space<vmem>> -> memref<128xf32, #tpu.memory_space<vmem>>
      %dma_wait3A_1122 = arith.constant 0 : i32
      %dma_wait3A_1123 = tpu.memref_slice %arg19[%dma_wait3A_1119, %dma_wait3A_1122] : memref<8x128xi32, #tpu.memory_space<vmem>> -> memref<1x128xi32, #tpu.memory_space<vmem>>
      %dma_wait3A_1124 = tpu.memref_squeeze %dma_wait3A_1123 : memref<1x128xi32, #tpu.memory_space<vmem>> -> memref<128xi32, #tpu.memory_space<vmem>>
      %dma_wait3A_1125 = arith.constant 0 : i32
      %dma_wait3A_1126 = tpu.memref_slice %arg37[%dma_wait3A_1125] : memref<1000960xf32, #tpu.memory_space<vmem_shared>> -> memref<1000960xf32, #tpu.memory_space<vmem_shared>>
      tpu.wait_indirect_dma semaphore(%arg39 : memref<!tpu.dma_semaphore, #tpu.memory_space<semaphore_mem>>) src(%dma_wait3A_1126 : memref<1000960xf32, #tpu.memory_space<vmem_shared>>) dst(%dma_wait3A_1121 : memref<128xf32, #tpu.memory_space<vmem>>)
      %dma_wait3A_1127 = arith.constant 7 : i32
      %dma_wait3A_1128 = arith.constant 896 : i32
      %dma_wait3A_1129 = tpu.memref_slice %arg33[%dma_wait3A_1128] : memref<1024xf32, #tpu.memory_space<vmem>> -> memref<128xf32, #tpu.memory_space<vmem>>
      %dma_wait3A_1130 = arith.constant 0 : i32
      %dma_wait3A_1131 = tpu.memref_slice %arg16[%dma_wait3A_1127, %dma_wait3A_1130] : memref<8x128xi32, #tpu.memory_space<vmem>> -> memref<1x128xi32, #tpu.memory_space<vmem>>
      %dma_wait3A_1132 = tpu.memref_squeeze %dma_wait3A_1131 : memref<1x128xi32, #tpu.memory_space<vmem>> -> memref<128xi32, #tpu.memory_space<vmem>>
      %dma_wait3A_1133 = arith.constant 0 : i32
      %dma_wait3A_1134 = tpu.memref_slice %arg37[%dma_wait3A_1133] : memref<1000960xf32, #tpu.memory_space<vmem_shared>> -> memref<1000960xf32, #tpu.memory_space<vmem_shared>>
      tpu.wait_indirect_dma semaphore(%arg39 : memref<!tpu.dma_semaphore, #tpu.memory_space<semaphore_mem>>) src(%dma_wait3A_1134 : memref<1000960xf32, #tpu.memory_space<vmem_shared>>) dst(%dma_wait3A_1129 : memref<128xf32, #tpu.memory_space<vmem>>)
      %dma_wait3A_1135 = arith.constant 7 : i32
      %dma_wait3A_1136 = arith.constant 896 : i32
      %dma_wait3A_1137 = tpu.memref_slice %arg34[%dma_wait3A_1136] : memref<1024xf32, #tpu.memory_space<vmem>> -> memref<128xf32, #tpu.memory_space<vmem>>
      %dma_wait3A_1138 = arith.constant 0 : i32
      %dma_wait3A_1139 = tpu.memref_slice %arg20[%dma_wait3A_1135, %dma_wait3A_1138] : memref<8x128xi32, #tpu.memory_space<vmem>> -> memref<1x128xi32, #tpu.memory_space<vmem>>
      %dma_wait3A_1140 = tpu.memref_squeeze %dma_wait3A_1139 : memref<1x128xi32, #tpu.memory_space<vmem>> -> memref<128xi32, #tpu.memory_space<vmem>>
      %dma_wait3A_1141 = arith.constant 0 : i32
      %dma_wait3A_1142 = tpu.memref_slice %arg37[%dma_wait3A_1141] : memref<1000960xf32, #tpu.memory_space<vmem_shared>> -> memref<1000960xf32, #tpu.memory_space<vmem_shared>>
      tpu.wait_indirect_dma semaphore(%arg39 : memref<!tpu.dma_semaphore, #tpu.memory_space<semaphore_mem>>) src(%dma_wait3A_1142 : memref<1000960xf32, #tpu.memory_space<vmem_shared>>) dst(%dma_wait3A_1137 : memref<128xf32, #tpu.memory_space<vmem>>)
      %scan3A_1143 = arith.constant 0 : i32
      %scan3A_1144 = arith.constant 56 : i32
      %scan3A_1145 = arith.constant 8 : i32
      %scan3A_1146 = arith.addi %scan3A_1144, %scan3A_1145 : i32
      %scan3A_1147 = arith.constant 1 : i32
      %scan3A_1148 = scf.for %scan3A_1152 = %scan3A_1144 to %scan3A_1146 step %scan3A_1147 iter_args(%scan3A_1153 = %scan3A_1143) -> (i32)  : i32 {
        %mul3A_1154 = arith.constant 16 : i32
        %mul3A_1155 = arith.muli %scan3A_1152, %mul3A_1154 : i32
        %get3A = arith.index_cast %mul3A_1155 : i32 to index
        %get3A_1156 = tpu.vector_load %arg11[%get3A] {strides = array<i32>} : memref<1024xf32, #tpu.memory_space<vmem>>, vector<16xf32>,
        %get3A_1157 = arith.index_cast %mul3A_1155 : i32 to index
        %get3A_1158 = tpu.vector_load %arg12[%get3A_1157] {strides = array<i32>} : memref<1024xf32, #tpu.memory_space<vmem>>, vector<16xf32>,
        %get3A_1159 = arith.index_cast %mul3A_1155 : i32 to index
        %get3A_1160 = tpu.vector_load %arg23[%get3A_1159] {strides = array<i32>} : memref<1024xi32, #tpu.memory_space<vmem>>, vector<16xi32>,
        %gt3A = arith.constant 0 : i32
        %gt3A_1161 = vector.broadcast %gt3A : i32 to vector<16xi32>
        %gt3A_1162 = arith.cmpi sgt, %get3A_1160, %gt3A_1161 : vector<16xi32>
        %get3A_1163 = arith.index_cast %mul3A_1155 : i32 to index
        %get3A_1164 = tpu.vector_load %arg24[%get3A_1163] {strides = array<i32>} : memref<1024xi32, #tpu.memory_space<vmem>>, vector<16xi32>,
        %gt3A_1165 = arith.constant 0 : i32
        %gt3A_1166 = vector.broadcast %gt3A_1165 : i32 to vector<16xi32>
        %gt3A_1167 = arith.cmpi sgt, %get3A_1164, %gt3A_1166 : vector<16xi32>
        %get3A_1168 = arith.index_cast %mul3A_1155 : i32 to index
        %get3A_1169 = tpu.vector_load %arg25[%get3A_1168] {strides = array<i32>} : memref<1024xi32, #tpu.memory_space<vmem>>, vector<16xi32>,
        %gt3A_1170 = arith.constant 0 : i32
        %gt3A_1171 = vector.broadcast %gt3A_1170 : i32 to vector<16xi32>
        %gt3A_1172 = arith.cmpi sgt, %get3A_1169, %gt3A_1171 : vector<16xi32>
        %get3A_1173 = arith.index_cast %mul3A_1155 : i32 to index
        %get3A_1174 = tpu.vector_load %arg26[%get3A_1173] {strides = array<i32>} : memref<1024xi32, #tpu.memory_space<vmem>>, vector<16xi32>,
        %gt3A_1175 = arith.constant 0 : i32
        %gt3A_1176 = vector.broadcast %gt3A_1175 : i32 to vector<16xi32>
        %gt3A_1177 = arith.cmpi sgt, %get3A_1174, %gt3A_1176 : vector<16xi32>
        %get3A_1178 = arith.index_cast %mul3A_1155 : i32 to index
        %get3A_1179 = tpu.vector_load %arg21[%get3A_1178] {strides = array<i32>} : memref<1024xi32, #tpu.memory_space<vmem>>, vector<16xi32>,
        %mul3A_1180 = arith.constant 20 : i32
        %mul3A_1181 = arith.muli %add3A, %mul3A_1180 : i32
        %add3A_1182 = vector.broadcast %mul3A_1181 : i32 to vector<16xi32>
        %add3A_1183 = arith.addi %get3A_1179, %add3A_1182 : vector<16xi32>
        %get3A_1184 = arith.index_cast %mul3A_1155 : i32 to index
        %get3A_1185 = tpu.vector_load %arg22[%get3A_1184] {strides = array<i32>} : memref<1024xi32, #tpu.memory_space<vmem>>, vector<16xi32>,
        %mul3A_1186 = arith.constant 20 : i32
        %mul3A_1187 = arith.muli %add3A, %mul3A_1186 : i32
        %add3A_1188 = vector.broadcast %mul3A_1187 : i32 to vector<16xi32>
        %add3A_1189 = arith.addi %get3A_1185, %add3A_1188 : vector<16xi32>
        %get3A_1190 = arith.index_cast %mul3A_1155 : i32 to index
        %get3A_1191 = tpu.vector_load %arg31[%get3A_1190] {strides = array<i32>} : memref<1024xf32, #tpu.memory_space<vmem>>, vector<16xf32>,
        %get3A_1192 = arith.index_cast %mul3A_1155 : i32 to index
        %get3A_1193 = tpu.vector_load %arg27[%get3A_1192] {strides = array<i32>} : memref<1024xf32, #tpu.memory_space<vmem>>, vector<16xf32>,
        %select_n3A_1194 = arith.select %gt3A_1162, %get3A_1191, %get3A_1193 : vector<16xi1>, vector<16xf32>
        %get3A_1195 = arith.index_cast %mul3A_1155 : i32 to index
        %get3A_1196 = tpu.vector_load %arg32[%get3A_1195] {strides = array<i32>} : memref<1024xf32, #tpu.memory_space<vmem>>, vector<16xf32>,
        %get3A_1197 = arith.index_cast %mul3A_1155 : i32 to index
        %get3A_1198 = tpu.vector_load %arg28[%get3A_1197] {strides = array<i32>} : memref<1024xf32, #tpu.memory_space<vmem>>, vector<16xf32>,
        %select_n3A_1199 = arith.select %gt3A_1162, %get3A_1196, %get3A_1198 : vector<16xi1>, vector<16xf32>
        %get3A_1200 = arith.index_cast %mul3A_1155 : i32 to index
        %get3A_1201 = tpu.vector_load %arg33[%get3A_1200] {strides = array<i32>} : memref<1024xf32, #tpu.memory_space<vmem>>, vector<16xf32>,
        %get3A_1202 = arith.index_cast %mul3A_1155 : i32 to index
        %get3A_1203 = tpu.vector_load %arg29[%get3A_1202] {strides = array<i32>} : memref<1024xf32, #tpu.memory_space<vmem>>, vector<16xf32>,
        %select_n3A_1204 = arith.select %gt3A_1167, %get3A_1201, %get3A_1203 : vector<16xi1>, vector<16xf32>
        %get3A_1205 = arith.index_cast %mul3A_1155 : i32 to index
        %get3A_1206 = tpu.vector_load %arg34[%get3A_1205] {strides = array<i32>} : memref<1024xf32, #tpu.memory_space<vmem>>, vector<16xf32>,
        %get3A_1207 = arith.index_cast %mul3A_1155 : i32 to index
        %get3A_1208 = tpu.vector_load %arg30[%get3A_1207] {strides = array<i32>} : memref<1024xf32, #tpu.memory_space<vmem>>, vector<16xf32>,
        %select_n3A_1209 = arith.select %gt3A_1167, %get3A_1206, %get3A_1208 : vector<16xi1>, vector<16xf32>
        %gather3A = tpu.vector_load_idx %arg36[%add3A_1183] : memref<10240xf32, #tpu.memory_space<vmem>>[vector<16xi32>], vector<16xf32>,
        %select_n3A_1210 = arith.select %gt3A_1172, %gather3A, %select_n3A_1194 : vector<16xi1>, vector<16xf32>
        %add3A_1211 = arith.constant 1 : i32
        %add3A_1212 = vector.broadcast %add3A_1211 : i32 to vector<16xi32>
        %add3A_1213 = arith.addi %add3A_1183, %add3A_1212 : vector<16xi32>
        %gather3A_1214 = tpu.vector_load_idx %arg36[%add3A_1213] : memref<10240xf32, #tpu.memory_space<vmem>>[vector<16xi32>], vector<16xf32>,
        %select_n3A_1215 = arith.select %gt3A_1172, %gather3A_1214, %select_n3A_1199 : vector<16xi1>, vector<16xf32>
        %gather3A_1216 = tpu.vector_load_idx %arg36[%add3A_1189] : memref<10240xf32, #tpu.memory_space<vmem>>[vector<16xi32>], vector<16xf32>,
        %select_n3A_1217 = arith.select %gt3A_1177, %gather3A_1216, %select_n3A_1204 : vector<16xi1>, vector<16xf32>
        %add3A_1218 = arith.constant 1 : i32
        %add3A_1219 = vector.broadcast %add3A_1218 : i32 to vector<16xi32>
        %add3A_1220 = arith.addi %add3A_1189, %add3A_1219 : vector<16xi32>
        %gather3A_1221 = tpu.vector_load_idx %arg36[%add3A_1220] : memref<10240xf32, #tpu.memory_space<vmem>>[vector<16xi32>], vector<16xf32>,
        %select_n3A_1222 = arith.select %gt3A_1177, %gather3A_1221, %select_n3A_1209 : vector<16xi1>, vector<16xf32>
        %mul3A_1223 = arith.mulf %get3A_1158, %select_n3A_1210 : vector<16xf32>
        %mul3A_1224 = arith.mulf %get3A_1156, %select_n3A_1215 : vector<16xf32>
        %add3A_1225 = arith.addf %mul3A_1223, %mul3A_1224 : vector<16xf32>
        %mul3A_1226 = arith.mulf %get3A_1158, %select_n3A_1217 : vector<16xf32>
        %mul3A_1227 = arith.mulf %get3A_1156, %select_n3A_1222 : vector<16xf32>
        %add3A_1228 = arith.addf %mul3A_1226, %mul3A_1227 : vector<16xf32>
        %sub3A = arith.subf %add3A_1225, %add3A_1228 : vector<16xf32>
        %get3A_1229 = arith.index_cast %mul3A_1155 : i32 to index
        %get3A_1230 = tpu.vector_load %arg35[%get3A_1229] {strides = array<i32>} : memref<1024xf32, #tpu.memory_space<vmem>>, vector<16xf32>,
        %mul3A_1231 = arith.mulf %sub3A, %sub3A : vector<16xf32>
        %add3A_1232 = arith.addf %get3A_1230, %mul3A_1231 : vector<16xf32>
        %swap3A = arith.index_cast %mul3A_1155 : i32 to index
        %swap3A_1233 = tpu.vector_load %arg35[%swap3A] {strides = array<i32>} : memref<1024xf32, #tpu.memory_space<vmem>>, vector<16xf32>,
        tpu.vector_store %arg35[%swap3A], %add3A_1232 {strides = array<i32>} : memref<1024xf32, #tpu.memory_space<vmem>>, vector<16xf32>,
        %scan3A_1234 = arith.constant 0 : i32
        scf.yield %scan3A_1234 : i32
      }
      %scan3A_1149 = arith.constant 8 : i32
      %barrier3A_1150 = arith.constant 0 : index
      tpu.barrier barrier_id(%barrier3A_1150)
      %scan3A_1151 = arith.constant 0 : i32
      scf.yield %scan3A_1151 : i32
    }
    %scan3A_15 = arith.constant 8 : i32
    "tpu.region"() ({
      %run_scoped3A = tpu.sem_alloc : memref<!tpu.dma_semaphore, #tpu.memory_space<semaphore_mem>>
      %dma_start3A = tpu.memref_slice %arg7[%arg0, %mul3A_0] : memref<2x16384xf32, #tpu.memory_space<hbm>> -> memref<1x1024xf32, #tpu.memory_space<hbm>>
      %dma_start3A_16 = tpu.memref_squeeze %dma_start3A : memref<1x1024xf32, #tpu.memory_space<hbm>> -> memref<1024xf32, #tpu.memory_space<hbm>>
      %dma_start3A_17 = tpu.memref_slice %arg7[%arg0, %mul3A_0] : memref<2x16384xf32, #tpu.memory_space<hbm>> -> memref<1x1024xf32, #tpu.memory_space<hbm>>
      %dma_start3A_18 = tpu.memref_squeeze %dma_start3A_17 : memref<1x1024xf32, #tpu.memory_space<hbm>> -> memref<1024xf32, #tpu.memory_space<hbm>>
      tpu.enqueue_dma source(%arg35 : memref<1024xf32, #tpu.memory_space<vmem>>) target(%dma_start3A_18 : memref<1024xf32, #tpu.memory_space<hbm>>) target_semaphore(%run_scoped3A : memref<!tpu.dma_semaphore, #tpu.memory_space<semaphore_mem>>)
      %dma_wait3A = tpu.memref_slice %arg7[%arg0, %mul3A_0] : memref<2x16384xf32, #tpu.memory_space<hbm>> -> memref<1x1024xf32, #tpu.memory_space<hbm>>
      %dma_wait3A_19 = tpu.memref_squeeze %dma_wait3A : memref<1x1024xf32, #tpu.memory_space<hbm>> -> memref<1024xf32, #tpu.memory_space<hbm>>
      %dma_wait3A_20 = tpu.memref_slice %arg7[%arg0, %mul3A_0] : memref<2x16384xf32, #tpu.memory_space<hbm>> -> memref<1x1024xf32, #tpu.memory_space<hbm>>
      %dma_wait3A_21 = tpu.memref_squeeze %dma_wait3A_20 : memref<1x1024xf32, #tpu.memory_space<hbm>> -> memref<1024xf32, #tpu.memory_space<hbm>>
      tpu.wait_dma2 semaphore(%run_scoped3A : memref<!tpu.dma_semaphore, #tpu.memory_space<semaphore_mem>>) src(%arg35 : memref<1024xf32, #tpu.memory_space<vmem>>) dst(%dma_wait3A_21 : memref<1024xf32, #tpu.memory_space<hbm>>)
      tpu.yield
    }) : () -> ()
    return
  }
}

</mosaic_0001>

<sc_bundles>
// kernel: kernel.3.cloned.1.call-start
scs
__scs_entry_jumppad:
0x0: {  	(pc) =	sbr.rel $0x88, $3  }
0x1: {  	(tag) =	ssettag $0x0;
	lr =	simm.s32 $0x1  }
0x2: {  	[smem:$0x3F9C] =	sst lr;
	_ =	strace $0xD0000000  }
0x3: {  	_ = 	snop  }
0x4: {  	_ = 	snop  }
0x5: {  	_ = 	snop  }
0x6: {  	_ = 	snop  }
0x7: {  	_ = 	snop  }
__scs_overlays_trampoline_lowered:
0x8: {  	[smem:$0x3FAB] =	sst s0  }
0x9: {  	[smem:$0x3FAC] =	sst s1  }
0xa: {  	[smem:$0x3FAD] =	sst s2  }
0xb: {  	[smem:$0x3FAE] =	sst s3  }
0xc: {  	[smem:$0x3FAF] =	sst s4  }
0xd: {  	[smem:$0x3FB0] =	sst s5  }
0xe: {  	[smem:$0x3FB1] =	sst s6  }
0xf: {  	[smem:$0x3FB2] =	sst s7  }
0x10: {  	[smem:$0x3FB3] =	sst s8  }
0x11: {  	[smem:$0x3FB4] =	sst s9;
	s0 =	simm.s32 @!p0 $0x0  }
0x12: {  	s1 =	sld [smem:$0x3F9A];
	s0 =	simm.s32 @p0 $0x1  }
0x13: {  	[smem:$0x3FB5] =	sst s0;
	s0 =	simm.s32 @!p1 $0x0  }
0x14: {  	s2 =	sld [smem:$0x3F99];
	s0 =	simm.s32 @p1 $0x1  }
0x15: {  	[smem:$0x3FB6] =	sst s0;
	s0 =	simm.s32 @!p2 $0x0  }
0x16: {  	s3 =	sld [smem:$0x3FDB];
	s0 =	simm.s32 @p2 $0x1  }
0x17: {  	s4 =	simm.s32 $0x1BF5;
	[smem:$0x3FB8] =	sst s0  }
0x18: {  	s0 =	sld [smem:$0x3F9B];
	_ =	swait.ge [sflag:s4], $0x0  }
0x19: {  	s7 =	sld [smem:$0x3F9C]  }
0x1a: {  	s8 =	sadd.s32 $0xFFFFE003, lr  }
0x1b: {  	s9 =	sadd.s32 $0xFFFFFEF7, lr;
	s5 =	simm.s32 $0xFFFFFFFF;
	p2 =	slt.u32 s8, $0xFFFFF086  }
0x1c: {  	p1 =	slt.u32 s9, $0xF7A;
	s5 =	simm.s32 @!p2 $0x0  }
0x1d: {  	s5 =	simm.s32 @p1 $0x1;
	p0 =	seq.s32 s7, s2  }
0x1e: {  	s7 =	smul.u32 @!p0 $0xF7A, s2;
	p2 =	seq.s32 @!p0 s5, $0x0  }
0x1f: {  	s9 =	smul.u32 $0xF7A, s1;
	s8 =	simm.s32 @!p0 $0x1BF5;
	p2 =	por !p2, p0  }
0x20: {  	[sflag:s8] =	ssyncset.s32 @!p0 $0xFFFFF086;
	s6 =	sadd.s32 @!p0 s3, s7;
	s7 =	simm.s32 @!p0 $0x108  }
0x21: {  	s3 =	sadd.s32 s3, s9;
	s6 =	sadd.s32 @!p0 $0x88, s6;
	s7 =	simm.s32 @p2 $0x1082  }
0x22: {  	[simem:s7], [sflag:s8] =	dma.local @!p0 [hbm:s6], $0xF7A  }
0x23: {  	s9 =	sor.u32 $0xD0000000, s2;
	s6 =	simm.s32 $0x108;
	_ =	swait.ge @!p0 [sflag:s8], $0x0  }
0x24: {  	s3 =	sadd.s32 $0x88, s3;
	s6 =	simm.s32 @!p1 $0x1082;
	[sflag:s4] =	ssyncset.s32 $0xFFFFF086  }
0x25: {  	[simem:s6], [sflag:s4] =	dma.local [hbm:s3], $0xF7A  }
0x26: {  	[smem:$0x3F9C] =	sst s1;
	(tag) =	ssettag s2;
	_ =	strace s9  }
0x27: {  	s1 =	sld [smem:$0x3FAC]  }
0x28: {  	s2 =	sld [smem:$0x3FAD]  }
0x29: {  	s4 =	sld [smem:$0x3FAF]  }
0x2a: {  	p0 =	seq.s32 s5, $0x0;
	s5 =	sld [smem:$0x3FB0]  }
0x2b: {  	s6 =	sld [smem:$0x3FB1]  }
0x2c: {  	s7 =	sld [smem:$0x3FB2]  }
0x2d: {  	s3 =	simm.s32 $0x108;
	s8 =	sld [smem:$0x3FB3]  }
0x2e: {  	s3 =	simm.s32 @!p0 $0x1082;
	s9 =	sld [smem:$0x3FB4]  }
0x2f: {  	lr =	sadd.s32 s0, s3;
	s0 =	sld [smem:$0x3FAB]  }
0x30: {  	s3 =	sld [smem:$0x3FAE]  }
0x31: {  	[smem:$0x3FB7] =	sst s10  }
0x32: {  	s10 =	sld [smem:$0x3FB5];
	_ =	sdelay $0x3  }
0x33: {  	p0 =	seq.s32 s10, $0x1;
	s10 =	sld [smem:$0x3FB7];
	_ =	sdelay $0x3  }
0x34: {  	[smem:$0x3FB7] =	sst s10  }
0x35: {  	s10 =	sld [smem:$0x3FB6];
	_ =	sdelay $0x3  }
0x36: {  	p1 =	seq.s32 s10, $0x1;
	s10 =	sld [smem:$0x3FB7];
	_ =	sdelay $0x3  }
0x37: {  	[smem:$0x3FB7] =	sst s10  }
0x38: {  	s10 =	sld [smem:$0x3FB8]  }
0x39: {  	_ = 	snop;
	(pc) =	sbr.ind lr, $3  }
0x3a: {  	_ = 	snop  }
0x3b: {  	_ = 	snop  }
0x3c: {  	p2 =	seq.s32 s10, $0x1;
	s10 =	sld [smem:$0x3FB7]  }
0x3d: {  	_ =	shalt  }
0x3e: {  	_ =	shalt  }
0x3f: {  	_ =	shalt  }
0x40: {  	_ =	shalt  }
0x41: {  	_ =	shalt  }
0x42: {  	_ =	shalt  }
0x43: {  	_ =	shalt  }
0x44: {  	_ =	shalt  }
0x45: {  	_ =	shalt  }
0x46: {  	_ =	shalt  }
0x47: {  	_ =	shalt  }
0x48: {  	_ =	shalt  }
0x49: {  	_ =	shalt  }
0x4a: {  	_ =	shalt  }
0x4b: {  	_ =	shalt  }
0x4c: {  	_ =	shalt  }
0x4d: {  	_ =	shalt  }
0x4e: {  	_ =	shalt  }
0x4f: {  	_ =	shalt  }
0x50: {  	_ =	shalt  }
0x51: {  	_ =	shalt  }
0x52: {  	_ =	shalt  }
0x53: {  	_ =	shalt  }
0x54: {  	_ =	shalt  }
0x55: {  	_ =	shalt  }
0x56: {  	_ =	shalt  }
0x57: {  	_ =	shalt  }
0x58: {  	_ =	shalt  }
0x59: {  	_ =	shalt  }
0x5a: {  	_ =	shalt  }
0x5b: {  	_ =	shalt  }
0x5c: {  	_ =	shalt  }
0x5d: {  	_ =	shalt  }
0x5e: {  	_ =	shalt  }
0x5f: {  	_ =	shalt  }
0x60: {  	_ =	shalt  }
0x61: {  	_ =	shalt  }
0x62: {  	_ =	shalt  }
0x63: {  	_ =	shalt  }
0x64: {  	_ =	shalt  }
0x65: {  	_ =	shalt  }
0x66: {  	_ =	shalt  }
0x67: {  	_ =	shalt  }
0x68: {  	_ =	shalt  }
0x69: {  	_ =	shalt  }
0x6a: {  	_ =	shalt  }
0x6b: {  	_ =	shalt  }
0x6c: {  	_ =	shalt  }
0x6d: {  	_ =	shalt  }
0x6e: {  	_ =	shalt  }
0x6f: {  	_ =	shalt  }
0x70: {  	_ =	shalt  }
0x71: {  	_ =	shalt  }
0x72: {  	_ =	shalt  }
0x73: {  	_ =	shalt  }
0x74: {  	_ =	shalt  }
0x75: {  	_ =	shalt  }
0x76: {  	_ =	shalt  }
0x77: {  	_ =	shalt  }
0x78: {  	_ =	shalt  }
0x79: {  	_ =	shalt  }
0x7a: {  	_ =	shalt  }
0x7b: {  	_ =	shalt  }
0x7c: {  	_ =	shalt  }
0x7d: {  	_ =	shalt  }
0x7e: {  	_ =	shalt  }
0x7f: {  	_ =	shalt  }
0x80: {  	_ =	shalt  }
0x81: {  	_ =	shalt  }
0x82: {  	_ =	shalt  }
0x83: {  	_ =	shalt  }
0x84: {  	_ =	shalt  }
0x85: {  	_ =	shalt  }
0x86: {  	_ =	shalt  }
0x87: {  	_ =	shalt  }
.Lfunc_end0:
.L_simem_size_0:
called_computation_lowered:
.L_overlay_start_0:
0x88: {  	s2 =	sld [smem:$0x3FD9]  }
0x89: {  	s3 =	sld [smem:$0x3FFE];
	_ =	sdelay $0x1  }
0x8a: {  	s1 =	srdreg.scid  }
0x8b: {  	s0 =	sand.u32 $0x1, s1  }
0x8c: {  	s17 =	sshll.u32 s0, $0xA;
	s2 =	sadd.s32 s3, s2  }
0x8d: {  	s2 =	sadd.s32 s2, s17  }
0x8e: {  	[smem:$0x3FC3] =	sst s2  }
0x8f: {  	_ = 	snop  }
0x90: {  	s2 =	sld [smem:$0x3FC9]  }
0x91: {  	s18 =	sld [smem:$0x3FC8]  }
0x92: {  	s4 =	sld [smem:$0x3FC7]  }
0x93: {  	s5 =	sld [smem:$0x3FC6]  }
0x94: {  	s6 =	sld [smem:$0x3FD0];
	(tm) =	ssettm $0x1  }
0x95: {  	s7 =	sld [smem:$0x3FFB];
	_ =	sdelay $0x3  }
0x96: {  	_ =	strace s7  }
0x97: {  	s7 =	sld [smem:$0x3FFC];
	_ =	sdelay $0x3  }
0x98: {  	_ =	strace s7  }
0x99: {  	s7 =	sld [smem:$0x3FFD];
	_ =	sdelay $0x3  }
0x9a: {  	_ =	strace s7  }
0x9b: {  	_ =	strace $0x8FFFFFFF  }
0x9c: {  	s19 =	sld [smem:$0x3FDB];
	_ =	sdelay $0x1  }
0x9d: {  	s8 =	simm.s32 $_scs_section_size  }
0x9e: {  	s9 =	simm.s32 $_size__tile_overlayer_lowered;
	s10 =	simm.s32 $_tile_overlayer_lowered  }
0x9f: {  	s22 =	simm.s32 $0x1BFF;
	s21 =	sshll.u32 s10, $0x1;
	s7 =	sadd.s32 s8, s19  }
0xa0: {  	s11 =	simm.s32 $0x0;
	s20 =	sshll.u32 s9, $0x1;
	s9 =	sadd.s32 s21, s7  }
0xa1: {  	[timem:s11], [sflag:s22] =	dma.local [hbm:s9], s20  }
0xa2: {  	_ =	swait.ge [sflag:s22], s20  }
0xa3: {  	s8 =	ssub.s32 $0x0, s20;
	[sflag:s22] =	ssyncset.done $0x0  }
0xa4: {  	[sflag:s22] =	ssyncadd.s32 s8;
	_ =	sdelay $0x1  }
0xa5: {  	s23 =	simm.s32 $0x1B8B  }
0xa6: {  	_ =	swait.ge [sflag:s23], $0x1  }
0xa7: {  	[sflag:s23] =	ssyncset.done $0x0  }
0xa8: {  	s25 =	simm.s32 $0x1B8E;
	s24 =	sld [smem:$0x3FFE];
	[sflag:s23] =	ssyncadd.s32 $0xFFFFFFFF  }
0xa9: {  	s26 =	simm.s32 $execute0_lowered;
	[smem:$0x3FD2] =	sst s25  }
0xaa: {  	s9 =	sshll.u32 s26, $0x1;
	_ =	strace $0x80000046;
	[dreg:$0x1] =	wrdreg $0xFFFFFFFF  }
0xab: {  	s28 =	simm.s32 $_size_execute0_lowered;
	s7 =	sadd.s32 s7, s9;
	[dreg:$0x0] =	wrdreg $0x0  }
0xac: {  	s9 =	sshll.u32 s28, $0x1;
	[dreg:$0x2] =	wrdreg s7  }
0xad: {  	[dreg:$0x3] =	wrdreg s9  }
0xae: {  	[dreg:$0x4] =	wrdreg $0xC0  }
0xaf: {  	_ =	task [dreg:s11], $0x5FFFF  }
0xb0: {  	[dreg:$0x1] =	wrdreg $0xFFFFFFFF  }
0xb1: {  	[dreg:$0x0] =	wrdreg $0x60  }
0xb2: {  	[dreg:$0x2] =	wrdreg s2  }
0xb3: {  	[dreg:$0x3] =	wrdreg s18  }
0xb4: {  	[dreg:$0x4] =	wrdreg s4  }
0xb5: {  	[dreg:$0x5] =	wrdreg s5  }
0xb6: {  	[dreg:$0x6] =	wrdreg s6  }
0xb7: {  	[dreg:$0x7] =	wrdreg s24  }
0xb8: {  	[dreg:$0x8] =	wrdreg $0x98000  }
0xb9: {  	[dreg:$0x9] =	wrdreg $0x9  }
0xba: {  	_ =	task.clear_ibuf [dreg:s11], $0xAFFFF;
	_ =	strace $0x90000046  }
0xbb: {  	s29 =	simm.s32 $0x9;
	_ =	strace $0x80000048  }
0xbc: {  	_ =	swait.ge [sflag:s29], $0x1  }
0xbd: {  	[sflag:s29] =	ssyncadd.s32 $0xFFFFFFFF  }
0xbe: {  	_ =	strace $0x90000048  }
0xbf: {  	_ =	sfence  }
0xc0: {  	s30 =	sld [smem:$0x0];
	_ =	sdelay $0x2  }
0xc1: {  	s31 =	sshll.u32 s1, $0xD;
	s1 =	sshrl.u32 s1, $0x2  }
0xc2: {  	s3 =	sand.u32 $0x4000, s31;
	s1 =	sadd.s32 s1, s30  }
0xc3: {  	s0 =	sor.u32 s3, s0;
	s1 =	sshll.u32 s1, $0x11  }
0xc4: {  	s0 =	sor.u32 s1, s0  }
0xc5: {  	s0 =	sadd.s32 $0x8F2B, s0  }
0xc6: {  	[sflag:s0] =	ssyncadd.remote.s32 $0x1  }
0xc7: {  	_ =	sfence.sel $0xFFFF  }
0xc8: {  	[dreg:$0x0] =	wrdreg $0xFFFFFFFF;
	(pc) =	sbr.abs _section_cstart, $3  }
0xc9: {  	[dreg:$0x1] =	wrdreg $0xFFFFFFFF  }
0xca: {  	_ =	task.clear_ibuf [dreg:s11], $0x2FFFF;
	_ =	strace $0x9FFFFFFF  }
0xcb: {  	(tm) =	ssettm $0x7FFFFFFF  }
tec
execute0_lowered:
.L_overlay_start_1:
0x0: {  	(tag) =	ssettag $0x1  }
0x1: {  	s0 =	rddreg [dreg:$0x0]  }
0x2: {  	s2 =	rddreg [dreg:$0x1]  }
0x3: {  	s4 =	rddreg [dreg:$0x2]  }
0x4: {  	s1 =	rddreg [dreg:$0x3]  }
0x5: {  	s5 =	rddreg [dreg:$0x5]  }
0x6: {  	s3 =	rddreg [dreg:$0x6];
	s7 =	simm.s32 $0x0;
	s6 =	srdreg.scid  }
0x7: {  	s15 =	stileid.u32;
	s17 =	simm.s32 $0x3;
	s18 =	simm.s32 $0x6380  }
0x8: {  	s19 =	simm.s32 $0x2380;
	[smem:$0x7FF] =	sst s7;
	s6 =	sand.u32 $0x1, s6  }
0x9: {  	s21 =	smul.u32 $0x30E00, s15;
	s13 =	sshll.u32 s15, $0x8;
	s22 =	sshll.u32 s15, $0x7  }
0xa: {  	s10 =	smul.u32 $0x187000, s15;
	s11 =	sor.u32 $0x10, s15;
	s31 =	sshll.u32 s15, $0x6  }
0xb: {  	p0 =	sgt.u32 s15, $0x3;
	s15 =	simm.s32 $0x2;
	_ =	strace $0x80000047  }
0xc: {  	s20 =	ssub.s32 $0x2, s6;
	s8 =	sshll.u32 s6, $0x4;
	s23 =	smul.u32 $0xC3800, s6  }
0xd: {  	s0 =	sadd.s32 s0, s22;
	s2 =	sadd.s32 s2, s22;
	s25 =	smul.u32 $0x30E00, s11  }
0xe: {  	v0 =	vimm.f32 $5.263157930e-02;
	s24 =	sadd.s32 s4, s22;
	s28 =	smul.u32 $0x187000, s11;
	[dreg:$0x8] =	wrdreg s0  }
0xf: {  	s9 =	sshrl.u32 s20, $0x1;
	s5 =	sadd.s32 s8, s5;
	[dreg:$0x9] =	wrdreg s2;
	(erf) = vrcp.f32 v0  }
0x10: {  	[dreg:$0xa] =	wrdreg s24;
	s26 =	sshrl.u32 s21, $0x2;
	s21 =	sor.u32 $0x1C01, s31  }
0x11: {  	s24 =	simm.s32 $0x10;
	s8 =	simm.s32 $0x6B80;
	s7 =	ssub.s32 s20, s9  }
0x12: {  	s9 =	sshll.u32 s6, $0x3;
	s4 =	sadd.s32 s26, s3;
	s10 =	sadd.s32 s23, s10  }
0x13: {  	s2 =	sshrl.u32 s25, $0x2;
	s11 =	sadd.s32 s23, s28;
	s29 =	sadd.s32 s13, s5  }
0x14: {  	s20 =	simm.s32 $0x7000;
	s23 =	simm.s32 $0x1;
	s25 =	simm.s32 $0x80  }
0x15: {  	s6 =	simm.s32 $0x6780;
	s12 =	sadd.s32 s2, s3;
	s13 =	sadd.s32 $0x61800, s10  }
0x16: {  	s14 =	sadd.s32 $0x61800, s11;
	s0 =	sadd.s32 $0x400, s29;
	s30 =	smax.u32 s7, $0x1  }
0x17: {  	s22 =	sshrl.u32 s4, $0x3;
	s2 =	simm.s32 $0x2F80;
	[dreg:$0xb] =	wrdreg s0  }
0x18: {  	v1 =	vimm.f32 $0.0e+00;
	v2 =	vlaneseq.u32;
	v3 =	vimm.s32 $0x0;
	s7 =	simm.s32 $0x3380;
	s4 =	simm.s32 $0x0;
	[dreg:$0xc] =	wrdreg s30;
	v0 =	vpop (erf)  }
.LBB2_1:
0x19: {  	[dreg:$0xd] =	wrdreg s4  }
0x1a: {  	s16 =	simm.s32 $0x0;
	s0 =	rddreg [dreg:$0x8]  }
0x1b: {  	[tilespmem:s16], [sflag:$0x3] =	stream.linear.gather [hbm4b:s0+s16], $0x400, $0x38;
	[tilespmem:$0x18C60] =	vst v63  }
0x1c: {  	_ =	swait.ge [sflag:s17], $0x400  }
0x1d: {  	[sflag:s17] =	ssyncset.done $0x0  }
0x1e: {  	s26 =	simm.s32 $0x400;
	s5 =	rddreg [dreg:$0x9];
	[sflag:s17] =	ssyncadd.s32 $0xFFFFFC00  }
0x1f: {  	[tilespmem:s26], [sflag:$0x3] =	stream.linear.gather [hbm4b:s5+s16], $0x400, $0x38;
	[tilespmem:$0x18C60] =	vst v63  }
0x20: {  	_ =	swait.ge [sflag:s17], $0x400  }
0x21: {  	[sflag:s17] =	ssyncset.done $0x0  }
0x22: {  	s31 =	simm.s32 $0x800;
	s28 =	rddreg [dreg:$0xa];
	[sflag:s17] =	ssyncadd.s32 $0xFFFFFC00  }
0x23: {  	[tilespmem:s31], [sflag:$0x3] =	stream.linear.gather [hbm4b:s28+s16], $0x400, $0x38;
	[tilespmem:$0x18C60] =	vst v63  }
0x24: {  	_ =	swait.ge [sflag:s17], $0x400  }
0x25: {  	[sflag:s17] =	ssyncset.done $0x0  }
0x26: {  	[sflag:s17] =	ssyncadd.s32 $0xFFFFFC00  }
0x27: {  	s5 =	rddreg [dreg:$0x4]  }
0x28: {  	[tilespmem:s20], [sflag:$0x3] =	stream.linear.gather [hbm4b:s5+s16], $0x2800, $0x38;
	[tilespmem:$0x18C60] =	vst v63  }
0x29: {  	_ =	swait.ge [sflag:s17], $0x2800  }
0x2a: {  	[sflag:s17] =	ssyncset.done $0x0  }
0x2b: {  	s4 =	simm.s32 $0x0;
	[sflag:s17] =	ssyncadd.s32 $0xFFFFD800  }
0x2c: {  	v5 =	vld [tilespmem:s4+$0x800];
	_ =	sdelay $0x4  }
0x2d: {  	v4 =	vand.u32 $0x7FFFFFFF, v5  }
0x2e: {  	v7 =	vmul.f32 v4, v0  }
0x2f: {  	v6 =	vmul.f32 v5, v0  }
0x30: {  	v8 =	vld [tilespmem:s4+$0x400];
	v7 =	vfloor.f32 v7  }
0x31: {  	v6 =	vtrunc.f32 v6;
	v7 =	vmul.f32 $5.263157930e-02, v7  }
0x32: {  	v9 =	vld [tilespmem:s4+$0x0];
	v6 =	vcvt.f32.s32 v6  }
0x33: {  	v7 =	vsub.f32 v4, v7  }
0x34: {  	v5 =	vand.u32 $0x80000000, v5;
	vm0 =	vlt.s32 v6, $0x12  }
0x35: {  	v13 =	vadd.s32 $0xFFFF3D00, v8;
	v4 =	vnsel vm0, $0x12, v6;
	vm0 =	veq.f32 v7, $5.263157930e-02  }
0x36: {  	v63 =	vadd.s32 $0xFFFE7980, v8;
	vm2 =	vgt.s32 v13, $0x0;
	v6 =	vsel vm0, $0x0, v7  }
0x37: {  	vm3 =	vgt.s32 v63, $0x0;
	v7 =	vadd.s32 $0xFFFF3D00, v9;
	v6 =	vand.u32 $0x7FFFFFFF, v6  }
0x38: {  	s17 =	sand.u32 $0x70, s16;
	v13 =	vnsel vm2, $0x0, v13;
	vm1 =	vgt.s32 v7, $0x0;
	v5 =	vor.u32 v5, v6  }
0x39: {  	v6 =	vnsel vm1, $0x0, v7;
	v7 =	vmul.f32 v5, v0;
	v5 =	vor.u32 s17, v2  }
0x3a: {  	vm2 =	vgt.s32 v8, $0x1867F;
	v10 =	vmul.u32 $0xC380, v4;
	vm0 =	vgt.s32 v9, $0xC2FF  }
0x3b: {  	vm1 =	vgt.s32 v8, $0xC2FF;
	v6 =	vmin.u32 v6, $0xC37F;
	v14 =	vsub.f32 $1.000000000e+00, v7  }
0x3c: {  	s29 =	sand.u32 $0x380, s16;
	v11 =	vsel vm0, $0xC2FF, v9;
	v12 =	vadd.s32 v10, v6;
	v6 =	vsel vm1, $0xC2FF, v8;
	[tilespmem:s4+$0xC00] =	vst v7  }
0x3d: {  	s26 =	sor.u32 $0x1400, s29;
	v13 =	vmin.u32 v13, $0xC37F;
	v11 =	vadd.s32 v11, v10;
	v6 =	vadd.s32 v10, v6;
	[tilespmem:s4+$0x1000] =	vst v14  }
0x3e: {  	s28 =	sor.u32 $0x1800, s29;
	v7 =	vadd.s32 $0xC380, v11;
	v8 =	vadd.s32 $0xC380, v12;
	[tilespmem:v5+s26+$0x0] =	vst.idx.msk $0xffff, v11;
	v11 =	vadd.s32 $0xFFFE7980, v9  }
0x3f: {  	s30 =	sor.u32 $0x2400, s29;
	s0 =	sor.u32 $0x2000, s29;
	s31 =	sor.u32 $0x1C00, s29;
	v10 =	vadd.s32 v10, v13;
	v14 =	vnsel vm3, $0x0, v63;
	[tilespmem:v5+s28+$0x0] =	vst.idx.msk $0xffff, v6;
	vm4 =	vgt.s32 v11, $0x0  }
0x40: {  	s16 =	simm.s32 $0x10;
	s17 =	simm.s32 $0x0;
	vm3 =	vgt.s32 v9, $0x1867F;
	s26 =	simm.s32 $0x80;
	[tilespmem:v5+s31+$0x0] =	vst.idx.msk $0xffff, v12;
	v9 =	vnsel vm4, $0x0, v11;
	v11 =	vmul.u32 $0x140, v14  }
.LBB2_2:
0x41: {  	p1 =	sne.s32 s26, $0xFC0  }
0x42: {  	[tilespmem:v5+s0+$0x0] =	vst.idx.msk $0xffff, v10;
	s17 =	sadd.s32 $0x10, s17;
	s28 =	smov.u32 s26;
	s26 =	sadd.s32 $0x40, s26  }
0x43: {  	v6 =	vadd.s32 $0xC380, v6;
	s0 =	sor.u32 $0x2800, s29;
	[tilespmem:v5+s30+$0x0] =	vst.idx.msk $0xffff, v7;
	v7 =	vadd.s32 v4, v11  }
0x44: {  	[tilespmem:v5+s0+$0x0] =	vst.idx.msk $0xffff, v6;
	s0 =	sor.u32 $0x2C00, s29  }
0x45: {  	v6 =	vadd.s32 $0xC380, v10;
	[tilespmem:v5+s0+$0x0] =	vst.idx.msk $0xffff, v8;
	s0 =	sor.u32 $0x3000, s29  }
0x46: {  	[tilespmem:v5+s0+$0x0] =	vst.idx.msk $0xffff, v6  }
0x47: {  	v6 =	vsel vm2, $0x1, v3;
	v5 =	vld [tilespmem:s16+$0x800];
	[tilespmem:s4+$0x3800] =	vst v7  }
0x48: {  	v7 =	vsel vm3, $0x1, v3;
	[tilespmem:s4+$0x4800] =	vst v6  }
0x49: {  	v8 =	vsel vm1, $0x1, v3;
	v6 =	vmul.u32 $0x140, v9;
	[tilespmem:s4+$0x4400] =	vst v7  }
0x4a: {  	v7 =	vsel vm0, $0x1, v3;
	[tilespmem:s4+$0x4000] =	vst v8  }
0x4b: {  	v4 =	vadd.s32 v4, v6;
	[tilespmem:s4+$0x3C00] =	vst v7  }
0x4c: {  	v6 =	vmul.f32 v5, v0;
	v7 =	vand.u32 $0x7FFFFFFF, v5;
	[tilespmem:s4+$0x3400] =	vst v4  }
0x4d: {  	v4 =	vmul.f32 v7, v0;
	[tilespmem:s4+$0x6C00] =	vst v1;
	s4 =	smov.u32 s16  }
0x4e: {  	v6 =	vtrunc.f32 v6  }
0x4f: {  	v6 =	vcvt.f32.s32 v6;
	v4 =	vfloor.f32 v4  }
0x50: {  	v8 =	vmul.f32 $5.263157930e-02, v4;
	v9 =	vld [tilespmem:s4+$0x0]  }
0x51: {  	v5 =	vand.u32 $0x80000000, v5;
	vm0 =	vlt.s32 v6, $0x12;
	v10 =	vld [tilespmem:s4+$0x400]  }
0x52: {  	v4 =	vnsel vm0, $0x12, v6;
	v6 =	vsub.f32 v7, v8;
	_ =	sdelay $0x1  }
0x53: {  	v11 =	vmul.u32 $0xC380, v4;
	vm0 =	veq.f32 v6, $5.263157930e-02  }
0x54: {  	v6 =	vsel vm0, $0x0, v6;
	vm0 =	vgt.s32 v9, $0xC2FF;
	v7 =	vadd.s32 $0xFFFF3D00, v9  }
0x55: {  	v6 =	vand.u32 $0x7FFFFFFF, v6;
	v8 =	vsel vm0, $0xC2FF, v9;
	vm1 =	vgt.s32 v7, $0x0  }
0x56: {  	s0 =	sand.u32 $0x70, s17;
	v5 =	vor.u32 v5, v6;
	v8 =	vadd.s32 v8, v11;
	v6 =	vnsel vm1, $0x0, v7  }
0x57: {  	v7 =	vmul.f32 v5, v0;
	v6 =	vmin.u32 v6, $0xC37F;
	v5 =	vor.u32 s0, v2  }
0x58: {  	v13 =	vadd.s32 $0xFFFF3D00, v10;
	vm1 =	vgt.s32 v10, $0xC2FF;
	v12 =	vadd.s32 v11, v6  }
0x59: {  	vm2 =	vgt.s32 v13, $0x0;
	v6 =	vsel vm1, $0xC2FF, v10;
	v14 =	vsub.f32 $1.000000000e+00, v7  }
.Ltmp0:
0x5a: {  	s29 =	sand.u32 $0x380, s17;
	v13 =	vnsel vm2, $0x0, v13;
	v6 =	vadd.s32 v11, v6;
	[tilespmem:s4+$0xC00] =	vst v7;
	v7 =	vadd.s32 $0xC380, v8;
	(pc) =	sbr.rel @p1 .LBB2_2-.Ltmp0, $4  }
0x5b: {  	s30 =	sor.u32 $0x2400, s29;
	s0 =	sor.u32 $0x1400, s29;
	vm2 =	vgt.s32 v10, $0x1867F;
	v13 =	vmin.u32 v13, $0xC37F;
	[tilespmem:s4+$0x1000] =	vst v14;
	v14 =	vadd.s32 $0xFFFE7980, v10  }
0x5c: {  	v15 =	vadd.s32 $0xFFFE7980, v9;
	[tilespmem:v5+s0+$0x0] =	vst.idx.msk $0xffff, v8;
	s0 =	sor.u32 $0x1800, s29;
	v8 =	vadd.s32 $0xC380, v12;
	vm3 =	vgt.s32 v14, $0x0  }
0x5d: {  	vm4 =	vgt.s32 v15, $0x0;
	[tilespmem:v5+s0+$0x0] =	vst.idx.msk $0xffff, v6;
	s0 =	sor.u32 $0x1C00, s29;
	v14 =	vnsel vm3, $0x0, v14;
	vm3 =	vgt.s32 v9, $0x1867F  }
0x5e: {  	s16 =	sshra.s32 s28, $0x2;
	v10 =	vadd.s32 v11, v13;
	v9 =	vnsel vm4, $0x0, v15;
	[tilespmem:v5+s0+$0x0] =	vst.idx.msk $0xffff, v12;
	s0 =	sor.u32 $0x2000, s29;
	v11 =	vmul.u32 $0x140, v14  }
0x5f: {  	_ =	sdelay $0x3  }
0x60: {  	[tilespmem:v5+s0+$0x0] =	vst.idx.msk $0xffff, v10  }
0x61: {  	v6 =	vadd.s32 $0xC380, v6;
	s26 =	sor.u32 $0x2800, s29;
	[tilespmem:v5+s30+$0x0] =	vst.idx.msk $0xffff, v7  }
0x62: {  	s28 =	sor.u32 $0x2C00, s29;
	[tilespmem:v5+s26+$0x0] =	vst.idx.msk $0xffff, v6  }
0x63: {  	v38 =	vadd.s32 $0xC380, v10;
	s29 =	sor.u32 $0x3000, s29;
	[tilespmem:v5+s28+$0x0] =	vst.idx.msk $0xffff, v8  }
0x64: {  	[tilespmem:v5+s29+$0x0] =	vst.idx.msk $0xffff, v38  }
0x65: {  	v5 =	vld [tilespmem:s16+$0x800];
	_ =	sdelay $0x3  }
0x66: {  	v39 =	vadd.s32 v4, v11  }
0x67: {  	v41 =	vsel vm2, $0x1, v3;
	[tilespmem:s4+$0x3800] =	vst v39;
	v40 =	vand.u32 $0x7FFFFFFF, v5  }
0x68: {  	v43 =	vsel vm3, $0x1, v3;
	[tilespmem:s4+$0x4800] =	vst v41;
	v42 =	vmul.f32 v40, v0  }
0x69: {  	v44 =	vmul.u32 $0x140, v9;
	v45 =	vsel vm1, $0x1, v3;
	[tilespmem:s4+$0x4400] =	vst v43  }
0x6a: {  	v46 =	vsel vm0, $0x1, v3;
	[tilespmem:s4+$0x4000] =	vst v45;
	v8 =	vfloor.f32 v42  }
0x6b: {  	v4 =	vadd.s32 v4, v44;
	[tilespmem:s4+$0x3C00] =	vst v46;
	v8 =	vmul.f32 $5.263157930e-02, v8  }
0x6c: {  	[tilespmem:s4+$0x3400] =	vst v4  }
0x6d: {  	[tilespmem:s4+$0x6C00] =	vst v1;
	v4 =	vsub.f32 v40, v8  }
0x6e: {  	v48 =	vld [tilespmem:s16+$0x0];
	v47 =	vmul.f32 v5, v0  }
0x6f: {  	v49 =	vld [tilespmem:s16+$0x400];
	vm7 =	veq.f32 v4, $5.263157930e-02  }
0x70: {  	s30 =	sadd.s32 $0x10, s17;
	v6 =	vtrunc.f32 v47;
	v4 =	vsel vm7, $0x0, v4  }
0x71: {  	s31 =	sand.u32 $0x70, s30;
	v5 =	vand.u32 $0x80000000, v5;
	v6 =	vcvt.f32.s32 v6;
	v4 =	vand.u32 $0x7FFFFFFF, v4  }
0x72: {  	v50 =	vor.u32 s31, v2;
	v4 =	vor.u32 v5, v4  }
0x73: {  	vm9 =	vgt.s32 v48, $0xC2FF;
	vm8 =	vlt.s32 v6, $0x12;
	v4 =	vmul.f32 v4, v0  }
0x74: {  	v52 =	vadd.s32 $0xFFFF3D00, v48;
	vm11 =	vgt.s32 v49, $0xC2FF;
	v5 =	vnsel vm8, $0x12, v6  }
0x75: {  	v13 =	vadd.s32 $0xFFFF3D00, v49;
	v51 =	vmul.u32 $0xC380, v5;
	v12 =	vsub.f32 $1.000000000e+00, v4  }
0x76: {  	s0 =	sand.u32 $0x380, s30;
	v53 =	vsel vm9, $0xC2FF, v48;
	vm10 =	vgt.s32 v52, $0x0;
	v54 =	vsel vm11, $0xC2FF, v49;
	[tilespmem:s16+$0xC00] =	vst v4  }
0x77: {  	s5 =	sor.u32 $0x1400, s0;
	vm12 =	vgt.s32 v13, $0x0;
	v11 =	vadd.s32 v53, v51;
	v4 =	vnsel vm10, $0x0, v52;
	[tilespmem:s16+$0x1000] =	vst v12  }
0x78: {  	s17 =	sor.u32 $0x1800, s0;
	v55 =	vnsel vm12, $0x0, v13;
	v10 =	vadd.s32 v51, v54;
	v4 =	vmin.u32 v4, $0xC37F;
	[tilespmem:v50+s5+$0x0] =	vst.idx.msk $0xffff, v11  }
0x79: {  	s26 =	sor.u32 $0x1C00, s0;
	v4 =	vadd.s32 v51, v4;
	v12 =	vmin.u32 v55, $0xC37F;
	[tilespmem:v50+s17+$0x0] =	vst.idx.msk $0xffff, v10  }
0x7a: {  	s28 =	sor.u32 $0x2000, s0;
	v56 =	vadd.s32 $0xFFFE7980, v49;
	v9 =	vadd.s32 v51, v12;
	[tilespmem:v50+s26+$0x0] =	vst.idx.msk $0xffff, v4  }
0x7b: {  	s29 =	sor.u32 $0x2400, s0;
	vm13 =	vgt.s32 v56, $0x0;
	v11 =	vadd.s32 $0xC380, v11;
	[tilespmem:v50+s28+$0x0] =	vst.idx.msk $0xffff, v9  }
0x7c: {  	s30 =	sor.u32 $0x2800, s0;
	v57 =	vnsel vm13, $0x0, v56;
	v10 =	vadd.s32 $0xC380, v10;
	[tilespmem:v50+s29+$0x0] =	vst.idx.msk $0xffff, v11  }
0x7d: {  	s31 =	sor.u32 $0x2C00, s0;
	v58 =	vmul.u32 $0x140, v57;
	v4 =	vadd.s32 $0xC380, v4;
	[tilespmem:v50+s30+$0x0] =	vst.idx.msk $0xffff, v10  }
0x7e: {  	s0 =	sor.u32 $0x3000, s0;
	[tilespmem:v50+s31+$0x0] =	vst.idx.msk $0xffff, v4;
	v4 =	vadd.s32 $0xC380, v9  }
0x7f: {  	vm14 =	vgt.s32 v49, $0x1867F;
	v60 =	vadd.s32 v5, v58;
	[tilespmem:v50+s0+$0x0] =	vst.idx.msk $0xffff, v4  }
0x80: {  	v59 =	vadd.s32 $0xFFFE7980, v48;
	vm4 =	vgt.s32 v48, $0x1867F;
	v4 =	vsel vm14, $0x1, v3;
	[tilespmem:s16+$0x3800] =	vst v60  }
0x81: {  	vm15 =	vgt.s32 v59, $0x0;
	v7 =	vsel vm4, $0x1, v3;
	[tilespmem:s16+$0x4800] =	vst v4  }
0x82: {  	v62 =	vsel vm11, $0x1, v3;
	v61 =	vnsel vm15, $0x0, v59;
	[tilespmem:s16+$0x4400] =	vst v7  }
0x83: {  	v63 =	vsel vm9, $0x1, v3;
	v4 =	vmul.u32 $0x140, v61;
	[tilespmem:s16+$0x4000] =	vst v62  }
0x84: {  	[tilespmem:s16+$0x3C00] =	vst v63  }
0x85: {  	[tilespmem:s16+$0x6C00] =	vst v1;
	v4 =	vadd.s32 v5, v4  }
0x86: {  	[tilespmem:s16+$0x3400] =	vst v4;
	s16 =	simm.s32 $0x0  }
.LBB2_4:
0x87: {  	s17 =	sshll.u32 s16, $0x7  }
0x88: {  	s0 =	sor.u32 s10, s17  }
0x89: {  	s30 =	simm.s32 @!p0 $0x2;
	s0 =	sshrl.u32 s0, $0x3  }
0x8a: {  	s30 =	simm.s32 @p0 $0x1;
	s0 =	sadd.s32 s1, s0  }
0x8b: {  	[spmem:s22@s24], [sflag:s21] =	dma.strided [hbm:s0@s25], $0x1860, s23, $0x10   }
0x8c: {  	s26 =	sshrl.u32 @!p0 s12, $0x3;
	p1 =	sne.s32 s30, $0x1;
	s0 =	sadd.s32 @!p0 s11, s17  }
.Ltmp1:
0x8d: {  	s28 =	simm.s32 @!p0 $0x1;
	s0 =	sshrl.u32 @!p0 s0, $0x3;
	(pc) =	sbr.rel @!p1 .LBB2_6-.Ltmp1, $4  }
0x8e: {  	s29 =	simm.s32 @!p0 $0x10;
	s31 =	simm.s32 @!p0 $0x80;
	s0 =	sadd.s32 @!p0 s1, s0  }
0x8f: {  	[spmem:s26@s29], [sflag:s21] =	dma.strided @!p0 [hbm:s0@s31], $0x1860, s28, $0x10   }
0x90: {  	_ =	swait.ge [sflag:s23], $0x1860  }
0x91: {  	s4 =	sadd.s32 s9, s16;
	s0 =	sadd.s32 $0xFFFFFFFF, s30;
	[sflag:s23] =	ssyncset.done $0x0  }
.LBB2_5:
0x92: {  	p2 =	sne.s32 s0, $0x1;
	s0 =	sadd.s32 $0xFFFFFFFF, s0;
	[sflag:s23] =	ssyncadd.s32 $0xFFFFE7A0  }
.Ltmp2:
0x93: {  	(pc) =	sbr.rel @p2 .LBB2_5-.Ltmp2, $3  }
0x94: {  	_ =	sdelay $0x1  }
0x95: {  	_ =	swait.ge [sflag:s23], $0x1860  }
0x96: {  	[sflag:s23] =	ssyncset.done $0x0  }
.LBB2_6:
0x97: {  	[sflag:s23] =	ssyncadd.s32 $0xFFFFE7A0  }
0x98: {  	s0 =	simm.s32 $0x1400;
	s5 =	simm.s32 $0x4C00;
	[bflag:$0x0] =	sbarrier.arrive $0xFFFF  }
0x99: {  	[tilespmem:s5], [sflag:$0x2] =	stream.indirect.gather [spmem:s3], $0x1, s0, s25, $0xb8;
	[tilespmem:$0x18C60] =	vst v63  }
0x9a: {  	s0 =	simm.s32 $0x2400;
	s5 =	simm.s32 $0x5000  }
0x9b: {  	[tilespmem:s5], [sflag:$0x2] =	stream.indirect.gather [spmem:s3], $0x1, s0, s25, $0xb8;
	[tilespmem:$0x18C60] =	vst v63  }
0x9c: {  	s0 =	simm.s32 $0x1800;
	s5 =	simm.s32 $0x5400  }
0x9d: {  	[tilespmem:s5], [sflag:$0x2] =	stream.indirect.gather [spmem:s3], $0x1, s0, s25, $0xb8;
	[tilespmem:$0x18C60] =	vst v63  }
0x9e: {  	s0 =	simm.s32 $0x2800;
	s5 =	simm.s32 $0x5800  }
0x9f: {  	[tilespmem:s5], [sflag:$0x2] =	stream.indirect.gather [spmem:s3], $0x1, s0, s25, $0xb8;
	[tilespmem:$0x18C60] =	vst v63  }
0xa0: {  	s0 =	simm.s32 $0x1480;
	s5 =	simm.s32 $0x4C80  }
0xa1: {  	[tilespmem:s5], [sflag:$0x2] =	stream.indirect.gather [spmem:s3], $0x1, s0, s25, $0xb8;
	[tilespmem:$0x18C60] =	vst v63  }
0xa2: {  	s0 =	simm.s32 $0x2480;
	s5 =	simm.s32 $0x5080  }
0xa3: {  	[tilespmem:s5], [sflag:$0x2] =	stream.indirect.gather [spmem:s3], $0x1, s0, s25, $0xb8;
	[tilespmem:$0x18C60] =	vst v63  }
0xa4: {  	s0 =	simm.s32 $0x1880;
	s5 =	simm.s32 $0x5480  }
0xa5: {  	[tilespmem:s5], [sflag:$0x2] =	stream.indirect.gather [spmem:s3], $0x1, s0, s25, $0xb8;
	[tilespmem:$0x18C60] =	vst v63  }
0xa6: {  	s0 =	simm.s32 $0x2880;
	s5 =	simm.s32 $0x5880  }
0xa7: {  	[tilespmem:s5], [sflag:$0x2] =	stream.indirect.gather [spmem:s3], $0x1, s0, s25, $0xb8;
	[tilespmem:$0x18C60] =	vst v63  }
0xa8: {  	s0 =	simm.s32 $0x1500;
	s5 =	simm.s32 $0x4D00  }
0xa9: {  	[tilespmem:s5], [sflag:$0x2] =	stream.indirect.gather [spmem:s3], $0x1, s0, s25, $0xb8;
	[tilespmem:$0x18C60] =	vst v63  }
0xaa: {  	s0 =	simm.s32 $0x2500;
	s5 =	simm.s32 $0x5100  }
0xab: {  	[tilespmem:s5], [sflag:$0x2] =	stream.indirect.gather [spmem:s3], $0x1, s0, s25, $0xb8;
	[tilespmem:$0x18C60] =	vst v63  }
0xac: {  	s0 =	simm.s32 $0x1900;
	s5 =	simm.s32 $0x5500  }
0xad: {  	[tilespmem:s5], [sflag:$0x2] =	stream.indirect.gather [spmem:s3], $0x1, s0, s25, $0xb8;
	[tilespmem:$0x18C60] =	vst v63  }
0xae: {  	s0 =	simm.s32 $0x2900;
	s5 =	simm.s32 $0x5900  }
0xaf: {  	[tilespmem:s5], [sflag:$0x2] =	stream.indirect.gather [spmem:s3], $0x1, s0, s25, $0xb8;
	[tilespmem:$0x18C60] =	vst v63  }
0xb0: {  	s0 =	simm.s32 $0x1580;
	s5 =	simm.s32 $0x4D80  }
0xb1: {  	[tilespmem:s5], [sflag:$0x2] =	stream.indirect.gather [spmem:s3], $0x1, s0, s25, $0xb8;
	[tilespmem:$0x18C60] =	vst v63  }
0xb2: {  	s0 =	simm.s32 $0x2580;
	s5 =	simm.s32 $0x5180  }
0xb3: {  	[tilespmem:s5], [sflag:$0x2] =	stream.indirect.gather [spmem:s3], $0x1, s0, s25, $0xb8;
	[tilespmem:$0x18C60] =	vst v63  }
0xb4: {  	s0 =	simm.s32 $0x1980;
	s5 =	simm.s32 $0x5580  }
0xb5: {  	[tilespmem:s5], [sflag:$0x2] =	stream.indirect.gather [spmem:s3], $0x1, s0, s25, $0xb8;
	[tilespmem:$0x18C60] =	vst v63  }
0xb6: {  	s0 =	simm.s32 $0x2980;
	s5 =	simm.s32 $0x5980  }
0xb7: {  	[tilespmem:s5], [sflag:$0x2] =	stream.indirect.gather [spmem:s3], $0x1, s0, s25, $0xb8;
	[tilespmem:$0x18C60] =	vst v63  }
0xb8: {  	s0 =	simm.s32 $0x1600;
	s5 =	simm.s32 $0x4E00  }
0xb9: {  	[tilespmem:s5], [sflag:$0x2] =	stream.indirect.gather [spmem:s3], $0x1, s0, s25, $0xb8;
	[tilespmem:$0x18C60] =	vst v63  }
0xba: {  	s0 =	simm.s32 $0x2600;
	s5 =	simm.s32 $0x5200  }
0xbb: {  	[tilespmem:s5], [sflag:$0x2] =	stream.indirect.gather [spmem:s3], $0x1, s0, s25, $0xb8;
	[tilespmem:$0x18C60] =	vst v63  }
0xbc: {  	s0 =	simm.s32 $0x1A00;
	s5 =	simm.s32 $0x5600  }
0xbd: {  	[tilespmem:s5], [sflag:$0x2] =	stream.indirect.gather [spmem:s3], $0x1, s0, s25, $0xb8;
	[tilespmem:$0x18C60] =	vst v63  }
0xbe: {  	s0 =	simm.s32 $0x2A00;
	s5 =	simm.s32 $0x5A00  }
0xbf: {  	[tilespmem:s5], [sflag:$0x2] =	stream.indirect.gather [spmem:s3], $0x1, s0, s25, $0xb8;
	[tilespmem:$0x18C60] =	vst v63  }
0xc0: {  	s0 =	simm.s32 $0x1680;
	s5 =	simm.s32 $0x4E80  }
0xc1: {  	[tilespmem:s5], [sflag:$0x2] =	stream.indirect.gather [spmem:s3], $0x1, s0, s25, $0xb8;
	[tilespmem:$0x18C60] =	vst v63  }
0xc2: {  	s0 =	simm.s32 $0x2680;
	s5 =	simm.s32 $0x5280  }
0xc3: {  	[tilespmem:s5], [sflag:$0x2] =	stream.indirect.gather [spmem:s3], $0x1, s0, s25, $0xb8;
	[tilespmem:$0x18C60] =	vst v63  }
0xc4: {  	s0 =	simm.s32 $0x1A80;
	s5 =	simm.s32 $0x5680  }
0xc5: {  	[tilespmem:s5], [sflag:$0x2] =	stream.indirect.gather [spmem:s3], $0x1, s0, s25, $0xb8;
	[tilespmem:$0x18C60] =	vst v63  }
0xc6: {  	s0 =	simm.s32 $0x2A80;
	s5 =	simm.s32 $0x5A80  }
0xc7: {  	[tilespmem:s5], [sflag:$0x2] =	stream.indirect.gather [spmem:s3], $0x1, s0, s25, $0xb8;
	[tilespmem:$0x18C60] =	vst v63  }
0xc8: {  	s0 =	simm.s32 $0x1700;
	s5 =	simm.s32 $0x4F00  }
0xc9: {  	[tilespmem:s5], [sflag:$0x2] =	stream.indirect.gather [spmem:s3], $0x1, s0, s25, $0xb8;
	[tilespmem:$0x18C60] =	vst v63  }
0xca: {  	s0 =	simm.s32 $0x2700;
	s5 =	simm.s32 $0x5300  }
0xcb: {  	[tilespmem:s5], [sflag:$0x2] =	stream.indirect.gather [spmem:s3], $0x1, s0, s25, $0xb8;
	[tilespmem:$0x18C60] =	vst v63  }
0xcc: {  	s0 =	simm.s32 $0x1B00;
	s5 =	simm.s32 $0x5700  }
0xcd: {  	[tilespmem:s5], [sflag:$0x2] =	stream.indirect.gather [spmem:s3], $0x1, s0, s25, $0xb8;
	[tilespmem:$0x18C60] =	vst v63  }
0xce: {  	s0 =	simm.s32 $0x2B00;
	s5 =	simm.s32 $0x5B00  }
0xcf: {  	[tilespmem:s5], [sflag:$0x2] =	stream.indirect.gather [spmem:s3], $0x1, s0, s25, $0xb8;
	[tilespmem:$0x18C60] =	vst v63  }
0xd0: {  	s0 =	simm.s32 $0x1780;
	s5 =	simm.s32 $0x4F80  }
0xd1: {  	[tilespmem:s5], [sflag:$0x2] =	stream.indirect.gather [spmem:s3], $0x1, s0, s25, $0xb8;
	[tilespmem:$0x18C60] =	vst v63  }
0xd2: {  	s0 =	simm.s32 $0x2780;
	s5 =	simm.s32 $0x5380  }
0xd3: {  	[tilespmem:s5], [sflag:$0x2] =	stream.indirect.gather [spmem:s3], $0x1, s0, s25, $0xb8;
	[tilespmem:$0x18C60] =	vst v63  }
0xd4: {  	s0 =	simm.s32 $0x1B80;
	s5 =	simm.s32 $0x5780  }
0xd5: {  	[tilespmem:s5], [sflag:$0x2] =	stream.indirect.gather [spmem:s3], $0x1, s0, s25, $0xb8;
	[tilespmem:$0x18C60] =	vst v63  }
0xd6: {  	s0 =	simm.s32 $0x2B80;
	s5 =	simm.s32 $0x5B80  }
0xd7: {  	[tilespmem:s5], [sflag:$0x2] =	stream.indirect.gather [spmem:s3], $0x1, s0, s25, $0xb8;
	[tilespmem:$0x18C60] =	vst v63  }
0xd8: {  	_ =	swait.ge [sflag:s15], $0x80  }
0xd9: {  	[sflag:s15] =	ssyncset.done $0x0  }
0xda: {  	[sflag:s15] =	ssyncadd.s32 $0xFFFFFF80  }
0xdb: {  	_ =	swait.ge [sflag:s15], $0x80  }
0xdc: {  	[sflag:s15] =	ssyncset.done $0x0  }
0xdd: {  	[sflag:s15] =	ssyncadd.s32 $0xFFFFFF80  }
0xde: {  	_ =	swait.ge [sflag:s15], $0x80  }
0xdf: {  	[sflag:s15] =	ssyncset.done $0x0  }
0xe0: {  	[sflag:s15] =	ssyncadd.s32 $0xFFFFFF80  }
0xe1: {  	_ =	swait.ge [sflag:s15], $0x80  }
0xe2: {  	[sflag:s15] =	ssyncset.done $0x0  }
0xe3: {  	[sflag:s15] =	ssyncadd.s32 $0xFFFFFF80  }
0xe4: {  	_ =	swait.ge [sflag:s15], $0x80  }
0xe5: {  	[sflag:s15] =	ssyncset.done $0x0  }
0xe6: {  	[sflag:s15] =	ssyncadd.s32 $0xFFFFFF80  }
0xe7: {  	_ =	swait.ge [sflag:s15], $0x80  }
0xe8: {  	[sflag:s15] =	ssyncset.done $0x0  }
0xe9: {  	[sflag:s15] =	ssyncadd.s32 $0xFFFFFF80  }
0xea: {  	_ =	swait.ge [sflag:s15], $0x80  }
0xeb: {  	[sflag:s15] =	ssyncset.done $0x0  }
0xec: {  	[sflag:s15] =	ssyncadd.s32 $0xFFFFFF80  }
0xed: {  	_ =	swait.ge [sflag:s15], $0x80  }
0xee: {  	[sflag:s15] =	ssyncset.done $0x0  }
0xef: {  	[sflag:s15] =	ssyncadd.s32 $0xFFFFFF80  }
0xf0: {  	_ =	swait.ge [sflag:s15], $0x80  }
0xf1: {  	[sflag:s15] =	ssyncset.done $0x0  }
0xf2: {  	[sflag:s15] =	ssyncadd.s32 $0xFFFFFF80  }
0xf3: {  	_ =	swait.ge [sflag:s15], $0x80  }
0xf4: {  	[sflag:s15] =	ssyncset.done $0x0  }
0xf5: {  	[sflag:s15] =	ssyncadd.s32 $0xFFFFFF80  }
0xf6: {  	_ =	swait.ge [sflag:s15], $0x80  }
0xf7: {  	[sflag:s15] =	ssyncset.done $0x0  }
0xf8: {  	[sflag:s15] =	ssyncadd.s32 $0xFFFFFF80  }
0xf9: {  	_ =	swait.ge [sflag:s15], $0x80  }
0xfa: {  	[sflag:s15] =	ssyncset.done $0x0  }
0xfb: {  	[sflag:s15] =	ssyncadd.s32 $0xFFFFFF80  }
0xfc: {  	_ =	swait.ge [sflag:s15], $0x80  }
0xfd: {  	[sflag:s15] =	ssyncset.done $0x0  }
0xfe: {  	[sflag:s15] =	ssyncadd.s32 $0xFFFFFF80  }
0xff: {  	_ =	swait.ge [sflag:s15], $0x80  }
0x100: {  	[sflag:s15] =	ssyncset.done $0x0  }
0x101: {  	[sflag:s15] =	ssyncadd.s32 $0xFFFFFF80  }
0x102: {  	_ =	swait.ge [sflag:s15], $0x80  }
0x103: {  	[sflag:s15] =	ssyncset.done $0x0  }
0x104: {  	[sflag:s15] =	ssyncadd.s32 $0xFFFFFF80  }
0x105: {  	_ =	swait.ge [sflag:s15], $0x80  }
0x106: {  	[sflag:s15] =	ssyncset.done $0x0  }
0x107: {  	[sflag:s15] =	ssyncadd.s32 $0xFFFFFF80  }
0x108: {  	_ =	swait.ge [sflag:s15], $0x80  }
0x109: {  	[sflag:s15] =	ssyncset.done $0x0  }
0x10a: {  	[sflag:s15] =	ssyncadd.s32 $0xFFFFFF80  }
0x10b: {  	_ =	swait.ge [sflag:s15], $0x80  }
0x10c: {  	[sflag:s15] =	ssyncset.done $0x0  }
0x10d: {  	[sflag:s15] =	ssyncadd.s32 $0xFFFFFF80  }
0x10e: {  	_ =	swait.ge [sflag:s15], $0x80  }
0x10f: {  	[sflag:s15] =	ssyncset.done $0x0  }
0x110: {  	[sflag:s15] =	ssyncadd.s32 $0xFFFFFF80  }
0x111: {  	_ =	swait.ge [sflag:s15], $0x80  }
0x112: {  	[sflag:s15] =	ssyncset.done $0x0  }
0x113: {  	[sflag:s15] =	ssyncadd.s32 $0xFFFFFF80  }
0x114: {  	_ =	swait.ge [sflag:s15], $0x80  }
0x115: {  	[sflag:s15] =	ssyncset.done $0x0  }
0x116: {  	[sflag:s15] =	ssyncadd.s32 $0xFFFFFF80  }
0x117: {  	_ =	swait.ge [sflag:s15], $0x80  }
0x118: {  	[sflag:s15] =	ssyncset.done $0x0  }
0x119: {  	[sflag:s15] =	ssyncadd.s32 $0xFFFFFF80  }
0x11a: {  	_ =	swait.ge [sflag:s15], $0x80  }
0x11b: {  	[sflag:s15] =	ssyncset.done $0x0  }
0x11c: {  	[sflag:s15] =	ssyncadd.s32 $0xFFFFFF80  }
0x11d: {  	_ =	swait.ge [sflag:s15], $0x80  }
0x11e: {  	[sflag:s15] =	ssyncset.done $0x0  }
0x11f: {  	[sflag:s15] =	ssyncadd.s32 $0xFFFFFF80  }
0x120: {  	_ =	swait.ge [sflag:s15], $0x80  }
0x121: {  	[sflag:s15] =	ssyncset.done $0x0  }
0x122: {  	[sflag:s15] =	ssyncadd.s32 $0xFFFFFF80  }
0x123: {  	_ =	swait.ge [sflag:s15], $0x80  }
0x124: {  	[sflag:s15] =	ssyncset.done $0x0  }
0x125: {  	[sflag:s15] =	ssyncadd.s32 $0xFFFFFF80  }
0x126: {  	_ =	swait.ge [sflag:s15], $0x80  }
0x127: {  	[sflag:s15] =	ssyncset.done $0x0  }
0x128: {  	[sflag:s15] =	ssyncadd.s32 $0xFFFFFF80  }
0x129: {  	_ =	swait.ge [sflag:s15], $0x80  }
0x12a: {  	[sflag:s15] =	ssyncset.done $0x0  }
0x12b: {  	[sflag:s15] =	ssyncadd.s32 $0xFFFFFF80  }
0x12c: {  	_ =	swait.ge [sflag:s15], $0x80  }
0x12d: {  	[sflag:s15] =	ssyncset.done $0x0  }
0x12e: {  	[sflag:s15] =	ssyncadd.s32 $0xFFFFFF80  }
0x12f: {  	_ =	swait.ge [sflag:s15], $0x80  }
0x130: {  	[sflag:s15] =	ssyncset.done $0x0  }
0x131: {  	[sflag:s15] =	ssyncadd.s32 $0xFFFFFF80  }
0x132: {  	_ =	swait.ge [sflag:s15], $0x80  }
0x133: {  	[sflag:s15] =	ssyncset.done $0x0  }
0x134: {  	[sflag:s15] =	ssyncadd.s32 $0xFFFFFF80  }
0x135: {  	_ =	swait.ge [sflag:s15], $0x80  }
0x136: {  	s5 =	sadd.s32 s13, s17;
	[sflag:s15] =	ssyncset.done $0x0  }
0x137: {  	s0 =	sshrl.u32 s5, $0x3;
	[sflag:s15] =	ssyncadd.s32 $0xFFFFFF80  }
0x138: {  	s0 =	sadd.s32 s1, s0;
	[bflag:$0x0] =	sbarrier.arrive $0xFFFF  }
0x139: {  	[spmem:s22@s24], [sflag:s21] =	dma.strided [hbm:s0@s25], $0x1870, s23, $0x10   }
0x13a: {  	s0 =	sadd.s32 @!p0 s17, s14  }
.Ltmp3:
0x13b: {  	s0 =	sshrl.u32 @!p0 s0, $0x3;
	(pc) =	sbr.rel @!p1 .LBB2_8-.Ltmp3, $4  }
0x13c: {  	s0 =	sadd.s32 @!p0 s1, s0  }
0x13d: {  	[spmem:s26@s29], [sflag:s21] =	dma.strided @!p0 [hbm:s0@s31], $0x1870, s28, $0x10   }
0x13e: {  	_ =	swait.ge [sflag:s23], $0x1870  }
0x13f: {  	s0 =	sadd.s32 $0xFFFFFFFF, s30;
	[sflag:s23] =	ssyncset.done $0x0  }
.LBB2_7:
0x140: {  	p1 =	sne.s32 s0, $0x1;
	s0 =	sadd.s32 $0xFFFFFFFF, s0;
	[sflag:s23] =	ssyncadd.s32 $0xFFFFE790  }
.Ltmp4:
0x141: {  	(pc) =	sbr.rel @p1 .LBB2_7-.Ltmp4, $3  }
0x142: {  	_ =	sdelay $0x1  }
0x143: {  	_ =	swait.ge [sflag:s23], $0x1870  }
0x144: {  	[sflag:s23] =	ssyncset.done $0x0  }
.LBB2_8:
0x145: {  	[sflag:s23] =	ssyncadd.s32 $0xFFFFE790  }
0x146: {  	s0 =	simm.s32 $0x1C00;
	s5 =	simm.s32 $0x5C00;
	[bflag:$0x0] =	sbarrier.arrive $0xFFFF  }
0x147: {  	[tilespmem:s5], [sflag:$0x2] =	stream.indirect.gather [spmem:s3], $0x1, s0, s25, $0xb8;
	[tilespmem:$0x18C60] =	vst v63  }
0x148: {  	s30 =	simm.s32 $0x2C00;
	s31 =	simm.s32 $0x6000  }
0x149: {  	[tilespmem:s31], [sflag:$0x2] =	stream.indirect.gather [spmem:s3], $0x1, s30, s25, $0xb8;
	[tilespmem:$0x18C60] =	vst v63  }
0x14a: {  	s17 =	simm.s32 $0x2000;
	s26 =	simm.s32 $0x6400  }
0x14b: {  	[tilespmem:s26], [sflag:$0x2] =	stream.indirect.gather [spmem:s3], $0x1, s17, s25, $0xb8;
	[tilespmem:$0x18C60] =	vst v63  }
0x14c: {  	s28 =	simm.s32 $0x3000;
	s29 =	simm.s32 $0x6800  }
0x14d: {  	[tilespmem:s29], [sflag:$0x2] =	stream.indirect.gather [spmem:s3], $0x1, s28, s25, $0xb8;
	[tilespmem:$0x18C60] =	vst v63  }
0x14e: {  	s30 =	simm.s32 $0x1C80;
	s31 =	simm.s32 $0x5C80  }
0x14f: {  	[tilespmem:s31], [sflag:$0x2] =	stream.indirect.gather [spmem:s3], $0x1, s30, s25, $0xb8;
	[tilespmem:$0x18C60] =	vst v63  }
0x150: {  	s17 =	simm.s32 $0x2C80;
	s26 =	simm.s32 $0x6080  }
0x151: {  	[tilespmem:s26], [sflag:$0x2] =	stream.indirect.gather [spmem:s3], $0x1, s17, s25, $0xb8;
	[tilespmem:$0x18C60] =	vst v63  }
0x152: {  	s28 =	simm.s32 $0x2080;
	s29 =	simm.s32 $0x6480  }
0x153: {  	[tilespmem:s29], [sflag:$0x2] =	stream.indirect.gather [spmem:s3], $0x1, s28, s25, $0xb8;
	[tilespmem:$0x18C60] =	vst v63  }
0x154: {  	s30 =	simm.s32 $0x3080;
	s31 =	simm.s32 $0x6880  }
0x155: {  	[tilespmem:s31], [sflag:$0x2] =	stream.indirect.gather [spmem:s3], $0x1, s30, s25, $0xb8;
	[tilespmem:$0x18C60] =	vst v63  }
0x156: {  	s17 =	simm.s32 $0x1D00;
	s26 =	simm.s32 $0x5D00  }
0x157: {  	[tilespmem:s26], [sflag:$0x2] =	stream.indirect.gather [spmem:s3], $0x1, s17, s25, $0xb8;
	[tilespmem:$0x18C60] =	vst v63  }
0x158: {  	s28 =	simm.s32 $0x2D00;
	s29 =	simm.s32 $0x6100  }
0x159: {  	[tilespmem:s29], [sflag:$0x2] =	stream.indirect.gather [spmem:s3], $0x1, s28, s25, $0xb8;
	[tilespmem:$0x18C60] =	vst v63  }
0x15a: {  	s30 =	simm.s32 $0x2100;
	s31 =	simm.s32 $0x6500  }
0x15b: {  	[tilespmem:s31], [sflag:$0x2] =	stream.indirect.gather [spmem:s3], $0x1, s30, s25, $0xb8;
	[tilespmem:$0x18C60] =	vst v63  }
0x15c: {  	s17 =	simm.s32 $0x3100;
	s26 =	simm.s32 $0x6900  }
0x15d: {  	[tilespmem:s26], [sflag:$0x2] =	stream.indirect.gather [spmem:s3], $0x1, s17, s25, $0xb8;
	[tilespmem:$0x18C60] =	vst v63  }
0x15e: {  	s28 =	simm.s32 $0x1D80;
	s29 =	simm.s32 $0x5D80  }
0x15f: {  	[tilespmem:s29], [sflag:$0x2] =	stream.indirect.gather [spmem:s3], $0x1, s28, s25, $0xb8;
	[tilespmem:$0x18C60] =	vst v63  }
0x160: {  	s30 =	simm.s32 $0x2D80;
	s31 =	simm.s32 $0x6180  }
0x161: {  	[tilespmem:s31], [sflag:$0x2] =	stream.indirect.gather [spmem:s3], $0x1, s30, s25, $0xb8;
	[tilespmem:$0x18C60] =	vst v63  }
0x162: {  	s17 =	simm.s32 $0x2180;
	s26 =	simm.s32 $0x6580  }
0x163: {  	[tilespmem:s26], [sflag:$0x2] =	stream.indirect.gather [spmem:s3], $0x1, s17, s25, $0xb8;
	[tilespmem:$0x18C60] =	vst v63  }
0x164: {  	s28 =	simm.s32 $0x3180;
	s29 =	simm.s32 $0x6980  }
0x165: {  	[tilespmem:s29], [sflag:$0x2] =	stream.indirect.gather [spmem:s3], $0x1, s28, s25, $0xb8;
	[tilespmem:$0x18C60] =	vst v63  }
0x166: {  	s30 =	simm.s32 $0x1E00;
	s31 =	simm.s32 $0x5E00  }
0x167: {  	[tilespmem:s31], [sflag:$0x2] =	stream.indirect.gather [spmem:s3], $0x1, s30, s25, $0xb8;
	[tilespmem:$0x18C60] =	vst v63  }
0x168: {  	s17 =	simm.s32 $0x2E00;
	s26 =	simm.s32 $0x6200  }
0x169: {  	[tilespmem:s26], [sflag:$0x2] =	stream.indirect.gather [spmem:s3], $0x1, s17, s25, $0xb8;
	[tilespmem:$0x18C60] =	vst v63  }
0x16a: {  	s28 =	simm.s32 $0x2200;
	s29 =	simm.s32 $0x6600  }
0x16b: {  	[tilespmem:s29], [sflag:$0x2] =	stream.indirect.gather [spmem:s3], $0x1, s28, s25, $0xb8;
	[tilespmem:$0x18C60] =	vst v63  }
0x16c: {  	s30 =	simm.s32 $0x3200;
	s31 =	simm.s32 $0x6A00  }
0x16d: {  	[tilespmem:s31], [sflag:$0x2] =	stream.indirect.gather [spmem:s3], $0x1, s30, s25, $0xb8;
	[tilespmem:$0x18C60] =	vst v63  }
0x16e: {  	s17 =	simm.s32 $0x1E80;
	s26 =	simm.s32 $0x5E80  }
0x16f: {  	[tilespmem:s26], [sflag:$0x2] =	stream.indirect.gather [spmem:s3], $0x1, s17, s25, $0xb8;
	[tilespmem:$0x18C60] =	vst v63  }
0x170: {  	s28 =	simm.s32 $0x2E80;
	s29 =	simm.s32 $0x6280  }
0x171: {  	[tilespmem:s29], [sflag:$0x2] =	stream.indirect.gather [spmem:s3], $0x1, s28, s25, $0xb8;
	[tilespmem:$0x18C60] =	vst v63  }
0x172: {  	s30 =	simm.s32 $0x2280;
	s31 =	simm.s32 $0x6680  }
0x173: {  	[tilespmem:s31], [sflag:$0x2] =	stream.indirect.gather [spmem:s3], $0x1, s30, s25, $0xb8;
	[tilespmem:$0x18C60] =	vst v63  }
0x174: {  	s17 =	simm.s32 $0x3280;
	s26 =	simm.s32 $0x6A80  }
0x175: {  	[tilespmem:s26], [sflag:$0x2] =	stream.indirect.gather [spmem:s3], $0x1, s17, s25, $0xb8;
	[tilespmem:$0x18C60] =	vst v63  }
0x176: {  	s28 =	simm.s32 $0x1F00;
	s29 =	simm.s32 $0x5F00  }
0x177: {  	[tilespmem:s29], [sflag:$0x2] =	stream.indirect.gather [spmem:s3], $0x1, s28, s25, $0xb8;
	[tilespmem:$0x18C60] =	vst v63  }
0x178: {  	s30 =	simm.s32 $0x2F00;
	s31 =	simm.s32 $0x6300  }
0x179: {  	[tilespmem:s31], [sflag:$0x2] =	stream.indirect.gather [spmem:s3], $0x1, s30, s25, $0xb8;
	[tilespmem:$0x18C60] =	vst v63  }
0x17a: {  	s5 =	simm.s32 $0x2300;
	s17 =	simm.s32 $0x6700  }
0x17b: {  	[tilespmem:s17], [sflag:$0x2] =	stream.indirect.gather [spmem:s3], $0x1, s5, s25, $0xb8;
	[tilespmem:$0x18C60] =	vst v63  }
0x17c: {  	s26 =	simm.s32 $0x3300;
	s28 =	simm.s32 $0x6B00  }
0x17d: {  	[tilespmem:s28], [sflag:$0x2] =	stream.indirect.gather [spmem:s3], $0x1, s26, s25, $0xb8;
	[tilespmem:$0x18C60] =	vst v63  }
0x17e: {  	s29 =	simm.s32 $0x1F80;
	s30 =	simm.s32 $0x5F80  }
0x17f: {  	[tilespmem:s30], [sflag:$0x2] =	stream.indirect.gather [spmem:s3], $0x1, s29, s25, $0xb8;
	[tilespmem:$0x18C60] =	vst v63  }
0x180: {  	_ = 	snop  }
0x181: {  	[tilespmem:s18], [sflag:$0x2] =	stream.indirect.gather [spmem:s3], $0x1, s2, s25, $0xb8;
	[tilespmem:$0x18C60] =	vst v63  }
0x182: {  	_ = 	snop  }
0x183: {  	[tilespmem:s6], [sflag:$0x2] =	stream.indirect.gather [spmem:s3], $0x1, s19, s25, $0xb8;
	[tilespmem:$0x18C60] =	vst v63  }
0x184: {  	_ = 	snop  }
0x185: {  	[tilespmem:s8], [sflag:$0x2] =	stream.indirect.gather [spmem:s3], $0x1, s7, s25, $0xb8;
	[tilespmem:$0x18C60] =	vst v63  }
0x186: {  	_ =	swait.ge [sflag:s15], $0x80  }
0x187: {  	[sflag:s15] =	ssyncset.done $0x0  }
0x188: {  	[sflag:s15] =	ssyncadd.s32 $0xFFFFFF80  }
0x189: {  	_ =	swait.ge [sflag:s15], $0x80  }
0x18a: {  	[sflag:s15] =	ssyncset.done $0x0  }
0x18b: {  	[sflag:s15] =	ssyncadd.s32 $0xFFFFFF80  }
0x18c: {  	_ =	swait.ge [sflag:s15], $0x80  }
0x18d: {  	[sflag:s15] =	ssyncset.done $0x0  }
0x18e: {  	[sflag:s15] =	ssyncadd.s32 $0xFFFFFF80  }
0x18f: {  	_ =	swait.ge [sflag:s15], $0x80  }
0x190: {  	[sflag:s15] =	ssyncset.done $0x0  }
0x191: {  	s17 =	simm.s32 $0x0;
	[sflag:s15] =	ssyncadd.s32 $0xFFFFFF80  }
0x192: {  	v12 =	vld [tilespmem:s17+$0x1000]  }
0x193: {  	v7 =	vld [tilespmem:s17+$0x4400]  }
0x194: {  	v8 =	vld [tilespmem:s17+$0x4800]  }
0x195: {  	v9 =	vld [tilespmem:s17+$0x5C00]  }
0x196: {  	v10 =	vld [tilespmem:s17+$0x4C00]  }
0x197: {  	v6 =	vld [tilespmem:s17+$0x3400]  }
0x198: {  	v11 =	vld [tilespmem:s17+$0x6000]  }
0x199: {  	v13 =	vld [tilespmem:s17+$0x3800]  }
0x19a: {  	s31 =	smul.u32 $0x14, s4;
	v14 =	vld [tilespmem:s17+$0x5000]  }
0x19b: {  	v15 =	vld [tilespmem:s17+$0x6400]  }
0x19c: {  	v5 =	vmov s31;
	v17 =	vld [tilespmem:s17+$0x5400]  }
0x19d: {  	v4 =	vor.u32 $0x1, v5;
	v18 =	vld [tilespmem:s17+$0x6800];
	v16 =	vadd.s32 v5, v6  }
0x19e: {  	v20 =	vld [tilespmem:s17+$0x5800];
	v6 =	vadd.s32 v4, v6  }
0x19f: {  	v21 =	vld [tilespmem:s17+$0x3C00];
	v19 =	vadd.s32 v5, v13  }
0x1a0: {  	v22 =	vld [tilespmem:s17+$0x4000];
	v13 =	vadd.s32 v4, v13  }
0x1a1: {  	v24 =	vld [tilespmem:s17+$0xC00]  }
0x1a2: {  	v16 =	vld.idx.msk [tilespmem:v16+s20+$0x0], $0xffff  }
0x1a3: {  	v23 =	vld.idx.msk [tilespmem:v6+s20+$0x0], $0xffff  }
0x1a4: {  	v19 =	vld.idx.msk [tilespmem:v19+s20+$0x0], $0xffff  }
0x1a5: {  	s4 =	simm.s32 $0x10;
	v13 =	vld.idx.msk [tilespmem:v13+s20+$0x0], $0xffff  }
0x1a6: {  	vm0 =	vgt.s32 v21, $0x0;
	vm1 =	vgt.s32 v7, $0x0;
	v7 =	vld [tilespmem:s4+$0x4400]  }
0x1a7: {  	vm2 =	vgt.s32 v22, $0x0;
	vm3 =	vgt.s32 v8, $0x0;
	v8 =	vld [tilespmem:s4+$0x4800];
	v9 =	vsel vm0, v9, v10  }
0x1a8: {  	v10 =	vsel vm0, v11, v14;
	v11 =	vsel vm2, v15, v17;
	v15 =	vsel vm2, v18, v20;
	v6 =	vld [tilespmem:s4+$0x1000]  }
0x1a9: {  	v14 =	vsel vm1, v16, v9;
	v9 =	vld [tilespmem:s4+$0x5C00];
	v16 =	vsel vm1, v23, v10;
	v17 =	vsel vm3, v19, v11  }
0x1aa: {  	v10 =	vld [tilespmem:s4+$0x4C00];
	v13 =	vsel vm3, v13, v15;
	v14 =	vmul.f32 v14, v12;
	v15 =	vmul.f32 v16, v24  }
0x1ab: {  	v11 =	vld [tilespmem:s4+$0x6000];
	v16 =	vmul.f32 v17, v12;
	v17 =	vmul.f32 v13, v24  }
0x1ac: {  	v13 =	vld [tilespmem:s4+$0x3400]  }
0x1ad: {  	v12 =	vld [tilespmem:s4+$0x3800];
	v15 =	vadd.f32 v15, v14;
	v16 =	vadd.f32 v17, v16  }
0x1ae: {  	s26 =	simm.s32 $0x80;
	v14 =	vld [tilespmem:s17+$0x6C00]  }
.LBB2_9:
0x1af: {  	p1 =	sne.s32 s26, $0x1C0;
	v17 =	vld [tilespmem:s4+$0x5000];
	v15 =	vsub.f32 v15, v16  }
0x1b0: {  	v16 =	vld [tilespmem:s4+$0x6400]  }
0x1b1: {  	v18 =	vadd.s32 v5, v13;
	v19 =	vld [tilespmem:s4+$0x5400];
	v15 =	vmul.f32 v15, v15  }
0x1b2: {  	v13 =	vadd.s32 v4, v13;
	v20 =	vld [tilespmem:s4+$0x6800]  }
0x1b3: {  	v21 =	vadd.s32 v5, v12;
	v22 =	vld [tilespmem:s4+$0x5800];
	v14 =	vadd.f32 v15, v14  }
0x1b4: {  	v12 =	vadd.s32 v4, v12;
	v15 =	vld [tilespmem:s4+$0x3C00]  }
0x1b5: {  	v23 =	vld [tilespmem:s4+$0x4000];
	[tilespmem:s17+$0x6C00] =	vst v14;
	s17 =	smov.u32 s4  }
0x1b6: {  	v14 =	vld.idx.msk [tilespmem:v18+s20+$0x0], $0xffff  }
0x1b7: {  	v13 =	vld.idx.msk [tilespmem:v13+s20+$0x0], $0xffff  }
0x1b8: {  	v18 =	vld.idx.msk [tilespmem:v21+s20+$0x0], $0xffff  }
0x1b9: {  	v12 =	vld.idx.msk [tilespmem:v12+s20+$0x0], $0xffff  }
0x1ba: {  	s4 =	sshra.s32 s26, $0x2;
	v21 =	vld [tilespmem:s17+$0xC00]  }
0x1bb: {  	vm1 =	vgt.s32 v7, $0x0;
	vm0 =	vgt.s32 v15, $0x0;
	v24 =	vld [tilespmem:s4+$0x1000]  }
0x1bc: {  	vm3 =	vgt.s32 v8, $0x0;
	vm2 =	vgt.s32 v23, $0x0;
	v9 =	vsel vm0, v9, v10;
	v7 =	vld [tilespmem:s4+$0x4400]  }
0x1bd: {  	v10 =	vsel vm0, v11, v17;
	v11 =	vsel vm2, v16, v19;
	v14 =	vsel vm1, v14, v9;
	v8 =	vld [tilespmem:s4+$0x4800]  }
0x1be: {  	v15 =	vsel vm2, v20, v22;
	v13 =	vsel vm1, v13, v10;
	v14 =	vmul.f32 v14, v6;
	v9 =	vld [tilespmem:s4+$0x5C00]  }
.Ltmp5:
0x1bf: {  	v16 =	vsel vm3, v18, v11;
	v12 =	vsel vm3, v12, v15;
	v10 =	vld [tilespmem:s4+$0x4C00];
	v15 =	vmul.f32 v13, v21;
	(pc) =	sbr.rel @p1 .LBB2_9-.Ltmp5, $4  }
0x1c0: {  	v16 =	vmul.f32 v16, v6;
	v17 =	vmul.f32 v12, v21;
	v11 =	vld [tilespmem:s4+$0x6000];
	v6 =	vmov v24  }
0x1c1: {  	v13 =	vld [tilespmem:s4+$0x3400]  }
0x1c2: {  	v15 =	vadd.f32 v15, v14;
	v16 =	vadd.f32 v17, v16;
	v12 =	vld [tilespmem:s4+$0x3800]  }
0x1c3: {  	s26 =	sadd.s32 $0x40, s26;
	v14 =	vld [tilespmem:s17+$0x6C00]  }
0x1c4: {  	v17 =	vld [tilespmem:s4+$0x5000];
	v15 =	vsub.f32 v15, v16  }
0x1c5: {  	v16 =	vld [tilespmem:s4+$0x6400]  }
0x1c6: {  	v18 =	vld [tilespmem:s4+$0x5400];
	v19 =	vadd.s32 v5, v13;
	v15 =	vmul.f32 v15, v15  }
0x1c7: {  	v20 =	vld [tilespmem:s4+$0x6800];
	v13 =	vadd.s32 v4, v13  }
0x1c8: {  	v21 =	vld [tilespmem:s4+$0x5800];
	v14 =	vadd.f32 v15, v14  }
0x1c9: {  	v23 =	vld [tilespmem:s4+$0x4000];
	v22 =	vadd.s32 v5, v12  }
0x1ca: {  	v12 =	vadd.s32 v4, v12;
	v15 =	vld [tilespmem:s4+$0x3C00];
	[tilespmem:s17+$0x6C00] =	vst v14  }
0x1cb: {  	v14 =	vld.idx.msk [tilespmem:v19+s20+$0x0], $0xffff  }
0x1cc: {  	v13 =	vld.idx.msk [tilespmem:v13+s20+$0x0], $0xffff  }
0x1cd: {  	v59 =	vld [tilespmem:s4+$0xC00]  }
0x1ce: {  	v19 =	vld.idx.msk [tilespmem:v22+s20+$0x0], $0xffff  }
0x1cf: {  	v12 =	vld.idx.msk [tilespmem:v12+s20+$0x0], $0xffff  }
0x1d0: {  	vm1 =	vgt.s32 v7, $0x0;
	vm0 =	vgt.s32 v15, $0x0  }
0x1d1: {  	vm3 =	vgt.s32 v8, $0x0;
	vm2 =	vgt.s32 v23, $0x0;
	v7 =	vsel vm0, v9, v10  }
0x1d2: {  	v8 =	vsel vm0, v11, v17;
	v9 =	vsel vm2, v16, v18;
	v7 =	vsel vm1, v14, v7  }
0x1d3: {  	v10 =	vsel vm2, v20, v21;
	v8 =	vsel vm1, v13, v8;
	v7 =	vmul.f32 v7, v6  }
0x1d4: {  	v9 =	vsel vm3, v19, v9;
	v10 =	vsel vm3, v12, v10;
	v8 =	vmul.f32 v8, v59  }
0x1d5: {  	v6 =	vmul.f32 v9, v6;
	v9 =	vmul.f32 v10, v59;
	_ =	sdelay $0x1  }
0x1d6: {  	v7 =	vadd.f32 v8, v7;
	v6 =	vadd.f32 v9, v6  }
0x1d7: {  	v8 =	vld [tilespmem:s4+$0x6C00]  }
0x1d8: {  	v6 =	vsub.f32 v7, v6;
	_ =	sdelay $0x1  }
0x1d9: {  	v6 =	vmul.f32 v6, v6;
	_ =	sdelay $0x1  }
0x1da: {  	v6 =	vadd.f32 v6, v8;
	_ =	sdelay $0x1  }
0x1db: {  	[tilespmem:s4+$0x6C00] =	vst v6  }
0x1dc: {  	_ =	swait.ge [sflag:s15], $0x80  }
0x1dd: {  	[sflag:s15] =	ssyncset.done $0x0  }
0x1de: {  	[sflag:s15] =	ssyncadd.s32 $0xFFFFFF80  }
0x1df: {  	_ =	swait.ge [sflag:s15], $0x80  }
0x1e0: {  	[sflag:s15] =	ssyncset.done $0x0  }
0x1e1: {  	[sflag:s15] =	ssyncadd.s32 $0xFFFFFF80  }
0x1e2: {  	_ =	swait.ge [sflag:s15], $0x80  }
0x1e3: {  	[sflag:s15] =	ssyncset.done $0x0  }
0x1e4: {  	[sflag:s15] =	ssyncadd.s32 $0xFFFFFF80  }
0x1e5: {  	_ =	swait.ge [sflag:s15], $0x80  }
0x1e6: {  	[sflag:s15] =	ssyncset.done $0x0  }
0x1e7: {  	s4 =	simm.s32 $0x80;
	[sflag:s15] =	ssyncadd.s32 $0xFFFFFF80  }
0x1e8: {  	v12 =	vld [tilespmem:s4+$0x1000]  }
0x1e9: {  	v7 =	vld [tilespmem:s4+$0x4400]  }
0x1ea: {  	v8 =	vld [tilespmem:s4+$0x4800]  }
0x1eb: {  	v9 =	vld [tilespmem:s4+$0x5C00]  }
0x1ec: {  	v10 =	vld [tilespmem:s4+$0x4C00]  }
0x1ed: {  	v6 =	vld [tilespmem:s4+$0x3400]  }
0x1ee: {  	v11 =	vld [tilespmem:s4+$0x6000]  }
0x1ef: {  	v13 =	vld [tilespmem:s4+$0x3800]  }
0x1f0: {  	v14 =	vld [tilespmem:s4+$0x5000]  }
0x1f1: {  	v15 =	vld [tilespmem:s4+$0x6400]  }
0x1f2: {  	v17 =	vld [tilespmem:s4+$0x5400]  }
0x1f3: {  	v18 =	vld [tilespmem:s4+$0x6800];
	v16 =	vadd.s32 v5, v6  }
0x1f4: {  	v60 =	vld [tilespmem:s4+$0x5800];
	v6 =	vadd.s32 v4, v6  }
0x1f5: {  	v61 =	vld [tilespmem:s4+$0x3C00];
	v19 =	vadd.s32 v5, v13  }
0x1f6: {  	v62 =	vld [tilespmem:s4+$0x4000];
	v13 =	vadd.s32 v4, v13  }
0x1f7: {  	v24 =	vld [tilespmem:s4+$0xC00]  }
0x1f8: {  	v16 =	vld.idx.msk [tilespmem:v16+s20+$0x0], $0xffff  }
0x1f9: {  	v63 =	vld.idx.msk [tilespmem:v6+s20+$0x0], $0xffff  }
0x1fa: {  	v19 =	vld.idx.msk [tilespmem:v19+s20+$0x0], $0xffff  }
0x1fb: {  	s17 =	simm.s32 $0x90;
	v13 =	vld.idx.msk [tilespmem:v13+s20+$0x0], $0xffff  }
0x1fc: {  	vm12 =	vgt.s32 v61, $0x0;
	vm13 =	vgt.s32 v7, $0x0;
	v7 =	vld [tilespmem:s17+$0x4400]  }
0x1fd: {  	vm14 =	vgt.s32 v62, $0x0;
	vm15 =	vgt.s32 v8, $0x0;
	v8 =	vld [tilespmem:s17+$0x4800];
	v9 =	vsel vm12, v9, v10  }
0x1fe: {  	v10 =	vsel vm12, v11, v14;
	v11 =	vsel vm14, v15, v17;
	v15 =	vsel vm14, v18, v60;
	v6 =	vld [tilespmem:s17+$0x1000]  }
0x1ff: {  	v14 =	vsel vm13, v16, v9;
	v9 =	vld [tilespmem:s17+$0x5C00];
	v16 =	vsel vm13, v63, v10;
	v17 =	vsel vm15, v19, v11  }
0x200: {  	v10 =	vld [tilespmem:s17+$0x4C00];
	v13 =	vsel vm15, v13, v15;
	v14 =	vmul.f32 v14, v12;
	v15 =	vmul.f32 v16, v24  }
0x201: {  	v11 =	vld [tilespmem:s17+$0x6000];
	v16 =	vmul.f32 v17, v12;
	v17 =	vmul.f32 v13, v24  }
0x202: {  	v13 =	vld [tilespmem:s17+$0x3400]  }
0x203: {  	v12 =	vld [tilespmem:s17+$0x3800];
	v15 =	vadd.f32 v15, v14;
	v16 =	vadd.f32 v17, v16  }
0x204: {  	s26 =	simm.s32 $0x280;
	v14 =	vld [tilespmem:s4+$0x6C00]  }
.LBB2_11:
0x205: {  	p1 =	sne.s32 s26, $0x3C0;
	v17 =	vld [tilespmem:s17+$0x5000];
	v15 =	vsub.f32 v15, v16  }
0x206: {  	v16 =	vld [tilespmem:s17+$0x6400]  }
0x207: {  	v18 =	vadd.s32 v5, v13;
	v19 =	vld [tilespmem:s17+$0x5400];
	v15 =	vmul.f32 v15, v15  }
0x208: {  	v13 =	vadd.s32 v4, v13;
	v20 =	vld [tilespmem:s17+$0x6800]  }
0x209: {  	v21 =	vadd.s32 v5, v12;
	v22 =	vld [tilespmem:s17+$0x5800];
	v14 =	vadd.f32 v15, v14  }
0x20a: {  	v12 =	vadd.s32 v4, v12;
	v15 =	vld [tilespmem:s17+$0x3C00]  }
0x20b: {  	v23 =	vld [tilespmem:s17+$0x4000];
	[tilespmem:s4+$0x6C00] =	vst v14;
	s4 =	smov.u32 s17  }
0x20c: {  	v14 =	vld.idx.msk [tilespmem:v18+s20+$0x0], $0xffff  }
0x20d: {  	v13 =	vld.idx.msk [tilespmem:v13+s20+$0x0], $0xffff  }
0x20e: {  	v18 =	vld.idx.msk [tilespmem:v21+s20+$0x0], $0xffff  }
0x20f: {  	v12 =	vld.idx.msk [tilespmem:v12+s20+$0x0], $0xffff  }
0x210: {  	s17 =	sshra.s32 s26, $0x2;
	v21 =	vld [tilespmem:s4+$0xC00]  }
0x211: {  	vm1 =	vgt.s32 v7, $0x0;
	vm0 =	vgt.s32 v15, $0x0;
	v24 =	vld [tilespmem:s17+$0x1000]  }
0x212: {  	vm3 =	vgt.s32 v8, $0x0;
	vm2 =	vgt.s32 v23, $0x0;
	v9 =	vsel vm0, v9, v10;
	v7 =	vld [tilespmem:s17+$0x4400]  }
0x213: {  	v10 =	vsel vm0, v11, v17;
	v11 =	vsel vm2, v16, v19;
	v14 =	vsel vm1, v14, v9;
	v8 =	vld [tilespmem:s17+$0x4800]  }
0x214: {  	v15 =	vsel vm2, v20, v22;
	v13 =	vsel vm1, v13, v10;
	v14 =	vmul.f32 v14, v6;
	v9 =	vld [tilespmem:s17+$0x5C00]  }
.Ltmp6:
0x215: {  	v16 =	vsel vm3, v18, v11;
	v12 =	vsel vm3, v12, v15;
	v10 =	vld [tilespmem:s17+$0x4C00];
	v15 =	vmul.f32 v13, v21;
	(pc) =	sbr.rel @p1 .LBB2_11-.Ltmp6, $4  }
0x216: {  	v16 =	vmul.f32 v16, v6;
	v17 =	vmul.f32 v12, v21;
	v11 =	vld [tilespmem:s17+$0x6000];
	v6 =	vmov v24  }
0x217: {  	v13 =	vld [tilespmem:s17+$0x3400]  }
0x218: {  	v15 =	vadd.f32 v15, v14;
	v16 =	vadd.f32 v17, v16;
	v12 =	vld [tilespmem:s17+$0x3800]  }
0x219: {  	s26 =	sadd.s32 $0x40, s26;
	v14 =	vld [tilespmem:s4+$0x6C00]  }
0x21a: {  	v17 =	vld [tilespmem:s17+$0x5000];
	v15 =	vsub.f32 v15, v16  }
0x21b: {  	v16 =	vld [tilespmem:s17+$0x6400]  }
0x21c: {  	v18 =	vld [tilespmem:s17+$0x5400];
	v19 =	vadd.s32 v5, v13;
	v15 =	vmul.f32 v15, v15  }
0x21d: {  	v20 =	vld [tilespmem:s17+$0x6800];
	v13 =	vadd.s32 v4, v13  }
0x21e: {  	v21 =	vld [tilespmem:s17+$0x5800];
	v14 =	vadd.f32 v15, v14  }
0x21f: {  	v23 =	vld [tilespmem:s17+$0x4000];
	v22 =	vadd.s32 v5, v12  }
0x220: {  	v12 =	vadd.s32 v4, v12;
	v15 =	vld [tilespmem:s17+$0x3C00];
	[tilespmem:s4+$0x6C00] =	vst v14  }
0x221: {  	v14 =	vld.idx.msk [tilespmem:v19+s20+$0x0], $0xffff  }
0x222: {  	v13 =	vld.idx.msk [tilespmem:v13+s20+$0x0], $0xffff  }
0x223: {  	v59 =	vld [tilespmem:s17+$0xC00]  }
0x224: {  	v19 =	vld.idx.msk [tilespmem:v22+s20+$0x0], $0xffff  }
0x225: {  	v12 =	vld.idx.msk [tilespmem:v12+s20+$0x0], $0xffff  }
0x226: {  	vm1 =	vgt.s32 v7, $0x0;
	vm0 =	vgt.s32 v15, $0x0  }
0x227: {  	vm3 =	vgt.s32 v8, $0x0;
	vm2 =	vgt.s32 v23, $0x0;
	v7 =	vsel vm0, v9, v10  }
0x228: {  	v8 =	vsel vm0, v11, v17;
	v9 =	vsel vm2, v16, v18;
	v7 =	vsel vm1, v14, v7  }
0x229: {  	v10 =	vsel vm2, v20, v21;
	v8 =	vsel vm1, v13, v8;
	v7 =	vmul.f32 v7, v6  }
0x22a: {  	v9 =	vsel vm3, v19, v9;
	v10 =	vsel vm3, v12, v10;
	v8 =	vmul.f32 v8, v59  }
0x22b: {  	v6 =	vmul.f32 v9, v6;
	v9 =	vmul.f32 v10, v59;
	_ =	sdelay $0x1  }
0x22c: {  	v7 =	vadd.f32 v8, v7;
	v6 =	vadd.f32 v9, v6  }
0x22d: {  	v8 =	vld [tilespmem:s17+$0x6C00]  }
0x22e: {  	v6 =	vsub.f32 v7, v6;
	_ =	sdelay $0x1  }
0x22f: {  	v6 =	vmul.f32 v6, v6;
	_ =	sdelay $0x1  }
0x230: {  	v6 =	vadd.f32 v6, v8;
	_ =	sdelay $0x1  }
0x231: {  	[tilespmem:s17+$0x6C00] =	vst v6  }
0x232: {  	_ =	swait.ge [sflag:s15], $0x80  }
0x233: {  	[sflag:s15] =	ssyncset.done $0x0  }
0x234: {  	[sflag:s15] =	ssyncadd.s32 $0xFFFFFF80  }
0x235: {  	_ =	swait.ge [sflag:s15], $0x80  }
0x236: {  	[sflag:s15] =	ssyncset.done $0x0  }
0x237: {  	[sflag:s15] =	ssyncadd.s32 $0xFFFFFF80  }
0x238: {  	_ =	swait.ge [sflag:s15], $0x80  }
0x239: {  	[sflag:s15] =	ssyncset.done $0x0  }
0x23a: {  	[sflag:s15] =	ssyncadd.s32 $0xFFFFFF80  }
0x23b: {  	_ =	swait.ge [sflag:s15], $0x80  }
0x23c: {  	[sflag:s15] =	ssyncset.done $0x0  }
0x23d: {  	s4 =	simm.s32 $0x100;
	[sflag:s15] =	ssyncadd.s32 $0xFFFFFF80  }
0x23e: {  	v12 =	vld [tilespmem:s4+$0x1000]  }
0x23f: {  	v7 =	vld [tilespmem:s4+$0x4400]  }
0x240: {  	v8 =	vld [tilespmem:s4+$0x4800]  }
0x241: {  	v9 =	vld [tilespmem:s4+$0x5C00]  }
0x242: {  	v10 =	vld [tilespmem:s4+$0x4C00]  }
0x243: {  	v6 =	vld [tilespmem:s4+$0x3400]  }
0x244: {  	v11 =	vld [tilespmem:s4+$0x6000]  }
0x245: {  	v13 =	vld [tilespmem:s4+$0x3800]  }
0x246: {  	v14 =	vld [tilespmem:s4+$0x5000]  }
0x247: {  	v15 =	vld [tilespmem:s4+$0x6400]  }
0x248: {  	v17 =	vld [tilespmem:s4+$0x5400]  }
0x249: {  	v18 =	vld [tilespmem:s4+$0x6800];
	v16 =	vadd.s32 v5, v6  }
0x24a: {  	v60 =	vld [tilespmem:s4+$0x5800];
	v6 =	vadd.s32 v4, v6  }
0x24b: {  	v61 =	vld [tilespmem:s4+$0x3C00];
	v19 =	vadd.s32 v5, v13  }
0x24c: {  	v62 =	vld [tilespmem:s4+$0x4000];
	v13 =	vadd.s32 v4, v13  }
0x24d: {  	v24 =	vld [tilespmem:s4+$0xC00]  }
0x24e: {  	v16 =	vld.idx.msk [tilespmem:v16+s20+$0x0], $0xffff  }
0x24f: {  	v63 =	vld.idx.msk [tilespmem:v6+s20+$0x0], $0xffff  }
0x250: {  	v19 =	vld.idx.msk [tilespmem:v19+s20+$0x0], $0xffff  }
0x251: {  	s17 =	simm.s32 $0x110;
	v13 =	vld.idx.msk [tilespmem:v13+s20+$0x0], $0xffff  }
0x252: {  	vm12 =	vgt.s32 v61, $0x0;
	vm13 =	vgt.s32 v7, $0x0;
	v7 =	vld [tilespmem:s17+$0x4400]  }
0x253: {  	vm14 =	vgt.s32 v62, $0x0;
	vm15 =	vgt.s32 v8, $0x0;
	v8 =	vld [tilespmem:s17+$0x4800];
	v9 =	vsel vm12, v9, v10  }
0x254: {  	v10 =	vsel vm12, v11, v14;
	v11 =	vsel vm14, v15, v17;
	v15 =	vsel vm14, v18, v60;
	v6 =	vld [tilespmem:s17+$0x1000]  }
0x255: {  	v14 =	vsel vm13, v16, v9;
	v9 =	vld [tilespmem:s17+$0x5C00];
	v16 =	vsel vm13, v63, v10;
	v17 =	vsel vm15, v19, v11  }
0x256: {  	v10 =	vld [tilespmem:s17+$0x4C00];
	v13 =	vsel vm15, v13, v15;
	v14 =	vmul.f32 v14, v12;
	v15 =	vmul.f32 v16, v24  }
0x257: {  	v11 =	vld [tilespmem:s17+$0x6000];
	v16 =	vmul.f32 v17, v12;
	v17 =	vmul.f32 v13, v24  }
0x258: {  	v13 =	vld [tilespmem:s17+$0x3400]  }
0x259: {  	v12 =	vld [tilespmem:s17+$0x3800];
	v15 =	vadd.f32 v15, v14;
	v16 =	vadd.f32 v17, v16  }
0x25a: {  	s26 =	simm.s32 $0x480;
	v14 =	vld [tilespmem:s4+$0x6C00]  }
.LBB2_13:
0x25b: {  	p1 =	sne.s32 s26, $0x5C0;
	v17 =	vld [tilespmem:s17+$0x5000];
	v15 =	vsub.f32 v15, v16  }
0x25c: {  	v16 =	vld [tilespmem:s17+$0x6400]  }
0x25d: {  	v18 =	vadd.s32 v5, v13;
	v19 =	vld [tilespmem:s17+$0x5400];
	v15 =	vmul.f32 v15, v15  }
0x25e: {  	v13 =	vadd.s32 v4, v13;
	v20 =	vld [tilespmem:s17+$0x6800]  }
0x25f: {  	v21 =	vadd.s32 v5, v12;
	v22 =	vld [tilespmem:s17+$0x5800];
	v14 =	vadd.f32 v15, v14  }
0x260: {  	v12 =	vadd.s32 v4, v12;
	v15 =	vld [tilespmem:s17+$0x3C00]  }
0x261: {  	v23 =	vld [tilespmem:s17+$0x4000];
	[tilespmem:s4+$0x6C00] =	vst v14;
	s4 =	smov.u32 s17  }
0x262: {  	v14 =	vld.idx.msk [tilespmem:v18+s20+$0x0], $0xffff  }
0x263: {  	v13 =	vld.idx.msk [tilespmem:v13+s20+$0x0], $0xffff  }
0x264: {  	v18 =	vld.idx.msk [tilespmem:v21+s20+$0x0], $0xffff  }
0x265: {  	v12 =	vld.idx.msk [tilespmem:v12+s20+$0x0], $0xffff  }
0x266: {  	s17 =	sshra.s32 s26, $0x2;
	v21 =	vld [tilespmem:s4+$0xC00]  }
0x267: {  	vm1 =	vgt.s32 v7, $0x0;
	vm0 =	vgt.s32 v15, $0x0;
	v24 =	vld [tilespmem:s17+$0x1000]  }
0x268: {  	vm3 =	vgt.s32 v8, $0x0;
	vm2 =	vgt.s32 v23, $0x0;
	v9 =	vsel vm0, v9, v10;
	v7 =	vld [tilespmem:s17+$0x4400]  }
0x269: {  	v10 =	vsel vm0, v11, v17;
	v11 =	vsel vm2, v16, v19;
	v14 =	vsel vm1, v14, v9;
	v8 =	vld [tilespmem:s17+$0x4800]  }
0x26a: {  	v15 =	vsel vm2, v20, v22;
	v13 =	vsel vm1, v13, v10;
	v14 =	vmul.f32 v14, v6;
	v9 =	vld [tilespmem:s17+$0x5C00]  }
.Ltmp7:
0x26b: {  	v16 =	vsel vm3, v18, v11;
	v12 =	vsel vm3, v12, v15;
	v10 =	vld [tilespmem:s17+$0x4C00];
	v15 =	vmul.f32 v13, v21;
	(pc) =	sbr.rel @p1 .LBB2_13-.Ltmp7, $4  }
0x26c: {  	v16 =	vmul.f32 v16, v6;
	v17 =	vmul.f32 v12, v21;
	v11 =	vld [tilespmem:s17+$0x6000];
	v6 =	vmov v24  }
0x26d: {  	v13 =	vld [tilespmem:s17+$0x3400]  }
0x26e: {  	v15 =	vadd.f32 v15, v14;
	v16 =	vadd.f32 v17, v16;
	v12 =	vld [tilespmem:s17+$0x3800]  }
0x26f: {  	s26 =	sadd.s32 $0x40, s26;
	v14 =	vld [tilespmem:s4+$0x6C00]  }
0x270: {  	v17 =	vld [tilespmem:s17+$0x5000];
	v15 =	vsub.f32 v15, v16  }
0x271: {  	v16 =	vld [tilespmem:s17+$0x6400]  }
0x272: {  	v18 =	vld [tilespmem:s17+$0x5400];
	v19 =	vadd.s32 v5, v13;
	v15 =	vmul.f32 v15, v15  }
0x273: {  	v20 =	vld [tilespmem:s17+$0x6800];
	v13 =	vadd.s32 v4, v13  }
0x274: {  	v21 =	vld [tilespmem:s17+$0x5800];
	v14 =	vadd.f32 v15, v14  }
0x275: {  	v23 =	vld [tilespmem:s17+$0x4000];
	v22 =	vadd.s32 v5, v12  }
0x276: {  	v12 =	vadd.s32 v4, v12;
	v15 =	vld [tilespmem:s17+$0x3C00];
	[tilespmem:s4+$0x6C00] =	vst v14  }
0x277: {  	v14 =	vld.idx.msk [tilespmem:v19+s20+$0x0], $0xffff  }
0x278: {  	v13 =	vld.idx.msk [tilespmem:v13+s20+$0x0], $0xffff  }
0x279: {  	v59 =	vld [tilespmem:s17+$0xC00]  }
0x27a: {  	v19 =	vld.idx.msk [tilespmem:v22+s20+$0x0], $0xffff  }
0x27b: {  	v12 =	vld.idx.msk [tilespmem:v12+s20+$0x0], $0xffff  }
0x27c: {  	vm1 =	vgt.s32 v7, $0x0;
	vm0 =	vgt.s32 v15, $0x0  }
0x27d: {  	vm3 =	vgt.s32 v8, $0x0;
	vm2 =	vgt.s32 v23, $0x0;
	v7 =	vsel vm0, v9, v10  }
0x27e: {  	v8 =	vsel vm0, v11, v17;
	v9 =	vsel vm2, v16, v18;
	v7 =	vsel vm1, v14, v7  }
0x27f: {  	v10 =	vsel vm2, v20, v21;
	v8 =	vsel vm1, v13, v8;
	v7 =	vmul.f32 v7, v6  }
0x280: {  	v9 =	vsel vm3, v19, v9;
	v10 =	vsel vm3, v12, v10;
	v8 =	vmul.f32 v8, v59  }
0x281: {  	v6 =	vmul.f32 v9, v6;
	v9 =	vmul.f32 v10, v59;
	_ =	sdelay $0x1  }
0x282: {  	v7 =	vadd.f32 v8, v7;
	v6 =	vadd.f32 v9, v6  }
0x283: {  	v8 =	vld [tilespmem:s17+$0x6C00]  }
0x284: {  	v6 =	vsub.f32 v7, v6;
	_ =	sdelay $0x1  }
0x285: {  	v6 =	vmul.f32 v6, v6;
	_ =	sdelay $0x1  }
0x286: {  	v6 =	vadd.f32 v6, v8;
	_ =	sdelay $0x1  }
0x287: {  	[tilespmem:s17+$0x6C00] =	vst v6  }
0x288: {  	_ =	swait.ge [sflag:s15], $0x80  }
0x289: {  	[sflag:s15] =	ssyncset.done $0x0  }
0x28a: {  	[sflag:s15] =	ssyncadd.s32 $0xFFFFFF80  }
0x28b: {  	_ =	swait.ge [sflag:s15], $0x80  }
0x28c: {  	[sflag:s15] =	ssyncset.done $0x0  }
0x28d: {  	[sflag:s15] =	ssyncadd.s32 $0xFFFFFF80  }
0x28e: {  	_ =	swait.ge [sflag:s15], $0x80  }
0x28f: {  	[sflag:s15] =	ssyncset.done $0x0  }
0x290: {  	[sflag:s15] =	ssyncadd.s32 $0xFFFFFF80  }
0x291: {  	_ =	swait.ge [sflag:s15], $0x80  }
0x292: {  	[sflag:s15] =	ssyncset.done $0x0  }
0x293: {  	s4 =	simm.s32 $0x180;
	[sflag:s15] =	ssyncadd.s32 $0xFFFFFF80  }
0x294: {  	v12 =	vld [tilespmem:s4+$0x1000]  }
0x295: {  	v7 =	vld [tilespmem:s4+$0x4400]  }
0x296: {  	v8 =	vld [tilespmem:s4+$0x4800]  }
0x297: {  	v9 =	vld [tilespmem:s4+$0x5C00]  }
0x298: {  	v10 =	vld [tilespmem:s4+$0x4C00]  }
0x299: {  	v6 =	vld [tilespmem:s4+$0x3400]  }
0x29a: {  	v11 =	vld [tilespmem:s4+$0x6000]  }
0x29b: {  	v13 =	vld [tilespmem:s4+$0x3800]  }
0x29c: {  	v14 =	vld [tilespmem:s4+$0x5000]  }
0x29d: {  	v15 =	vld [tilespmem:s4+$0x6400]  }
0x29e: {  	v17 =	vld [tilespmem:s4+$0x5400]  }
0x29f: {  	v18 =	vld [tilespmem:s4+$0x6800];
	v16 =	vadd.s32 v5, v6  }
0x2a0: {  	v60 =	vld [tilespmem:s4+$0x5800];
	v6 =	vadd.s32 v4, v6  }
0x2a1: {  	v61 =	vld [tilespmem:s4+$0x3C00];
	v19 =	vadd.s32 v5, v13  }
0x2a2: {  	v62 =	vld [tilespmem:s4+$0x4000];
	v13 =	vadd.s32 v4, v13  }
0x2a3: {  	v24 =	vld [tilespmem:s4+$0xC00]  }
0x2a4: {  	v16 =	vld.idx.msk [tilespmem:v16+s20+$0x0], $0xffff  }
0x2a5: {  	v63 =	vld.idx.msk [tilespmem:v6+s20+$0x0], $0xffff  }
0x2a6: {  	v19 =	vld.idx.msk [tilespmem:v19+s20+$0x0], $0xffff  }
0x2a7: {  	s17 =	simm.s32 $0x190;
	v13 =	vld.idx.msk [tilespmem:v13+s20+$0x0], $0xffff  }
0x2a8: {  	vm12 =	vgt.s32 v61, $0x0;
	vm13 =	vgt.s32 v7, $0x0;
	v7 =	vld [tilespmem:s17+$0x4400]  }
0x2a9: {  	vm14 =	vgt.s32 v62, $0x0;
	vm15 =	vgt.s32 v8, $0x0;
	v8 =	vld [tilespmem:s17+$0x4800];
	v9 =	vsel vm12, v9, v10  }
0x2aa: {  	v10 =	vsel vm12, v11, v14;
	v11 =	vsel vm14, v15, v17;
	v15 =	vsel vm14, v18, v60;
	v6 =	vld [tilespmem:s17+$0x1000]  }
0x2ab: {  	v14 =	vsel vm13, v16, v9;
	v9 =	vld [tilespmem:s17+$0x5C00];
	v16 =	vsel vm13, v63, v10;
	v17 =	vsel vm15, v19, v11  }
0x2ac: {  	v10 =	vld [tilespmem:s17+$0x4C00];
	v13 =	vsel vm15, v13, v15;
	v14 =	vmul.f32 v14, v12;
	v15 =	vmul.f32 v16, v24  }
0x2ad: {  	v11 =	vld [tilespmem:s17+$0x6000];
	v16 =	vmul.f32 v17, v12;
	v17 =	vmul.f32 v13, v24  }
0x2ae: {  	v13 =	vld [tilespmem:s17+$0x3400]  }
0x2af: {  	v12 =	vld [tilespmem:s17+$0x3800];
	v15 =	vadd.f32 v15, v14;
	v16 =	vadd.f32 v17, v16  }
0x2b0: {  	s26 =	simm.s32 $0x680;
	v14 =	vld [tilespmem:s4+$0x6C00]  }
.LBB2_15:
0x2b1: {  	p1 =	sne.s32 s26, $0x7C0;
	v17 =	vld [tilespmem:s17+$0x5000];
	v15 =	vsub.f32 v15, v16  }
0x2b2: {  	v16 =	vld [tilespmem:s17+$0x6400]  }
0x2b3: {  	v18 =	vadd.s32 v5, v13;
	v19 =	vld [tilespmem:s17+$0x5400];
	v15 =	vmul.f32 v15, v15  }
0x2b4: {  	v13 =	vadd.s32 v4, v13;
	v20 =	vld [tilespmem:s17+$0x6800]  }
0x2b5: {  	v21 =	vadd.s32 v5, v12;
	v22 =	vld [tilespmem:s17+$0x5800];
	v14 =	vadd.f32 v15, v14  }
0x2b6: {  	v12 =	vadd.s32 v4, v12;
	v15 =	vld [tilespmem:s17+$0x3C00]  }
0x2b7: {  	v23 =	vld [tilespmem:s17+$0x4000];
	[tilespmem:s4+$0x6C00] =	vst v14;
	s4 =	smov.u32 s17  }
0x2b8: {  	v14 =	vld.idx.msk [tilespmem:v18+s20+$0x0], $0xffff  }
0x2b9: {  	v13 =	vld.idx.msk [tilespmem:v13+s20+$0x0], $0xffff  }
0x2ba: {  	v18 =	vld.idx.msk [tilespmem:v21+s20+$0x0], $0xffff  }
0x2bb: {  	v12 =	vld.idx.msk [tilespmem:v12+s20+$0x0], $0xffff  }
0x2bc: {  	s17 =	sshra.s32 s26, $0x2;
	v21 =	vld [tilespmem:s4+$0xC00]  }
0x2bd: {  	vm1 =	vgt.s32 v7, $0x0;
	vm0 =	vgt.s32 v15, $0x0;
	v24 =	vld [tilespmem:s17+$0x1000]  }
0x2be: {  	vm3 =	vgt.s32 v8, $0x0;
	vm2 =	vgt.s32 v23, $0x0;
	v9 =	vsel vm0, v9, v10;
	v7 =	vld [tilespmem:s17+$0x4400]  }
0x2bf: {  	v10 =	vsel vm0, v11, v17;
	v11 =	vsel vm2, v16, v19;
	v14 =	vsel vm1, v14, v9;
	v8 =	vld [tilespmem:s17+$0x4800]  }
0x2c0: {  	v15 =	vsel vm2, v20, v22;
	v13 =	vsel vm1, v13, v10;
	v14 =	vmul.f32 v14, v6;
	v9 =	vld [tilespmem:s17+$0x5C00]  }
.Ltmp8:
0x2c1: {  	v16 =	vsel vm3, v18, v11;
	v12 =	vsel vm3, v12, v15;
	v10 =	vld [tilespmem:s17+$0x4C00];
	v15 =	vmul.f32 v13, v21;
	(pc) =	sbr.rel @p1 .LBB2_15-.Ltmp8, $4  }
0x2c2: {  	v16 =	vmul.f32 v16, v6;
	v17 =	vmul.f32 v12, v21;
	v11 =	vld [tilespmem:s17+$0x6000];
	v6 =	vmov v24  }
0x2c3: {  	v13 =	vld [tilespmem:s17+$0x3400]  }
0x2c4: {  	v15 =	vadd.f32 v15, v14;
	v16 =	vadd.f32 v17, v16;
	v12 =	vld [tilespmem:s17+$0x3800]  }
0x2c5: {  	s26 =	sadd.s32 $0x40, s26;
	v14 =	vld [tilespmem:s4+$0x6C00]  }
0x2c6: {  	v17 =	vld [tilespmem:s17+$0x5000];
	v15 =	vsub.f32 v15, v16  }
0x2c7: {  	v16 =	vld [tilespmem:s17+$0x6400]  }
0x2c8: {  	v18 =	vld [tilespmem:s17+$0x5400];
	v19 =	vadd.s32 v5, v13;
	v15 =	vmul.f32 v15, v15  }
0x2c9: {  	v20 =	vld [tilespmem:s17+$0x6800];
	v13 =	vadd.s32 v4, v13  }
0x2ca: {  	v21 =	vld [tilespmem:s17+$0x5800];
	v14 =	vadd.f32 v15, v14  }
0x2cb: {  	v23 =	vld [tilespmem:s17+$0x4000];
	v22 =	vadd.s32 v5, v12  }
0x2cc: {  	v12 =	vadd.s32 v4, v12;
	v15 =	vld [tilespmem:s17+$0x3C00];
	[tilespmem:s4+$0x6C00] =	vst v14  }
0x2cd: {  	v14 =	vld.idx.msk [tilespmem:v19+s20+$0x0], $0xffff  }
0x2ce: {  	v13 =	vld.idx.msk [tilespmem:v13+s20+$0x0], $0xffff  }
0x2cf: {  	v59 =	vld [tilespmem:s17+$0xC00]  }
0x2d0: {  	v19 =	vld.idx.msk [tilespmem:v22+s20+$0x0], $0xffff  }
0x2d1: {  	v12 =	vld.idx.msk [tilespmem:v12+s20+$0x0], $0xffff  }
0x2d2: {  	vm1 =	vgt.s32 v7, $0x0;
	vm0 =	vgt.s32 v15, $0x0  }
0x2d3: {  	vm3 =	vgt.s32 v8, $0x0;
	vm2 =	vgt.s32 v23, $0x0;
	v7 =	vsel vm0, v9, v10  }
0x2d4: {  	v8 =	vsel vm0, v11, v17;
	v9 =	vsel vm2, v16, v18;
	v7 =	vsel vm1, v14, v7  }
0x2d5: {  	v10 =	vsel vm2, v20, v21;
	v8 =	vsel vm1, v13, v8;
	v7 =	vmul.f32 v7, v6  }
0x2d6: {  	v9 =	vsel vm3, v19, v9;
	v10 =	vsel vm3, v12, v10;
	v8 =	vmul.f32 v8, v59  }
0x2d7: {  	v6 =	vmul.f32 v9, v6;
	v9 =	vmul.f32 v10, v59;
	_ =	sdelay $0x1  }
0x2d8: {  	v7 =	vadd.f32 v8, v7;
	v6 =	vadd.f32 v9, v6  }
0x2d9: {  	v8 =	vld [tilespmem:s17+$0x6C00]  }
0x2da: {  	v6 =	vsub.f32 v7, v6;
	_ =	sdelay $0x1  }
0x2db: {  	v6 =	vmul.f32 v6, v6;
	_ =	sdelay $0x1  }
0x2dc: {  	v6 =	vadd.f32 v6, v8;
	_ =	sdelay $0x1  }
0x2dd: {  	[tilespmem:s17+$0x6C00] =	vst v6  }
0x2de: {  	_ =	swait.ge [sflag:s15], $0x80  }
0x2df: {  	[sflag:s15] =	ssyncset.done $0x0  }
0x2e0: {  	[sflag:s15] =	ssyncadd.s32 $0xFFFFFF80  }
0x2e1: {  	_ =	swait.ge [sflag:s15], $0x80  }
0x2e2: {  	[sflag:s15] =	ssyncset.done $0x0  }
0x2e3: {  	[sflag:s15] =	ssyncadd.s32 $0xFFFFFF80  }
0x2e4: {  	_ =	swait.ge [sflag:s15], $0x80  }
0x2e5: {  	[sflag:s15] =	ssyncset.done $0x0  }
0x2e6: {  	[sflag:s15] =	ssyncadd.s32 $0xFFFFFF80  }
0x2e7: {  	_ =	swait.ge [sflag:s15], $0x80  }
0x2e8: {  	[sflag:s15] =	ssyncset.done $0x0  }
0x2e9: {  	s4 =	simm.s32 $0x200;
	[sflag:s15] =	ssyncadd.s32 $0xFFFFFF80  }
0x2ea: {  	v12 =	vld [tilespmem:s4+$0x1000]  }
0x2eb: {  	v7 =	vld [tilespmem:s4+$0x4400]  }
0x2ec: {  	v8 =	vld [tilespmem:s4+$0x4800]  }
0x2ed: {  	v9 =	vld [tilespmem:s4+$0x5C00]  }
0x2ee: {  	v10 =	vld [tilespmem:s4+$0x4C00]  }
0x2ef: {  	v6 =	vld [tilespmem:s4+$0x3400]  }
0x2f0: {  	v11 =	vld [tilespmem:s4+$0x6000]  }
0x2f1: {  	v13 =	vld [tilespmem:s4+$0x3800]  }
0x2f2: {  	v14 =	vld [tilespmem:s4+$0x5000]  }
0x2f3: {  	v15 =	vld [tilespmem:s4+$0x6400]  }
0x2f4: {  	v17 =	vld [tilespmem:s4+$0x5400]  }
0x2f5: {  	v18 =	vld [tilespmem:s4+$0x6800];
	v16 =	vadd.s32 v5, v6  }
0x2f6: {  	v60 =	vld [tilespmem:s4+$0x5800];
	v6 =	vadd.s32 v4, v6  }
0x2f7: {  	v61 =	vld [tilespmem:s4+$0x3C00];
	v19 =	vadd.s32 v5, v13  }
0x2f8: {  	v62 =	vld [tilespmem:s4+$0x4000];
	v13 =	vadd.s32 v4, v13  }
0x2f9: {  	v24 =	vld [tilespmem:s4+$0xC00]  }
0x2fa: {  	v16 =	vld.idx.msk [tilespmem:v16+s20+$0x0], $0xffff  }
0x2fb: {  	v63 =	vld.idx.msk [tilespmem:v6+s20+$0x0], $0xffff  }
0x2fc: {  	v19 =	vld.idx.msk [tilespmem:v19+s20+$0x0], $0xffff  }
0x2fd: {  	s17 =	simm.s32 $0x210;
	v13 =	vld.idx.msk [tilespmem:v13+s20+$0x0], $0xffff  }
0x2fe: {  	vm12 =	vgt.s32 v61, $0x0;
	vm13 =	vgt.s32 v7, $0x0;
	v7 =	vld [tilespmem:s17+$0x4400]  }
0x2ff: {  	vm14 =	vgt.s32 v62, $0x0;
	vm15 =	vgt.s32 v8, $0x0;
	v8 =	vld [tilespmem:s17+$0x4800];
	v9 =	vsel vm12, v9, v10  }
0x300: {  	v10 =	vsel vm12, v11, v14;
	v11 =	vsel vm14, v15, v17;
	v15 =	vsel vm14, v18, v60;
	v6 =	vld [tilespmem:s17+$0x1000]  }
0x301: {  	v14 =	vsel vm13, v16, v9;
	v9 =	vld [tilespmem:s17+$0x5C00];
	v16 =	vsel vm13, v63, v10;
	v17 =	vsel vm15, v19, v11  }
0x302: {  	v10 =	vld [tilespmem:s17+$0x4C00];
	v13 =	vsel vm15, v13, v15;
	v14 =	vmul.f32 v14, v12;
	v15 =	vmul.f32 v16, v24  }
0x303: {  	v11 =	vld [tilespmem:s17+$0x6000];
	v16 =	vmul.f32 v17, v12;
	v17 =	vmul.f32 v13, v24  }
0x304: {  	v13 =	vld [tilespmem:s17+$0x3400]  }
0x305: {  	v12 =	vld [tilespmem:s17+$0x3800];
	v15 =	vadd.f32 v15, v14;
	v16 =	vadd.f32 v17, v16  }
0x306: {  	s26 =	simm.s32 $0x880;
	v14 =	vld [tilespmem:s4+$0x6C00]  }
.LBB2_17:
0x307: {  	p1 =	sne.s32 s26, $0x9C0;
	v17 =	vld [tilespmem:s17+$0x5000];
	v15 =	vsub.f32 v15, v16  }
0x308: {  	v16 =	vld [tilespmem:s17+$0x6400]  }
0x309: {  	v18 =	vadd.s32 v5, v13;
	v19 =	vld [tilespmem:s17+$0x5400];
	v15 =	vmul.f32 v15, v15  }
0x30a: {  	v13 =	vadd.s32 v4, v13;
	v20 =	vld [tilespmem:s17+$0x6800]  }
0x30b: {  	v21 =	vadd.s32 v5, v12;
	v22 =	vld [tilespmem:s17+$0x5800];
	v14 =	vadd.f32 v15, v14  }
0x30c: {  	v12 =	vadd.s32 v4, v12;
	v15 =	vld [tilespmem:s17+$0x3C00]  }
0x30d: {  	v23 =	vld [tilespmem:s17+$0x4000];
	[tilespmem:s4+$0x6C00] =	vst v14;
	s4 =	smov.u32 s17  }
0x30e: {  	v14 =	vld.idx.msk [tilespmem:v18+s20+$0x0], $0xffff  }
0x30f: {  	v13 =	vld.idx.msk [tilespmem:v13+s20+$0x0], $0xffff  }
0x310: {  	v18 =	vld.idx.msk [tilespmem:v21+s20+$0x0], $0xffff  }
0x311: {  	v12 =	vld.idx.msk [tilespmem:v12+s20+$0x0], $0xffff  }
0x312: {  	s17 =	sshra.s32 s26, $0x2;
	v21 =	vld [tilespmem:s4+$0xC00]  }
0x313: {  	vm1 =	vgt.s32 v7, $0x0;
	vm0 =	vgt.s32 v15, $0x0;
	v24 =	vld [tilespmem:s17+$0x1000]  }
0x314: {  	vm3 =	vgt.s32 v8, $0x0;
	vm2 =	vgt.s32 v23, $0x0;
	v9 =	vsel vm0, v9, v10;
	v7 =	vld [tilespmem:s17+$0x4400]  }
0x315: {  	v10 =	vsel vm0, v11, v17;
	v11 =	vsel vm2, v16, v19;
	v14 =	vsel vm1, v14, v9;
	v8 =	vld [tilespmem:s17+$0x4800]  }
0x316: {  	v15 =	vsel vm2, v20, v22;
	v13 =	vsel vm1, v13, v10;
	v14 =	vmul.f32 v14, v6;
	v9 =	vld [tilespmem:s17+$0x5C00]  }
.Ltmp9:
0x317: {  	v16 =	vsel vm3, v18, v11;
	v12 =	vsel vm3, v12, v15;
	v10 =	vld [tilespmem:s17+$0x4C00];
	v15 =	vmul.f32 v13, v21;
	(pc) =	sbr.rel @p1 .LBB2_17-.Ltmp9, $4  }
0x318: {  	v16 =	vmul.f32 v16, v6;
	v17 =	vmul.f32 v12, v21;
	v11 =	vld [tilespmem:s17+$0x6000];
	v6 =	vmov v24  }
0x319: {  	v13 =	vld [tilespmem:s17+$0x3400]  }
0x31a: {  	v15 =	vadd.f32 v15, v14;
	v16 =	vadd.f32 v17, v16;
	v12 =	vld [tilespmem:s17+$0x3800]  }
0x31b: {  	s26 =	sadd.s32 $0x40, s26;
	v14 =	vld [tilespmem:s4+$0x6C00]  }
0x31c: {  	v17 =	vld [tilespmem:s17+$0x5000];
	v15 =	vsub.f32 v15, v16  }
0x31d: {  	v16 =	vld [tilespmem:s17+$0x6400]  }
0x31e: {  	v18 =	vld [tilespmem:s17+$0x5400];
	v19 =	vadd.s32 v5, v13;
	v15 =	vmul.f32 v15, v15  }
0x31f: {  	v20 =	vld [tilespmem:s17+$0x6800];
	v13 =	vadd.s32 v4, v13  }
0x320: {  	v21 =	vld [tilespmem:s17+$0x5800];
	v14 =	vadd.f32 v15, v14  }
0x321: {  	v23 =	vld [tilespmem:s17+$0x4000];
	v22 =	vadd.s32 v5, v12  }
0x322: {  	v12 =	vadd.s32 v4, v12;
	v15 =	vld [tilespmem:s17+$0x3C00];
	[tilespmem:s4+$0x6C00] =	vst v14  }
0x323: {  	v14 =	vld.idx.msk [tilespmem:v19+s20+$0x0], $0xffff  }
0x324: {  	v13 =	vld.idx.msk [tilespmem:v13+s20+$0x0], $0xffff  }
0x325: {  	v59 =	vld [tilespmem:s17+$0xC00]  }
0x326: {  	v19 =	vld.idx.msk [tilespmem:v22+s20+$0x0], $0xffff  }
0x327: {  	v12 =	vld.idx.msk [tilespmem:v12+s20+$0x0], $0xffff  }
0x328: {  	vm1 =	vgt.s32 v7, $0x0;
	vm0 =	vgt.s32 v15, $0x0  }
0x329: {  	vm3 =	vgt.s32 v8, $0x0;
	vm2 =	vgt.s32 v23, $0x0;
	v7 =	vsel vm0, v9, v10  }
0x32a: {  	v8 =	vsel vm0, v11, v17;
	v9 =	vsel vm2, v16, v18;
	v7 =	vsel vm1, v14, v7  }
0x32b: {  	v10 =	vsel vm2, v20, v21;
	v8 =	vsel vm1, v13, v8;
	v7 =	vmul.f32 v7, v6  }
0x32c: {  	v9 =	vsel vm3, v19, v9;
	v10 =	vsel vm3, v12, v10;
	v8 =	vmul.f32 v8, v59  }
0x32d: {  	v6 =	vmul.f32 v9, v6;
	v9 =	vmul.f32 v10, v59;
	_ =	sdelay $0x1  }
0x32e: {  	v7 =	vadd.f32 v8, v7;
	v6 =	vadd.f32 v9, v6  }
0x32f: {  	v8 =	vld [tilespmem:s17+$0x6C00]  }
0x330: {  	v6 =	vsub.f32 v7, v6;
	_ =	sdelay $0x1  }
0x331: {  	v6 =	vmul.f32 v6, v6;
	_ =	sdelay $0x1  }
0x332: {  	v6 =	vadd.f32 v6, v8;
	_ =	sdelay $0x1  }
0x333: {  	[tilespmem:s17+$0x6C00] =	vst v6  }
0x334: {  	_ =	swait.ge [sflag:s15], $0x80  }
0x335: {  	[sflag:s15] =	ssyncset.done $0x0  }
0x336: {  	[sflag:s15] =	ssyncadd.s32 $0xFFFFFF80  }
0x337: {  	_ =	swait.ge [sflag:s15], $0x80  }
0x338: {  	[sflag:s15] =	ssyncset.done $0x0  }
0x339: {  	[sflag:s15] =	ssyncadd.s32 $0xFFFFFF80  }
0x33a: {  	_ =	swait.ge [sflag:s15], $0x80  }
0x33b: {  	[sflag:s15] =	ssyncset.done $0x0  }
0x33c: {  	[sflag:s15] =	ssyncadd.s32 $0xFFFFFF80  }
0x33d: {  	_ =	swait.ge [sflag:s15], $0x80  }
0x33e: {  	[sflag:s15] =	ssyncset.done $0x0  }
0x33f: {  	s4 =	simm.s32 $0x280;
	[sflag:s15] =	ssyncadd.s32 $0xFFFFFF80  }
0x340: {  	v12 =	vld [tilespmem:s4+$0x1000]  }
0x341: {  	v7 =	vld [tilespmem:s4+$0x4400]  }
0x342: {  	v8 =	vld [tilespmem:s4+$0x4800]  }
0x343: {  	v9 =	vld [tilespmem:s4+$0x5C00]  }
0x344: {  	v10 =	vld [tilespmem:s4+$0x4C00]  }
0x345: {  	v6 =	vld [tilespmem:s4+$0x3400]  }
0x346: {  	v11 =	vld [tilespmem:s4+$0x6000]  }
0x347: {  	v13 =	vld [tilespmem:s4+$0x3800]  }
0x348: {  	v14 =	vld [tilespmem:s4+$0x5000]  }
0x349: {  	v15 =	vld [tilespmem:s4+$0x6400]  }
0x34a: {  	v17 =	vld [tilespmem:s4+$0x5400]  }
0x34b: {  	v18 =	vld [tilespmem:s4+$0x6800];
	v16 =	vadd.s32 v5, v6  }
0x34c: {  	v60 =	vld [tilespmem:s4+$0x5800];
	v6 =	vadd.s32 v4, v6  }
0x34d: {  	v61 =	vld [tilespmem:s4+$0x3C00];
	v19 =	vadd.s32 v5, v13  }
0x34e: {  	v62 =	vld [tilespmem:s4+$0x4000];
	v13 =	vadd.s32 v4, v13  }
0x34f: {  	v24 =	vld [tilespmem:s4+$0xC00]  }
0x350: {  	v16 =	vld.idx.msk [tilespmem:v16+s20+$0x0], $0xffff  }
0x351: {  	v63 =	vld.idx.msk [tilespmem:v6+s20+$0x0], $0xffff  }
0x352: {  	v19 =	vld.idx.msk [tilespmem:v19+s20+$0x0], $0xffff  }
0x353: {  	s17 =	simm.s32 $0x290;
	v13 =	vld.idx.msk [tilespmem:v13+s20+$0x0], $0xffff  }
0x354: {  	vm12 =	vgt.s32 v61, $0x0;
	vm13 =	vgt.s32 v7, $0x0;
	v7 =	vld [tilespmem:s17+$0x4400]  }
0x355: {  	vm14 =	vgt.s32 v62, $0x0;
	vm15 =	vgt.s32 v8, $0x0;
	v8 =	vld [tilespmem:s17+$0x4800];
	v9 =	vsel vm12, v9, v10  }
0x356: {  	v10 =	vsel vm12, v11, v14;
	v11 =	vsel vm14, v15, v17;
	v15 =	vsel vm14, v18, v60;
	v6 =	vld [tilespmem:s17+$0x1000]  }
0x357: {  	v14 =	vsel vm13, v16, v9;
	v9 =	vld [tilespmem:s17+$0x5C00];
	v16 =	vsel vm13, v63, v10;
	v17 =	vsel vm15, v19, v11  }
0x358: {  	v10 =	vld [tilespmem:s17+$0x4C00];
	v13 =	vsel vm15, v13, v15;
	v14 =	vmul.f32 v14, v12;
	v15 =	vmul.f32 v16, v24  }
0x359: {  	v11 =	vld [tilespmem:s17+$0x6000];
	v16 =	vmul.f32 v17, v12;
	v17 =	vmul.f32 v13, v24  }
0x35a: {  	v13 =	vld [tilespmem:s17+$0x3400]  }
0x35b: {  	v12 =	vld [tilespmem:s17+$0x3800];
	v15 =	vadd.f32 v15, v14;
	v16 =	vadd.f32 v17, v16  }
0x35c: {  	s26 =	simm.s32 $0xA80;
	v14 =	vld [tilespmem:s4+$0x6C00]  }
.LBB2_19:
0x35d: {  	p1 =	sne.s32 s26, $0xBC0;
	v17 =	vld [tilespmem:s17+$0x5000];
	v15 =	vsub.f32 v15, v16  }
0x35e: {  	v16 =	vld [tilespmem:s17+$0x6400]  }
0x35f: {  	v18 =	vadd.s32 v5, v13;
	v19 =	vld [tilespmem:s17+$0x5400];
	v15 =	vmul.f32 v15, v15  }
0x360: {  	v13 =	vadd.s32 v4, v13;
	v20 =	vld [tilespmem:s17+$0x6800]  }
0x361: {  	v21 =	vadd.s32 v5, v12;
	v22 =	vld [tilespmem:s17+$0x5800];
	v14 =	vadd.f32 v15, v14  }
0x362: {  	v12 =	vadd.s32 v4, v12;
	v15 =	vld [tilespmem:s17+$0x3C00]  }
0x363: {  	v23 =	vld [tilespmem:s17+$0x4000];
	[tilespmem:s4+$0x6C00] =	vst v14;
	s4 =	smov.u32 s17  }
0x364: {  	v14 =	vld.idx.msk [tilespmem:v18+s20+$0x0], $0xffff  }
0x365: {  	v13 =	vld.idx.msk [tilespmem:v13+s20+$0x0], $0xffff  }
0x366: {  	v18 =	vld.idx.msk [tilespmem:v21+s20+$0x0], $0xffff  }
0x367: {  	v12 =	vld.idx.msk [tilespmem:v12+s20+$0x0], $0xffff  }
0x368: {  	s17 =	sshra.s32 s26, $0x2;
	v21 =	vld [tilespmem:s4+$0xC00]  }
0x369: {  	vm1 =	vgt.s32 v7, $0x0;
	vm0 =	vgt.s32 v15, $0x0;
	v24 =	vld [tilespmem:s17+$0x1000]  }
0x36a: {  	vm3 =	vgt.s32 v8, $0x0;
	vm2 =	vgt.s32 v23, $0x0;
	v9 =	vsel vm0, v9, v10;
	v7 =	vld [tilespmem:s17+$0x4400]  }
0x36b: {  	v10 =	vsel vm0, v11, v17;
	v11 =	vsel vm2, v16, v19;
	v14 =	vsel vm1, v14, v9;
	v8 =	vld [tilespmem:s17+$0x4800]  }
0x36c: {  	v15 =	vsel vm2, v20, v22;
	v13 =	vsel vm1, v13, v10;
	v14 =	vmul.f32 v14, v6;
	v9 =	vld [tilespmem:s17+$0x5C00]  }
.Ltmp10:
0x36d: {  	v16 =	vsel vm3, v18, v11;
	v12 =	vsel vm3, v12, v15;
	v10 =	vld [tilespmem:s17+$0x4C00];
	v15 =	vmul.f32 v13, v21;
	(pc) =	sbr.rel @p1 .LBB2_19-.Ltmp10, $4  }
0x36e: {  	v16 =	vmul.f32 v16, v6;
	v17 =	vmul.f32 v12, v21;
	v11 =	vld [tilespmem:s17+$0x6000];
	v6 =	vmov v24  }
0x36f: {  	v13 =	vld [tilespmem:s17+$0x3400]  }
0x370: {  	v15 =	vadd.f32 v15, v14;
	v16 =	vadd.f32 v17, v16;
	v12 =	vld [tilespmem:s17+$0x3800]  }
0x371: {  	s26 =	sadd.s32 $0x40, s26;
	v14 =	vld [tilespmem:s4+$0x6C00]  }
0x372: {  	v17 =	vld [tilespmem:s17+$0x5000];
	v15 =	vsub.f32 v15, v16  }
0x373: {  	v16 =	vld [tilespmem:s17+$0x6400]  }
0x374: {  	v18 =	vld [tilespmem:s17+$0x5400];
	v19 =	vadd.s32 v5, v13;
	v15 =	vmul.f32 v15, v15  }
0x375: {  	v20 =	vld [tilespmem:s17+$0x6800];
	v13 =	vadd.s32 v4, v13  }
0x376: {  	v21 =	vld [tilespmem:s17+$0x5800];
	v14 =	vadd.f32 v15, v14  }
0x377: {  	v23 =	vld [tilespmem:s17+$0x4000];
	v22 =	vadd.s32 v5, v12  }
0x378: {  	v12 =	vadd.s32 v4, v12;
	v15 =	vld [tilespmem:s17+$0x3C00];
	[tilespmem:s4+$0x6C00] =	vst v14  }
0x379: {  	v14 =	vld.idx.msk [tilespmem:v19+s20+$0x0], $0xffff  }
0x37a: {  	v13 =	vld.idx.msk [tilespmem:v13+s20+$0x0], $0xffff  }
0x37b: {  	v59 =	vld [tilespmem:s17+$0xC00]  }
0x37c: {  	v19 =	vld.idx.msk [tilespmem:v22+s20+$0x0], $0xffff  }
0x37d: {  	v12 =	vld.idx.msk [tilespmem:v12+s20+$0x0], $0xffff  }
0x37e: {  	vm1 =	vgt.s32 v7, $0x0;
	vm0 =	vgt.s32 v15, $0x0  }
0x37f: {  	vm3 =	vgt.s32 v8, $0x0;
	vm2 =	vgt.s32 v23, $0x0;
	v7 =	vsel vm0, v9, v10  }
0x380: {  	v8 =	vsel vm0, v11, v17;
	v9 =	vsel vm2, v16, v18;
	v7 =	vsel vm1, v14, v7  }
0x381: {  	v10 =	vsel vm2, v20, v21;
	v8 =	vsel vm1, v13, v8;
	v7 =	vmul.f32 v7, v6  }
0x382: {  	v9 =	vsel vm3, v19, v9;
	v10 =	vsel vm3, v12, v10;
	v8 =	vmul.f32 v8, v59  }
0x383: {  	v6 =	vmul.f32 v9, v6;
	v9 =	vmul.f32 v10, v59;
	_ =	sdelay $0x1  }
0x384: {  	v7 =	vadd.f32 v8, v7;
	v6 =	vadd.f32 v9, v6  }
0x385: {  	v8 =	vld [tilespmem:s17+$0x6C00]  }
0x386: {  	v6 =	vsub.f32 v7, v6;
	_ =	sdelay $0x1  }
0x387: {  	v6 =	vmul.f32 v6, v6;
	_ =	sdelay $0x1  }
0x388: {  	v6 =	vadd.f32 v6, v8;
	_ =	sdelay $0x1  }
0x389: {  	[tilespmem:s17+$0x6C00] =	vst v6  }
0x38a: {  	_ =	swait.ge [sflag:s15], $0x80  }
0x38b: {  	[sflag:s15] =	ssyncset.done $0x0  }
0x38c: {  	[sflag:s15] =	ssyncadd.s32 $0xFFFFFF80  }
0x38d: {  	_ =	swait.ge [sflag:s15], $0x80  }
0x38e: {  	[sflag:s15] =	ssyncset.done $0x0  }
0x38f: {  	[sflag:s15] =	ssyncadd.s32 $0xFFFFFF80  }
0x390: {  	_ =	swait.ge [sflag:s15], $0x80  }
0x391: {  	[sflag:s15] =	ssyncset.done $0x0  }
0x392: {  	[sflag:s15] =	ssyncadd.s32 $0xFFFFFF80  }
0x393: {  	_ =	swait.ge [sflag:s15], $0x80  }
0x394: {  	[sflag:s15] =	ssyncset.done $0x0  }
0x395: {  	s4 =	simm.s32 $0x300;
	[sflag:s15] =	ssyncadd.s32 $0xFFFFFF80  }
0x396: {  	v12 =	vld [tilespmem:s4+$0x1000]  }
0x397: {  	v7 =	vld [tilespmem:s4+$0x4400]  }
0x398: {  	v8 =	vld [tilespmem:s4+$0x4800]  }
0x399: {  	v9 =	vld [tilespmem:s4+$0x5C00]  }
0x39a: {  	v10 =	vld [tilespmem:s4+$0x4C00]  }
0x39b: {  	v6 =	vld [tilespmem:s4+$0x3400]  }
0x39c: {  	v11 =	vld [tilespmem:s4+$0x6000]  }
0x39d: {  	v13 =	vld [tilespmem:s4+$0x3800]  }
0x39e: {  	v14 =	vld [tilespmem:s4+$0x5000]  }
0x39f: {  	v15 =	vld [tilespmem:s4+$0x6400]  }
0x3a0: {  	v17 =	vld [tilespmem:s4+$0x5400]  }
0x3a1: {  	v18 =	vld [tilespmem:s4+$0x6800];
	v16 =	vadd.s32 v5, v6  }
0x3a2: {  	v60 =	vld [tilespmem:s4+$0x5800];
	v6 =	vadd.s32 v4, v6  }
0x3a3: {  	v61 =	vld [tilespmem:s4+$0x3C00];
	v19 =	vadd.s32 v5, v13  }
0x3a4: {  	v62 =	vld [tilespmem:s4+$0x4000];
	v13 =	vadd.s32 v4, v13  }
0x3a5: {  	v24 =	vld [tilespmem:s4+$0xC00]  }
0x3a6: {  	v16 =	vld.idx.msk [tilespmem:v16+s20+$0x0], $0xffff  }
0x3a7: {  	v63 =	vld.idx.msk [tilespmem:v6+s20+$0x0], $0xffff  }
0x3a8: {  	v19 =	vld.idx.msk [tilespmem:v19+s20+$0x0], $0xffff  }
0x3a9: {  	s17 =	simm.s32 $0x310;
	v13 =	vld.idx.msk [tilespmem:v13+s20+$0x0], $0xffff  }
0x3aa: {  	vm12 =	vgt.s32 v61, $0x0;
	vm13 =	vgt.s32 v7, $0x0;
	v7 =	vld [tilespmem:s17+$0x4400]  }
0x3ab: {  	vm14 =	vgt.s32 v62, $0x0;
	vm15 =	vgt.s32 v8, $0x0;
	v8 =	vld [tilespmem:s17+$0x4800];
	v9 =	vsel vm12, v9, v10  }
0x3ac: {  	v10 =	vsel vm12, v11, v14;
	v11 =	vsel vm14, v15, v17;
	v15 =	vsel vm14, v18, v60;
	v6 =	vld [tilespmem:s17+$0x1000]  }
0x3ad: {  	v14 =	vsel vm13, v16, v9;
	v9 =	vld [tilespmem:s17+$0x5C00];
	v16 =	vsel vm13, v63, v10;
	v17 =	vsel vm15, v19, v11  }
0x3ae: {  	v10 =	vld [tilespmem:s17+$0x4C00];
	v13 =	vsel vm15, v13, v15;
	v14 =	vmul.f32 v14, v12;
	v15 =	vmul.f32 v16, v24  }
0x3af: {  	v11 =	vld [tilespmem:s17+$0x6000];
	v16 =	vmul.f32 v17, v12;
	v17 =	vmul.f32 v13, v24  }
0x3b0: {  	v13 =	vld [tilespmem:s17+$0x3400]  }
0x3b1: {  	v12 =	vld [tilespmem:s17+$0x3800];
	v15 =	vadd.f32 v15, v14;
	v16 =	vadd.f32 v17, v16  }
0x3b2: {  	s26 =	simm.s32 $0xC80;
	v14 =	vld [tilespmem:s4+$0x6C00]  }
.LBB2_21:
0x3b3: {  	p1 =	sne.s32 s26, $0xDC0;
	v17 =	vld [tilespmem:s17+$0x5000];
	v15 =	vsub.f32 v15, v16  }
0x3b4: {  	v16 =	vld [tilespmem:s17+$0x6400]  }
0x3b5: {  	v18 =	vadd.s32 v5, v13;
	v19 =	vld [tilespmem:s17+$0x5400];
	v15 =	vmul.f32 v15, v15  }
0x3b6: {  	v13 =	vadd.s32 v4, v13;
	v20 =	vld [tilespmem:s17+$0x6800]  }
0x3b7: {  	v21 =	vadd.s32 v5, v12;
	v22 =	vld [tilespmem:s17+$0x5800];
	v14 =	vadd.f32 v15, v14  }
0x3b8: {  	v12 =	vadd.s32 v4, v12;
	v15 =	vld [tilespmem:s17+$0x3C00]  }
0x3b9: {  	v23 =	vld [tilespmem:s17+$0x4000];
	[tilespmem:s4+$0x6C00] =	vst v14;
	s4 =	smov.u32 s17  }
0x3ba: {  	v14 =	vld.idx.msk [tilespmem:v18+s20+$0x0], $0xffff  }
0x3bb: {  	v13 =	vld.idx.msk [tilespmem:v13+s20+$0x0], $0xffff  }
0x3bc: {  	v18 =	vld.idx.msk [tilespmem:v21+s20+$0x0], $0xffff  }
0x3bd: {  	v12 =	vld.idx.msk [tilespmem:v12+s20+$0x0], $0xffff  }
0x3be: {  	s17 =	sshra.s32 s26, $0x2;
	v21 =	vld [tilespmem:s4+$0xC00]  }
0x3bf: {  	vm1 =	vgt.s32 v7, $0x0;
	vm0 =	vgt.s32 v15, $0x0;
	v24 =	vld [tilespmem:s17+$0x1000]  }
0x3c0: {  	vm3 =	vgt.s32 v8, $0x0;
	vm2 =	vgt.s32 v23, $0x0;
	v9 =	vsel vm0, v9, v10;
	v7 =	vld [tilespmem:s17+$0x4400]  }
0x3c1: {  	v10 =	vsel vm0, v11, v17;
	v11 =	vsel vm2, v16, v19;
	v14 =	vsel vm1, v14, v9;
	v8 =	vld [tilespmem:s17+$0x4800]  }
0x3c2: {  	v15 =	vsel vm2, v20, v22;
	v13 =	vsel vm1, v13, v10;
	v14 =	vmul.f32 v14, v6;
	v9 =	vld [tilespmem:s17+$0x5C00]  }
.Ltmp11:
0x3c3: {  	v16 =	vsel vm3, v18, v11;
	v12 =	vsel vm3, v12, v15;
	v10 =	vld [tilespmem:s17+$0x4C00];
	v15 =	vmul.f32 v13, v21;
	(pc) =	sbr.rel @p1 .LBB2_21-.Ltmp11, $4  }
0x3c4: {  	v16 =	vmul.f32 v16, v6;
	v17 =	vmul.f32 v12, v21;
	v11 =	vld [tilespmem:s17+$0x6000];
	v6 =	vmov v24  }
0x3c5: {  	v13 =	vld [tilespmem:s17+$0x3400]  }
0x3c6: {  	v15 =	vadd.f32 v15, v14;
	v16 =	vadd.f32 v17, v16;
	v12 =	vld [tilespmem:s17+$0x3800]  }
0x3c7: {  	s26 =	sadd.s32 $0x40, s26;
	v14 =	vld [tilespmem:s4+$0x6C00]  }
0x3c8: {  	v17 =	vld [tilespmem:s17+$0x5000];
	v15 =	vsub.f32 v15, v16  }
0x3c9: {  	v16 =	vld [tilespmem:s17+$0x6400]  }
0x3ca: {  	v18 =	vld [tilespmem:s17+$0x5400];
	v19 =	vadd.s32 v5, v13;
	v15 =	vmul.f32 v15, v15  }
0x3cb: {  	v20 =	vld [tilespmem:s17+$0x6800];
	v13 =	vadd.s32 v4, v13  }
0x3cc: {  	v21 =	vld [tilespmem:s17+$0x5800];
	v14 =	vadd.f32 v15, v14  }
0x3cd: {  	v23 =	vld [tilespmem:s17+$0x4000];
	v22 =	vadd.s32 v5, v12  }
0x3ce: {  	v12 =	vadd.s32 v4, v12;
	v15 =	vld [tilespmem:s17+$0x3C00];
	[tilespmem:s4+$0x6C00] =	vst v14  }
0x3cf: {  	v14 =	vld.idx.msk [tilespmem:v19+s20+$0x0], $0xffff  }
0x3d0: {  	v13 =	vld.idx.msk [tilespmem:v13+s20+$0x0], $0xffff  }
0x3d1: {  	v59 =	vld [tilespmem:s17+$0xC00]  }
0x3d2: {  	v19 =	vld.idx.msk [tilespmem:v22+s20+$0x0], $0xffff  }
0x3d3: {  	v12 =	vld.idx.msk [tilespmem:v12+s20+$0x0], $0xffff  }
0x3d4: {  	vm1 =	vgt.s32 v7, $0x0;
	vm0 =	vgt.s32 v15, $0x0  }
0x3d5: {  	vm3 =	vgt.s32 v8, $0x0;
	vm2 =	vgt.s32 v23, $0x0;
	v7 =	vsel vm0, v9, v10  }
0x3d6: {  	v8 =	vsel vm0, v11, v17;
	v9 =	vsel vm2, v16, v18;
	v7 =	vsel vm1, v14, v7  }
0x3d7: {  	v10 =	vsel vm2, v20, v21;
	v8 =	vsel vm1, v13, v8;
	v7 =	vmul.f32 v7, v6  }
0x3d8: {  	v9 =	vsel vm3, v19, v9;
	v10 =	vsel vm3, v12, v10;
	v8 =	vmul.f32 v8, v59  }
0x3d9: {  	v6 =	vmul.f32 v9, v6;
	v9 =	vmul.f32 v10, v59;
	_ =	sdelay $0x1  }
0x3da: {  	v7 =	vadd.f32 v8, v7;
	v6 =	vadd.f32 v9, v6  }
0x3db: {  	v8 =	vld [tilespmem:s17+$0x6C00]  }
0x3dc: {  	v6 =	vsub.f32 v7, v6;
	_ =	sdelay $0x1  }
0x3dd: {  	v6 =	vmul.f32 v6, v6;
	_ =	sdelay $0x1  }
0x3de: {  	v6 =	vadd.f32 v6, v8;
	_ =	sdelay $0x1  }
0x3df: {  	[tilespmem:s17+$0x6C00] =	vst v6  }
0x3e0: {  	_ =	swait.ge [sflag:s15], $0x80  }
0x3e1: {  	[sflag:s15] =	ssyncset.done $0x0  }
0x3e2: {  	[sflag:s15] =	ssyncadd.s32 $0xFFFFFF80  }
0x3e3: {  	_ =	swait.ge [sflag:s15], $0x80  }
0x3e4: {  	[sflag:s15] =	ssyncset.done $0x0  }
0x3e5: {  	[sflag:s15] =	ssyncadd.s32 $0xFFFFFF80  }
0x3e6: {  	_ =	swait.ge [sflag:s15], $0x80  }
0x3e7: {  	[sflag:s15] =	ssyncset.done $0x0  }
0x3e8: {  	[sflag:s15] =	ssyncadd.s32 $0xFFFFFF80  }
0x3e9: {  	_ =	swait.ge [sflag:s15], $0x80  }
0x3ea: {  	[sflag:s15] =	ssyncset.done $0x0  }
0x3eb: {  	s4 =	simm.s32 $0x380;
	[sflag:s15] =	ssyncadd.s32 $0xFFFFFF80  }
0x3ec: {  	v12 =	vld [tilespmem:s4+$0x1000]  }
0x3ed: {  	v7 =	vld [tilespmem:s4+$0x4400]  }
0x3ee: {  	v8 =	vld [tilespmem:s4+$0x4800]  }
0x3ef: {  	v9 =	vld [tilespmem:s4+$0x5C00]  }
0x3f0: {  	v10 =	vld [tilespmem:s4+$0x4C00]  }
0x3f1: {  	v6 =	vld [tilespmem:s4+$0x3400]  }
0x3f2: {  	v11 =	vld [tilespmem:s4+$0x6000]  }
0x3f3: {  	v13 =	vld [tilespmem:s4+$0x3800]  }
0x3f4: {  	v14 =	vld [tilespmem:s4+$0x5000]  }
0x3f5: {  	v15 =	vld [tilespmem:s4+$0x6400]  }
0x3f6: {  	v17 =	vld [tilespmem:s4+$0x5400]  }
0x3f7: {  	v18 =	vld [tilespmem:s4+$0x6800];
	v16 =	vadd.s32 v5, v6  }
0x3f8: {  	v60 =	vld [tilespmem:s4+$0x5800];
	v6 =	vadd.s32 v4, v6  }
0x3f9: {  	v61 =	vld [tilespmem:s4+$0x3C00];
	v19 =	vadd.s32 v5, v13  }
0x3fa: {  	v62 =	vld [tilespmem:s4+$0x4000];
	v13 =	vadd.s32 v4, v13  }
0x3fb: {  	v24 =	vld [tilespmem:s4+$0xC00]  }
0x3fc: {  	v16 =	vld.idx.msk [tilespmem:v16+s20+$0x0], $0xffff  }
0x3fd: {  	v63 =	vld.idx.msk [tilespmem:v6+s20+$0x0], $0xffff  }
0x3fe: {  	v19 =	vld.idx.msk [tilespmem:v19+s20+$0x0], $0xffff  }
0x3ff: {  	s17 =	simm.s32 $0x390;
	v13 =	vld.idx.msk [tilespmem:v13+s20+$0x0], $0xffff  }
0x400: {  	vm12 =	vgt.s32 v61, $0x0;
	vm13 =	vgt.s32 v7, $0x0;
	v7 =	vld [tilespmem:s17+$0x4400]  }
0x401: {  	vm14 =	vgt.s32 v62, $0x0;
	vm15 =	vgt.s32 v8, $0x0;
	v8 =	vld [tilespmem:s17+$0x4800];
	v9 =	vsel vm12, v9, v10  }
0x402: {  	v10 =	vsel vm12, v11, v14;
	v11 =	vsel vm14, v15, v17;
	v15 =	vsel vm14, v18, v60;
	v6 =	vld [tilespmem:s17+$0x1000]  }
0x403: {  	v14 =	vsel vm13, v16, v9;
	v9 =	vld [tilespmem:s17+$0x5C00];
	v16 =	vsel vm13, v63, v10;
	v17 =	vsel vm15, v19, v11  }
0x404: {  	v10 =	vld [tilespmem:s17+$0x4C00];
	v13 =	vsel vm15, v13, v15;
	v14 =	vmul.f32 v14, v12;
	v15 =	vmul.f32 v16, v24  }
0x405: {  	v11 =	vld [tilespmem:s17+$0x6000];
	v16 =	vmul.f32 v17, v12;
	v17 =	vmul.f32 v13, v24  }
0x406: {  	v13 =	vld [tilespmem:s17+$0x3400]  }
0x407: {  	v12 =	vld [tilespmem:s17+$0x3800];
	v15 =	vadd.f32 v15, v14;
	v16 =	vadd.f32 v17, v16  }
0x408: {  	s26 =	simm.s32 $0xE80;
	v14 =	vld [tilespmem:s4+$0x6C00]  }
.LBB2_23:
0x409: {  	p1 =	sne.s32 s26, $0xFC0;
	v17 =	vld [tilespmem:s17+$0x5000];
	v15 =	vsub.f32 v15, v16  }
0x40a: {  	v16 =	vld [tilespmem:s17+$0x6400]  }
0x40b: {  	v18 =	vadd.s32 v5, v13;
	v19 =	vld [tilespmem:s17+$0x5400];
	v15 =	vmul.f32 v15, v15  }
0x40c: {  	v13 =	vadd.s32 v4, v13;
	v20 =	vld [tilespmem:s17+$0x6800]  }
0x40d: {  	v21 =	vadd.s32 v5, v12;
	v22 =	vld [tilespmem:s17+$0x5800];
	v14 =	vadd.f32 v15, v14  }
0x40e: {  	v12 =	vadd.s32 v4, v12;
	v15 =	vld [tilespmem:s17+$0x3C00]  }
0x40f: {  	v23 =	vld [tilespmem:s17+$0x4000];
	[tilespmem:s4+$0x6C00] =	vst v14;
	s4 =	smov.u32 s17  }
0x410: {  	v14 =	vld.idx.msk [tilespmem:v18+s20+$0x0], $0xffff  }
0x411: {  	v13 =	vld.idx.msk [tilespmem:v13+s20+$0x0], $0xffff  }
0x412: {  	v18 =	vld.idx.msk [tilespmem:v21+s20+$0x0], $0xffff  }
0x413: {  	v12 =	vld.idx.msk [tilespmem:v12+s20+$0x0], $0xffff  }
0x414: {  	s17 =	sshra.s32 s26, $0x2;
	v21 =	vld [tilespmem:s4+$0xC00]  }
0x415: {  	vm1 =	vgt.s32 v7, $0x0;
	vm0 =	vgt.s32 v15, $0x0;
	v24 =	vld [tilespmem:s17+$0x1000]  }
0x416: {  	vm3 =	vgt.s32 v8, $0x0;
	vm2 =	vgt.s32 v23, $0x0;
	v9 =	vsel vm0, v9, v10;
	v7 =	vld [tilespmem:s17+$0x4400]  }
0x417: {  	v10 =	vsel vm0, v11, v17;
	v11 =	vsel vm2, v16, v19;
	v14 =	vsel vm1, v14, v9;
	v8 =	vld [tilespmem:s17+$0x4800]  }
0x418: {  	v15 =	vsel vm2, v20, v22;
	v13 =	vsel vm1, v13, v10;
	v14 =	vmul.f32 v14, v6;
	v9 =	vld [tilespmem:s17+$0x5C00]  }
.Ltmp12:
0x419: {  	v16 =	vsel vm3, v18, v11;
	v12 =	vsel vm3, v12, v15;
	v10 =	vld [tilespmem:s17+$0x4C00];
	v15 =	vmul.f32 v13, v21;
	(pc) =	sbr.rel @p1 .LBB2_23-.Ltmp12, $4  }
0x41a: {  	v16 =	vmul.f32 v16, v6;
	v17 =	vmul.f32 v12, v21;
	v11 =	vld [tilespmem:s17+$0x6000];
	v6 =	vmov v24  }
0x41b: {  	v13 =	vld [tilespmem:s17+$0x3400]  }
0x41c: {  	v15 =	vadd.f32 v15, v14;
	v16 =	vadd.f32 v17, v16;
	v12 =	vld [tilespmem:s17+$0x3800]  }
0x41d: {  	s26 =	sadd.s32 $0x40, s26;
	v14 =	vld [tilespmem:s4+$0x6C00]  }
0x41e: {  	v17 =	vld [tilespmem:s17+$0x5000];
	v15 =	vsub.f32 v15, v16  }
0x41f: {  	v54 =	vld [tilespmem:s17+$0x6400]  }
0x420: {  	v18 =	vld [tilespmem:s17+$0x5400];
	v19 =	vadd.s32 v5, v13;
	v15 =	vmul.f32 v15, v15  }
0x421: {  	v20 =	vld [tilespmem:s17+$0x6800];
	v55 =	vadd.s32 v4, v13  }
0x422: {  	v21 =	vld [tilespmem:s17+$0x5800];
	v14 =	vadd.f32 v15, v14  }
0x423: {  	v56 =	vld [tilespmem:s17+$0x3C00];
	v5 =	vadd.s32 v5, v12  }
0x424: {  	v57 =	vld [tilespmem:s17+$0x4000];
	v4 =	vadd.s32 v4, v12;
	[tilespmem:s4+$0x6C00] =	vst v14  }
0x425: {  	v14 =	vld.idx.msk [tilespmem:v19+s20+$0x0], $0xffff  }
0x426: {  	v13 =	vld.idx.msk [tilespmem:v55+s20+$0x0], $0xffff  }
0x427: {  	v58 =	vld [tilespmem:s17+$0xC00]  }
0x428: {  	v5 =	vld.idx.msk [tilespmem:v5+s20+$0x0], $0xffff  }
0x429: {  	v4 =	vld.idx.msk [tilespmem:v4+s20+$0x0], $0xffff  }
0x42a: {  	vm1 =	vgt.s32 v7, $0x0;
	vm0 =	vgt.s32 v56, $0x0  }
0x42b: {  	vm3 =	vgt.s32 v8, $0x0;
	vm2 =	vgt.s32 v57, $0x0;
	v59 =	vsel vm0, v9, v10  }
0x42c: {  	v60 =	vsel vm0, v11, v17;
	v61 =	vsel vm2, v54, v18;
	v7 =	vsel vm1, v14, v59  }
0x42d: {  	v62 =	vsel vm2, v20, v21;
	v8 =	vsel vm1, v13, v60;
	v7 =	vmul.f32 v7, v6  }
0x42e: {  	v5 =	vsel vm3, v5, v61;
	v4 =	vsel vm3, v4, v62;
	v8 =	vmul.f32 v8, v58  }
0x42f: {  	v5 =	vmul.f32 v5, v6;
	v4 =	vmul.f32 v4, v58;
	_ =	sdelay $0x1  }
0x430: {  	v63 =	vadd.f32 v8, v7;
	v4 =	vadd.f32 v4, v5  }
0x431: {  	v5 =	vld [tilespmem:s17+$0x6C00]  }
0x432: {  	v4 =	vsub.f32 v63, v4;
	_ =	sdelay $0x1  }
0x433: {  	s16 =	sadd.s32 $0x1, s16;
	v4 =	vmul.f32 v4, v4  }
0x434: {  	p1 =	sne.s32 s16, $0x8  }
.Ltmp13:
0x435: {  	v4 =	vadd.f32 v4, v5;
	(pc) =	sbr.rel @p1 .LBB2_4-.Ltmp13, $3  }
0x436: {  	_ = 	snop  }
0x437: {  	[tilespmem:s17+$0x6C00] =	vst v4  }
0x438: {  	[bflag:$0x0] =	sbarrier.arrive $0xFFFF;
	_ =	sdelay $0x1  }
0x439: {  	s0 =	rddreg [dreg:$0xb]  }
0x43a: {  	s4 =	simm.s32 $0x100;
	s5 =	simm.s32 $0x6C00;
	s17 =	simm.s32 $0x3  }
0x43b: {  	[hbm4b:s0+s25] =	stream.strided.scatter [tilespmem:s5], [sflag:$0x3], $0x400, s4, s25, $0x38;
	[tilespmem:$0x18C60] =	vst v63  }
0x43c: {  	_ =	swait.ge [sflag:s17], $0x400  }
0x43d: {  	s30 =	rddreg [dreg:$0xd]  }
0x43e: {  	s31 =	rddreg [dreg:$0xc];
	s4 =	sadd.s32 $0x1, s30  }
0x43f: {  	p1 =	sne.s32 s4, s31  }
.Ltmp14:
0x440: {  	_ = 	snop;
	(pc) =	sbr.rel @p1 .LBB2_1-.Ltmp14, $3  }
0x441: {  	_ =	sdelay $0x1  }
0x442: {  	[sflag:s17] =	ssyncset.done $0x0  }
0x443: {  	[sflag:s17] =	ssyncadd.s32 $0xFFFFFC00  }
0x444: {  	_ =	sfence.sel $0x180000  }
0x445: {  	[bflag:$0x0] =	sbarrier.arrive $0xFFFF  }
0x446: {  	_ =	strace $0x90000047  }
0x447: {  	s0 =	stileid.u32;
	[bflag:$0x2] =	sbarrier.arrive $0xFFFF  }
0x448: {  	p0 =	sne.s32 s0, $0x0;
	s0 =	rddreg [dreg:$0x7]  }
0x449: {  	s0 =	sadd.s32 @!p0 $0x100000, s0  }
0x44a: {  	[sflag:s0] =	ssyncadd.tile.s32 @!p0 $0x1;
	_ =	shalt  }
.Lfunc_end2:
_tile_overlayer_lowered:
.L_overlay_start_2:
0x44b: {  	(tag) =	ssettag $0x2  }
0x44c: {  	s0 =	rddreg [dreg:$0x0];
	s2 =	stileid.u32  }
0x44d: {  	s1 =	rddreg [dreg:$0x1];
	p0 =	sne.s32 s2, $0x0  }
0x44e: {  	s3 =	rddreg [dreg:$0x2];
	[bflag:$0x3] =	sbarrier.arrive $0xFFFF;
	s2 =	simm.s32 @!p0 $0x1C03  }
0x44f: {  	[timem:s3], [sflag:s2] =	dma.local @!p0 [hbm:s0], s1  }
0x450: {  	s0 =	simm.s32 @!p0 $0x3  }
0x451: {  	_ =	swait.ge @!p0 [sflag:s0], s1  }
0x452: {  	s1 =	ssub.s32 @!p0 $0x0, s1;
	[sflag:s0] =	ssyncset.done @!p0 $0x0  }
0x453: {  	[sflag:s0] =	ssyncadd.s32 @!p0 s1  }
0x454: {  	[bflag:$0x3] =	sbarrier.arrive $0xFFFF  }
0x455: {  	_ =	shalt  }

</sc_bundles>
